<compile_context>
chip_gen: v7x
topology: tpu7x:2x2x1
jax: 0.10.2.dev20260603
libtpu: 0.0.44.dev20260713+nightly
codegen_flags: <defaults>
</compile_context>

<pallas_src>
import functools

import jax
import jax.numpy as jnp
from jax import lax
from jax.experimental import pallas as pl
from jax.experimental.pallas import tpu as pltpu
from jax.experimental.pallas import tpu_sc as plsc

NC = 2
NS = 16
L = 16
K = 80


def _make_segsum(N, E, D, with_cnt):
    NW = NC * NS
    EPW = E // NW
    NCH = EPW // K
    B0 = (N // NS) // 8 * 8
    TAIL = N - NS * B0
    ZR = 24
    assert E == NW * EPW and EPW == NCH * K
    assert NCH >= 8 and NCH % 8 >= 2
    assert B0 % ZR == 0 and TAIL % 8 == 0 and TAIL <= ZR and N % 8 == 0

    mesh = plsc.VectorSubcoreMesh(core_axis_name="c", subcore_axis_name="s")

    NB = 4
    NI = 8
    out_type = [jax.ShapeDtypeStruct((NC, N, D), jnp.float32)]
    scratch = (
        [pltpu.VMEM_SHARED((N, D), jnp.float32)]
        + [pltpu.VMEM((K,), jnp.int32) for _ in range(NI)]
        + [pltpu.VMEM((K,), jnp.int32) for _ in range(NI)]
        + [pltpu.VMEM((K, D), jnp.float32) for _ in range(NB)]
        + [pltpu.VMEM((ZR, D), jnp.float32)]
        + [pltpu.SemaphoreType.DMA for _ in range(NI)]
        + [pltpu.SemaphoreType.DMA for _ in range(NI)]
        + [pltpu.SemaphoreType.DMA for _ in range(NB)]
        + [pltpu.SemaphoreType.DMA for _ in range(NB)]
        + [pltpu.SemaphoreType.DMA]
    )
    if with_cnt:
        out_type.append(jax.ShapeDtypeStruct((NC * N,), jnp.float32))
        scratch = list(scratch) + (
            [pltpu.VMEM_SHARED((N,), jnp.float32)]
            + [pltpu.VMEM((K,), jnp.float32)]
            + [pltpu.VMEM((B0,), jnp.float32)]
            + [pltpu.SemaphoreType.DMA for _ in range(NB)]
        )

    @functools.partial(pl.kernel, out_type=tuple(out_type), mesh=mesh,
                       scratch_types=scratch)
    def seg(*refs):
        if with_cnt:
            x_hbm, src_hbm, dst_hbm, agg_out, cnt_out = refs[:5]
            r = list(refs[5:])
        else:
            x_hbm, src_hbm, dst_hbm, agg_out = refs[:4]
            r = list(refs[4:])
        agg_sh = r.pop(0)
        ss8 = [r.pop(0) for _ in range(NI)]
        dd8 = [r.pop(0) for _ in range(NI)]
        bufs = [r.pop(0) for _ in range(NB)]
        z128 = r.pop(0)
        sis = [r.pop(0) for _ in range(NI)]
        sds = [r.pop(0) for _ in range(NI)]
        sgs = [r.pop(0) for _ in range(NB)]
        ssc = [r.pop(0) for _ in range(NB)]
        szr = r.pop(0)
        if with_cnt:
            cnt_sh = r.pop(0)
            ones_k = r.pop(0)
            z1d = r.pop(0)
            scn = [r.pop(0) for _ in range(NB)]

        cid = lax.axis_index("c")
        sid = lax.axis_index("s")
        wid = sid * NC + cid

        def fire_idx(g, j):
            pltpu.async_copy(src_hbm.at[wid, g, 0], ss8[j], sis[j])
            pltpu.async_copy(dst_hbm.at[wid, g, 0], dd8[j], sds[j])

        def wait_idx(g, j):
            pltpu.make_async_copy(src_hbm.at[wid, g, 0], ss8[j], sis[j]).wait()
            pltpu.make_async_copy(dst_hbm.at[wid, g, 0], dd8[j], sds[j]).wait()

        def fire_gather(j, b):
            pltpu.async_copy(x_hbm.at[ss8[j]], bufs[b], sgs[b])

        def wait_gather(j, b):
            pltpu.make_async_copy(x_hbm.at[ss8[j]], bufs[b], sgs[b]).wait()

        def fire_scatter(j, b):
            pltpu.async_copy(bufs[b], agg_sh.at[dd8[j]], ssc[b], add=True)

        def wait_scatter(b):
            pltpu.make_async_copy(bufs[b], agg_sh.at[dd8[0]], ssc[b]).wait()

        def fire_cnt(j, b):
            pltpu.async_copy(ones_k, cnt_sh.at[dd8[j]], scn[b], add=True)

        def wait_cnt(b):
            pltpu.make_async_copy(ones_k, cnt_sh.at[dd8[0]], scn[b]).wait()

        for g0 in range(6):
            fire_idx(g0, g0 % NI)

        zv = jnp.zeros((L,), jnp.float32)

        def fill_z128(i, c):
            for j in range(D // L):
                z128[i, pl.ds(j * L, L)] = zv
            return c
        lax.fori_loop(0, ZR, fill_z128, 0)
        if with_cnt:
            ov = jnp.ones((L,), jnp.float32)
            for j in range(K // L):
                ones_k[pl.ds(j * L, L)] = ov

            def fill_z1d(i, c):
                z1d[pl.ds(i * L, L)] = zv
                return c
            lax.fori_loop(0, B0 // L, fill_z1d, 0)

        zcopies = [(z128, agg_sh.at[pl.ds(sid * B0 + j * ZR, ZR)])
                   for j in range(B0 // ZR)]
        if with_cnt:
            zcopies.append((z1d, cnt_sh.at[pl.ds(sid * B0, B0)]))
        for zsrc, zdst in zcopies:
            pltpu.async_copy(zsrc, zdst, szr)

        @pl.when(sid == NS - 1)
        def _ztail():
            pltpu.sync_copy(z128.at[pl.ds(0, TAIL)],
                            agg_sh.at[pl.ds(NS * B0, TAIL)])
            if with_cnt:
                pltpu.sync_copy(z1d.at[pl.ds(0, TAIL)],
                                cnt_sh.at[pl.ds(NS * B0, TAIL)])

        wait_idx(0, 0)
        fire_gather(0, 0)
        wait_idx(1, 1)
        fire_gather(1, 1)

        for zsrc, zdst in zcopies:
            pltpu.make_async_copy(zsrc, zdst, szr).wait()
        plsc.subcore_barrier()

        def body(i, c):
            for b in range(NI):
                g = NI * i + b
                db_ = b % NB
                wait_gather(b, db_)
                fire_scatter(b, db_)
                if with_cnt:
                    @pl.when(g >= NB)
                    def _wc():
                        wait_cnt(db_)
                    fire_cnt(b, db_)

                @pl.when(g >= 2)
                def _ws():
                    wait_scatter((b + 2) % NB)

                @pl.when(g + 6 < NCH)
                def _fi():
                    fire_idx(g + 6, (b + 6) % NI)
                wait_idx(g + 2, (b + 2) % NI)
                fire_gather((b + 2) % NI, (b + 2) % NB)
            return c
        lax.fori_loop(0, NCH // NI, body, 0)

        for g in range(NCH // NI * NI, NCH):
            b = g % NI
            db_ = g % NB
            wait_gather(b, db_)
            fire_scatter(b, db_)
            if with_cnt:
                if g >= NB:
                    wait_cnt(db_)
                fire_cnt(b, db_)
            if g >= 2:
                wait_scatter((g + 2) % NB)
            if g + 6 < NCH:
                fire_idx(g + 6, (g + 6) % NI)
            if g + 2 < NCH:
                wait_idx(g + 2, (g + 2) % NI)
                fire_gather((g + 2) % NI, (g + 2) % NB)

        wait_scatter((NCH - 2) % NB)
        wait_scatter((NCH - 1) % NB)
        if with_cnt:
            for g in range(max(0, NCH - NB), NCH):
                wait_cnt(g % NB)

        plsc.subcore_barrier()

        pltpu.sync_copy(agg_sh.at[pl.ds(sid * B0, B0)],
                        agg_out.at[cid, pl.ds(sid * B0, B0)])
        if with_cnt:
            pltpu.sync_copy(cnt_sh.at[pl.ds(sid * B0, B0)], z1d)
            pltpu.sync_copy(z1d, cnt_out.at[pl.ds(cid * N + sid * B0, B0)])

        @pl.when(sid == NS - 1)
        def _ctail():
            pltpu.sync_copy(agg_sh.at[pl.ds(NS * B0, TAIL)],
                            agg_out.at[cid, pl.ds(NS * B0, TAIL)])
            if with_cnt:
                pltpu.sync_copy(cnt_sh.at[pl.ds(NS * B0, TAIL)],
                                z1d.at[pl.ds(0, TAIL)])
                pltpu.sync_copy(z1d.at[pl.ds(0, TAIL)],
                                cnt_out.at[pl.ds(cid * N + NS * B0, TAIL)])

    return seg


def _tca_body(x_ref, wr_ref, b_ref, o_ref):
    o_ref[...] = (jnp.dot(x_ref[...], wr_ref[...],
                          preferred_element_type=jnp.float32)
                  + b_ref[...])


def _tc1b_body(xr_ref, s_ref, c_ref, wn_ref, o_ref):
    s = s_ref[0] + s_ref[1]
    deg = c_ref[:, 0:1] + c_ref[:, 1:2]
    mean = s / jnp.maximum(deg, 1.0)
    o_ref[...] = xr_ref[...] + jnp.dot(mean, wn_ref[...],
                                       preferred_element_type=jnp.float32)


def _tcc_body(x1_ref, wr_ref, b_ref, lwa_ref, xr_ref, xl_ref):
    x1 = x1_ref[...]
    xr_ref[...] = (jnp.dot(x1, wr_ref[...],
                           preferred_element_type=jnp.float32) + b_ref[...])
    xl_ref[...] = jnp.dot(x1, lwa_ref[...],
                          preferred_element_type=jnp.float32)


def _tc2b_body(xr_ref, xl_ref, s_ref, c_ref, wn_ref, g_ref, be_ref,
               lwb_ref, lb_ref, o_ref):
    s = s_ref[0] + s_ref[1]
    deg = c_ref[:, 0:1] + c_ref[:, 1:2]
    mean = s / jnp.maximum(deg, 1.0)
    mu = jnp.mean(mean, axis=-1, keepdims=True)
    var = jnp.mean((mean - mu) * (mean - mu), axis=-1, keepdims=True)
    mean = (mean - mu) / jnp.sqrt(var + 1e-5)
    mean = mean * g_ref[...] + be_ref[...]
    x2 = xr_ref[...] + jnp.dot(mean, wn_ref[...],
                               preferred_element_type=jnp.float32)
    out = (xl_ref[...]
           + jnp.dot(x2, lwb_ref[...], preferred_element_type=jnp.float32)
           + lb_ref[...])
    o_ref[...] = jnp.maximum(out, 0.0)


def _row_spec(R, D):
    return pl.BlockSpec((R, D), lambda i: (i, 0))


def _pair_spec(R, D):
    return pl.BlockSpec((2, R, D), lambda i: (0, i, 0))


def _full_spec(a, b):
    return pl.BlockSpec((a, b), lambda i: (0, 0))


@jax.jit
def kernel(x, edge_index, W_root1, W_neigh1, b1, W_root2, W_neigh2, b2,
           gamma, beta, lin_W, lin_b):
    N, D = x.shape
    E = edge_index.shape[1]
    NW = NC * NS
    NCH = E // (NW * K)
    src = edge_index[0].reshape(NW, NCH, 1, K)
    dst = edge_index[1].reshape(NW, NCH, 1, K)

    seg1 = _make_segsum(N, E, D, with_cnt=True)
    seg2 = _make_segsum(N, E, D, with_cnt=False)

    sums1, cnt_flat = seg1(x, src, dst)
    deg2 = cnt_flat.reshape(NC, N).T

    R = 400
    G = N // R
    f32 = jnp.float32

    xr1 = pl.pallas_call(
        _tca_body,
        grid=(G,),
        in_specs=[_row_spec(R, D), _full_spec(D, D), _full_spec(1, D)],
        out_specs=_row_spec(R, D),
        out_shape=jax.ShapeDtypeStruct((N, D), f32),
    )(x, W_root1, b1.reshape(1, D))

    x1 = pl.pallas_call(
        _tc1b_body,
        grid=(G,),
        in_specs=[_row_spec(R, D), _pair_spec(R, D), _row_spec(R, NC),
                  _full_spec(D, D)],
        out_specs=_row_spec(R, D),
        out_shape=jax.ShapeDtypeStruct((N, D), f32),
    )(xr1, sums1, deg2, W_neigh1)

    (sums2,) = seg2(x1, src, dst)

    xr2, xl1 = pl.pallas_call(
        _tcc_body,
        grid=(G,),
        in_specs=[_row_spec(R, D), _full_spec(D, D), _full_spec(1, D),
                  _full_spec(D, D)],
        out_specs=[_row_spec(R, D), _row_spec(R, D)],
        out_shape=[jax.ShapeDtypeStruct((N, D), f32),
                   jax.ShapeDtypeStruct((N, D), f32)],
    )(x1, W_root2, b2.reshape(1, D), lin_W[:, :D].T)

    out = pl.pallas_call(
        _tc2b_body,
        grid=(G,),
        in_specs=[_row_spec(R, D), _row_spec(R, D), _pair_spec(R, D),
                  _row_spec(R, NC), _full_spec(D, D), _full_spec(1, D),
                  _full_spec(1, D), _full_spec(D, D), _full_spec(1, D)],
        out_specs=_row_spec(R, D),
        out_shape=jax.ShapeDtypeStruct((N, D), f32),
    )(xr2, xl1, sums2, deg2, W_neigh2, gamma.reshape(1, D),
      beta.reshape(1, D), lin_W[:, D:].T, lin_b.reshape(1, D))

    return out

# --- scband reference (transcript-rebuilt; emitter-appended) ---
"""Pipeline reference for scband-block-10153302687984 (READ-ONLY COPY).

The authoritative reference and input builder live on the scoring server;
editing this copy changes nothing except your own understanding.
"""

import jax, jax.numpy as jnp
import numpy as np

N = 10000
E = 320000
D = 128


def _glorot(key, shape):
    s = np.sqrt(6.0 / (shape[0] + shape[1]))
    return jax.random.uniform(key, shape, dtype=jnp.float32, minval=-s, maxval=s)


def setup_inputs(seed: int = 0) -> dict:
    key = jax.random.key(seed)
    ks = jax.random.split(key, 10)
    x = jax.random.normal(ks[0], (N, D), dtype=jnp.float32)
    edge_index = jax.random.randint(ks[1], (2, E), 0, N, dtype=jnp.int32)
    W_root1 = _glorot(ks[2], (D, D))
    W_neigh1 = _glorot(ks[3], (D, D))
    b1 = jnp.zeros((D,), dtype=jnp.float32)
    W_root2 = _glorot(ks[4], (D, D))
    W_neigh2 = _glorot(ks[5], (D, D))
    b2 = jnp.zeros((D,), dtype=jnp.float32)
    gamma = jnp.ones((D,), dtype=jnp.float32)
    beta = jnp.zeros((D,), dtype=jnp.float32)
    lin_W = _glorot(ks[6], (D, 2 * D))  # Linear(2*D -> D): weight shape [out, in]
    lin_b = jnp.zeros((D,), dtype=jnp.float32)
    return {
        "x": x, "edge_index": edge_index,
        "W_root1": W_root1, "W_neigh1": W_neigh1, "b1": b1,
        "W_root2": W_root2, "W_neigh2": W_neigh2, "b2": b2,
        "gamma": gamma, "beta": beta,
        "lin_W": lin_W, "lin_b": lin_b,
    }


def _conv(x, edge_index, W_root, W_neigh, b, gamma=None, beta=None):
    # MeanAggrConv: mean aggregation of neighbor features over incoming edges,
    # optional NeighborNorm (per-node feature normalization of aggregated messages),
    # then root/neighbor linear transforms.
    src = edge_index[0]
    dst = edge_index[1]
    msgs = x[src]  # gather [E, D]
    n = x.shape[0]
    agg = jax.ops.segment_sum(msgs, dst, num_segments=n)  # scatter-add [N, D]
    deg = jax.ops.segment_sum(jnp.ones((edge_index.shape[1],), x.dtype), dst, num_segments=n)
    mean = agg / jnp.maximum(deg, 1.0)[:, None]
    if gamma is not None:
        mu = jnp.mean(mean, axis=-1, keepdims=True)
        var = jnp.var(mean, axis=-1, keepdims=True)
        mean = (mean - mu) / jnp.sqrt(var + 1e-5)
        mean = mean * gamma + beta
    return x @ W_root + mean @ W_neigh + b


def reference(x, edge_index, W_root1, W_neigh1, b1, W_root2, W_neigh2, b2, gamma, beta, lin_W, lin_b):
    # Block.forward: conv1 (norm=None) -> conv2 (neighbornorm) -> dropout(p=0, eval) -> cat -> relu(lin)
    x1 = _conv(x, edge_index, W_root1, W_neigh1, b1)
    x2 = _conv(x1, edge_index, W_root2, W_neigh2, b2, gamma, beta)
    # dropout p=0.0 (and eval mode) -> identity
    xc = jnp.concatenate([x1, x2], axis=-1)  # [N, 2*D]
    out = jax.nn.relu(xc @ lin_W.T + lin_b)
    return out

if __name__ == "__main__":
    import jax
    _d = setup_inputs()
    print(jax.jit(kernel)(*tuple(_d.values())))

</pallas_src>

<mosaic_0001>
#map = affine_map<(d0, d1) -> (0, 0)>
#map1 = affine_map<(d0, d1) -> (0, 0, 0, 0)>
#map2 = affine_map<(d0, d1) -> (0, 0, 0)>
#map3 = affine_map<(d0, d1) -> (0)>
module attributes {stable_mosaic.version = 14 : i64} {
  func.func @seg(%arg0: i32, %arg1: i32, %arg2: memref<10000x128xf32, #tpu.memory_space<hbm>>, %arg3: memref<32x125x1x80xi32, #tpu.memory_space<hbm>>, %arg4: memref<32x125x1x80xi32, #tpu.memory_space<hbm>>, %arg5: memref<2x10000x128xf32, #tpu.memory_space<hbm>>, %arg6: memref<20000xf32, #tpu.memory_space<hbm>>, %arg7: memref<10000x128xf32, #tpu.memory_space<vmem_shared>>, %arg8: memref<80xi32, #tpu.memory_space<vmem>>, %arg9: memref<80xi32, #tpu.memory_space<vmem>>, %arg10: memref<80xi32, #tpu.memory_space<vmem>>, %arg11: memref<80xi32, #tpu.memory_space<vmem>>, %arg12: memref<80xi32, #tpu.memory_space<vmem>>, %arg13: memref<80xi32, #tpu.memory_space<vmem>>, %arg14: memref<80xi32, #tpu.memory_space<vmem>>, %arg15: memref<80xi32, #tpu.memory_space<vmem>>, %arg16: memref<80xi32, #tpu.memory_space<vmem>>, %arg17: memref<80xi32, #tpu.memory_space<vmem>>, %arg18: memref<80xi32, #tpu.memory_space<vmem>>, %arg19: memref<80xi32, #tpu.memory_space<vmem>>, %arg20: memref<80xi32, #tpu.memory_space<vmem>>, %arg21: memref<80xi32, #tpu.memory_space<vmem>>, %arg22: memref<80xi32, #tpu.memory_space<vmem>>, %arg23: memref<80xi32, #tpu.memory_space<vmem>>, %arg24: memref<80x128xf32, #tpu.memory_space<vmem>>, %arg25: memref<80x128xf32, #tpu.memory_space<vmem>>, %arg26: memref<80x128xf32, #tpu.memory_space<vmem>>, %arg27: memref<80x128xf32, #tpu.memory_space<vmem>>, %arg28: memref<24x128xf32, #tpu.memory_space<vmem>>, %arg29: memref<!tpu.dma_semaphore, #tpu.memory_space<semaphore_mem>>, %arg30: memref<!tpu.dma_semaphore, #tpu.memory_space<semaphore_mem>>, %arg31: memref<!tpu.dma_semaphore, #tpu.memory_space<semaphore_mem>>, %arg32: memref<!tpu.dma_semaphore, #tpu.memory_space<semaphore_mem>>, %arg33: memref<!tpu.dma_semaphore, #tpu.memory_space<semaphore_mem>>, %arg34: memref<!tpu.dma_semaphore, #tpu.memory_space<semaphore_mem>>, %arg35: memref<!tpu.dma_semaphore, #tpu.memory_space<semaphore_mem>>, %arg36: memref<!tpu.dma_semaphore, #tpu.memory_space<semaphore_mem>>, %arg37: memref<!tpu.dma_semaphore, #tpu.memory_space<semaphore_mem>>, %arg38: memref<!tpu.dma_semaphore, #tpu.memory_space<semaphore_mem>>, %arg39: memref<!tpu.dma_semaphore, #tpu.memory_space<semaphore_mem>>, %arg40: memref<!tpu.dma_semaphore, #tpu.memory_space<semaphore_mem>>, %arg41: memref<!tpu.dma_semaphore, #tpu.memory_space<semaphore_mem>>, %arg42: memref<!tpu.dma_semaphore, #tpu.memory_space<semaphore_mem>>, %arg43: memref<!tpu.dma_semaphore, #tpu.memory_space<semaphore_mem>>, %arg44: memref<!tpu.dma_semaphore, #tpu.memory_space<semaphore_mem>>, %arg45: memref<!tpu.dma_semaphore, #tpu.memory_space<semaphore_mem>>, %arg46: memref<!tpu.dma_semaphore, #tpu.memory_space<semaphore_mem>>, %arg47: memref<!tpu.dma_semaphore, #tpu.memory_space<semaphore_mem>>, %arg48: memref<!tpu.dma_semaphore, #tpu.memory_space<semaphore_mem>>, %arg49: memref<!tpu.dma_semaphore, #tpu.memory_space<semaphore_mem>>, %arg50: memref<!tpu.dma_semaphore, #tpu.memory_space<semaphore_mem>>, %arg51: memref<!tpu.dma_semaphore, #tpu.memory_space<semaphore_mem>>, %arg52: memref<!tpu.dma_semaphore, #tpu.memory_space<semaphore_mem>>, %arg53: memref<!tpu.dma_semaphore, #tpu.memory_space<semaphore_mem>>, %arg54: memref<10000xf32, #tpu.memory_space<vmem_shared>>, %arg55: memref<80xf32, #tpu.memory_space<vmem>>, %arg56: memref<624xf32, #tpu.memory_space<vmem>>, %arg57: memref<!tpu.dma_semaphore, #tpu.memory_space<semaphore_mem>>, %arg58: memref<!tpu.dma_semaphore, #tpu.memory_space<semaphore_mem>>, %arg59: memref<!tpu.dma_semaphore, #tpu.memory_space<semaphore_mem>>, %arg60: memref<!tpu.dma_semaphore, #tpu.memory_space<semaphore_mem>>) attributes {dimension_semantics = [#tpu.dimension_semantics<core_parallel>, #tpu.dimension_semantics<subcore_parallel>], iteration_bounds = array<i64: 2, 16>, scalar_prefetch = 0 : i64, scratch_operands = 54 : i64, tpu.core_type = #tpu.core_type<sc_vector_subcore>, window_params = [{transform_indices = #map}, {transform_indices = #map1}, {transform_indices = #map1}, {transform_indices = #map2}, {transform_indices = #map3}]} {
    %mul3A = arith.constant 2 : i32
    %mul3A_0 = arith.muli %arg1, %mul3A : i32
    %add3A = arith.addi %mul3A_0, %arg0 : i32
    %dma_start3A = arith.constant 0 : i32
    %dma_start3A_1 = arith.constant 0 : i32
    %dma_start3A_2 = arith.constant 0 : i32
    %dma_start3A_3 = tpu.memref_slice %arg3[%add3A, %dma_start3A, %dma_start3A_1, %dma_start3A_2] : memref<32x125x1x80xi32, #tpu.memory_space<hbm>> -> memref<1x1x1x80xi32, #tpu.memory_space<hbm>>
    %dma_start3A_4 = tpu.memref_squeeze %dma_start3A_3 : memref<1x1x1x80xi32, #tpu.memory_space<hbm>> -> memref<80xi32, #tpu.memory_space<hbm>>
    %dma_start3A_5 = arith.constant 0 : i32
    %dma_start3A_6 = tpu.memref_slice %arg3[%add3A, %dma_start3A, %dma_start3A_1, %dma_start3A_5] : memref<32x125x1x80xi32, #tpu.memory_space<hbm>> -> memref<1x1x1x80xi32, #tpu.memory_space<hbm>>
    %dma_start3A_7 = tpu.memref_squeeze %dma_start3A_6 : memref<1x1x1x80xi32, #tpu.memory_space<hbm>> -> memref<80xi32, #tpu.memory_space<hbm>>
    tpu.enqueue_dma source(%dma_start3A_7 : memref<80xi32, #tpu.memory_space<hbm>>) target(%arg8 : memref<80xi32, #tpu.memory_space<vmem>>) target_semaphore(%arg29 : memref<!tpu.dma_semaphore, #tpu.memory_space<semaphore_mem>>)
    %dma_start3A_8 = arith.constant 0 : i32
    %dma_start3A_9 = arith.constant 0 : i32
    %dma_start3A_10 = arith.constant 0 : i32
    %dma_start3A_11 = tpu.memref_slice %arg4[%add3A, %dma_start3A_8, %dma_start3A_9, %dma_start3A_10] : memref<32x125x1x80xi32, #tpu.memory_space<hbm>> -> memref<1x1x1x80xi32, #tpu.memory_space<hbm>>
    %dma_start3A_12 = tpu.memref_squeeze %dma_start3A_11 : memref<1x1x1x80xi32, #tpu.memory_space<hbm>> -> memref<80xi32, #tpu.memory_space<hbm>>
    %dma_start3A_13 = arith.constant 0 : i32
    %dma_start3A_14 = tpu.memref_slice %arg4[%add3A, %dma_start3A_8, %dma_start3A_9, %dma_start3A_13] : memref<32x125x1x80xi32, #tpu.memory_space<hbm>> -> memref<1x1x1x80xi32, #tpu.memory_space<hbm>>
    %dma_start3A_15 = tpu.memref_squeeze %dma_start3A_14 : memref<1x1x1x80xi32, #tpu.memory_space<hbm>> -> memref<80xi32, #tpu.memory_space<hbm>>
    tpu.enqueue_dma source(%dma_start3A_15 : memref<80xi32, #tpu.memory_space<hbm>>) target(%arg16 : memref<80xi32, #tpu.memory_space<vmem>>) target_semaphore(%arg37 : memref<!tpu.dma_semaphore, #tpu.memory_space<semaphore_mem>>)
    %dma_start3A_16 = arith.constant 1 : i32
    %dma_start3A_17 = arith.constant 0 : i32
    %dma_start3A_18 = arith.constant 0 : i32
    %dma_start3A_19 = tpu.memref_slice %arg3[%add3A, %dma_start3A_16, %dma_start3A_17, %dma_start3A_18] : memref<32x125x1x80xi32, #tpu.memory_space<hbm>> -> memref<1x1x1x80xi32, #tpu.memory_space<hbm>>
    %dma_start3A_20 = tpu.memref_squeeze %dma_start3A_19 : memref<1x1x1x80xi32, #tpu.memory_space<hbm>> -> memref<80xi32, #tpu.memory_space<hbm>>
    %dma_start3A_21 = arith.constant 0 : i32
    %dma_start3A_22 = tpu.memref_slice %arg3[%add3A, %dma_start3A_16, %dma_start3A_17, %dma_start3A_21] : memref<32x125x1x80xi32, #tpu.memory_space<hbm>> -> memref<1x1x1x80xi32, #tpu.memory_space<hbm>>
    %dma_start3A_23 = tpu.memref_squeeze %dma_start3A_22 : memref<1x1x1x80xi32, #tpu.memory_space<hbm>> -> memref<80xi32, #tpu.memory_space<hbm>>
    tpu.enqueue_dma source(%dma_start3A_23 : memref<80xi32, #tpu.memory_space<hbm>>) target(%arg9 : memref<80xi32, #tpu.memory_space<vmem>>) target_semaphore(%arg30 : memref<!tpu.dma_semaphore, #tpu.memory_space<semaphore_mem>>)
    %dma_start3A_24 = arith.constant 1 : i32
    %dma_start3A_25 = arith.constant 0 : i32
    %dma_start3A_26 = arith.constant 0 : i32
    %dma_start3A_27 = tpu.memref_slice %arg4[%add3A, %dma_start3A_24, %dma_start3A_25, %dma_start3A_26] : memref<32x125x1x80xi32, #tpu.memory_space<hbm>> -> memref<1x1x1x80xi32, #tpu.memory_space<hbm>>
    %dma_start3A_28 = tpu.memref_squeeze %dma_start3A_27 : memref<1x1x1x80xi32, #tpu.memory_space<hbm>> -> memref<80xi32, #tpu.memory_space<hbm>>
    %dma_start3A_29 = arith.constant 0 : i32
    %dma_start3A_30 = tpu.memref_slice %arg4[%add3A, %dma_start3A_24, %dma_start3A_25, %dma_start3A_29] : memref<32x125x1x80xi32, #tpu.memory_space<hbm>> -> memref<1x1x1x80xi32, #tpu.memory_space<hbm>>
    %dma_start3A_31 = tpu.memref_squeeze %dma_start3A_30 : memref<1x1x1x80xi32, #tpu.memory_space<hbm>> -> memref<80xi32, #tpu.memory_space<hbm>>
    tpu.enqueue_dma source(%dma_start3A_31 : memref<80xi32, #tpu.memory_space<hbm>>) target(%arg17 : memref<80xi32, #tpu.memory_space<vmem>>) target_semaphore(%arg38 : memref<!tpu.dma_semaphore, #tpu.memory_space<semaphore_mem>>)
    %dma_start3A_32 = arith.constant 2 : i32
    %dma_start3A_33 = arith.constant 0 : i32
    %dma_start3A_34 = arith.constant 0 : i32
    %dma_start3A_35 = tpu.memref_slice %arg3[%add3A, %dma_start3A_32, %dma_start3A_33, %dma_start3A_34] : memref<32x125x1x80xi32, #tpu.memory_space<hbm>> -> memref<1x1x1x80xi32, #tpu.memory_space<hbm>>
    %dma_start3A_36 = tpu.memref_squeeze %dma_start3A_35 : memref<1x1x1x80xi32, #tpu.memory_space<hbm>> -> memref<80xi32, #tpu.memory_space<hbm>>
    %dma_start3A_37 = arith.constant 0 : i32
    %dma_start3A_38 = tpu.memref_slice %arg3[%add3A, %dma_start3A_32, %dma_start3A_33, %dma_start3A_37] : memref<32x125x1x80xi32, #tpu.memory_space<hbm>> -> memref<1x1x1x80xi32, #tpu.memory_space<hbm>>
    %dma_start3A_39 = tpu.memref_squeeze %dma_start3A_38 : memref<1x1x1x80xi32, #tpu.memory_space<hbm>> -> memref<80xi32, #tpu.memory_space<hbm>>
    tpu.enqueue_dma source(%dma_start3A_39 : memref<80xi32, #tpu.memory_space<hbm>>) target(%arg10 : memref<80xi32, #tpu.memory_space<vmem>>) target_semaphore(%arg31 : memref<!tpu.dma_semaphore, #tpu.memory_space<semaphore_mem>>)
    %dma_start3A_40 = arith.constant 2 : i32
    %dma_start3A_41 = arith.constant 0 : i32
    %dma_start3A_42 = arith.constant 0 : i32
    %dma_start3A_43 = tpu.memref_slice %arg4[%add3A, %dma_start3A_40, %dma_start3A_41, %dma_start3A_42] : memref<32x125x1x80xi32, #tpu.memory_space<hbm>> -> memref<1x1x1x80xi32, #tpu.memory_space<hbm>>
    %dma_start3A_44 = tpu.memref_squeeze %dma_start3A_43 : memref<1x1x1x80xi32, #tpu.memory_space<hbm>> -> memref<80xi32, #tpu.memory_space<hbm>>
    %dma_start3A_45 = arith.constant 0 : i32
    %dma_start3A_46 = tpu.memref_slice %arg4[%add3A, %dma_start3A_40, %dma_start3A_41, %dma_start3A_45] : memref<32x125x1x80xi32, #tpu.memory_space<hbm>> -> memref<1x1x1x80xi32, #tpu.memory_space<hbm>>
    %dma_start3A_47 = tpu.memref_squeeze %dma_start3A_46 : memref<1x1x1x80xi32, #tpu.memory_space<hbm>> -> memref<80xi32, #tpu.memory_space<hbm>>
    tpu.enqueue_dma source(%dma_start3A_47 : memref<80xi32, #tpu.memory_space<hbm>>) target(%arg18 : memref<80xi32, #tpu.memory_space<vmem>>) target_semaphore(%arg39 : memref<!tpu.dma_semaphore, #tpu.memory_space<semaphore_mem>>)
    %dma_start3A_48 = arith.constant 3 : i32
    %dma_start3A_49 = arith.constant 0 : i32
    %dma_start3A_50 = arith.constant 0 : i32
    %dma_start3A_51 = tpu.memref_slice %arg3[%add3A, %dma_start3A_48, %dma_start3A_49, %dma_start3A_50] : memref<32x125x1x80xi32, #tpu.memory_space<hbm>> -> memref<1x1x1x80xi32, #tpu.memory_space<hbm>>
    %dma_start3A_52 = tpu.memref_squeeze %dma_start3A_51 : memref<1x1x1x80xi32, #tpu.memory_space<hbm>> -> memref<80xi32, #tpu.memory_space<hbm>>
    %dma_start3A_53 = arith.constant 0 : i32
    %dma_start3A_54 = tpu.memref_slice %arg3[%add3A, %dma_start3A_48, %dma_start3A_49, %dma_start3A_53] : memref<32x125x1x80xi32, #tpu.memory_space<hbm>> -> memref<1x1x1x80xi32, #tpu.memory_space<hbm>>
    %dma_start3A_55 = tpu.memref_squeeze %dma_start3A_54 : memref<1x1x1x80xi32, #tpu.memory_space<hbm>> -> memref<80xi32, #tpu.memory_space<hbm>>
    tpu.enqueue_dma source(%dma_start3A_55 : memref<80xi32, #tpu.memory_space<hbm>>) target(%arg11 : memref<80xi32, #tpu.memory_space<vmem>>) target_semaphore(%arg32 : memref<!tpu.dma_semaphore, #tpu.memory_space<semaphore_mem>>)
    %dma_start3A_56 = arith.constant 3 : i32
    %dma_start3A_57 = arith.constant 0 : i32
    %dma_start3A_58 = arith.constant 0 : i32
    %dma_start3A_59 = tpu.memref_slice %arg4[%add3A, %dma_start3A_56, %dma_start3A_57, %dma_start3A_58] : memref<32x125x1x80xi32, #tpu.memory_space<hbm>> -> memref<1x1x1x80xi32, #tpu.memory_space<hbm>>
    %dma_start3A_60 = tpu.memref_squeeze %dma_start3A_59 : memref<1x1x1x80xi32, #tpu.memory_space<hbm>> -> memref<80xi32, #tpu.memory_space<hbm>>
    %dma_start3A_61 = arith.constant 0 : i32
    %dma_start3A_62 = tpu.memref_slice %arg4[%add3A, %dma_start3A_56, %dma_start3A_57, %dma_start3A_61] : memref<32x125x1x80xi32, #tpu.memory_space<hbm>> -> memref<1x1x1x80xi32, #tpu.memory_space<hbm>>
    %dma_start3A_63 = tpu.memref_squeeze %dma_start3A_62 : memref<1x1x1x80xi32, #tpu.memory_space<hbm>> -> memref<80xi32, #tpu.memory_space<hbm>>
    tpu.enqueue_dma source(%dma_start3A_63 : memref<80xi32, #tpu.memory_space<hbm>>) target(%arg19 : memref<80xi32, #tpu.memory_space<vmem>>) target_semaphore(%arg40 : memref<!tpu.dma_semaphore, #tpu.memory_space<semaphore_mem>>)
    %dma_start3A_64 = arith.constant 4 : i32
    %dma_start3A_65 = arith.constant 0 : i32
    %dma_start3A_66 = arith.constant 0 : i32
    %dma_start3A_67 = tpu.memref_slice %arg3[%add3A, %dma_start3A_64, %dma_start3A_65, %dma_start3A_66] : memref<32x125x1x80xi32, #tpu.memory_space<hbm>> -> memref<1x1x1x80xi32, #tpu.memory_space<hbm>>
    %dma_start3A_68 = tpu.memref_squeeze %dma_start3A_67 : memref<1x1x1x80xi32, #tpu.memory_space<hbm>> -> memref<80xi32, #tpu.memory_space<hbm>>
    %dma_start3A_69 = arith.constant 0 : i32
    %dma_start3A_70 = tpu.memref_slice %arg3[%add3A, %dma_start3A_64, %dma_start3A_65, %dma_start3A_69] : memref<32x125x1x80xi32, #tpu.memory_space<hbm>> -> memref<1x1x1x80xi32, #tpu.memory_space<hbm>>
    %dma_start3A_71 = tpu.memref_squeeze %dma_start3A_70 : memref<1x1x1x80xi32, #tpu.memory_space<hbm>> -> memref<80xi32, #tpu.memory_space<hbm>>
    tpu.enqueue_dma source(%dma_start3A_71 : memref<80xi32, #tpu.memory_space<hbm>>) target(%arg12 : memref<80xi32, #tpu.memory_space<vmem>>) target_semaphore(%arg33 : memref<!tpu.dma_semaphore, #tpu.memory_space<semaphore_mem>>)
    %dma_start3A_72 = arith.constant 4 : i32
    %dma_start3A_73 = arith.constant 0 : i32
    %dma_start3A_74 = arith.constant 0 : i32
    %dma_start3A_75 = tpu.memref_slice %arg4[%add3A, %dma_start3A_72, %dma_start3A_73, %dma_start3A_74] : memref<32x125x1x80xi32, #tpu.memory_space<hbm>> -> memref<1x1x1x80xi32, #tpu.memory_space<hbm>>
    %dma_start3A_76 = tpu.memref_squeeze %dma_start3A_75 : memref<1x1x1x80xi32, #tpu.memory_space<hbm>> -> memref<80xi32, #tpu.memory_space<hbm>>
    %dma_start3A_77 = arith.constant 0 : i32
    %dma_start3A_78 = tpu.memref_slice %arg4[%add3A, %dma_start3A_72, %dma_start3A_73, %dma_start3A_77] : memref<32x125x1x80xi32, #tpu.memory_space<hbm>> -> memref<1x1x1x80xi32, #tpu.memory_space<hbm>>
    %dma_start3A_79 = tpu.memref_squeeze %dma_start3A_78 : memref<1x1x1x80xi32, #tpu.memory_space<hbm>> -> memref<80xi32, #tpu.memory_space<hbm>>
    tpu.enqueue_dma source(%dma_start3A_79 : memref<80xi32, #tpu.memory_space<hbm>>) target(%arg20 : memref<80xi32, #tpu.memory_space<vmem>>) target_semaphore(%arg41 : memref<!tpu.dma_semaphore, #tpu.memory_space<semaphore_mem>>)
    %dma_start3A_80 = arith.constant 5 : i32
    %dma_start3A_81 = arith.constant 0 : i32
    %dma_start3A_82 = arith.constant 0 : i32
    %dma_start3A_83 = tpu.memref_slice %arg3[%add3A, %dma_start3A_80, %dma_start3A_81, %dma_start3A_82] : memref<32x125x1x80xi32, #tpu.memory_space<hbm>> -> memref<1x1x1x80xi32, #tpu.memory_space<hbm>>
    %dma_start3A_84 = tpu.memref_squeeze %dma_start3A_83 : memref<1x1x1x80xi32, #tpu.memory_space<hbm>> -> memref<80xi32, #tpu.memory_space<hbm>>
    %dma_start3A_85 = arith.constant 0 : i32
    %dma_start3A_86 = tpu.memref_slice %arg3[%add3A, %dma_start3A_80, %dma_start3A_81, %dma_start3A_85] : memref<32x125x1x80xi32, #tpu.memory_space<hbm>> -> memref<1x1x1x80xi32, #tpu.memory_space<hbm>>
    %dma_start3A_87 = tpu.memref_squeeze %dma_start3A_86 : memref<1x1x1x80xi32, #tpu.memory_space<hbm>> -> memref<80xi32, #tpu.memory_space<hbm>>
    tpu.enqueue_dma source(%dma_start3A_87 : memref<80xi32, #tpu.memory_space<hbm>>) target(%arg13 : memref<80xi32, #tpu.memory_space<vmem>>) target_semaphore(%arg34 : memref<!tpu.dma_semaphore, #tpu.memory_space<semaphore_mem>>)
    %dma_start3A_88 = arith.constant 5 : i32
    %dma_start3A_89 = arith.constant 0 : i32
    %dma_start3A_90 = arith.constant 0 : i32
    %dma_start3A_91 = tpu.memref_slice %arg4[%add3A, %dma_start3A_88, %dma_start3A_89, %dma_start3A_90] : memref<32x125x1x80xi32, #tpu.memory_space<hbm>> -> memref<1x1x1x80xi32, #tpu.memory_space<hbm>>
    %dma_start3A_92 = tpu.memref_squeeze %dma_start3A_91 : memref<1x1x1x80xi32, #tpu.memory_space<hbm>> -> memref<80xi32, #tpu.memory_space<hbm>>
    %dma_start3A_93 = arith.constant 0 : i32
    %dma_start3A_94 = tpu.memref_slice %arg4[%add3A, %dma_start3A_88, %dma_start3A_89, %dma_start3A_93] : memref<32x125x1x80xi32, #tpu.memory_space<hbm>> -> memref<1x1x1x80xi32, #tpu.memory_space<hbm>>
    %dma_start3A_95 = tpu.memref_squeeze %dma_start3A_94 : memref<1x1x1x80xi32, #tpu.memory_space<hbm>> -> memref<80xi32, #tpu.memory_space<hbm>>
    tpu.enqueue_dma source(%dma_start3A_95 : memref<80xi32, #tpu.memory_space<hbm>>) target(%arg21 : memref<80xi32, #tpu.memory_space<vmem>>) target_semaphore(%arg42 : memref<!tpu.dma_semaphore, #tpu.memory_space<semaphore_mem>>)
    %broadcast_in_dim3A = arith.constant 0.000000e+00 : f32
    %broadcast_in_dim3A_96 = vector.broadcast %broadcast_in_dim3A : f32 to vector<16xf32>
    %scan3A = arith.constant 0 : i32
    %scan3A_97 = arith.constant 0 : i32
    %scan3A_98 = arith.constant 24 : i32
    %scan3A_99 = arith.addi %scan3A_97, %scan3A_98 : i32
    %scan3A_100 = arith.constant 1 : i32
    scf.for %scan3A_645 = %scan3A_97 to %scan3A_99 step %scan3A_100  : i32 {
      %swap3A_646 = arith.index_cast %scan3A_645 : i32 to index
      %swap3A_647 = arith.constant 0 : index
      %swap3A_648 = tpu.vector_load %arg28[%swap3A_646, %swap3A_647] {strides = array<i32>} : memref<24x128xf32, #tpu.memory_space<vmem>>, vector<1x16xf32>,
      %swap3A_649 = vector.shape_cast %swap3A_648 : vector<1x16xf32> to vector<16xf32>
      %swap3A_650 = vector.shape_cast %broadcast_in_dim3A_96 : vector<16xf32> to vector<1x16xf32>
      tpu.vector_store %arg28[%swap3A_646, %swap3A_647], %swap3A_650 {strides = array<i32>} : memref<24x128xf32, #tpu.memory_space<vmem>>, vector<1x16xf32>,
      %swap3A_651 = arith.index_cast %scan3A_645 : i32 to index
      %swap3A_652 = arith.constant 16 : index
      %swap3A_653 = tpu.vector_load %arg28[%swap3A_651, %swap3A_652] {strides = array<i32>} : memref<24x128xf32, #tpu.memory_space<vmem>>, vector<1x16xf32>,
      %swap3A_654 = vector.shape_cast %swap3A_653 : vector<1x16xf32> to vector<16xf32>
      %swap3A_655 = vector.shape_cast %broadcast_in_dim3A_96 : vector<16xf32> to vector<1x16xf32>
      tpu.vector_store %arg28[%swap3A_651, %swap3A_652], %swap3A_655 {strides = array<i32>} : memref<24x128xf32, #tpu.memory_space<vmem>>, vector<1x16xf32>,
      %swap3A_656 = arith.index_cast %scan3A_645 : i32 to index
      %swap3A_657 = arith.constant 32 : index
      %swap3A_658 = tpu.vector_load %arg28[%swap3A_656, %swap3A_657] {strides = array<i32>} : memref<24x128xf32, #tpu.memory_space<vmem>>, vector<1x16xf32>,
      %swap3A_659 = vector.shape_cast %swap3A_658 : vector<1x16xf32> to vector<16xf32>
      %swap3A_660 = vector.shape_cast %broadcast_in_dim3A_96 : vector<16xf32> to vector<1x16xf32>
      tpu.vector_store %arg28[%swap3A_656, %swap3A_657], %swap3A_660 {strides = array<i32>} : memref<24x128xf32, #tpu.memory_space<vmem>>, vector<1x16xf32>,
      %swap3A_661 = arith.index_cast %scan3A_645 : i32 to index
      %swap3A_662 = arith.constant 48 : index
      %swap3A_663 = tpu.vector_load %arg28[%swap3A_661, %swap3A_662] {strides = array<i32>} : memref<24x128xf32, #tpu.memory_space<vmem>>, vector<1x16xf32>,
      %swap3A_664 = vector.shape_cast %swap3A_663 : vector<1x16xf32> to vector<16xf32>
      %swap3A_665 = vector.shape_cast %broadcast_in_dim3A_96 : vector<16xf32> to vector<1x16xf32>
      tpu.vector_store %arg28[%swap3A_661, %swap3A_662], %swap3A_665 {strides = array<i32>} : memref<24x128xf32, #tpu.memory_space<vmem>>, vector<1x16xf32>,
      %swap3A_666 = arith.index_cast %scan3A_645 : i32 to index
      %swap3A_667 = arith.constant 64 : index
      %swap3A_668 = tpu.vector_load %arg28[%swap3A_666, %swap3A_667] {strides = array<i32>} : memref<24x128xf32, #tpu.memory_space<vmem>>, vector<1x16xf32>,
      %swap3A_669 = vector.shape_cast %swap3A_668 : vector<1x16xf32> to vector<16xf32>
      %swap3A_670 = vector.shape_cast %broadcast_in_dim3A_96 : vector<16xf32> to vector<1x16xf32>
      tpu.vector_store %arg28[%swap3A_666, %swap3A_667], %swap3A_670 {strides = array<i32>} : memref<24x128xf32, #tpu.memory_space<vmem>>, vector<1x16xf32>,
      %swap3A_671 = arith.index_cast %scan3A_645 : i32 to index
      %swap3A_672 = arith.constant 80 : index
      %swap3A_673 = tpu.vector_load %arg28[%swap3A_671, %swap3A_672] {strides = array<i32>} : memref<24x128xf32, #tpu.memory_space<vmem>>, vector<1x16xf32>,
      %swap3A_674 = vector.shape_cast %swap3A_673 : vector<1x16xf32> to vector<16xf32>
      %swap3A_675 = vector.shape_cast %broadcast_in_dim3A_96 : vector<16xf32> to vector<1x16xf32>
      tpu.vector_store %arg28[%swap3A_671, %swap3A_672], %swap3A_675 {strides = array<i32>} : memref<24x128xf32, #tpu.memory_space<vmem>>, vector<1x16xf32>,
      %swap3A_676 = arith.index_cast %scan3A_645 : i32 to index
      %swap3A_677 = arith.constant 96 : index
      %swap3A_678 = tpu.vector_load %arg28[%swap3A_676, %swap3A_677] {strides = array<i32>} : memref<24x128xf32, #tpu.memory_space<vmem>>, vector<1x16xf32>,
      %swap3A_679 = vector.shape_cast %swap3A_678 : vector<1x16xf32> to vector<16xf32>
      %swap3A_680 = vector.shape_cast %broadcast_in_dim3A_96 : vector<16xf32> to vector<1x16xf32>
      tpu.vector_store %arg28[%swap3A_676, %swap3A_677], %swap3A_680 {strides = array<i32>} : memref<24x128xf32, #tpu.memory_space<vmem>>, vector<1x16xf32>,
      %swap3A_681 = arith.index_cast %scan3A_645 : i32 to index
      %swap3A_682 = arith.constant 112 : index
      %swap3A_683 = tpu.vector_load %arg28[%swap3A_681, %swap3A_682] {strides = array<i32>} : memref<24x128xf32, #tpu.memory_space<vmem>>, vector<1x16xf32>,
      %swap3A_684 = vector.shape_cast %swap3A_683 : vector<1x16xf32> to vector<16xf32>
      %swap3A_685 = vector.shape_cast %broadcast_in_dim3A_96 : vector<16xf32> to vector<1x16xf32>
      tpu.vector_store %arg28[%swap3A_681, %swap3A_682], %swap3A_685 {strides = array<i32>} : memref<24x128xf32, #tpu.memory_space<vmem>>, vector<1x16xf32>,
    }
    %scan3A_101 = arith.constant 24 : i32
    %broadcast_in_dim3A_102 = arith.constant 1.000000e+00 : f32
    %broadcast_in_dim3A_103 = vector.broadcast %broadcast_in_dim3A_102 : f32 to vector<16xf32>
    %swap3A = arith.constant 0 : index
    %swap3A_104 = tpu.vector_load %arg55[%swap3A] {strides = array<i32>} : memref<80xf32, #tpu.memory_space<vmem>>, vector<16xf32>,
    %swap3A_105 = vector.shape_cast %swap3A_104 : vector<16xf32> to vector<16xf32>
    %swap3A_106 = vector.shape_cast %broadcast_in_dim3A_103 : vector<16xf32> to vector<16xf32>
    tpu.vector_store %arg55[%swap3A], %swap3A_106 {strides = array<i32>} : memref<80xf32, #tpu.memory_space<vmem>>, vector<16xf32>,
    %swap3A_107 = arith.constant 16 : index
    %swap3A_108 = tpu.vector_load %arg55[%swap3A_107] {strides = array<i32>} : memref<80xf32, #tpu.memory_space<vmem>>, vector<16xf32>,
    %swap3A_109 = vector.shape_cast %swap3A_108 : vector<16xf32> to vector<16xf32>
    %swap3A_110 = vector.shape_cast %broadcast_in_dim3A_103 : vector<16xf32> to vector<16xf32>
    tpu.vector_store %arg55[%swap3A_107], %swap3A_110 {strides = array<i32>} : memref<80xf32, #tpu.memory_space<vmem>>, vector<16xf32>,
    %swap3A_111 = arith.constant 32 : index
    %swap3A_112 = tpu.vector_load %arg55[%swap3A_111] {strides = array<i32>} : memref<80xf32, #tpu.memory_space<vmem>>, vector<16xf32>,
    %swap3A_113 = vector.shape_cast %swap3A_112 : vector<16xf32> to vector<16xf32>
    %swap3A_114 = vector.shape_cast %broadcast_in_dim3A_103 : vector<16xf32> to vector<16xf32>
    tpu.vector_store %arg55[%swap3A_111], %swap3A_114 {strides = array<i32>} : memref<80xf32, #tpu.memory_space<vmem>>, vector<16xf32>,
    %swap3A_115 = arith.constant 48 : index
    %swap3A_116 = tpu.vector_load %arg55[%swap3A_115] {strides = array<i32>} : memref<80xf32, #tpu.memory_space<vmem>>, vector<16xf32>,
    %swap3A_117 = vector.shape_cast %swap3A_116 : vector<16xf32> to vector<16xf32>
    %swap3A_118 = vector.shape_cast %broadcast_in_dim3A_103 : vector<16xf32> to vector<16xf32>
    tpu.vector_store %arg55[%swap3A_115], %swap3A_118 {strides = array<i32>} : memref<80xf32, #tpu.memory_space<vmem>>, vector<16xf32>,
    %swap3A_119 = arith.constant 64 : index
    %swap3A_120 = tpu.vector_load %arg55[%swap3A_119] {strides = array<i32>} : memref<80xf32, #tpu.memory_space<vmem>>, vector<16xf32>,
    %swap3A_121 = vector.shape_cast %swap3A_120 : vector<16xf32> to vector<16xf32>
    %swap3A_122 = vector.shape_cast %broadcast_in_dim3A_103 : vector<16xf32> to vector<16xf32>
    tpu.vector_store %arg55[%swap3A_119], %swap3A_122 {strides = array<i32>} : memref<80xf32, #tpu.memory_space<vmem>>, vector<16xf32>,
    %scan3A_123 = arith.constant 0 : i32
    %scan3A_124 = arith.constant 0 : i32
    %scan3A_125 = arith.constant 39 : i32
    %scan3A_126 = arith.addi %scan3A_124, %scan3A_125 : i32
    %scan3A_127 = arith.constant 1 : i32
    scf.for %scan3A_645 = %scan3A_124 to %scan3A_126 step %scan3A_127  : i32 {
      %mul3A_646 = arith.constant 16 : i32
      %mul3A_647 = arith.muli %scan3A_645, %mul3A_646 : i32
      %swap3A_648 = arith.index_cast %mul3A_647 : i32 to index
      %swap3A_649 = tpu.vector_load %arg56[%swap3A_648] {strides = array<i32>} : memref<624xf32, #tpu.memory_space<vmem>>, vector<16xf32>,
      %swap3A_650 = vector.shape_cast %swap3A_649 : vector<16xf32> to vector<16xf32>
      %swap3A_651 = vector.shape_cast %broadcast_in_dim3A_96 : vector<16xf32> to vector<16xf32>
      tpu.vector_store %arg56[%swap3A_648], %swap3A_651 {strides = array<i32>} : memref<624xf32, #tpu.memory_space<vmem>>, vector<16xf32>,
    }
    %scan3A_128 = arith.constant 39 : i32
    %mul3A_129 = arith.constant 624 : i32
    %mul3A_130 = arith.muli %arg1, %mul3A_129 : i32
    %add3A_131 = arith.constant 0 : i32
    %add3A_132 = arith.addi %mul3A_130, %add3A_131 : i32
    %mul3A_133 = arith.constant 624 : i32
    %mul3A_134 = arith.muli %arg1, %mul3A_133 : i32
    %add3A_135 = arith.constant 24 : i32
    %add3A_136 = arith.addi %mul3A_134, %add3A_135 : i32
    %mul3A_137 = arith.constant 624 : i32
    %mul3A_138 = arith.muli %arg1, %mul3A_137 : i32
    %add3A_139 = arith.constant 48 : i32
    %add3A_140 = arith.addi %mul3A_138, %add3A_139 : i32
    %mul3A_141 = arith.constant 624 : i32
    %mul3A_142 = arith.muli %arg1, %mul3A_141 : i32
    %add3A_143 = arith.constant 72 : i32
    %add3A_144 = arith.addi %mul3A_142, %add3A_143 : i32
    %mul3A_145 = arith.constant 624 : i32
    %mul3A_146 = arith.muli %arg1, %mul3A_145 : i32
    %add3A_147 = arith.constant 96 : i32
    %add3A_148 = arith.addi %mul3A_146, %add3A_147 : i32
    %mul3A_149 = arith.constant 624 : i32
    %mul3A_150 = arith.muli %arg1, %mul3A_149 : i32
    %add3A_151 = arith.constant 120 : i32
    %add3A_152 = arith.addi %mul3A_150, %add3A_151 : i32
    %mul3A_153 = arith.constant 624 : i32
    %mul3A_154 = arith.muli %arg1, %mul3A_153 : i32
    %add3A_155 = arith.constant 144 : i32
    %add3A_156 = arith.addi %mul3A_154, %add3A_155 : i32
    %mul3A_157 = arith.constant 624 : i32
    %mul3A_158 = arith.muli %arg1, %mul3A_157 : i32
    %add3A_159 = arith.constant 168 : i32
    %add3A_160 = arith.addi %mul3A_158, %add3A_159 : i32
    %mul3A_161 = arith.constant 624 : i32
    %mul3A_162 = arith.muli %arg1, %mul3A_161 : i32
    %add3A_163 = arith.constant 192 : i32
    %add3A_164 = arith.addi %mul3A_162, %add3A_163 : i32
    %mul3A_165 = arith.constant 624 : i32
    %mul3A_166 = arith.muli %arg1, %mul3A_165 : i32
    %add3A_167 = arith.constant 216 : i32
    %add3A_168 = arith.addi %mul3A_166, %add3A_167 : i32
    %mul3A_169 = arith.constant 624 : i32
    %mul3A_170 = arith.muli %arg1, %mul3A_169 : i32
    %add3A_171 = arith.constant 240 : i32
    %add3A_172 = arith.addi %mul3A_170, %add3A_171 : i32
    %mul3A_173 = arith.constant 624 : i32
    %mul3A_174 = arith.muli %arg1, %mul3A_173 : i32
    %add3A_175 = arith.constant 264 : i32
    %add3A_176 = arith.addi %mul3A_174, %add3A_175 : i32
    %mul3A_177 = arith.constant 624 : i32
    %mul3A_178 = arith.muli %arg1, %mul3A_177 : i32
    %add3A_179 = arith.constant 288 : i32
    %add3A_180 = arith.addi %mul3A_178, %add3A_179 : i32
    %mul3A_181 = arith.constant 624 : i32
    %mul3A_182 = arith.muli %arg1, %mul3A_181 : i32
    %add3A_183 = arith.constant 312 : i32
    %add3A_184 = arith.addi %mul3A_182, %add3A_183 : i32
    %mul3A_185 = arith.constant 624 : i32
    %mul3A_186 = arith.muli %arg1, %mul3A_185 : i32
    %add3A_187 = arith.constant 336 : i32
    %add3A_188 = arith.addi %mul3A_186, %add3A_187 : i32
    %mul3A_189 = arith.constant 624 : i32
    %mul3A_190 = arith.muli %arg1, %mul3A_189 : i32
    %add3A_191 = arith.constant 360 : i32
    %add3A_192 = arith.addi %mul3A_190, %add3A_191 : i32
    %mul3A_193 = arith.constant 624 : i32
    %mul3A_194 = arith.muli %arg1, %mul3A_193 : i32
    %add3A_195 = arith.constant 384 : i32
    %add3A_196 = arith.addi %mul3A_194, %add3A_195 : i32
    %mul3A_197 = arith.constant 624 : i32
    %mul3A_198 = arith.muli %arg1, %mul3A_197 : i32
    %add3A_199 = arith.constant 408 : i32
    %add3A_200 = arith.addi %mul3A_198, %add3A_199 : i32
    %mul3A_201 = arith.constant 624 : i32
    %mul3A_202 = arith.muli %arg1, %mul3A_201 : i32
    %add3A_203 = arith.constant 432 : i32
    %add3A_204 = arith.addi %mul3A_202, %add3A_203 : i32
    %mul3A_205 = arith.constant 624 : i32
    %mul3A_206 = arith.muli %arg1, %mul3A_205 : i32
    %add3A_207 = arith.constant 456 : i32
    %add3A_208 = arith.addi %mul3A_206, %add3A_207 : i32
    %mul3A_209 = arith.constant 624 : i32
    %mul3A_210 = arith.muli %arg1, %mul3A_209 : i32
    %add3A_211 = arith.constant 480 : i32
    %add3A_212 = arith.addi %mul3A_210, %add3A_211 : i32
    %mul3A_213 = arith.constant 624 : i32
    %mul3A_214 = arith.muli %arg1, %mul3A_213 : i32
    %add3A_215 = arith.constant 504 : i32
    %add3A_216 = arith.addi %mul3A_214, %add3A_215 : i32
    %mul3A_217 = arith.constant 624 : i32
    %mul3A_218 = arith.muli %arg1, %mul3A_217 : i32
    %add3A_219 = arith.constant 528 : i32
    %add3A_220 = arith.addi %mul3A_218, %add3A_219 : i32
    %mul3A_221 = arith.constant 624 : i32
    %mul3A_222 = arith.muli %arg1, %mul3A_221 : i32
    %add3A_223 = arith.constant 552 : i32
    %add3A_224 = arith.addi %mul3A_222, %add3A_223 : i32
    %mul3A_225 = arith.constant 624 : i32
    %mul3A_226 = arith.muli %arg1, %mul3A_225 : i32
    %add3A_227 = arith.constant 576 : i32
    %add3A_228 = arith.addi %mul3A_226, %add3A_227 : i32
    %mul3A_229 = arith.constant 624 : i32
    %mul3A_230 = arith.muli %arg1, %mul3A_229 : i32
    %add3A_231 = arith.constant 600 : i32
    %add3A_232 = arith.addi %mul3A_230, %add3A_231 : i32
    %mul3A_233 = arith.constant 624 : i32
    %mul3A_234 = arith.muli %arg1, %mul3A_233 : i32
    %dma_start3A_235 = arith.constant 0 : i32
    %dma_start3A_236 = tpu.memref_slice %arg7[%add3A_132, %dma_start3A_235] : memref<10000x128xf32, #tpu.memory_space<vmem_shared>> -> memref<24x128xf32, #tpu.memory_space<vmem_shared>>
    %dma_start3A_237 = arith.constant 0 : i32
    %dma_start3A_238 = tpu.memref_slice %arg7[%add3A_132, %dma_start3A_237] : memref<10000x128xf32, #tpu.memory_space<vmem_shared>> -> memref<24x128xf32, #tpu.memory_space<vmem_shared>>
    tpu.enqueue_dma source(%arg28 : memref<24x128xf32, #tpu.memory_space<vmem>>) target(%dma_start3A_238 : memref<24x128xf32, #tpu.memory_space<vmem_shared>>) target_semaphore(%arg53 : memref<!tpu.dma_semaphore, #tpu.memory_space<semaphore_mem>>)
    %dma_start3A_239 = arith.constant 0 : i32
    %dma_start3A_240 = tpu.memref_slice %arg7[%add3A_136, %dma_start3A_239] : memref<10000x128xf32, #tpu.memory_space<vmem_shared>> -> memref<24x128xf32, #tpu.memory_space<vmem_shared>>
    %dma_start3A_241 = arith.constant 0 : i32
    %dma_start3A_242 = tpu.memref_slice %arg7[%add3A_136, %dma_start3A_241] : memref<10000x128xf32, #tpu.memory_space<vmem_shared>> -> memref<24x128xf32, #tpu.memory_space<vmem_shared>>
    tpu.enqueue_dma source(%arg28 : memref<24x128xf32, #tpu.memory_space<vmem>>) target(%dma_start3A_242 : memref<24x128xf32, #tpu.memory_space<vmem_shared>>) target_semaphore(%arg53 : memref<!tpu.dma_semaphore, #tpu.memory_space<semaphore_mem>>)
    %dma_start3A_243 = arith.constant 0 : i32
    %dma_start3A_244 = tpu.memref_slice %arg7[%add3A_140, %dma_start3A_243] : memref<10000x128xf32, #tpu.memory_space<vmem_shared>> -> memref<24x128xf32, #tpu.memory_space<vmem_shared>>
    %dma_start3A_245 = arith.constant 0 : i32
    %dma_start3A_246 = tpu.memref_slice %arg7[%add3A_140, %dma_start3A_245] : memref<10000x128xf32, #tpu.memory_space<vmem_shared>> -> memref<24x128xf32, #tpu.memory_space<vmem_shared>>
    tpu.enqueue_dma source(%arg28 : memref<24x128xf32, #tpu.memory_space<vmem>>) target(%dma_start3A_246 : memref<24x128xf32, #tpu.memory_space<vmem_shared>>) target_semaphore(%arg53 : memref<!tpu.dma_semaphore, #tpu.memory_space<semaphore_mem>>)
    %dma_start3A_247 = arith.constant 0 : i32
    %dma_start3A_248 = tpu.memref_slice %arg7[%add3A_144, %dma_start3A_247] : memref<10000x128xf32, #tpu.memory_space<vmem_shared>> -> memref<24x128xf32, #tpu.memory_space<vmem_shared>>
    %dma_start3A_249 = arith.constant 0 : i32
    %dma_start3A_250 = tpu.memref_slice %arg7[%add3A_144, %dma_start3A_249] : memref<10000x128xf32, #tpu.memory_space<vmem_shared>> -> memref<24x128xf32, #tpu.memory_space<vmem_shared>>
    tpu.enqueue_dma source(%arg28 : memref<24x128xf32, #tpu.memory_space<vmem>>) target(%dma_start3A_250 : memref<24x128xf32, #tpu.memory_space<vmem_shared>>) target_semaphore(%arg53 : memref<!tpu.dma_semaphore, #tpu.memory_space<semaphore_mem>>)
    %dma_start3A_251 = arith.constant 0 : i32
    %dma_start3A_252 = tpu.memref_slice %arg7[%add3A_148, %dma_start3A_251] : memref<10000x128xf32, #tpu.memory_space<vmem_shared>> -> memref<24x128xf32, #tpu.memory_space<vmem_shared>>
    %dma_start3A_253 = arith.constant 0 : i32
    %dma_start3A_254 = tpu.memref_slice %arg7[%add3A_148, %dma_start3A_253] : memref<10000x128xf32, #tpu.memory_space<vmem_shared>> -> memref<24x128xf32, #tpu.memory_space<vmem_shared>>
    tpu.enqueue_dma source(%arg28 : memref<24x128xf32, #tpu.memory_space<vmem>>) target(%dma_start3A_254 : memref<24x128xf32, #tpu.memory_space<vmem_shared>>) target_semaphore(%arg53 : memref<!tpu.dma_semaphore, #tpu.memory_space<semaphore_mem>>)
    %dma_start3A_255 = arith.constant 0 : i32
    %dma_start3A_256 = tpu.memref_slice %arg7[%add3A_152, %dma_start3A_255] : memref<10000x128xf32, #tpu.memory_space<vmem_shared>> -> memref<24x128xf32, #tpu.memory_space<vmem_shared>>
    %dma_start3A_257 = arith.constant 0 : i32
    %dma_start3A_258 = tpu.memref_slice %arg7[%add3A_152, %dma_start3A_257] : memref<10000x128xf32, #tpu.memory_space<vmem_shared>> -> memref<24x128xf32, #tpu.memory_space<vmem_shared>>
    tpu.enqueue_dma source(%arg28 : memref<24x128xf32, #tpu.memory_space<vmem>>) target(%dma_start3A_258 : memref<24x128xf32, #tpu.memory_space<vmem_shared>>) target_semaphore(%arg53 : memref<!tpu.dma_semaphore, #tpu.memory_space<semaphore_mem>>)
    %dma_start3A_259 = arith.constant 0 : i32
    %dma_start3A_260 = tpu.memref_slice %arg7[%add3A_156, %dma_start3A_259] : memref<10000x128xf32, #tpu.memory_space<vmem_shared>> -> memref<24x128xf32, #tpu.memory_space<vmem_shared>>
    %dma_start3A_261 = arith.constant 0 : i32
    %dma_start3A_262 = tpu.memref_slice %arg7[%add3A_156, %dma_start3A_261] : memref<10000x128xf32, #tpu.memory_space<vmem_shared>> -> memref<24x128xf32, #tpu.memory_space<vmem_shared>>
    tpu.enqueue_dma source(%arg28 : memref<24x128xf32, #tpu.memory_space<vmem>>) target(%dma_start3A_262 : memref<24x128xf32, #tpu.memory_space<vmem_shared>>) target_semaphore(%arg53 : memref<!tpu.dma_semaphore, #tpu.memory_space<semaphore_mem>>)
    %dma_start3A_263 = arith.constant 0 : i32
    %dma_start3A_264 = tpu.memref_slice %arg7[%add3A_160, %dma_start3A_263] : memref<10000x128xf32, #tpu.memory_space<vmem_shared>> -> memref<24x128xf32, #tpu.memory_space<vmem_shared>>
    %dma_start3A_265 = arith.constant 0 : i32
    %dma_start3A_266 = tpu.memref_slice %arg7[%add3A_160, %dma_start3A_265] : memref<10000x128xf32, #tpu.memory_space<vmem_shared>> -> memref<24x128xf32, #tpu.memory_space<vmem_shared>>
    tpu.enqueue_dma source(%arg28 : memref<24x128xf32, #tpu.memory_space<vmem>>) target(%dma_start3A_266 : memref<24x128xf32, #tpu.memory_space<vmem_shared>>) target_semaphore(%arg53 : memref<!tpu.dma_semaphore, #tpu.memory_space<semaphore_mem>>)
    %dma_start3A_267 = arith.constant 0 : i32
    %dma_start3A_268 = tpu.memref_slice %arg7[%add3A_164, %dma_start3A_267] : memref<10000x128xf32, #tpu.memory_space<vmem_shared>> -> memref<24x128xf32, #tpu.memory_space<vmem_shared>>
    %dma_start3A_269 = arith.constant 0 : i32
    %dma_start3A_270 = tpu.memref_slice %arg7[%add3A_164, %dma_start3A_269] : memref<10000x128xf32, #tpu.memory_space<vmem_shared>> -> memref<24x128xf32, #tpu.memory_space<vmem_shared>>
    tpu.enqueue_dma source(%arg28 : memref<24x128xf32, #tpu.memory_space<vmem>>) target(%dma_start3A_270 : memref<24x128xf32, #tpu.memory_space<vmem_shared>>) target_semaphore(%arg53 : memref<!tpu.dma_semaphore, #tpu.memory_space<semaphore_mem>>)
    %dma_start3A_271 = arith.constant 0 : i32
    %dma_start3A_272 = tpu.memref_slice %arg7[%add3A_168, %dma_start3A_271] : memref<10000x128xf32, #tpu.memory_space<vmem_shared>> -> memref<24x128xf32, #tpu.memory_space<vmem_shared>>
    %dma_start3A_273 = arith.constant 0 : i32
    %dma_start3A_274 = tpu.memref_slice %arg7[%add3A_168, %dma_start3A_273] : memref<10000x128xf32, #tpu.memory_space<vmem_shared>> -> memref<24x128xf32, #tpu.memory_space<vmem_shared>>
    tpu.enqueue_dma source(%arg28 : memref<24x128xf32, #tpu.memory_space<vmem>>) target(%dma_start3A_274 : memref<24x128xf32, #tpu.memory_space<vmem_shared>>) target_semaphore(%arg53 : memref<!tpu.dma_semaphore, #tpu.memory_space<semaphore_mem>>)
    %dma_start3A_275 = arith.constant 0 : i32
    %dma_start3A_276 = tpu.memref_slice %arg7[%add3A_172, %dma_start3A_275] : memref<10000x128xf32, #tpu.memory_space<vmem_shared>> -> memref<24x128xf32, #tpu.memory_space<vmem_shared>>
    %dma_start3A_277 = arith.constant 0 : i32
    %dma_start3A_278 = tpu.memref_slice %arg7[%add3A_172, %dma_start3A_277] : memref<10000x128xf32, #tpu.memory_space<vmem_shared>> -> memref<24x128xf32, #tpu.memory_space<vmem_shared>>
    tpu.enqueue_dma source(%arg28 : memref<24x128xf32, #tpu.memory_space<vmem>>) target(%dma_start3A_278 : memref<24x128xf32, #tpu.memory_space<vmem_shared>>) target_semaphore(%arg53 : memref<!tpu.dma_semaphore, #tpu.memory_space<semaphore_mem>>)
    %dma_start3A_279 = arith.constant 0 : i32
    %dma_start3A_280 = tpu.memref_slice %arg7[%add3A_176, %dma_start3A_279] : memref<10000x128xf32, #tpu.memory_space<vmem_shared>> -> memref<24x128xf32, #tpu.memory_space<vmem_shared>>
    %dma_start3A_281 = arith.constant 0 : i32
    %dma_start3A_282 = tpu.memref_slice %arg7[%add3A_176, %dma_start3A_281] : memref<10000x128xf32, #tpu.memory_space<vmem_shared>> -> memref<24x128xf32, #tpu.memory_space<vmem_shared>>
    tpu.enqueue_dma source(%arg28 : memref<24x128xf32, #tpu.memory_space<vmem>>) target(%dma_start3A_282 : memref<24x128xf32, #tpu.memory_space<vmem_shared>>) target_semaphore(%arg53 : memref<!tpu.dma_semaphore, #tpu.memory_space<semaphore_mem>>)
    %dma_start3A_283 = arith.constant 0 : i32
    %dma_start3A_284 = tpu.memref_slice %arg7[%add3A_180, %dma_start3A_283] : memref<10000x128xf32, #tpu.memory_space<vmem_shared>> -> memref<24x128xf32, #tpu.memory_space<vmem_shared>>
    %dma_start3A_285 = arith.constant 0 : i32
    %dma_start3A_286 = tpu.memref_slice %arg7[%add3A_180, %dma_start3A_285] : memref<10000x128xf32, #tpu.memory_space<vmem_shared>> -> memref<24x128xf32, #tpu.memory_space<vmem_shared>>
    tpu.enqueue_dma source(%arg28 : memref<24x128xf32, #tpu.memory_space<vmem>>) target(%dma_start3A_286 : memref<24x128xf32, #tpu.memory_space<vmem_shared>>) target_semaphore(%arg53 : memref<!tpu.dma_semaphore, #tpu.memory_space<semaphore_mem>>)
    %dma_start3A_287 = arith.constant 0 : i32
    %dma_start3A_288 = tpu.memref_slice %arg7[%add3A_184, %dma_start3A_287] : memref<10000x128xf32, #tpu.memory_space<vmem_shared>> -> memref<24x128xf32, #tpu.memory_space<vmem_shared>>
    %dma_start3A_289 = arith.constant 0 : i32
    %dma_start3A_290 = tpu.memref_slice %arg7[%add3A_184, %dma_start3A_289] : memref<10000x128xf32, #tpu.memory_space<vmem_shared>> -> memref<24x128xf32, #tpu.memory_space<vmem_shared>>
    tpu.enqueue_dma source(%arg28 : memref<24x128xf32, #tpu.memory_space<vmem>>) target(%dma_start3A_290 : memref<24x128xf32, #tpu.memory_space<vmem_shared>>) target_semaphore(%arg53 : memref<!tpu.dma_semaphore, #tpu.memory_space<semaphore_mem>>)
    %dma_start3A_291 = arith.constant 0 : i32
    %dma_start3A_292 = tpu.memref_slice %arg7[%add3A_188, %dma_start3A_291] : memref<10000x128xf32, #tpu.memory_space<vmem_shared>> -> memref<24x128xf32, #tpu.memory_space<vmem_shared>>
    %dma_start3A_293 = arith.constant 0 : i32
    %dma_start3A_294 = tpu.memref_slice %arg7[%add3A_188, %dma_start3A_293] : memref<10000x128xf32, #tpu.memory_space<vmem_shared>> -> memref<24x128xf32, #tpu.memory_space<vmem_shared>>
    tpu.enqueue_dma source(%arg28 : memref<24x128xf32, #tpu.memory_space<vmem>>) target(%dma_start3A_294 : memref<24x128xf32, #tpu.memory_space<vmem_shared>>) target_semaphore(%arg53 : memref<!tpu.dma_semaphore, #tpu.memory_space<semaphore_mem>>)
    %dma_start3A_295 = arith.constant 0 : i32
    %dma_start3A_296 = tpu.memref_slice %arg7[%add3A_192, %dma_start3A_295] : memref<10000x128xf32, #tpu.memory_space<vmem_shared>> -> memref<24x128xf32, #tpu.memory_space<vmem_shared>>
    %dma_start3A_297 = arith.constant 0 : i32
    %dma_start3A_298 = tpu.memref_slice %arg7[%add3A_192, %dma_start3A_297] : memref<10000x128xf32, #tpu.memory_space<vmem_shared>> -> memref<24x128xf32, #tpu.memory_space<vmem_shared>>
    tpu.enqueue_dma source(%arg28 : memref<24x128xf32, #tpu.memory_space<vmem>>) target(%dma_start3A_298 : memref<24x128xf32, #tpu.memory_space<vmem_shared>>) target_semaphore(%arg53 : memref<!tpu.dma_semaphore, #tpu.memory_space<semaphore_mem>>)
    %dma_start3A_299 = arith.constant 0 : i32
    %dma_start3A_300 = tpu.memref_slice %arg7[%add3A_196, %dma_start3A_299] : memref<10000x128xf32, #tpu.memory_space<vmem_shared>> -> memref<24x128xf32, #tpu.memory_space<vmem_shared>>
    %dma_start3A_301 = arith.constant 0 : i32
    %dma_start3A_302 = tpu.memref_slice %arg7[%add3A_196, %dma_start3A_301] : memref<10000x128xf32, #tpu.memory_space<vmem_shared>> -> memref<24x128xf32, #tpu.memory_space<vmem_shared>>
    tpu.enqueue_dma source(%arg28 : memref<24x128xf32, #tpu.memory_space<vmem>>) target(%dma_start3A_302 : memref<24x128xf32, #tpu.memory_space<vmem_shared>>) target_semaphore(%arg53 : memref<!tpu.dma_semaphore, #tpu.memory_space<semaphore_mem>>)
    %dma_start3A_303 = arith.constant 0 : i32
    %dma_start3A_304 = tpu.memref_slice %arg7[%add3A_200, %dma_start3A_303] : memref<10000x128xf32, #tpu.memory_space<vmem_shared>> -> memref<24x128xf32, #tpu.memory_space<vmem_shared>>
    %dma_start3A_305 = arith.constant 0 : i32
    %dma_start3A_306 = tpu.memref_slice %arg7[%add3A_200, %dma_start3A_305] : memref<10000x128xf32, #tpu.memory_space<vmem_shared>> -> memref<24x128xf32, #tpu.memory_space<vmem_shared>>
    tpu.enqueue_dma source(%arg28 : memref<24x128xf32, #tpu.memory_space<vmem>>) target(%dma_start3A_306 : memref<24x128xf32, #tpu.memory_space<vmem_shared>>) target_semaphore(%arg53 : memref<!tpu.dma_semaphore, #tpu.memory_space<semaphore_mem>>)
    %dma_start3A_307 = arith.constant 0 : i32
    %dma_start3A_308 = tpu.memref_slice %arg7[%add3A_204, %dma_start3A_307] : memref<10000x128xf32, #tpu.memory_space<vmem_shared>> -> memref<24x128xf32, #tpu.memory_space<vmem_shared>>
    %dma_start3A_309 = arith.constant 0 : i32
    %dma_start3A_310 = tpu.memref_slice %arg7[%add3A_204, %dma_start3A_309] : memref<10000x128xf32, #tpu.memory_space<vmem_shared>> -> memref<24x128xf32, #tpu.memory_space<vmem_shared>>
    tpu.enqueue_dma source(%arg28 : memref<24x128xf32, #tpu.memory_space<vmem>>) target(%dma_start3A_310 : memref<24x128xf32, #tpu.memory_space<vmem_shared>>) target_semaphore(%arg53 : memref<!tpu.dma_semaphore, #tpu.memory_space<semaphore_mem>>)
    %dma_start3A_311 = arith.constant 0 : i32
    %dma_start3A_312 = tpu.memref_slice %arg7[%add3A_208, %dma_start3A_311] : memref<10000x128xf32, #tpu.memory_space<vmem_shared>> -> memref<24x128xf32, #tpu.memory_space<vmem_shared>>
    %dma_start3A_313 = arith.constant 0 : i32
    %dma_start3A_314 = tpu.memref_slice %arg7[%add3A_208, %dma_start3A_313] : memref<10000x128xf32, #tpu.memory_space<vmem_shared>> -> memref<24x128xf32, #tpu.memory_space<vmem_shared>>
    tpu.enqueue_dma source(%arg28 : memref<24x128xf32, #tpu.memory_space<vmem>>) target(%dma_start3A_314 : memref<24x128xf32, #tpu.memory_space<vmem_shared>>) target_semaphore(%arg53 : memref<!tpu.dma_semaphore, #tpu.memory_space<semaphore_mem>>)
    %dma_start3A_315 = arith.constant 0 : i32
    %dma_start3A_316 = tpu.memref_slice %arg7[%add3A_212, %dma_start3A_315] : memref<10000x128xf32, #tpu.memory_space<vmem_shared>> -> memref<24x128xf32, #tpu.memory_space<vmem_shared>>
    %dma_start3A_317 = arith.constant 0 : i32
    %dma_start3A_318 = tpu.memref_slice %arg7[%add3A_212, %dma_start3A_317] : memref<10000x128xf32, #tpu.memory_space<vmem_shared>> -> memref<24x128xf32, #tpu.memory_space<vmem_shared>>
    tpu.enqueue_dma source(%arg28 : memref<24x128xf32, #tpu.memory_space<vmem>>) target(%dma_start3A_318 : memref<24x128xf32, #tpu.memory_space<vmem_shared>>) target_semaphore(%arg53 : memref<!tpu.dma_semaphore, #tpu.memory_space<semaphore_mem>>)
    %dma_start3A_319 = arith.constant 0 : i32
    %dma_start3A_320 = tpu.memref_slice %arg7[%add3A_216, %dma_start3A_319] : memref<10000x128xf32, #tpu.memory_space<vmem_shared>> -> memref<24x128xf32, #tpu.memory_space<vmem_shared>>
    %dma_start3A_321 = arith.constant 0 : i32
    %dma_start3A_322 = tpu.memref_slice %arg7[%add3A_216, %dma_start3A_321] : memref<10000x128xf32, #tpu.memory_space<vmem_shared>> -> memref<24x128xf32, #tpu.memory_space<vmem_shared>>
    tpu.enqueue_dma source(%arg28 : memref<24x128xf32, #tpu.memory_space<vmem>>) target(%dma_start3A_322 : memref<24x128xf32, #tpu.memory_space<vmem_shared>>) target_semaphore(%arg53 : memref<!tpu.dma_semaphore, #tpu.memory_space<semaphore_mem>>)
    %dma_start3A_323 = arith.constant 0 : i32
    %dma_start3A_324 = tpu.memref_slice %arg7[%add3A_220, %dma_start3A_323] : memref<10000x128xf32, #tpu.memory_space<vmem_shared>> -> memref<24x128xf32, #tpu.memory_space<vmem_shared>>
    %dma_start3A_325 = arith.constant 0 : i32
    %dma_start3A_326 = tpu.memref_slice %arg7[%add3A_220, %dma_start3A_325] : memref<10000x128xf32, #tpu.memory_space<vmem_shared>> -> memref<24x128xf32, #tpu.memory_space<vmem_shared>>
    tpu.enqueue_dma source(%arg28 : memref<24x128xf32, #tpu.memory_space<vmem>>) target(%dma_start3A_326 : memref<24x128xf32, #tpu.memory_space<vmem_shared>>) target_semaphore(%arg53 : memref<!tpu.dma_semaphore, #tpu.memory_space<semaphore_mem>>)
    %dma_start3A_327 = arith.constant 0 : i32
    %dma_start3A_328 = tpu.memref_slice %arg7[%add3A_224, %dma_start3A_327] : memref<10000x128xf32, #tpu.memory_space<vmem_shared>> -> memref<24x128xf32, #tpu.memory_space<vmem_shared>>
    %dma_start3A_329 = arith.constant 0 : i32
    %dma_start3A_330 = tpu.memref_slice %arg7[%add3A_224, %dma_start3A_329] : memref<10000x128xf32, #tpu.memory_space<vmem_shared>> -> memref<24x128xf32, #tpu.memory_space<vmem_shared>>
    tpu.enqueue_dma source(%arg28 : memref<24x128xf32, #tpu.memory_space<vmem>>) target(%dma_start3A_330 : memref<24x128xf32, #tpu.memory_space<vmem_shared>>) target_semaphore(%arg53 : memref<!tpu.dma_semaphore, #tpu.memory_space<semaphore_mem>>)
    %dma_start3A_331 = arith.constant 0 : i32
    %dma_start3A_332 = tpu.memref_slice %arg7[%add3A_228, %dma_start3A_331] : memref<10000x128xf32, #tpu.memory_space<vmem_shared>> -> memref<24x128xf32, #tpu.memory_space<vmem_shared>>
    %dma_start3A_333 = arith.constant 0 : i32
    %dma_start3A_334 = tpu.memref_slice %arg7[%add3A_228, %dma_start3A_333] : memref<10000x128xf32, #tpu.memory_space<vmem_shared>> -> memref<24x128xf32, #tpu.memory_space<vmem_shared>>
    tpu.enqueue_dma source(%arg28 : memref<24x128xf32, #tpu.memory_space<vmem>>) target(%dma_start3A_334 : memref<24x128xf32, #tpu.memory_space<vmem_shared>>) target_semaphore(%arg53 : memref<!tpu.dma_semaphore, #tpu.memory_space<semaphore_mem>>)
    %dma_start3A_335 = arith.constant 0 : i32
    %dma_start3A_336 = tpu.memref_slice %arg7[%add3A_232, %dma_start3A_335] : memref<10000x128xf32, #tpu.memory_space<vmem_shared>> -> memref<24x128xf32, #tpu.memory_space<vmem_shared>>
    %dma_start3A_337 = arith.constant 0 : i32
    %dma_start3A_338 = tpu.memref_slice %arg7[%add3A_232, %dma_start3A_337] : memref<10000x128xf32, #tpu.memory_space<vmem_shared>> -> memref<24x128xf32, #tpu.memory_space<vmem_shared>>
    tpu.enqueue_dma source(%arg28 : memref<24x128xf32, #tpu.memory_space<vmem>>) target(%dma_start3A_338 : memref<24x128xf32, #tpu.memory_space<vmem_shared>>) target_semaphore(%arg53 : memref<!tpu.dma_semaphore, #tpu.memory_space<semaphore_mem>>)
    %dma_start3A_339 = tpu.memref_slice %arg54[%mul3A_234] : memref<10000xf32, #tpu.memory_space<vmem_shared>> -> memref<624xf32, #tpu.memory_space<vmem_shared>>
    %dma_start3A_340 = tpu.memref_slice %arg54[%mul3A_234] : memref<10000xf32, #tpu.memory_space<vmem_shared>> -> memref<624xf32, #tpu.memory_space<vmem_shared>>
    tpu.enqueue_dma source(%arg56 : memref<624xf32, #tpu.memory_space<vmem>>) target(%dma_start3A_340 : memref<624xf32, #tpu.memory_space<vmem_shared>>) target_semaphore(%arg53 : memref<!tpu.dma_semaphore, #tpu.memory_space<semaphore_mem>>)
    %eq3A = arith.constant 15 : i32
    %eq3A_341 = arith.cmpi eq, %arg1, %eq3A : i32
    %convert_element_type3A = arith.extui %eq3A_341 : i1 to i32
    %cond3A = arith.constant 0 : i32
    %cond3A_342 = arith.cmpi ne, %convert_element_type3A, %cond3A : i32
    scf.if %cond3A_342 {
      "tpu.region"() ({
        %run_scoped3A = tpu.sem_alloc : memref<!tpu.dma_semaphore, #tpu.memory_space<semaphore_mem>>
        %dma_start3A_645 = arith.constant 0 : i32
        %dma_start3A_646 = arith.constant 0 : i32
        %dma_start3A_647 = tpu.memref_slice %arg28[%dma_start3A_645, %dma_start3A_646] : memref<24x128xf32, #tpu.memory_space<vmem>> -> memref<16x128xf32, #tpu.memory_space<vmem>>
        %dma_start3A_648 = arith.constant 9984 : i32
        %dma_start3A_649 = arith.constant 0 : i32
        %dma_start3A_650 = tpu.memref_slice %arg7[%dma_start3A_648, %dma_start3A_649] : memref<10000x128xf32, #tpu.memory_space<vmem_shared>> -> memref<16x128xf32, #tpu.memory_space<vmem_shared>>
        %dma_start3A_651 = arith.constant 9984 : i32
        %dma_start3A_652 = arith.constant 0 : i32
        %dma_start3A_653 = tpu.memref_slice %arg7[%dma_start3A_651, %dma_start3A_652] : memref<10000x128xf32, #tpu.memory_space<vmem_shared>> -> memref<16x128xf32, #tpu.memory_space<vmem_shared>>
        %dma_start3A_654 = arith.constant 0 : i32
        %dma_start3A_655 = arith.constant 0 : i32
        %dma_start3A_656 = tpu.memref_slice %arg28[%dma_start3A_654, %dma_start3A_655] : memref<24x128xf32, #tpu.memory_space<vmem>> -> memref<16x128xf32, #tpu.memory_space<vmem>>
        tpu.enqueue_dma source(%dma_start3A_656 : memref<16x128xf32, #tpu.memory_space<vmem>>) target(%dma_start3A_653 : memref<16x128xf32, #tpu.memory_space<vmem_shared>>) target_semaphore(%run_scoped3A : memref<!tpu.dma_semaphore, #tpu.memory_space<semaphore_mem>>)
        %dma_wait3A_657 = arith.constant 0 : i32
        %dma_wait3A_658 = arith.constant 0 : i32
        %dma_wait3A_659 = tpu.memref_slice %arg28[%dma_wait3A_657, %dma_wait3A_658] : memref<24x128xf32, #tpu.memory_space<vmem>> -> memref<16x128xf32, #tpu.memory_space<vmem>>
        %dma_wait3A_660 = arith.constant 9984 : i32
        %dma_wait3A_661 = arith.constant 0 : i32
        %dma_wait3A_662 = tpu.memref_slice %arg7[%dma_wait3A_660, %dma_wait3A_661] : memref<10000x128xf32, #tpu.memory_space<vmem_shared>> -> memref<16x128xf32, #tpu.memory_space<vmem_shared>>
        %dma_wait3A_663 = arith.constant 9984 : i32
        %dma_wait3A_664 = arith.constant 0 : i32
        %dma_wait3A_665 = tpu.memref_slice %arg7[%dma_wait3A_663, %dma_wait3A_664] : memref<10000x128xf32, #tpu.memory_space<vmem_shared>> -> memref<16x128xf32, #tpu.memory_space<vmem_shared>>
        %dma_wait3A_666 = arith.constant 0 : i32
        %dma_wait3A_667 = arith.constant 0 : i32
        %dma_wait3A_668 = tpu.memref_slice %arg28[%dma_wait3A_666, %dma_wait3A_667] : memref<24x128xf32, #tpu.memory_space<vmem>> -> memref<16x128xf32, #tpu.memory_space<vmem>>
        tpu.wait_dma2 semaphore(%run_scoped3A : memref<!tpu.dma_semaphore, #tpu.memory_space<semaphore_mem>>) src(%dma_wait3A_668 : memref<16x128xf32, #tpu.memory_space<vmem>>) dst(%dma_wait3A_665 : memref<16x128xf32, #tpu.memory_space<vmem_shared>>)
        tpu.yield
      }) : () -> ()
      "tpu.region"() ({
        %run_scoped3A = tpu.sem_alloc : memref<!tpu.dma_semaphore, #tpu.memory_space<semaphore_mem>>
        %dma_start3A_645 = arith.constant 0 : i32
        %dma_start3A_646 = tpu.memref_slice %arg56[%dma_start3A_645] : memref<624xf32, #tpu.memory_space<vmem>> -> memref<16xf32, #tpu.memory_space<vmem>>
        %dma_start3A_647 = arith.constant 9984 : i32
        %dma_start3A_648 = tpu.memref_slice %arg54[%dma_start3A_647] : memref<10000xf32, #tpu.memory_space<vmem_shared>> -> memref<16xf32, #tpu.memory_space<vmem_shared>>
        %dma_start3A_649 = arith.constant 9984 : i32
        %dma_start3A_650 = tpu.memref_slice %arg54[%dma_start3A_649] : memref<10000xf32, #tpu.memory_space<vmem_shared>> -> memref<16xf32, #tpu.memory_space<vmem_shared>>
        %dma_start3A_651 = arith.constant 0 : i32
        %dma_start3A_652 = tpu.memref_slice %arg56[%dma_start3A_651] : memref<624xf32, #tpu.memory_space<vmem>> -> memref<16xf32, #tpu.memory_space<vmem>>
        tpu.enqueue_dma source(%dma_start3A_652 : memref<16xf32, #tpu.memory_space<vmem>>) target(%dma_start3A_650 : memref<16xf32, #tpu.memory_space<vmem_shared>>) target_semaphore(%run_scoped3A : memref<!tpu.dma_semaphore, #tpu.memory_space<semaphore_mem>>)
        %dma_wait3A_653 = arith.constant 0 : i32
        %dma_wait3A_654 = tpu.memref_slice %arg56[%dma_wait3A_653] : memref<624xf32, #tpu.memory_space<vmem>> -> memref<16xf32, #tpu.memory_space<vmem>>
        %dma_wait3A_655 = arith.constant 9984 : i32
        %dma_wait3A_656 = tpu.memref_slice %arg54[%dma_wait3A_655] : memref<10000xf32, #tpu.memory_space<vmem_shared>> -> memref<16xf32, #tpu.memory_space<vmem_shared>>
        %dma_wait3A_657 = arith.constant 9984 : i32
        %dma_wait3A_658 = tpu.memref_slice %arg54[%dma_wait3A_657] : memref<10000xf32, #tpu.memory_space<vmem_shared>> -> memref<16xf32, #tpu.memory_space<vmem_shared>>
        %dma_wait3A_659 = arith.constant 0 : i32
        %dma_wait3A_660 = tpu.memref_slice %arg56[%dma_wait3A_659] : memref<624xf32, #tpu.memory_space<vmem>> -> memref<16xf32, #tpu.memory_space<vmem>>
        tpu.wait_dma2 semaphore(%run_scoped3A : memref<!tpu.dma_semaphore, #tpu.memory_space<semaphore_mem>>) src(%dma_wait3A_660 : memref<16xf32, #tpu.memory_space<vmem>>) dst(%dma_wait3A_658 : memref<16xf32, #tpu.memory_space<vmem_shared>>)
        tpu.yield
      }) : () -> ()
    } else {
    }
    %dma_wait3A = arith.constant 0 : i32
    %dma_wait3A_343 = arith.constant 0 : i32
    %dma_wait3A_344 = arith.constant 0 : i32
    %dma_wait3A_345 = tpu.memref_slice %arg3[%add3A, %dma_wait3A, %dma_wait3A_343, %dma_wait3A_344] : memref<32x125x1x80xi32, #tpu.memory_space<hbm>> -> memref<1x1x1x80xi32, #tpu.memory_space<hbm>>
    %dma_wait3A_346 = tpu.memref_squeeze %dma_wait3A_345 : memref<1x1x1x80xi32, #tpu.memory_space<hbm>> -> memref<80xi32, #tpu.memory_space<hbm>>
    %dma_wait3A_347 = arith.constant 0 : i32
    %dma_wait3A_348 = tpu.memref_slice %arg3[%add3A, %dma_wait3A, %dma_wait3A_343, %dma_wait3A_347] : memref<32x125x1x80xi32, #tpu.memory_space<hbm>> -> memref<1x1x1x80xi32, #tpu.memory_space<hbm>>
    %dma_wait3A_349 = tpu.memref_squeeze %dma_wait3A_348 : memref<1x1x1x80xi32, #tpu.memory_space<hbm>> -> memref<80xi32, #tpu.memory_space<hbm>>
    tpu.wait_dma2 semaphore(%arg29 : memref<!tpu.dma_semaphore, #tpu.memory_space<semaphore_mem>>) src(%dma_wait3A_349 : memref<80xi32, #tpu.memory_space<hbm>>) dst(%arg8 : memref<80xi32, #tpu.memory_space<vmem>>)
    %dma_wait3A_350 = arith.constant 0 : i32
    %dma_wait3A_351 = arith.constant 0 : i32
    %dma_wait3A_352 = arith.constant 0 : i32
    %dma_wait3A_353 = tpu.memref_slice %arg4[%add3A, %dma_wait3A_350, %dma_wait3A_351, %dma_wait3A_352] : memref<32x125x1x80xi32, #tpu.memory_space<hbm>> -> memref<1x1x1x80xi32, #tpu.memory_space<hbm>>
    %dma_wait3A_354 = tpu.memref_squeeze %dma_wait3A_353 : memref<1x1x1x80xi32, #tpu.memory_space<hbm>> -> memref<80xi32, #tpu.memory_space<hbm>>
    %dma_wait3A_355 = arith.constant 0 : i32
    %dma_wait3A_356 = tpu.memref_slice %arg4[%add3A, %dma_wait3A_350, %dma_wait3A_351, %dma_wait3A_355] : memref<32x125x1x80xi32, #tpu.memory_space<hbm>> -> memref<1x1x1x80xi32, #tpu.memory_space<hbm>>
    %dma_wait3A_357 = tpu.memref_squeeze %dma_wait3A_356 : memref<1x1x1x80xi32, #tpu.memory_space<hbm>> -> memref<80xi32, #tpu.memory_space<hbm>>
    tpu.wait_dma2 semaphore(%arg37 : memref<!tpu.dma_semaphore, #tpu.memory_space<semaphore_mem>>) src(%dma_wait3A_357 : memref<80xi32, #tpu.memory_space<hbm>>) dst(%arg16 : memref<80xi32, #tpu.memory_space<vmem>>)
    %dma_start3A_358 = arith.constant 0 : i32
    %dma_start3A_359 = arith.constant 0 : i32
    %dma_start3A_360 = tpu.memref_slice %arg2[%dma_start3A_358, %dma_start3A_359] : memref<10000x128xf32, #tpu.memory_space<hbm>> -> memref<10000x128xf32, #tpu.memory_space<hbm>>
    tpu.enqueue_indirect_dma source(%dma_start3A_360 : memref<10000x128xf32, #tpu.memory_space<hbm>>) target(%arg24 : memref<80x128xf32, #tpu.memory_space<vmem>>) offsets(%arg8 : memref<80xi32, #tpu.memory_space<vmem>>) semaphore(%arg45 : memref<!tpu.dma_semaphore, #tpu.memory_space<semaphore_mem>>)
    %dma_wait3A_361 = arith.constant 1 : i32
    %dma_wait3A_362 = arith.constant 0 : i32
    %dma_wait3A_363 = arith.constant 0 : i32
    %dma_wait3A_364 = tpu.memref_slice %arg3[%add3A, %dma_wait3A_361, %dma_wait3A_362, %dma_wait3A_363] : memref<32x125x1x80xi32, #tpu.memory_space<hbm>> -> memref<1x1x1x80xi32, #tpu.memory_space<hbm>>
    %dma_wait3A_365 = tpu.memref_squeeze %dma_wait3A_364 : memref<1x1x1x80xi32, #tpu.memory_space<hbm>> -> memref<80xi32, #tpu.memory_space<hbm>>
    %dma_wait3A_366 = arith.constant 0 : i32
    %dma_wait3A_367 = tpu.memref_slice %arg3[%add3A, %dma_wait3A_361, %dma_wait3A_362, %dma_wait3A_366] : memref<32x125x1x80xi32, #tpu.memory_space<hbm>> -> memref<1x1x1x80xi32, #tpu.memory_space<hbm>>
    %dma_wait3A_368 = tpu.memref_squeeze %dma_wait3A_367 : memref<1x1x1x80xi32, #tpu.memory_space<hbm>> -> memref<80xi32, #tpu.memory_space<hbm>>
    tpu.wait_dma2 semaphore(%arg30 : memref<!tpu.dma_semaphore, #tpu.memory_space<semaphore_mem>>) src(%dma_wait3A_368 : memref<80xi32, #tpu.memory_space<hbm>>) dst(%arg9 : memref<80xi32, #tpu.memory_space<vmem>>)
    %dma_wait3A_369 = arith.constant 1 : i32
    %dma_wait3A_370 = arith.constant 0 : i32
    %dma_wait3A_371 = arith.constant 0 : i32
    %dma_wait3A_372 = tpu.memref_slice %arg4[%add3A, %dma_wait3A_369, %dma_wait3A_370, %dma_wait3A_371] : memref<32x125x1x80xi32, #tpu.memory_space<hbm>> -> memref<1x1x1x80xi32, #tpu.memory_space<hbm>>
    %dma_wait3A_373 = tpu.memref_squeeze %dma_wait3A_372 : memref<1x1x1x80xi32, #tpu.memory_space<hbm>> -> memref<80xi32, #tpu.memory_space<hbm>>
    %dma_wait3A_374 = arith.constant 0 : i32
    %dma_wait3A_375 = tpu.memref_slice %arg4[%add3A, %dma_wait3A_369, %dma_wait3A_370, %dma_wait3A_374] : memref<32x125x1x80xi32, #tpu.memory_space<hbm>> -> memref<1x1x1x80xi32, #tpu.memory_space<hbm>>
    %dma_wait3A_376 = tpu.memref_squeeze %dma_wait3A_375 : memref<1x1x1x80xi32, #tpu.memory_space<hbm>> -> memref<80xi32, #tpu.memory_space<hbm>>
    tpu.wait_dma2 semaphore(%arg38 : memref<!tpu.dma_semaphore, #tpu.memory_space<semaphore_mem>>) src(%dma_wait3A_376 : memref<80xi32, #tpu.memory_space<hbm>>) dst(%arg17 : memref<80xi32, #tpu.memory_space<vmem>>)
    %dma_start3A_377 = arith.constant 0 : i32
    %dma_start3A_378 = arith.constant 0 : i32
    %dma_start3A_379 = tpu.memref_slice %arg2[%dma_start3A_377, %dma_start3A_378] : memref<10000x128xf32, #tpu.memory_space<hbm>> -> memref<10000x128xf32, #tpu.memory_space<hbm>>
    tpu.enqueue_indirect_dma source(%dma_start3A_379 : memref<10000x128xf32, #tpu.memory_space<hbm>>) target(%arg25 : memref<80x128xf32, #tpu.memory_space<vmem>>) offsets(%arg9 : memref<80xi32, #tpu.memory_space<vmem>>) semaphore(%arg46 : memref<!tpu.dma_semaphore, #tpu.memory_space<semaphore_mem>>)
    %dma_wait3A_380 = arith.constant 0 : i32
    %dma_wait3A_381 = tpu.memref_slice %arg7[%add3A_132, %dma_wait3A_380] : memref<10000x128xf32, #tpu.memory_space<vmem_shared>> -> memref<24x128xf32, #tpu.memory_space<vmem_shared>>
    %dma_wait3A_382 = arith.constant 0 : i32
    %dma_wait3A_383 = tpu.memref_slice %arg7[%add3A_132, %dma_wait3A_382] : memref<10000x128xf32, #tpu.memory_space<vmem_shared>> -> memref<24x128xf32, #tpu.memory_space<vmem_shared>>
    tpu.wait_dma2 semaphore(%arg53 : memref<!tpu.dma_semaphore, #tpu.memory_space<semaphore_mem>>) src(%arg28 : memref<24x128xf32, #tpu.memory_space<vmem>>) dst(%dma_wait3A_383 : memref<24x128xf32, #tpu.memory_space<vmem_shared>>)
    %dma_wait3A_384 = arith.constant 0 : i32
    %dma_wait3A_385 = tpu.memref_slice %arg7[%add3A_136, %dma_wait3A_384] : memref<10000x128xf32, #tpu.memory_space<vmem_shared>> -> memref<24x128xf32, #tpu.memory_space<vmem_shared>>
    %dma_wait3A_386 = arith.constant 0 : i32
    %dma_wait3A_387 = tpu.memref_slice %arg7[%add3A_136, %dma_wait3A_386] : memref<10000x128xf32, #tpu.memory_space<vmem_shared>> -> memref<24x128xf32, #tpu.memory_space<vmem_shared>>
    tpu.wait_dma2 semaphore(%arg53 : memref<!tpu.dma_semaphore, #tpu.memory_space<semaphore_mem>>) src(%arg28 : memref<24x128xf32, #tpu.memory_space<vmem>>) dst(%dma_wait3A_387 : memref<24x128xf32, #tpu.memory_space<vmem_shared>>)
    %dma_wait3A_388 = arith.constant 0 : i32
    %dma_wait3A_389 = tpu.memref_slice %arg7[%add3A_140, %dma_wait3A_388] : memref<10000x128xf32, #tpu.memory_space<vmem_shared>> -> memref<24x128xf32, #tpu.memory_space<vmem_shared>>
    %dma_wait3A_390 = arith.constant 0 : i32
    %dma_wait3A_391 = tpu.memref_slice %arg7[%add3A_140, %dma_wait3A_390] : memref<10000x128xf32, #tpu.memory_space<vmem_shared>> -> memref<24x128xf32, #tpu.memory_space<vmem_shared>>
    tpu.wait_dma2 semaphore(%arg53 : memref<!tpu.dma_semaphore, #tpu.memory_space<semaphore_mem>>) src(%arg28 : memref<24x128xf32, #tpu.memory_space<vmem>>) dst(%dma_wait3A_391 : memref<24x128xf32, #tpu.memory_space<vmem_shared>>)
    %dma_wait3A_392 = arith.constant 0 : i32
    %dma_wait3A_393 = tpu.memref_slice %arg7[%add3A_144, %dma_wait3A_392] : memref<10000x128xf32, #tpu.memory_space<vmem_shared>> -> memref<24x128xf32, #tpu.memory_space<vmem_shared>>
    %dma_wait3A_394 = arith.constant 0 : i32
    %dma_wait3A_395 = tpu.memref_slice %arg7[%add3A_144, %dma_wait3A_394] : memref<10000x128xf32, #tpu.memory_space<vmem_shared>> -> memref<24x128xf32, #tpu.memory_space<vmem_shared>>
    tpu.wait_dma2 semaphore(%arg53 : memref<!tpu.dma_semaphore, #tpu.memory_space<semaphore_mem>>) src(%arg28 : memref<24x128xf32, #tpu.memory_space<vmem>>) dst(%dma_wait3A_395 : memref<24x128xf32, #tpu.memory_space<vmem_shared>>)
    %dma_wait3A_396 = arith.constant 0 : i32
    %dma_wait3A_397 = tpu.memref_slice %arg7[%add3A_148, %dma_wait3A_396] : memref<10000x128xf32, #tpu.memory_space<vmem_shared>> -> memref<24x128xf32, #tpu.memory_space<vmem_shared>>
    %dma_wait3A_398 = arith.constant 0 : i32
    %dma_wait3A_399 = tpu.memref_slice %arg7[%add3A_148, %dma_wait3A_398] : memref<10000x128xf32, #tpu.memory_space<vmem_shared>> -> memref<24x128xf32, #tpu.memory_space<vmem_shared>>
    tpu.wait_dma2 semaphore(%arg53 : memref<!tpu.dma_semaphore, #tpu.memory_space<semaphore_mem>>) src(%arg28 : memref<24x128xf32, #tpu.memory_space<vmem>>) dst(%dma_wait3A_399 : memref<24x128xf32, #tpu.memory_space<vmem_shared>>)
    %dma_wait3A_400 = arith.constant 0 : i32
    %dma_wait3A_401 = tpu.memref_slice %arg7[%add3A_152, %dma_wait3A_400] : memref<10000x128xf32, #tpu.memory_space<vmem_shared>> -> memref<24x128xf32, #tpu.memory_space<vmem_shared>>
    %dma_wait3A_402 = arith.constant 0 : i32
    %dma_wait3A_403 = tpu.memref_slice %arg7[%add3A_152, %dma_wait3A_402] : memref<10000x128xf32, #tpu.memory_space<vmem_shared>> -> memref<24x128xf32, #tpu.memory_space<vmem_shared>>
    tpu.wait_dma2 semaphore(%arg53 : memref<!tpu.dma_semaphore, #tpu.memory_space<semaphore_mem>>) src(%arg28 : memref<24x128xf32, #tpu.memory_space<vmem>>) dst(%dma_wait3A_403 : memref<24x128xf32, #tpu.memory_space<vmem_shared>>)
    %dma_wait3A_404 = arith.constant 0 : i32
    %dma_wait3A_405 = tpu.memref_slice %arg7[%add3A_156, %dma_wait3A_404] : memref<10000x128xf32, #tpu.memory_space<vmem_shared>> -> memref<24x128xf32, #tpu.memory_space<vmem_shared>>
    %dma_wait3A_406 = arith.constant 0 : i32
    %dma_wait3A_407 = tpu.memref_slice %arg7[%add3A_156, %dma_wait3A_406] : memref<10000x128xf32, #tpu.memory_space<vmem_shared>> -> memref<24x128xf32, #tpu.memory_space<vmem_shared>>
    tpu.wait_dma2 semaphore(%arg53 : memref<!tpu.dma_semaphore, #tpu.memory_space<semaphore_mem>>) src(%arg28 : memref<24x128xf32, #tpu.memory_space<vmem>>) dst(%dma_wait3A_407 : memref<24x128xf32, #tpu.memory_space<vmem_shared>>)
    %dma_wait3A_408 = arith.constant 0 : i32
    %dma_wait3A_409 = tpu.memref_slice %arg7[%add3A_160, %dma_wait3A_408] : memref<10000x128xf32, #tpu.memory_space<vmem_shared>> -> memref<24x128xf32, #tpu.memory_space<vmem_shared>>
    %dma_wait3A_410 = arith.constant 0 : i32
    %dma_wait3A_411 = tpu.memref_slice %arg7[%add3A_160, %dma_wait3A_410] : memref<10000x128xf32, #tpu.memory_space<vmem_shared>> -> memref<24x128xf32, #tpu.memory_space<vmem_shared>>
    tpu.wait_dma2 semaphore(%arg53 : memref<!tpu.dma_semaphore, #tpu.memory_space<semaphore_mem>>) src(%arg28 : memref<24x128xf32, #tpu.memory_space<vmem>>) dst(%dma_wait3A_411 : memref<24x128xf32, #tpu.memory_space<vmem_shared>>)
    %dma_wait3A_412 = arith.constant 0 : i32
    %dma_wait3A_413 = tpu.memref_slice %arg7[%add3A_164, %dma_wait3A_412] : memref<10000x128xf32, #tpu.memory_space<vmem_shared>> -> memref<24x128xf32, #tpu.memory_space<vmem_shared>>
    %dma_wait3A_414 = arith.constant 0 : i32
    %dma_wait3A_415 = tpu.memref_slice %arg7[%add3A_164, %dma_wait3A_414] : memref<10000x128xf32, #tpu.memory_space<vmem_shared>> -> memref<24x128xf32, #tpu.memory_space<vmem_shared>>
    tpu.wait_dma2 semaphore(%arg53 : memref<!tpu.dma_semaphore, #tpu.memory_space<semaphore_mem>>) src(%arg28 : memref<24x128xf32, #tpu.memory_space<vmem>>) dst(%dma_wait3A_415 : memref<24x128xf32, #tpu.memory_space<vmem_shared>>)
    %dma_wait3A_416 = arith.constant 0 : i32
    %dma_wait3A_417 = tpu.memref_slice %arg7[%add3A_168, %dma_wait3A_416] : memref<10000x128xf32, #tpu.memory_space<vmem_shared>> -> memref<24x128xf32, #tpu.memory_space<vmem_shared>>
    %dma_wait3A_418 = arith.constant 0 : i32
    %dma_wait3A_419 = tpu.memref_slice %arg7[%add3A_168, %dma_wait3A_418] : memref<10000x128xf32, #tpu.memory_space<vmem_shared>> -> memref<24x128xf32, #tpu.memory_space<vmem_shared>>
    tpu.wait_dma2 semaphore(%arg53 : memref<!tpu.dma_semaphore, #tpu.memory_space<semaphore_mem>>) src(%arg28 : memref<24x128xf32, #tpu.memory_space<vmem>>) dst(%dma_wait3A_419 : memref<24x128xf32, #tpu.memory_space<vmem_shared>>)
    %dma_wait3A_420 = arith.constant 0 : i32
    %dma_wait3A_421 = tpu.memref_slice %arg7[%add3A_172, %dma_wait3A_420] : memref<10000x128xf32, #tpu.memory_space<vmem_shared>> -> memref<24x128xf32, #tpu.memory_space<vmem_shared>>
    %dma_wait3A_422 = arith.constant 0 : i32
    %dma_wait3A_423 = tpu.memref_slice %arg7[%add3A_172, %dma_wait3A_422] : memref<10000x128xf32, #tpu.memory_space<vmem_shared>> -> memref<24x128xf32, #tpu.memory_space<vmem_shared>>
    tpu.wait_dma2 semaphore(%arg53 : memref<!tpu.dma_semaphore, #tpu.memory_space<semaphore_mem>>) src(%arg28 : memref<24x128xf32, #tpu.memory_space<vmem>>) dst(%dma_wait3A_423 : memref<24x128xf32, #tpu.memory_space<vmem_shared>>)
    %dma_wait3A_424 = arith.constant 0 : i32
    %dma_wait3A_425 = tpu.memref_slice %arg7[%add3A_176, %dma_wait3A_424] : memref<10000x128xf32, #tpu.memory_space<vmem_shared>> -> memref<24x128xf32, #tpu.memory_space<vmem_shared>>
    %dma_wait3A_426 = arith.constant 0 : i32
    %dma_wait3A_427 = tpu.memref_slice %arg7[%add3A_176, %dma_wait3A_426] : memref<10000x128xf32, #tpu.memory_space<vmem_shared>> -> memref<24x128xf32, #tpu.memory_space<vmem_shared>>
    tpu.wait_dma2 semaphore(%arg53 : memref<!tpu.dma_semaphore, #tpu.memory_space<semaphore_mem>>) src(%arg28 : memref<24x128xf32, #tpu.memory_space<vmem>>) dst(%dma_wait3A_427 : memref<24x128xf32, #tpu.memory_space<vmem_shared>>)
    %dma_wait3A_428 = arith.constant 0 : i32
    %dma_wait3A_429 = tpu.memref_slice %arg7[%add3A_180, %dma_wait3A_428] : memref<10000x128xf32, #tpu.memory_space<vmem_shared>> -> memref<24x128xf32, #tpu.memory_space<vmem_shared>>
    %dma_wait3A_430 = arith.constant 0 : i32
    %dma_wait3A_431 = tpu.memref_slice %arg7[%add3A_180, %dma_wait3A_430] : memref<10000x128xf32, #tpu.memory_space<vmem_shared>> -> memref<24x128xf32, #tpu.memory_space<vmem_shared>>
    tpu.wait_dma2 semaphore(%arg53 : memref<!tpu.dma_semaphore, #tpu.memory_space<semaphore_mem>>) src(%arg28 : memref<24x128xf32, #tpu.memory_space<vmem>>) dst(%dma_wait3A_431 : memref<24x128xf32, #tpu.memory_space<vmem_shared>>)
    %dma_wait3A_432 = arith.constant 0 : i32
    %dma_wait3A_433 = tpu.memref_slice %arg7[%add3A_184, %dma_wait3A_432] : memref<10000x128xf32, #tpu.memory_space<vmem_shared>> -> memref<24x128xf32, #tpu.memory_space<vmem_shared>>
    %dma_wait3A_434 = arith.constant 0 : i32
    %dma_wait3A_435 = tpu.memref_slice %arg7[%add3A_184, %dma_wait3A_434] : memref<10000x128xf32, #tpu.memory_space<vmem_shared>> -> memref<24x128xf32, #tpu.memory_space<vmem_shared>>
    tpu.wait_dma2 semaphore(%arg53 : memref<!tpu.dma_semaphore, #tpu.memory_space<semaphore_mem>>) src(%arg28 : memref<24x128xf32, #tpu.memory_space<vmem>>) dst(%dma_wait3A_435 : memref<24x128xf32, #tpu.memory_space<vmem_shared>>)
    %dma_wait3A_436 = arith.constant 0 : i32
    %dma_wait3A_437 = tpu.memref_slice %arg7[%add3A_188, %dma_wait3A_436] : memref<10000x128xf32, #tpu.memory_space<vmem_shared>> -> memref<24x128xf32, #tpu.memory_space<vmem_shared>>
    %dma_wait3A_438 = arith.constant 0 : i32
    %dma_wait3A_439 = tpu.memref_slice %arg7[%add3A_188, %dma_wait3A_438] : memref<10000x128xf32, #tpu.memory_space<vmem_shared>> -> memref<24x128xf32, #tpu.memory_space<vmem_shared>>
    tpu.wait_dma2 semaphore(%arg53 : memref<!tpu.dma_semaphore, #tpu.memory_space<semaphore_mem>>) src(%arg28 : memref<24x128xf32, #tpu.memory_space<vmem>>) dst(%dma_wait3A_439 : memref<24x128xf32, #tpu.memory_space<vmem_shared>>)
    %dma_wait3A_440 = arith.constant 0 : i32
    %dma_wait3A_441 = tpu.memref_slice %arg7[%add3A_192, %dma_wait3A_440] : memref<10000x128xf32, #tpu.memory_space<vmem_shared>> -> memref<24x128xf32, #tpu.memory_space<vmem_shared>>
    %dma_wait3A_442 = arith.constant 0 : i32
    %dma_wait3A_443 = tpu.memref_slice %arg7[%add3A_192, %dma_wait3A_442] : memref<10000x128xf32, #tpu.memory_space<vmem_shared>> -> memref<24x128xf32, #tpu.memory_space<vmem_shared>>
    tpu.wait_dma2 semaphore(%arg53 : memref<!tpu.dma_semaphore, #tpu.memory_space<semaphore_mem>>) src(%arg28 : memref<24x128xf32, #tpu.memory_space<vmem>>) dst(%dma_wait3A_443 : memref<24x128xf32, #tpu.memory_space<vmem_shared>>)
    %dma_wait3A_444 = arith.constant 0 : i32
    %dma_wait3A_445 = tpu.memref_slice %arg7[%add3A_196, %dma_wait3A_444] : memref<10000x128xf32, #tpu.memory_space<vmem_shared>> -> memref<24x128xf32, #tpu.memory_space<vmem_shared>>
    %dma_wait3A_446 = arith.constant 0 : i32
    %dma_wait3A_447 = tpu.memref_slice %arg7[%add3A_196, %dma_wait3A_446] : memref<10000x128xf32, #tpu.memory_space<vmem_shared>> -> memref<24x128xf32, #tpu.memory_space<vmem_shared>>
    tpu.wait_dma2 semaphore(%arg53 : memref<!tpu.dma_semaphore, #tpu.memory_space<semaphore_mem>>) src(%arg28 : memref<24x128xf32, #tpu.memory_space<vmem>>) dst(%dma_wait3A_447 : memref<24x128xf32, #tpu.memory_space<vmem_shared>>)
    %dma_wait3A_448 = arith.constant 0 : i32
    %dma_wait3A_449 = tpu.memref_slice %arg7[%add3A_200, %dma_wait3A_448] : memref<10000x128xf32, #tpu.memory_space<vmem_shared>> -> memref<24x128xf32, #tpu.memory_space<vmem_shared>>
    %dma_wait3A_450 = arith.constant 0 : i32
    %dma_wait3A_451 = tpu.memref_slice %arg7[%add3A_200, %dma_wait3A_450] : memref<10000x128xf32, #tpu.memory_space<vmem_shared>> -> memref<24x128xf32, #tpu.memory_space<vmem_shared>>
    tpu.wait_dma2 semaphore(%arg53 : memref<!tpu.dma_semaphore, #tpu.memory_space<semaphore_mem>>) src(%arg28 : memref<24x128xf32, #tpu.memory_space<vmem>>) dst(%dma_wait3A_451 : memref<24x128xf32, #tpu.memory_space<vmem_shared>>)
    %dma_wait3A_452 = arith.constant 0 : i32
    %dma_wait3A_453 = tpu.memref_slice %arg7[%add3A_204, %dma_wait3A_452] : memref<10000x128xf32, #tpu.memory_space<vmem_shared>> -> memref<24x128xf32, #tpu.memory_space<vmem_shared>>
    %dma_wait3A_454 = arith.constant 0 : i32
    %dma_wait3A_455 = tpu.memref_slice %arg7[%add3A_204, %dma_wait3A_454] : memref<10000x128xf32, #tpu.memory_space<vmem_shared>> -> memref<24x128xf32, #tpu.memory_space<vmem_shared>>
    tpu.wait_dma2 semaphore(%arg53 : memref<!tpu.dma_semaphore, #tpu.memory_space<semaphore_mem>>) src(%arg28 : memref<24x128xf32, #tpu.memory_space<vmem>>) dst(%dma_wait3A_455 : memref<24x128xf32, #tpu.memory_space<vmem_shared>>)
    %dma_wait3A_456 = arith.constant 0 : i32
    %dma_wait3A_457 = tpu.memref_slice %arg7[%add3A_208, %dma_wait3A_456] : memref<10000x128xf32, #tpu.memory_space<vmem_shared>> -> memref<24x128xf32, #tpu.memory_space<vmem_shared>>
    %dma_wait3A_458 = arith.constant 0 : i32
    %dma_wait3A_459 = tpu.memref_slice %arg7[%add3A_208, %dma_wait3A_458] : memref<10000x128xf32, #tpu.memory_space<vmem_shared>> -> memref<24x128xf32, #tpu.memory_space<vmem_shared>>
    tpu.wait_dma2 semaphore(%arg53 : memref<!tpu.dma_semaphore, #tpu.memory_space<semaphore_mem>>) src(%arg28 : memref<24x128xf32, #tpu.memory_space<vmem>>) dst(%dma_wait3A_459 : memref<24x128xf32, #tpu.memory_space<vmem_shared>>)
    %dma_wait3A_460 = arith.constant 0 : i32
    %dma_wait3A_461 = tpu.memref_slice %arg7[%add3A_212, %dma_wait3A_460] : memref<10000x128xf32, #tpu.memory_space<vmem_shared>> -> memref<24x128xf32, #tpu.memory_space<vmem_shared>>
    %dma_wait3A_462 = arith.constant 0 : i32
    %dma_wait3A_463 = tpu.memref_slice %arg7[%add3A_212, %dma_wait3A_462] : memref<10000x128xf32, #tpu.memory_space<vmem_shared>> -> memref<24x128xf32, #tpu.memory_space<vmem_shared>>
    tpu.wait_dma2 semaphore(%arg53 : memref<!tpu.dma_semaphore, #tpu.memory_space<semaphore_mem>>) src(%arg28 : memref<24x128xf32, #tpu.memory_space<vmem>>) dst(%dma_wait3A_463 : memref<24x128xf32, #tpu.memory_space<vmem_shared>>)
    %dma_wait3A_464 = arith.constant 0 : i32
    %dma_wait3A_465 = tpu.memref_slice %arg7[%add3A_216, %dma_wait3A_464] : memref<10000x128xf32, #tpu.memory_space<vmem_shared>> -> memref<24x128xf32, #tpu.memory_space<vmem_shared>>
    %dma_wait3A_466 = arith.constant 0 : i32
    %dma_wait3A_467 = tpu.memref_slice %arg7[%add3A_216, %dma_wait3A_466] : memref<10000x128xf32, #tpu.memory_space<vmem_shared>> -> memref<24x128xf32, #tpu.memory_space<vmem_shared>>
    tpu.wait_dma2 semaphore(%arg53 : memref<!tpu.dma_semaphore, #tpu.memory_space<semaphore_mem>>) src(%arg28 : memref<24x128xf32, #tpu.memory_space<vmem>>) dst(%dma_wait3A_467 : memref<24x128xf32, #tpu.memory_space<vmem_shared>>)
    %dma_wait3A_468 = arith.constant 0 : i32
    %dma_wait3A_469 = tpu.memref_slice %arg7[%add3A_220, %dma_wait3A_468] : memref<10000x128xf32, #tpu.memory_space<vmem_shared>> -> memref<24x128xf32, #tpu.memory_space<vmem_shared>>
    %dma_wait3A_470 = arith.constant 0 : i32
    %dma_wait3A_471 = tpu.memref_slice %arg7[%add3A_220, %dma_wait3A_470] : memref<10000x128xf32, #tpu.memory_space<vmem_shared>> -> memref<24x128xf32, #tpu.memory_space<vmem_shared>>
    tpu.wait_dma2 semaphore(%arg53 : memref<!tpu.dma_semaphore, #tpu.memory_space<semaphore_mem>>) src(%arg28 : memref<24x128xf32, #tpu.memory_space<vmem>>) dst(%dma_wait3A_471 : memref<24x128xf32, #tpu.memory_space<vmem_shared>>)
    %dma_wait3A_472 = arith.constant 0 : i32
    %dma_wait3A_473 = tpu.memref_slice %arg7[%add3A_224, %dma_wait3A_472] : memref<10000x128xf32, #tpu.memory_space<vmem_shared>> -> memref<24x128xf32, #tpu.memory_space<vmem_shared>>
    %dma_wait3A_474 = arith.constant 0 : i32
    %dma_wait3A_475 = tpu.memref_slice %arg7[%add3A_224, %dma_wait3A_474] : memref<10000x128xf32, #tpu.memory_space<vmem_shared>> -> memref<24x128xf32, #tpu.memory_space<vmem_shared>>
    tpu.wait_dma2 semaphore(%arg53 : memref<!tpu.dma_semaphore, #tpu.memory_space<semaphore_mem>>) src(%arg28 : memref<24x128xf32, #tpu.memory_space<vmem>>) dst(%dma_wait3A_475 : memref<24x128xf32, #tpu.memory_space<vmem_shared>>)
    %dma_wait3A_476 = arith.constant 0 : i32
    %dma_wait3A_477 = tpu.memref_slice %arg7[%add3A_228, %dma_wait3A_476] : memref<10000x128xf32, #tpu.memory_space<vmem_shared>> -> memref<24x128xf32, #tpu.memory_space<vmem_shared>>
    %dma_wait3A_478 = arith.constant 0 : i32
    %dma_wait3A_479 = tpu.memref_slice %arg7[%add3A_228, %dma_wait3A_478] : memref<10000x128xf32, #tpu.memory_space<vmem_shared>> -> memref<24x128xf32, #tpu.memory_space<vmem_shared>>
    tpu.wait_dma2 semaphore(%arg53 : memref<!tpu.dma_semaphore, #tpu.memory_space<semaphore_mem>>) src(%arg28 : memref<24x128xf32, #tpu.memory_space<vmem>>) dst(%dma_wait3A_479 : memref<24x128xf32, #tpu.memory_space<vmem_shared>>)
    %dma_wait3A_480 = arith.constant 0 : i32
    %dma_wait3A_481 = tpu.memref_slice %arg7[%add3A_232, %dma_wait3A_480] : memref<10000x128xf32, #tpu.memory_space<vmem_shared>> -> memref<24x128xf32, #tpu.memory_space<vmem_shared>>
    %dma_wait3A_482 = arith.constant 0 : i32
    %dma_wait3A_483 = tpu.memref_slice %arg7[%add3A_232, %dma_wait3A_482] : memref<10000x128xf32, #tpu.memory_space<vmem_shared>> -> memref<24x128xf32, #tpu.memory_space<vmem_shared>>
    tpu.wait_dma2 semaphore(%arg53 : memref<!tpu.dma_semaphore, #tpu.memory_space<semaphore_mem>>) src(%arg28 : memref<24x128xf32, #tpu.memory_space<vmem>>) dst(%dma_wait3A_483 : memref<24x128xf32, #tpu.memory_space<vmem_shared>>)
    %dma_wait3A_484 = tpu.memref_slice %arg54[%mul3A_234] : memref<10000xf32, #tpu.memory_space<vmem_shared>> -> memref<624xf32, #tpu.memory_space<vmem_shared>>
    %dma_wait3A_485 = tpu.memref_slice %arg54[%mul3A_234] : memref<10000xf32, #tpu.memory_space<vmem_shared>> -> memref<624xf32, #tpu.memory_space<vmem_shared>>
    tpu.wait_dma2 semaphore(%arg53 : memref<!tpu.dma_semaphore, #tpu.memory_space<semaphore_mem>>) src(%arg56 : memref<624xf32, #tpu.memory_space<vmem>>) dst(%dma_wait3A_485 : memref<624xf32, #tpu.memory_space<vmem_shared>>)
    %barrier3A = arith.constant 0 : index
    tpu.barrier barrier_id(%barrier3A)
    %scan3A_486 = arith.constant 0 : i32
    %scan3A_487 = arith.constant 0 : i32
    %scan3A_488 = arith.constant 15 : i32
    %scan3A_489 = arith.addi %scan3A_487, %scan3A_488 : i32
    %scan3A_490 = arith.constant 1 : i32
    scf.for %scan3A_645 = %scan3A_487 to %scan3A_489 step %scan3A_490  : i32 {
      %mul3A_646 = arith.constant 8 : i32
      %mul3A_647 = arith.muli %mul3A_646, %scan3A_645 : i32
      %add3A_648 = arith.constant 0 : i32
      %add3A_649 = arith.addi %mul3A_647, %add3A_648 : i32
      %dma_wait3A_650 = arith.constant 0 : i32
      %dma_wait3A_651 = arith.constant 0 : i32
      %dma_wait3A_652 = tpu.memref_slice %arg2[%dma_wait3A_650, %dma_wait3A_651] : memref<10000x128xf32, #tpu.memory_space<hbm>> -> memref<10000x128xf32, #tpu.memory_space<hbm>>
      tpu.wait_indirect_dma semaphore(%arg45 : memref<!tpu.dma_semaphore, #tpu.memory_space<semaphore_mem>>) src(%dma_wait3A_652 : memref<10000x128xf32, #tpu.memory_space<hbm>>) dst(%arg24 : memref<80x128xf32, #tpu.memory_space<vmem>>)
      %dma_start3A_653 = arith.constant 0 : i32
      %dma_start3A_654 = arith.constant 0 : i32
      %dma_start3A_655 = tpu.memref_slice %arg7[%dma_start3A_653, %dma_start3A_654] : memref<10000x128xf32, #tpu.memory_space<vmem_shared>> -> memref<10000x128xf32, #tpu.memory_space<vmem_shared>>
      tpu.enqueue_indirect_dma source(%arg24 : memref<80x128xf32, #tpu.memory_space<vmem>>) target(%dma_start3A_655 : memref<10000x128xf32, #tpu.memory_space<vmem_shared>>) offsets(%arg16 : memref<80xi32, #tpu.memory_space<vmem>>) semaphore(%arg49 : memref<!tpu.dma_semaphore, #tpu.memory_space<semaphore_mem>>) {add = true}
      %ge3A = arith.constant 4 : i32
      %ge3A_656 = arith.cmpi sge, %add3A_649, %ge3A : i32
      %convert_element_type3A_657 = arith.extui %ge3A_656 : i1 to i32
      %cond3A_658 = arith.constant 0 : i32
      %cond3A_659 = arith.cmpi ne, %convert_element_type3A_657, %cond3A_658 : i32
      scf.if %cond3A_659 {
        %dma_wait3A_1028 = arith.constant 0 : i32
        %dma_wait3A_1029 = tpu.memref_slice %arg54[%dma_wait3A_1028] : memref<10000xf32, #tpu.memory_space<vmem_shared>> -> memref<10000xf32, #tpu.memory_space<vmem_shared>>
        tpu.wait_indirect_dma semaphore(%arg57 : memref<!tpu.dma_semaphore, #tpu.memory_space<semaphore_mem>>) src(%arg55 : memref<80xf32, #tpu.memory_space<vmem>>) dst(%dma_wait3A_1029 : memref<10000xf32, #tpu.memory_space<vmem_shared>>)
      } else {
      }
      %dma_start3A_660 = arith.constant 0 : i32
      %dma_start3A_661 = tpu.memref_slice %arg54[%dma_start3A_660] : memref<10000xf32, #tpu.memory_space<vmem_shared>> -> memref<10000xf32, #tpu.memory_space<vmem_shared>>
      tpu.enqueue_indirect_dma source(%arg55 : memref<80xf32, #tpu.memory_space<vmem>>) target(%dma_start3A_661 : memref<10000xf32, #tpu.memory_space<vmem_shared>>) offsets(%arg16 : memref<80xi32, #tpu.memory_space<vmem>>) semaphore(%arg57 : memref<!tpu.dma_semaphore, #tpu.memory_space<semaphore_mem>>) {add = true}
      %ge3A_662 = arith.constant 2 : i32
      %ge3A_663 = arith.cmpi sge, %add3A_649, %ge3A_662 : i32
      %convert_element_type3A_664 = arith.extui %ge3A_663 : i1 to i32
      %cond3A_665 = arith.constant 0 : i32
      %cond3A_666 = arith.cmpi ne, %convert_element_type3A_664, %cond3A_665 : i32
      scf.if %cond3A_666 {
        %dma_wait3A_1028 = arith.constant 0 : i32
        %dma_wait3A_1029 = arith.constant 0 : i32
        %dma_wait3A_1030 = tpu.memref_slice %arg7[%dma_wait3A_1028, %dma_wait3A_1029] : memref<10000x128xf32, #tpu.memory_space<vmem_shared>> -> memref<10000x128xf32, #tpu.memory_space<vmem_shared>>
        tpu.wait_indirect_dma semaphore(%arg51 : memref<!tpu.dma_semaphore, #tpu.memory_space<semaphore_mem>>) src(%arg26 : memref<80x128xf32, #tpu.memory_space<vmem>>) dst(%dma_wait3A_1030 : memref<10000x128xf32, #tpu.memory_space<vmem_shared>>)
      } else {
      }
      %add3A_667 = arith.constant 6 : i32
      %add3A_668 = arith.addi %add3A_649, %add3A_667 : i32
      %lt3A = arith.constant 125 : i32
      %lt3A_669 = arith.cmpi slt, %add3A_668, %lt3A : i32
      %convert_element_type3A_670 = arith.extui %lt3A_669 : i1 to i32
      %cond3A_671 = arith.constant 0 : i32
      %cond3A_672 = arith.cmpi ne, %convert_element_type3A_670, %cond3A_671 : i32
      scf.if %cond3A_672 {
        %add3A_1028 = arith.constant 6 : i32
        %add3A_1029 = arith.addi %add3A_649, %add3A_1028 : i32
        %dma_start3A_1030 = arith.constant 0 : i32
        %dma_start3A_1031 = arith.constant 0 : i32
        %dma_start3A_1032 = tpu.memref_slice %arg3[%add3A, %add3A_1029, %dma_start3A_1030, %dma_start3A_1031] : memref<32x125x1x80xi32, #tpu.memory_space<hbm>> -> memref<1x1x1x80xi32, #tpu.memory_space<hbm>>
        %dma_start3A_1033 = tpu.memref_squeeze %dma_start3A_1032 : memref<1x1x1x80xi32, #tpu.memory_space<hbm>> -> memref<80xi32, #tpu.memory_space<hbm>>
        %dma_start3A_1034 = arith.constant 0 : i32
        %dma_start3A_1035 = tpu.memref_slice %arg3[%add3A, %add3A_1029, %dma_start3A_1030, %dma_start3A_1034] : memref<32x125x1x80xi32, #tpu.memory_space<hbm>> -> memref<1x1x1x80xi32, #tpu.memory_space<hbm>>
        %dma_start3A_1036 = tpu.memref_squeeze %dma_start3A_1035 : memref<1x1x1x80xi32, #tpu.memory_space<hbm>> -> memref<80xi32, #tpu.memory_space<hbm>>
        tpu.enqueue_dma source(%dma_start3A_1036 : memref<80xi32, #tpu.memory_space<hbm>>) target(%arg14 : memref<80xi32, #tpu.memory_space<vmem>>) target_semaphore(%arg35 : memref<!tpu.dma_semaphore, #tpu.memory_space<semaphore_mem>>)
        %dma_start3A_1037 = arith.constant 0 : i32
        %dma_start3A_1038 = arith.constant 0 : i32
        %dma_start3A_1039 = tpu.memref_slice %arg4[%add3A, %add3A_1029, %dma_start3A_1037, %dma_start3A_1038] : memref<32x125x1x80xi32, #tpu.memory_space<hbm>> -> memref<1x1x1x80xi32, #tpu.memory_space<hbm>>
        %dma_start3A_1040 = tpu.memref_squeeze %dma_start3A_1039 : memref<1x1x1x80xi32, #tpu.memory_space<hbm>> -> memref<80xi32, #tpu.memory_space<hbm>>
        %dma_start3A_1041 = arith.constant 0 : i32
        %dma_start3A_1042 = tpu.memref_slice %arg4[%add3A, %add3A_1029, %dma_start3A_1037, %dma_start3A_1041] : memref<32x125x1x80xi32, #tpu.memory_space<hbm>> -> memref<1x1x1x80xi32, #tpu.memory_space<hbm>>
        %dma_start3A_1043 = tpu.memref_squeeze %dma_start3A_1042 : memref<1x1x1x80xi32, #tpu.memory_space<hbm>> -> memref<80xi32, #tpu.memory_space<hbm>>
        tpu.enqueue_dma source(%dma_start3A_1043 : memref<80xi32, #tpu.memory_space<hbm>>) target(%arg22 : memref<80xi32, #tpu.memory_space<vmem>>) target_semaphore(%arg43 : memref<!tpu.dma_semaphore, #tpu.memory_space<semaphore_mem>>)
      } else {
      }
      %add3A_673 = arith.constant 2 : i32
      %add3A_674 = arith.addi %add3A_649, %add3A_673 : i32
      %dma_wait3A_675 = arith.constant 0 : i32
      %dma_wait3A_676 = arith.constant 0 : i32
      %dma_wait3A_677 = tpu.memref_slice %arg3[%add3A, %add3A_674, %dma_wait3A_675, %dma_wait3A_676] : memref<32x125x1x80xi32, #tpu.memory_space<hbm>> -> memref<1x1x1x80xi32, #tpu.memory_space<hbm>>
      %dma_wait3A_678 = tpu.memref_squeeze %dma_wait3A_677 : memref<1x1x1x80xi32, #tpu.memory_space<hbm>> -> memref<80xi32, #tpu.memory_space<hbm>>
      %dma_wait3A_679 = arith.constant 0 : i32
      %dma_wait3A_680 = tpu.memref_slice %arg3[%add3A, %add3A_674, %dma_wait3A_675, %dma_wait3A_679] : memref<32x125x1x80xi32, #tpu.memory_space<hbm>> -> memref<1x1x1x80xi32, #tpu.memory_space<hbm>>
      %dma_wait3A_681 = tpu.memref_squeeze %dma_wait3A_680 : memref<1x1x1x80xi32, #tpu.memory_space<hbm>> -> memref<80xi32, #tpu.memory_space<hbm>>
      tpu.wait_dma2 semaphore(%arg31 : memref<!tpu.dma_semaphore, #tpu.memory_space<semaphore_mem>>) src(%dma_wait3A_681 : memref<80xi32, #tpu.memory_space<hbm>>) dst(%arg10 : memref<80xi32, #tpu.memory_space<vmem>>)
      %dma_wait3A_682 = arith.constant 0 : i32
      %dma_wait3A_683 = arith.constant 0 : i32
      %dma_wait3A_684 = tpu.memref_slice %arg4[%add3A, %add3A_674, %dma_wait3A_682, %dma_wait3A_683] : memref<32x125x1x80xi32, #tpu.memory_space<hbm>> -> memref<1x1x1x80xi32, #tpu.memory_space<hbm>>
      %dma_wait3A_685 = tpu.memref_squeeze %dma_wait3A_684 : memref<1x1x1x80xi32, #tpu.memory_space<hbm>> -> memref<80xi32, #tpu.memory_space<hbm>>
      %dma_wait3A_686 = arith.constant 0 : i32
      %dma_wait3A_687 = tpu.memref_slice %arg4[%add3A, %add3A_674, %dma_wait3A_682, %dma_wait3A_686] : memref<32x125x1x80xi32, #tpu.memory_space<hbm>> -> memref<1x1x1x80xi32, #tpu.memory_space<hbm>>
      %dma_wait3A_688 = tpu.memref_squeeze %dma_wait3A_687 : memref<1x1x1x80xi32, #tpu.memory_space<hbm>> -> memref<80xi32, #tpu.memory_space<hbm>>
      tpu.wait_dma2 semaphore(%arg39 : memref<!tpu.dma_semaphore, #tpu.memory_space<semaphore_mem>>) src(%dma_wait3A_688 : memref<80xi32, #tpu.memory_space<hbm>>) dst(%arg18 : memref<80xi32, #tpu.memory_space<vmem>>)
      %dma_start3A_689 = arith.constant 0 : i32
      %dma_start3A_690 = arith.constant 0 : i32
      %dma_start3A_691 = tpu.memref_slice %arg2[%dma_start3A_689, %dma_start3A_690] : memref<10000x128xf32, #tpu.memory_space<hbm>> -> memref<10000x128xf32, #tpu.memory_space<hbm>>
      tpu.enqueue_indirect_dma source(%dma_start3A_691 : memref<10000x128xf32, #tpu.memory_space<hbm>>) target(%arg26 : memref<80x128xf32, #tpu.memory_space<vmem>>) offsets(%arg10 : memref<80xi32, #tpu.memory_space<vmem>>) semaphore(%arg47 : memref<!tpu.dma_semaphore, #tpu.memory_space<semaphore_mem>>)
      %mul3A_692 = arith.constant 8 : i32
      %mul3A_693 = arith.muli %mul3A_692, %scan3A_645 : i32
      %add3A_694 = arith.constant 1 : i32
      %add3A_695 = arith.addi %mul3A_693, %add3A_694 : i32
      %dma_wait3A_696 = arith.constant 0 : i32
      %dma_wait3A_697 = arith.constant 0 : i32
      %dma_wait3A_698 = tpu.memref_slice %arg2[%dma_wait3A_696, %dma_wait3A_697] : memref<10000x128xf32, #tpu.memory_space<hbm>> -> memref<10000x128xf32, #tpu.memory_space<hbm>>
      tpu.wait_indirect_dma semaphore(%arg46 : memref<!tpu.dma_semaphore, #tpu.memory_space<semaphore_mem>>) src(%dma_wait3A_698 : memref<10000x128xf32, #tpu.memory_space<hbm>>) dst(%arg25 : memref<80x128xf32, #tpu.memory_space<vmem>>)
      %dma_start3A_699 = arith.constant 0 : i32
      %dma_start3A_700 = arith.constant 0 : i32
      %dma_start3A_701 = tpu.memref_slice %arg7[%dma_start3A_699, %dma_start3A_700] : memref<10000x128xf32, #tpu.memory_space<vmem_shared>> -> memref<10000x128xf32, #tpu.memory_space<vmem_shared>>
      tpu.enqueue_indirect_dma source(%arg25 : memref<80x128xf32, #tpu.memory_space<vmem>>) target(%dma_start3A_701 : memref<10000x128xf32, #tpu.memory_space<vmem_shared>>) offsets(%arg17 : memref<80xi32, #tpu.memory_space<vmem>>) semaphore(%arg50 : memref<!tpu.dma_semaphore, #tpu.memory_space<semaphore_mem>>) {add = true}
      %ge3A_702 = arith.constant 4 : i32
      %ge3A_703 = arith.cmpi sge, %add3A_695, %ge3A_702 : i32
      %convert_element_type3A_704 = arith.extui %ge3A_703 : i1 to i32
      %cond3A_705 = arith.constant 0 : i32
      %cond3A_706 = arith.cmpi ne, %convert_element_type3A_704, %cond3A_705 : i32
      scf.if %cond3A_706 {
        %dma_wait3A_1028 = arith.constant 0 : i32
        %dma_wait3A_1029 = tpu.memref_slice %arg54[%dma_wait3A_1028] : memref<10000xf32, #tpu.memory_space<vmem_shared>> -> memref<10000xf32, #tpu.memory_space<vmem_shared>>
        tpu.wait_indirect_dma semaphore(%arg58 : memref<!tpu.dma_semaphore, #tpu.memory_space<semaphore_mem>>) src(%arg55 : memref<80xf32, #tpu.memory_space<vmem>>) dst(%dma_wait3A_1029 : memref<10000xf32, #tpu.memory_space<vmem_shared>>)
      } else {
      }
      %dma_start3A_707 = arith.constant 0 : i32
      %dma_start3A_708 = tpu.memref_slice %arg54[%dma_start3A_707] : memref<10000xf32, #tpu.memory_space<vmem_shared>> -> memref<10000xf32, #tpu.memory_space<vmem_shared>>
      tpu.enqueue_indirect_dma source(%arg55 : memref<80xf32, #tpu.memory_space<vmem>>) target(%dma_start3A_708 : memref<10000xf32, #tpu.memory_space<vmem_shared>>) offsets(%arg17 : memref<80xi32, #tpu.memory_space<vmem>>) semaphore(%arg58 : memref<!tpu.dma_semaphore, #tpu.memory_space<semaphore_mem>>) {add = true}
      %ge3A_709 = arith.constant 2 : i32
      %ge3A_710 = arith.cmpi sge, %add3A_695, %ge3A_709 : i32
      %convert_element_type3A_711 = arith.extui %ge3A_710 : i1 to i32
      %cond3A_712 = arith.constant 0 : i32
      %cond3A_713 = arith.cmpi ne, %convert_element_type3A_711, %cond3A_712 : i32
      scf.if %cond3A_713 {
        %dma_wait3A_1028 = arith.constant 0 : i32
        %dma_wait3A_1029 = arith.constant 0 : i32
        %dma_wait3A_1030 = tpu.memref_slice %arg7[%dma_wait3A_1028, %dma_wait3A_1029] : memref<10000x128xf32, #tpu.memory_space<vmem_shared>> -> memref<10000x128xf32, #tpu.memory_space<vmem_shared>>
        tpu.wait_indirect_dma semaphore(%arg52 : memref<!tpu.dma_semaphore, #tpu.memory_space<semaphore_mem>>) src(%arg27 : memref<80x128xf32, #tpu.memory_space<vmem>>) dst(%dma_wait3A_1030 : memref<10000x128xf32, #tpu.memory_space<vmem_shared>>)
      } else {
      }
      %add3A_714 = arith.constant 6 : i32
      %add3A_715 = arith.addi %add3A_695, %add3A_714 : i32
      %lt3A_716 = arith.constant 125 : i32
      %lt3A_717 = arith.cmpi slt, %add3A_715, %lt3A_716 : i32
      %convert_element_type3A_718 = arith.extui %lt3A_717 : i1 to i32
      %cond3A_719 = arith.constant 0 : i32
      %cond3A_720 = arith.cmpi ne, %convert_element_type3A_718, %cond3A_719 : i32
      scf.if %cond3A_720 {
        %add3A_1028 = arith.constant 6 : i32
        %add3A_1029 = arith.addi %add3A_695, %add3A_1028 : i32
        %dma_start3A_1030 = arith.constant 0 : i32
        %dma_start3A_1031 = arith.constant 0 : i32
        %dma_start3A_1032 = tpu.memref_slice %arg3[%add3A, %add3A_1029, %dma_start3A_1030, %dma_start3A_1031] : memref<32x125x1x80xi32, #tpu.memory_space<hbm>> -> memref<1x1x1x80xi32, #tpu.memory_space<hbm>>
        %dma_start3A_1033 = tpu.memref_squeeze %dma_start3A_1032 : memref<1x1x1x80xi32, #tpu.memory_space<hbm>> -> memref<80xi32, #tpu.memory_space<hbm>>
        %dma_start3A_1034 = arith.constant 0 : i32
        %dma_start3A_1035 = tpu.memref_slice %arg3[%add3A, %add3A_1029, %dma_start3A_1030, %dma_start3A_1034] : memref<32x125x1x80xi32, #tpu.memory_space<hbm>> -> memref<1x1x1x80xi32, #tpu.memory_space<hbm>>
        %dma_start3A_1036 = tpu.memref_squeeze %dma_start3A_1035 : memref<1x1x1x80xi32, #tpu.memory_space<hbm>> -> memref<80xi32, #tpu.memory_space<hbm>>
        tpu.enqueue_dma source(%dma_start3A_1036 : memref<80xi32, #tpu.memory_space<hbm>>) target(%arg15 : memref<80xi32, #tpu.memory_space<vmem>>) target_semaphore(%arg36 : memref<!tpu.dma_semaphore, #tpu.memory_space<semaphore_mem>>)
        %dma_start3A_1037 = arith.constant 0 : i32
        %dma_start3A_1038 = arith.constant 0 : i32
        %dma_start3A_1039 = tpu.memref_slice %arg4[%add3A, %add3A_1029, %dma_start3A_1037, %dma_start3A_1038] : memref<32x125x1x80xi32, #tpu.memory_space<hbm>> -> memref<1x1x1x80xi32, #tpu.memory_space<hbm>>
        %dma_start3A_1040 = tpu.memref_squeeze %dma_start3A_1039 : memref<1x1x1x80xi32, #tpu.memory_space<hbm>> -> memref<80xi32, #tpu.memory_space<hbm>>
        %dma_start3A_1041 = arith.constant 0 : i32
        %dma_start3A_1042 = tpu.memref_slice %arg4[%add3A, %add3A_1029, %dma_start3A_1037, %dma_start3A_1041] : memref<32x125x1x80xi32, #tpu.memory_space<hbm>> -> memref<1x1x1x80xi32, #tpu.memory_space<hbm>>
        %dma_start3A_1043 = tpu.memref_squeeze %dma_start3A_1042 : memref<1x1x1x80xi32, #tpu.memory_space<hbm>> -> memref<80xi32, #tpu.memory_space<hbm>>
        tpu.enqueue_dma source(%dma_start3A_1043 : memref<80xi32, #tpu.memory_space<hbm>>) target(%arg23 : memref<80xi32, #tpu.memory_space<vmem>>) target_semaphore(%arg44 : memref<!tpu.dma_semaphore, #tpu.memory_space<semaphore_mem>>)
      } else {
      }
      %add3A_721 = arith.constant 2 : i32
      %add3A_722 = arith.addi %add3A_695, %add3A_721 : i32
      %dma_wait3A_723 = arith.constant 0 : i32
      %dma_wait3A_724 = arith.constant 0 : i32
      %dma_wait3A_725 = tpu.memref_slice %arg3[%add3A, %add3A_722, %dma_wait3A_723, %dma_wait3A_724] : memref<32x125x1x80xi32, #tpu.memory_space<hbm>> -> memref<1x1x1x80xi32, #tpu.memory_space<hbm>>
      %dma_wait3A_726 = tpu.memref_squeeze %dma_wait3A_725 : memref<1x1x1x80xi32, #tpu.memory_space<hbm>> -> memref<80xi32, #tpu.memory_space<hbm>>
      %dma_wait3A_727 = arith.constant 0 : i32
      %dma_wait3A_728 = tpu.memref_slice %arg3[%add3A, %add3A_722, %dma_wait3A_723, %dma_wait3A_727] : memref<32x125x1x80xi32, #tpu.memory_space<hbm>> -> memref<1x1x1x80xi32, #tpu.memory_space<hbm>>
      %dma_wait3A_729 = tpu.memref_squeeze %dma_wait3A_728 : memref<1x1x1x80xi32, #tpu.memory_space<hbm>> -> memref<80xi32, #tpu.memory_space<hbm>>
      tpu.wait_dma2 semaphore(%arg32 : memref<!tpu.dma_semaphore, #tpu.memory_space<semaphore_mem>>) src(%dma_wait3A_729 : memref<80xi32, #tpu.memory_space<hbm>>) dst(%arg11 : memref<80xi32, #tpu.memory_space<vmem>>)
      %dma_wait3A_730 = arith.constant 0 : i32
      %dma_wait3A_731 = arith.constant 0 : i32
      %dma_wait3A_732 = tpu.memref_slice %arg4[%add3A, %add3A_722, %dma_wait3A_730, %dma_wait3A_731] : memref<32x125x1x80xi32, #tpu.memory_space<hbm>> -> memref<1x1x1x80xi32, #tpu.memory_space<hbm>>
      %dma_wait3A_733 = tpu.memref_squeeze %dma_wait3A_732 : memref<1x1x1x80xi32, #tpu.memory_space<hbm>> -> memref<80xi32, #tpu.memory_space<hbm>>
      %dma_wait3A_734 = arith.constant 0 : i32
      %dma_wait3A_735 = tpu.memref_slice %arg4[%add3A, %add3A_722, %dma_wait3A_730, %dma_wait3A_734] : memref<32x125x1x80xi32, #tpu.memory_space<hbm>> -> memref<1x1x1x80xi32, #tpu.memory_space<hbm>>
      %dma_wait3A_736 = tpu.memref_squeeze %dma_wait3A_735 : memref<1x1x1x80xi32, #tpu.memory_space<hbm>> -> memref<80xi32, #tpu.memory_space<hbm>>
      tpu.wait_dma2 semaphore(%arg40 : memref<!tpu.dma_semaphore, #tpu.memory_space<semaphore_mem>>) src(%dma_wait3A_736 : memref<80xi32, #tpu.memory_space<hbm>>) dst(%arg19 : memref<80xi32, #tpu.memory_space<vmem>>)
      %dma_start3A_737 = arith.constant 0 : i32
      %dma_start3A_738 = arith.constant 0 : i32
      %dma_start3A_739 = tpu.memref_slice %arg2[%dma_start3A_737, %dma_start3A_738] : memref<10000x128xf32, #tpu.memory_space<hbm>> -> memref<10000x128xf32, #tpu.memory_space<hbm>>
      tpu.enqueue_indirect_dma source(%dma_start3A_739 : memref<10000x128xf32, #tpu.memory_space<hbm>>) target(%arg27 : memref<80x128xf32, #tpu.memory_space<vmem>>) offsets(%arg11 : memref<80xi32, #tpu.memory_space<vmem>>) semaphore(%arg48 : memref<!tpu.dma_semaphore, #tpu.memory_space<semaphore_mem>>)
      %mul3A_740 = arith.constant 8 : i32
      %mul3A_741 = arith.muli %mul3A_740, %scan3A_645 : i32
      %add3A_742 = arith.constant 2 : i32
      %add3A_743 = arith.addi %mul3A_741, %add3A_742 : i32
      %dma_wait3A_744 = arith.constant 0 : i32
      %dma_wait3A_745 = arith.constant 0 : i32
      %dma_wait3A_746 = tpu.memref_slice %arg2[%dma_wait3A_744, %dma_wait3A_745] : memref<10000x128xf32, #tpu.memory_space<hbm>> -> memref<10000x128xf32, #tpu.memory_space<hbm>>
      tpu.wait_indirect_dma semaphore(%arg47 : memref<!tpu.dma_semaphore, #tpu.memory_space<semaphore_mem>>) src(%dma_wait3A_746 : memref<10000x128xf32, #tpu.memory_space<hbm>>) dst(%arg26 : memref<80x128xf32, #tpu.memory_space<vmem>>)
      %dma_start3A_747 = arith.constant 0 : i32
      %dma_start3A_748 = arith.constant 0 : i32
      %dma_start3A_749 = tpu.memref_slice %arg7[%dma_start3A_747, %dma_start3A_748] : memref<10000x128xf32, #tpu.memory_space<vmem_shared>> -> memref<10000x128xf32, #tpu.memory_space<vmem_shared>>
      tpu.enqueue_indirect_dma source(%arg26 : memref<80x128xf32, #tpu.memory_space<vmem>>) target(%dma_start3A_749 : memref<10000x128xf32, #tpu.memory_space<vmem_shared>>) offsets(%arg18 : memref<80xi32, #tpu.memory_space<vmem>>) semaphore(%arg51 : memref<!tpu.dma_semaphore, #tpu.memory_space<semaphore_mem>>) {add = true}
      %ge3A_750 = arith.constant 4 : i32
      %ge3A_751 = arith.cmpi sge, %add3A_743, %ge3A_750 : i32
      %convert_element_type3A_752 = arith.extui %ge3A_751 : i1 to i32
      %cond3A_753 = arith.constant 0 : i32
      %cond3A_754 = arith.cmpi ne, %convert_element_type3A_752, %cond3A_753 : i32
      scf.if %cond3A_754 {
        %dma_wait3A_1028 = arith.constant 0 : i32
        %dma_wait3A_1029 = tpu.memref_slice %arg54[%dma_wait3A_1028] : memref<10000xf32, #tpu.memory_space<vmem_shared>> -> memref<10000xf32, #tpu.memory_space<vmem_shared>>
        tpu.wait_indirect_dma semaphore(%arg59 : memref<!tpu.dma_semaphore, #tpu.memory_space<semaphore_mem>>) src(%arg55 : memref<80xf32, #tpu.memory_space<vmem>>) dst(%dma_wait3A_1029 : memref<10000xf32, #tpu.memory_space<vmem_shared>>)
      } else {
      }
      %dma_start3A_755 = arith.constant 0 : i32
      %dma_start3A_756 = tpu.memref_slice %arg54[%dma_start3A_755] : memref<10000xf32, #tpu.memory_space<vmem_shared>> -> memref<10000xf32, #tpu.memory_space<vmem_shared>>
      tpu.enqueue_indirect_dma source(%arg55 : memref<80xf32, #tpu.memory_space<vmem>>) target(%dma_start3A_756 : memref<10000xf32, #tpu.memory_space<vmem_shared>>) offsets(%arg18 : memref<80xi32, #tpu.memory_space<vmem>>) semaphore(%arg59 : memref<!tpu.dma_semaphore, #tpu.memory_space<semaphore_mem>>) {add = true}
      %ge3A_757 = arith.constant 2 : i32
      %ge3A_758 = arith.cmpi sge, %add3A_743, %ge3A_757 : i32
      %convert_element_type3A_759 = arith.extui %ge3A_758 : i1 to i32
      %cond3A_760 = arith.constant 0 : i32
      %cond3A_761 = arith.cmpi ne, %convert_element_type3A_759, %cond3A_760 : i32
      scf.if %cond3A_761 {
        %dma_wait3A_1028 = arith.constant 0 : i32
        %dma_wait3A_1029 = arith.constant 0 : i32
        %dma_wait3A_1030 = tpu.memref_slice %arg7[%dma_wait3A_1028, %dma_wait3A_1029] : memref<10000x128xf32, #tpu.memory_space<vmem_shared>> -> memref<10000x128xf32, #tpu.memory_space<vmem_shared>>
        tpu.wait_indirect_dma semaphore(%arg49 : memref<!tpu.dma_semaphore, #tpu.memory_space<semaphore_mem>>) src(%arg24 : memref<80x128xf32, #tpu.memory_space<vmem>>) dst(%dma_wait3A_1030 : memref<10000x128xf32, #tpu.memory_space<vmem_shared>>)
      } else {
      }
      %add3A_762 = arith.constant 6 : i32
      %add3A_763 = arith.addi %add3A_743, %add3A_762 : i32
      %lt3A_764 = arith.constant 125 : i32
      %lt3A_765 = arith.cmpi slt, %add3A_763, %lt3A_764 : i32
      %convert_element_type3A_766 = arith.extui %lt3A_765 : i1 to i32
      %cond3A_767 = arith.constant 0 : i32
      %cond3A_768 = arith.cmpi ne, %convert_element_type3A_766, %cond3A_767 : i32
      scf.if %cond3A_768 {
        %add3A_1028 = arith.constant 6 : i32
        %add3A_1029 = arith.addi %add3A_743, %add3A_1028 : i32
        %dma_start3A_1030 = arith.constant 0 : i32
        %dma_start3A_1031 = arith.constant 0 : i32
        %dma_start3A_1032 = tpu.memref_slice %arg3[%add3A, %add3A_1029, %dma_start3A_1030, %dma_start3A_1031] : memref<32x125x1x80xi32, #tpu.memory_space<hbm>> -> memref<1x1x1x80xi32, #tpu.memory_space<hbm>>
        %dma_start3A_1033 = tpu.memref_squeeze %dma_start3A_1032 : memref<1x1x1x80xi32, #tpu.memory_space<hbm>> -> memref<80xi32, #tpu.memory_space<hbm>>
        %dma_start3A_1034 = arith.constant 0 : i32
        %dma_start3A_1035 = tpu.memref_slice %arg3[%add3A, %add3A_1029, %dma_start3A_1030, %dma_start3A_1034] : memref<32x125x1x80xi32, #tpu.memory_space<hbm>> -> memref<1x1x1x80xi32, #tpu.memory_space<hbm>>
        %dma_start3A_1036 = tpu.memref_squeeze %dma_start3A_1035 : memref<1x1x1x80xi32, #tpu.memory_space<hbm>> -> memref<80xi32, #tpu.memory_space<hbm>>
        tpu.enqueue_dma source(%dma_start3A_1036 : memref<80xi32, #tpu.memory_space<hbm>>) target(%arg8 : memref<80xi32, #tpu.memory_space<vmem>>) target_semaphore(%arg29 : memref<!tpu.dma_semaphore, #tpu.memory_space<semaphore_mem>>)
        %dma_start3A_1037 = arith.constant 0 : i32
        %dma_start3A_1038 = arith.constant 0 : i32
        %dma_start3A_1039 = tpu.memref_slice %arg4[%add3A, %add3A_1029, %dma_start3A_1037, %dma_start3A_1038] : memref<32x125x1x80xi32, #tpu.memory_space<hbm>> -> memref<1x1x1x80xi32, #tpu.memory_space<hbm>>
        %dma_start3A_1040 = tpu.memref_squeeze %dma_start3A_1039 : memref<1x1x1x80xi32, #tpu.memory_space<hbm>> -> memref<80xi32, #tpu.memory_space<hbm>>
        %dma_start3A_1041 = arith.constant 0 : i32
        %dma_start3A_1042 = tpu.memref_slice %arg4[%add3A, %add3A_1029, %dma_start3A_1037, %dma_start3A_1041] : memref<32x125x1x80xi32, #tpu.memory_space<hbm>> -> memref<1x1x1x80xi32, #tpu.memory_space<hbm>>
        %dma_start3A_1043 = tpu.memref_squeeze %dma_start3A_1042 : memref<1x1x1x80xi32, #tpu.memory_space<hbm>> -> memref<80xi32, #tpu.memory_space<hbm>>
        tpu.enqueue_dma source(%dma_start3A_1043 : memref<80xi32, #tpu.memory_space<hbm>>) target(%arg16 : memref<80xi32, #tpu.memory_space<vmem>>) target_semaphore(%arg37 : memref<!tpu.dma_semaphore, #tpu.memory_space<semaphore_mem>>)
      } else {
      }
      %add3A_769 = arith.constant 2 : i32
      %add3A_770 = arith.addi %add3A_743, %add3A_769 : i32
      %dma_wait3A_771 = arith.constant 0 : i32
      %dma_wait3A_772 = arith.constant 0 : i32
      %dma_wait3A_773 = tpu.memref_slice %arg3[%add3A, %add3A_770, %dma_wait3A_771, %dma_wait3A_772] : memref<32x125x1x80xi32, #tpu.memory_space<hbm>> -> memref<1x1x1x80xi32, #tpu.memory_space<hbm>>
      %dma_wait3A_774 = tpu.memref_squeeze %dma_wait3A_773 : memref<1x1x1x80xi32, #tpu.memory_space<hbm>> -> memref<80xi32, #tpu.memory_space<hbm>>
      %dma_wait3A_775 = arith.constant 0 : i32
      %dma_wait3A_776 = tpu.memref_slice %arg3[%add3A, %add3A_770, %dma_wait3A_771, %dma_wait3A_775] : memref<32x125x1x80xi32, #tpu.memory_space<hbm>> -> memref<1x1x1x80xi32, #tpu.memory_space<hbm>>
      %dma_wait3A_777 = tpu.memref_squeeze %dma_wait3A_776 : memref<1x1x1x80xi32, #tpu.memory_space<hbm>> -> memref<80xi32, #tpu.memory_space<hbm>>
      tpu.wait_dma2 semaphore(%arg33 : memref<!tpu.dma_semaphore, #tpu.memory_space<semaphore_mem>>) src(%dma_wait3A_777 : memref<80xi32, #tpu.memory_space<hbm>>) dst(%arg12 : memref<80xi32, #tpu.memory_space<vmem>>)
      %dma_wait3A_778 = arith.constant 0 : i32
      %dma_wait3A_779 = arith.constant 0 : i32
      %dma_wait3A_780 = tpu.memref_slice %arg4[%add3A, %add3A_770, %dma_wait3A_778, %dma_wait3A_779] : memref<32x125x1x80xi32, #tpu.memory_space<hbm>> -> memref<1x1x1x80xi32, #tpu.memory_space<hbm>>
      %dma_wait3A_781 = tpu.memref_squeeze %dma_wait3A_780 : memref<1x1x1x80xi32, #tpu.memory_space<hbm>> -> memref<80xi32, #tpu.memory_space<hbm>>
      %dma_wait3A_782 = arith.constant 0 : i32
      %dma_wait3A_783 = tpu.memref_slice %arg4[%add3A, %add3A_770, %dma_wait3A_778, %dma_wait3A_782] : memref<32x125x1x80xi32, #tpu.memory_space<hbm>> -> memref<1x1x1x80xi32, #tpu.memory_space<hbm>>
      %dma_wait3A_784 = tpu.memref_squeeze %dma_wait3A_783 : memref<1x1x1x80xi32, #tpu.memory_space<hbm>> -> memref<80xi32, #tpu.memory_space<hbm>>
      tpu.wait_dma2 semaphore(%arg41 : memref<!tpu.dma_semaphore, #tpu.memory_space<semaphore_mem>>) src(%dma_wait3A_784 : memref<80xi32, #tpu.memory_space<hbm>>) dst(%arg20 : memref<80xi32, #tpu.memory_space<vmem>>)
      %dma_start3A_785 = arith.constant 0 : i32
      %dma_start3A_786 = arith.constant 0 : i32
      %dma_start3A_787 = tpu.memref_slice %arg2[%dma_start3A_785, %dma_start3A_786] : memref<10000x128xf32, #tpu.memory_space<hbm>> -> memref<10000x128xf32, #tpu.memory_space<hbm>>
      tpu.enqueue_indirect_dma source(%dma_start3A_787 : memref<10000x128xf32, #tpu.memory_space<hbm>>) target(%arg24 : memref<80x128xf32, #tpu.memory_space<vmem>>) offsets(%arg12 : memref<80xi32, #tpu.memory_space<vmem>>) semaphore(%arg45 : memref<!tpu.dma_semaphore, #tpu.memory_space<semaphore_mem>>)
      %mul3A_788 = arith.constant 8 : i32
      %mul3A_789 = arith.muli %mul3A_788, %scan3A_645 : i32
      %add3A_790 = arith.constant 3 : i32
      %add3A_791 = arith.addi %mul3A_789, %add3A_790 : i32
      %dma_wait3A_792 = arith.constant 0 : i32
      %dma_wait3A_793 = arith.constant 0 : i32
      %dma_wait3A_794 = tpu.memref_slice %arg2[%dma_wait3A_792, %dma_wait3A_793] : memref<10000x128xf32, #tpu.memory_space<hbm>> -> memref<10000x128xf32, #tpu.memory_space<hbm>>
      tpu.wait_indirect_dma semaphore(%arg48 : memref<!tpu.dma_semaphore, #tpu.memory_space<semaphore_mem>>) src(%dma_wait3A_794 : memref<10000x128xf32, #tpu.memory_space<hbm>>) dst(%arg27 : memref<80x128xf32, #tpu.memory_space<vmem>>)
      %dma_start3A_795 = arith.constant 0 : i32
      %dma_start3A_796 = arith.constant 0 : i32
      %dma_start3A_797 = tpu.memref_slice %arg7[%dma_start3A_795, %dma_start3A_796] : memref<10000x128xf32, #tpu.memory_space<vmem_shared>> -> memref<10000x128xf32, #tpu.memory_space<vmem_shared>>
      tpu.enqueue_indirect_dma source(%arg27 : memref<80x128xf32, #tpu.memory_space<vmem>>) target(%dma_start3A_797 : memref<10000x128xf32, #tpu.memory_space<vmem_shared>>) offsets(%arg19 : memref<80xi32, #tpu.memory_space<vmem>>) semaphore(%arg52 : memref<!tpu.dma_semaphore, #tpu.memory_space<semaphore_mem>>) {add = true}
      %ge3A_798 = arith.constant 4 : i32
      %ge3A_799 = arith.cmpi sge, %add3A_791, %ge3A_798 : i32
      %convert_element_type3A_800 = arith.extui %ge3A_799 : i1 to i32
      %cond3A_801 = arith.constant 0 : i32
      %cond3A_802 = arith.cmpi ne, %convert_element_type3A_800, %cond3A_801 : i32
      scf.if %cond3A_802 {
        %dma_wait3A_1028 = arith.constant 0 : i32
        %dma_wait3A_1029 = tpu.memref_slice %arg54[%dma_wait3A_1028] : memref<10000xf32, #tpu.memory_space<vmem_shared>> -> memref<10000xf32, #tpu.memory_space<vmem_shared>>
        tpu.wait_indirect_dma semaphore(%arg60 : memref<!tpu.dma_semaphore, #tpu.memory_space<semaphore_mem>>) src(%arg55 : memref<80xf32, #tpu.memory_space<vmem>>) dst(%dma_wait3A_1029 : memref<10000xf32, #tpu.memory_space<vmem_shared>>)
      } else {
      }
      %dma_start3A_803 = arith.constant 0 : i32
      %dma_start3A_804 = tpu.memref_slice %arg54[%dma_start3A_803] : memref<10000xf32, #tpu.memory_space<vmem_shared>> -> memref<10000xf32, #tpu.memory_space<vmem_shared>>
      tpu.enqueue_indirect_dma source(%arg55 : memref<80xf32, #tpu.memory_space<vmem>>) target(%dma_start3A_804 : memref<10000xf32, #tpu.memory_space<vmem_shared>>) offsets(%arg19 : memref<80xi32, #tpu.memory_space<vmem>>) semaphore(%arg60 : memref<!tpu.dma_semaphore, #tpu.memory_space<semaphore_mem>>) {add = true}
      %ge3A_805 = arith.constant 2 : i32
      %ge3A_806 = arith.cmpi sge, %add3A_791, %ge3A_805 : i32
      %convert_element_type3A_807 = arith.extui %ge3A_806 : i1 to i32
      %cond3A_808 = arith.constant 0 : i32
      %cond3A_809 = arith.cmpi ne, %convert_element_type3A_807, %cond3A_808 : i32
      scf.if %cond3A_809 {
        %dma_wait3A_1028 = arith.constant 0 : i32
        %dma_wait3A_1029 = arith.constant 0 : i32
        %dma_wait3A_1030 = tpu.memref_slice %arg7[%dma_wait3A_1028, %dma_wait3A_1029] : memref<10000x128xf32, #tpu.memory_space<vmem_shared>> -> memref<10000x128xf32, #tpu.memory_space<vmem_shared>>
        tpu.wait_indirect_dma semaphore(%arg50 : memref<!tpu.dma_semaphore, #tpu.memory_space<semaphore_mem>>) src(%arg25 : memref<80x128xf32, #tpu.memory_space<vmem>>) dst(%dma_wait3A_1030 : memref<10000x128xf32, #tpu.memory_space<vmem_shared>>)
      } else {
      }
      %add3A_810 = arith.constant 6 : i32
      %add3A_811 = arith.addi %add3A_791, %add3A_810 : i32
      %lt3A_812 = arith.constant 125 : i32
      %lt3A_813 = arith.cmpi slt, %add3A_811, %lt3A_812 : i32
      %convert_element_type3A_814 = arith.extui %lt3A_813 : i1 to i32
      %cond3A_815 = arith.constant 0 : i32
      %cond3A_816 = arith.cmpi ne, %convert_element_type3A_814, %cond3A_815 : i32
      scf.if %cond3A_816 {
        %add3A_1028 = arith.constant 6 : i32
        %add3A_1029 = arith.addi %add3A_791, %add3A_1028 : i32
        %dma_start3A_1030 = arith.constant 0 : i32
        %dma_start3A_1031 = arith.constant 0 : i32
        %dma_start3A_1032 = tpu.memref_slice %arg3[%add3A, %add3A_1029, %dma_start3A_1030, %dma_start3A_1031] : memref<32x125x1x80xi32, #tpu.memory_space<hbm>> -> memref<1x1x1x80xi32, #tpu.memory_space<hbm>>
        %dma_start3A_1033 = tpu.memref_squeeze %dma_start3A_1032 : memref<1x1x1x80xi32, #tpu.memory_space<hbm>> -> memref<80xi32, #tpu.memory_space<hbm>>
        %dma_start3A_1034 = arith.constant 0 : i32
        %dma_start3A_1035 = tpu.memref_slice %arg3[%add3A, %add3A_1029, %dma_start3A_1030, %dma_start3A_1034] : memref<32x125x1x80xi32, #tpu.memory_space<hbm>> -> memref<1x1x1x80xi32, #tpu.memory_space<hbm>>
        %dma_start3A_1036 = tpu.memref_squeeze %dma_start3A_1035 : memref<1x1x1x80xi32, #tpu.memory_space<hbm>> -> memref<80xi32, #tpu.memory_space<hbm>>
        tpu.enqueue_dma source(%dma_start3A_1036 : memref<80xi32, #tpu.memory_space<hbm>>) target(%arg9 : memref<80xi32, #tpu.memory_space<vmem>>) target_semaphore(%arg30 : memref<!tpu.dma_semaphore, #tpu.memory_space<semaphore_mem>>)
        %dma_start3A_1037 = arith.constant 0 : i32
        %dma_start3A_1038 = arith.constant 0 : i32
        %dma_start3A_1039 = tpu.memref_slice %arg4[%add3A, %add3A_1029, %dma_start3A_1037, %dma_start3A_1038] : memref<32x125x1x80xi32, #tpu.memory_space<hbm>> -> memref<1x1x1x80xi32, #tpu.memory_space<hbm>>
        %dma_start3A_1040 = tpu.memref_squeeze %dma_start3A_1039 : memref<1x1x1x80xi32, #tpu.memory_space<hbm>> -> memref<80xi32, #tpu.memory_space<hbm>>
        %dma_start3A_1041 = arith.constant 0 : i32
        %dma_start3A_1042 = tpu.memref_slice %arg4[%add3A, %add3A_1029, %dma_start3A_1037, %dma_start3A_1041] : memref<32x125x1x80xi32, #tpu.memory_space<hbm>> -> memref<1x1x1x80xi32, #tpu.memory_space<hbm>>
        %dma_start3A_1043 = tpu.memref_squeeze %dma_start3A_1042 : memref<1x1x1x80xi32, #tpu.memory_space<hbm>> -> memref<80xi32, #tpu.memory_space<hbm>>
        tpu.enqueue_dma source(%dma_start3A_1043 : memref<80xi32, #tpu.memory_space<hbm>>) target(%arg17 : memref<80xi32, #tpu.memory_space<vmem>>) target_semaphore(%arg38 : memref<!tpu.dma_semaphore, #tpu.memory_space<semaphore_mem>>)
      } else {
      }
      %add3A_817 = arith.constant 2 : i32
      %add3A_818 = arith.addi %add3A_791, %add3A_817 : i32
      %dma_wait3A_819 = arith.constant 0 : i32
      %dma_wait3A_820 = arith.constant 0 : i32
      %dma_wait3A_821 = tpu.memref_slice %arg3[%add3A, %add3A_818, %dma_wait3A_819, %dma_wait3A_820] : memref<32x125x1x80xi32, #tpu.memory_space<hbm>> -> memref<1x1x1x80xi32, #tpu.memory_space<hbm>>
      %dma_wait3A_822 = tpu.memref_squeeze %dma_wait3A_821 : memref<1x1x1x80xi32, #tpu.memory_space<hbm>> -> memref<80xi32, #tpu.memory_space<hbm>>
      %dma_wait3A_823 = arith.constant 0 : i32
      %dma_wait3A_824 = tpu.memref_slice %arg3[%add3A, %add3A_818, %dma_wait3A_819, %dma_wait3A_823] : memref<32x125x1x80xi32, #tpu.memory_space<hbm>> -> memref<1x1x1x80xi32, #tpu.memory_space<hbm>>
      %dma_wait3A_825 = tpu.memref_squeeze %dma_wait3A_824 : memref<1x1x1x80xi32, #tpu.memory_space<hbm>> -> memref<80xi32, #tpu.memory_space<hbm>>
      tpu.wait_dma2 semaphore(%arg34 : memref<!tpu.dma_semaphore, #tpu.memory_space<semaphore_mem>>) src(%dma_wait3A_825 : memref<80xi32, #tpu.memory_space<hbm>>) dst(%arg13 : memref<80xi32, #tpu.memory_space<vmem>>)
      %dma_wait3A_826 = arith.constant 0 : i32
      %dma_wait3A_827 = arith.constant 0 : i32
      %dma_wait3A_828 = tpu.memref_slice %arg4[%add3A, %add3A_818, %dma_wait3A_826, %dma_wait3A_827] : memref<32x125x1x80xi32, #tpu.memory_space<hbm>> -> memref<1x1x1x80xi32, #tpu.memory_space<hbm>>
      %dma_wait3A_829 = tpu.memref_squeeze %dma_wait3A_828 : memref<1x1x1x80xi32, #tpu.memory_space<hbm>> -> memref<80xi32, #tpu.memory_space<hbm>>
      %dma_wait3A_830 = arith.constant 0 : i32
      %dma_wait3A_831 = tpu.memref_slice %arg4[%add3A, %add3A_818, %dma_wait3A_826, %dma_wait3A_830] : memref<32x125x1x80xi32, #tpu.memory_space<hbm>> -> memref<1x1x1x80xi32, #tpu.memory_space<hbm>>
      %dma_wait3A_832 = tpu.memref_squeeze %dma_wait3A_831 : memref<1x1x1x80xi32, #tpu.memory_space<hbm>> -> memref<80xi32, #tpu.memory_space<hbm>>
      tpu.wait_dma2 semaphore(%arg42 : memref<!tpu.dma_semaphore, #tpu.memory_space<semaphore_mem>>) src(%dma_wait3A_832 : memref<80xi32, #tpu.memory_space<hbm>>) dst(%arg21 : memref<80xi32, #tpu.memory_space<vmem>>)
      %dma_start3A_833 = arith.constant 0 : i32
      %dma_start3A_834 = arith.constant 0 : i32
      %dma_start3A_835 = tpu.memref_slice %arg2[%dma_start3A_833, %dma_start3A_834] : memref<10000x128xf32, #tpu.memory_space<hbm>> -> memref<10000x128xf32, #tpu.memory_space<hbm>>
      tpu.enqueue_indirect_dma source(%dma_start3A_835 : memref<10000x128xf32, #tpu.memory_space<hbm>>) target(%arg25 : memref<80x128xf32, #tpu.memory_space<vmem>>) offsets(%arg13 : memref<80xi32, #tpu.memory_space<vmem>>) semaphore(%arg46 : memref<!tpu.dma_semaphore, #tpu.memory_space<semaphore_mem>>)
      %mul3A_836 = arith.constant 8 : i32
      %mul3A_837 = arith.muli %mul3A_836, %scan3A_645 : i32
      %add3A_838 = arith.constant 4 : i32
      %add3A_839 = arith.addi %mul3A_837, %add3A_838 : i32
      %dma_wait3A_840 = arith.constant 0 : i32
      %dma_wait3A_841 = arith.constant 0 : i32
      %dma_wait3A_842 = tpu.memref_slice %arg2[%dma_wait3A_840, %dma_wait3A_841] : memref<10000x128xf32, #tpu.memory_space<hbm>> -> memref<10000x128xf32, #tpu.memory_space<hbm>>
      tpu.wait_indirect_dma semaphore(%arg45 : memref<!tpu.dma_semaphore, #tpu.memory_space<semaphore_mem>>) src(%dma_wait3A_842 : memref<10000x128xf32, #tpu.memory_space<hbm>>) dst(%arg24 : memref<80x128xf32, #tpu.memory_space<vmem>>)
      %dma_start3A_843 = arith.constant 0 : i32
      %dma_start3A_844 = arith.constant 0 : i32
      %dma_start3A_845 = tpu.memref_slice %arg7[%dma_start3A_843, %dma_start3A_844] : memref<10000x128xf32, #tpu.memory_space<vmem_shared>> -> memref<10000x128xf32, #tpu.memory_space<vmem_shared>>
      tpu.enqueue_indirect_dma source(%arg24 : memref<80x128xf32, #tpu.memory_space<vmem>>) target(%dma_start3A_845 : memref<10000x128xf32, #tpu.memory_space<vmem_shared>>) offsets(%arg20 : memref<80xi32, #tpu.memory_space<vmem>>) semaphore(%arg49 : memref<!tpu.dma_semaphore, #tpu.memory_space<semaphore_mem>>) {add = true}
      %ge3A_846 = arith.constant 4 : i32
      %ge3A_847 = arith.cmpi sge, %add3A_839, %ge3A_846 : i32
      %convert_element_type3A_848 = arith.extui %ge3A_847 : i1 to i32
      %cond3A_849 = arith.constant 0 : i32
      %cond3A_850 = arith.cmpi ne, %convert_element_type3A_848, %cond3A_849 : i32
      scf.if %cond3A_850 {
        %dma_wait3A_1028 = arith.constant 0 : i32
        %dma_wait3A_1029 = tpu.memref_slice %arg54[%dma_wait3A_1028] : memref<10000xf32, #tpu.memory_space<vmem_shared>> -> memref<10000xf32, #tpu.memory_space<vmem_shared>>
        tpu.wait_indirect_dma semaphore(%arg57 : memref<!tpu.dma_semaphore, #tpu.memory_space<semaphore_mem>>) src(%arg55 : memref<80xf32, #tpu.memory_space<vmem>>) dst(%dma_wait3A_1029 : memref<10000xf32, #tpu.memory_space<vmem_shared>>)
      } else {
      }
      %dma_start3A_851 = arith.constant 0 : i32
      %dma_start3A_852 = tpu.memref_slice %arg54[%dma_start3A_851] : memref<10000xf32, #tpu.memory_space<vmem_shared>> -> memref<10000xf32, #tpu.memory_space<vmem_shared>>
      tpu.enqueue_indirect_dma source(%arg55 : memref<80xf32, #tpu.memory_space<vmem>>) target(%dma_start3A_852 : memref<10000xf32, #tpu.memory_space<vmem_shared>>) offsets(%arg20 : memref<80xi32, #tpu.memory_space<vmem>>) semaphore(%arg57 : memref<!tpu.dma_semaphore, #tpu.memory_space<semaphore_mem>>) {add = true}
      %ge3A_853 = arith.constant 2 : i32
      %ge3A_854 = arith.cmpi sge, %add3A_839, %ge3A_853 : i32
      %convert_element_type3A_855 = arith.extui %ge3A_854 : i1 to i32
      %cond3A_856 = arith.constant 0 : i32
      %cond3A_857 = arith.cmpi ne, %convert_element_type3A_855, %cond3A_856 : i32
      scf.if %cond3A_857 {
        %dma_wait3A_1028 = arith.constant 0 : i32
        %dma_wait3A_1029 = arith.constant 0 : i32
        %dma_wait3A_1030 = tpu.memref_slice %arg7[%dma_wait3A_1028, %dma_wait3A_1029] : memref<10000x128xf32, #tpu.memory_space<vmem_shared>> -> memref<10000x128xf32, #tpu.memory_space<vmem_shared>>
        tpu.wait_indirect_dma semaphore(%arg51 : memref<!tpu.dma_semaphore, #tpu.memory_space<semaphore_mem>>) src(%arg26 : memref<80x128xf32, #tpu.memory_space<vmem>>) dst(%dma_wait3A_1030 : memref<10000x128xf32, #tpu.memory_space<vmem_shared>>)
      } else {
      }
      %add3A_858 = arith.constant 6 : i32
      %add3A_859 = arith.addi %add3A_839, %add3A_858 : i32
      %lt3A_860 = arith.constant 125 : i32
      %lt3A_861 = arith.cmpi slt, %add3A_859, %lt3A_860 : i32
      %convert_element_type3A_862 = arith.extui %lt3A_861 : i1 to i32
      %cond3A_863 = arith.constant 0 : i32
      %cond3A_864 = arith.cmpi ne, %convert_element_type3A_862, %cond3A_863 : i32
      scf.if %cond3A_864 {
        %add3A_1028 = arith.constant 6 : i32
        %add3A_1029 = arith.addi %add3A_839, %add3A_1028 : i32
        %dma_start3A_1030 = arith.constant 0 : i32
        %dma_start3A_1031 = arith.constant 0 : i32
        %dma_start3A_1032 = tpu.memref_slice %arg3[%add3A, %add3A_1029, %dma_start3A_1030, %dma_start3A_1031] : memref<32x125x1x80xi32, #tpu.memory_space<hbm>> -> memref<1x1x1x80xi32, #tpu.memory_space<hbm>>
        %dma_start3A_1033 = tpu.memref_squeeze %dma_start3A_1032 : memref<1x1x1x80xi32, #tpu.memory_space<hbm>> -> memref<80xi32, #tpu.memory_space<hbm>>
        %dma_start3A_1034 = arith.constant 0 : i32
        %dma_start3A_1035 = tpu.memref_slice %arg3[%add3A, %add3A_1029, %dma_start3A_1030, %dma_start3A_1034] : memref<32x125x1x80xi32, #tpu.memory_space<hbm>> -> memref<1x1x1x80xi32, #tpu.memory_space<hbm>>
        %dma_start3A_1036 = tpu.memref_squeeze %dma_start3A_1035 : memref<1x1x1x80xi32, #tpu.memory_space<hbm>> -> memref<80xi32, #tpu.memory_space<hbm>>
        tpu.enqueue_dma source(%dma_start3A_1036 : memref<80xi32, #tpu.memory_space<hbm>>) target(%arg10 : memref<80xi32, #tpu.memory_space<vmem>>) target_semaphore(%arg31 : memref<!tpu.dma_semaphore, #tpu.memory_space<semaphore_mem>>)
        %dma_start3A_1037 = arith.constant 0 : i32
        %dma_start3A_1038 = arith.constant 0 : i32
        %dma_start3A_1039 = tpu.memref_slice %arg4[%add3A, %add3A_1029, %dma_start3A_1037, %dma_start3A_1038] : memref<32x125x1x80xi32, #tpu.memory_space<hbm>> -> memref<1x1x1x80xi32, #tpu.memory_space<hbm>>
        %dma_start3A_1040 = tpu.memref_squeeze %dma_start3A_1039 : memref<1x1x1x80xi32, #tpu.memory_space<hbm>> -> memref<80xi32, #tpu.memory_space<hbm>>
        %dma_start3A_1041 = arith.constant 0 : i32
        %dma_start3A_1042 = tpu.memref_slice %arg4[%add3A, %add3A_1029, %dma_start3A_1037, %dma_start3A_1041] : memref<32x125x1x80xi32, #tpu.memory_space<hbm>> -> memref<1x1x1x80xi32, #tpu.memory_space<hbm>>
        %dma_start3A_1043 = tpu.memref_squeeze %dma_start3A_1042 : memref<1x1x1x80xi32, #tpu.memory_space<hbm>> -> memref<80xi32, #tpu.memory_space<hbm>>
        tpu.enqueue_dma source(%dma_start3A_1043 : memref<80xi32, #tpu.memory_space<hbm>>) target(%arg18 : memref<80xi32, #tpu.memory_space<vmem>>) target_semaphore(%arg39 : memref<!tpu.dma_semaphore, #tpu.memory_space<semaphore_mem>>)
      } else {
      }
      %add3A_865 = arith.constant 2 : i32
      %add3A_866 = arith.addi %add3A_839, %add3A_865 : i32
      %dma_wait3A_867 = arith.constant 0 : i32
      %dma_wait3A_868 = arith.constant 0 : i32
      %dma_wait3A_869 = tpu.memref_slice %arg3[%add3A, %add3A_866, %dma_wait3A_867, %dma_wait3A_868] : memref<32x125x1x80xi32, #tpu.memory_space<hbm>> -> memref<1x1x1x80xi32, #tpu.memory_space<hbm>>
      %dma_wait3A_870 = tpu.memref_squeeze %dma_wait3A_869 : memref<1x1x1x80xi32, #tpu.memory_space<hbm>> -> memref<80xi32, #tpu.memory_space<hbm>>
      %dma_wait3A_871 = arith.constant 0 : i32
      %dma_wait3A_872 = tpu.memref_slice %arg3[%add3A, %add3A_866, %dma_wait3A_867, %dma_wait3A_871] : memref<32x125x1x80xi32, #tpu.memory_space<hbm>> -> memref<1x1x1x80xi32, #tpu.memory_space<hbm>>
      %dma_wait3A_873 = tpu.memref_squeeze %dma_wait3A_872 : memref<1x1x1x80xi32, #tpu.memory_space<hbm>> -> memref<80xi32, #tpu.memory_space<hbm>>
      tpu.wait_dma2 semaphore(%arg35 : memref<!tpu.dma_semaphore, #tpu.memory_space<semaphore_mem>>) src(%dma_wait3A_873 : memref<80xi32, #tpu.memory_space<hbm>>) dst(%arg14 : memref<80xi32, #tpu.memory_space<vmem>>)
      %dma_wait3A_874 = arith.constant 0 : i32
      %dma_wait3A_875 = arith.constant 0 : i32
      %dma_wait3A_876 = tpu.memref_slice %arg4[%add3A, %add3A_866, %dma_wait3A_874, %dma_wait3A_875] : memref<32x125x1x80xi32, #tpu.memory_space<hbm>> -> memref<1x1x1x80xi32, #tpu.memory_space<hbm>>
      %dma_wait3A_877 = tpu.memref_squeeze %dma_wait3A_876 : memref<1x1x1x80xi32, #tpu.memory_space<hbm>> -> memref<80xi32, #tpu.memory_space<hbm>>
      %dma_wait3A_878 = arith.constant 0 : i32
      %dma_wait3A_879 = tpu.memref_slice %arg4[%add3A, %add3A_866, %dma_wait3A_874, %dma_wait3A_878] : memref<32x125x1x80xi32, #tpu.memory_space<hbm>> -> memref<1x1x1x80xi32, #tpu.memory_space<hbm>>
      %dma_wait3A_880 = tpu.memref_squeeze %dma_wait3A_879 : memref<1x1x1x80xi32, #tpu.memory_space<hbm>> -> memref<80xi32, #tpu.memory_space<hbm>>
      tpu.wait_dma2 semaphore(%arg43 : memref<!tpu.dma_semaphore, #tpu.memory_space<semaphore_mem>>) src(%dma_wait3A_880 : memref<80xi32, #tpu.memory_space<hbm>>) dst(%arg22 : memref<80xi32, #tpu.memory_space<vmem>>)
      %dma_start3A_881 = arith.constant 0 : i32
      %dma_start3A_882 = arith.constant 0 : i32
      %dma_start3A_883 = tpu.memref_slice %arg2[%dma_start3A_881, %dma_start3A_882] : memref<10000x128xf32, #tpu.memory_space<hbm>> -> memref<10000x128xf32, #tpu.memory_space<hbm>>
      tpu.enqueue_indirect_dma source(%dma_start3A_883 : memref<10000x128xf32, #tpu.memory_space<hbm>>) target(%arg26 : memref<80x128xf32, #tpu.memory_space<vmem>>) offsets(%arg14 : memref<80xi32, #tpu.memory_space<vmem>>) semaphore(%arg47 : memref<!tpu.dma_semaphore, #tpu.memory_space<semaphore_mem>>)
      %mul3A_884 = arith.constant 8 : i32
      %mul3A_885 = arith.muli %mul3A_884, %scan3A_645 : i32
      %add3A_886 = arith.constant 5 : i32
      %add3A_887 = arith.addi %mul3A_885, %add3A_886 : i32
      %dma_wait3A_888 = arith.constant 0 : i32
      %dma_wait3A_889 = arith.constant 0 : i32
      %dma_wait3A_890 = tpu.memref_slice %arg2[%dma_wait3A_888, %dma_wait3A_889] : memref<10000x128xf32, #tpu.memory_space<hbm>> -> memref<10000x128xf32, #tpu.memory_space<hbm>>
      tpu.wait_indirect_dma semaphore(%arg46 : memref<!tpu.dma_semaphore, #tpu.memory_space<semaphore_mem>>) src(%dma_wait3A_890 : memref<10000x128xf32, #tpu.memory_space<hbm>>) dst(%arg25 : memref<80x128xf32, #tpu.memory_space<vmem>>)
      %dma_start3A_891 = arith.constant 0 : i32
      %dma_start3A_892 = arith.constant 0 : i32
      %dma_start3A_893 = tpu.memref_slice %arg7[%dma_start3A_891, %dma_start3A_892] : memref<10000x128xf32, #tpu.memory_space<vmem_shared>> -> memref<10000x128xf32, #tpu.memory_space<vmem_shared>>
      tpu.enqueue_indirect_dma source(%arg25 : memref<80x128xf32, #tpu.memory_space<vmem>>) target(%dma_start3A_893 : memref<10000x128xf32, #tpu.memory_space<vmem_shared>>) offsets(%arg21 : memref<80xi32, #tpu.memory_space<vmem>>) semaphore(%arg50 : memref<!tpu.dma_semaphore, #tpu.memory_space<semaphore_mem>>) {add = true}
      %ge3A_894 = arith.constant 4 : i32
      %ge3A_895 = arith.cmpi sge, %add3A_887, %ge3A_894 : i32
      %convert_element_type3A_896 = arith.extui %ge3A_895 : i1 to i32
      %cond3A_897 = arith.constant 0 : i32
      %cond3A_898 = arith.cmpi ne, %convert_element_type3A_896, %cond3A_897 : i32
      scf.if %cond3A_898 {
        %dma_wait3A_1028 = arith.constant 0 : i32
        %dma_wait3A_1029 = tpu.memref_slice %arg54[%dma_wait3A_1028] : memref<10000xf32, #tpu.memory_space<vmem_shared>> -> memref<10000xf32, #tpu.memory_space<vmem_shared>>
        tpu.wait_indirect_dma semaphore(%arg58 : memref<!tpu.dma_semaphore, #tpu.memory_space<semaphore_mem>>) src(%arg55 : memref<80xf32, #tpu.memory_space<vmem>>) dst(%dma_wait3A_1029 : memref<10000xf32, #tpu.memory_space<vmem_shared>>)
      } else {
      }
      %dma_start3A_899 = arith.constant 0 : i32
      %dma_start3A_900 = tpu.memref_slice %arg54[%dma_start3A_899] : memref<10000xf32, #tpu.memory_space<vmem_shared>> -> memref<10000xf32, #tpu.memory_space<vmem_shared>>
      tpu.enqueue_indirect_dma source(%arg55 : memref<80xf32, #tpu.memory_space<vmem>>) target(%dma_start3A_900 : memref<10000xf32, #tpu.memory_space<vmem_shared>>) offsets(%arg21 : memref<80xi32, #tpu.memory_space<vmem>>) semaphore(%arg58 : memref<!tpu.dma_semaphore, #tpu.memory_space<semaphore_mem>>) {add = true}
      %ge3A_901 = arith.constant 2 : i32
      %ge3A_902 = arith.cmpi sge, %add3A_887, %ge3A_901 : i32
      %convert_element_type3A_903 = arith.extui %ge3A_902 : i1 to i32
      %cond3A_904 = arith.constant 0 : i32
      %cond3A_905 = arith.cmpi ne, %convert_element_type3A_903, %cond3A_904 : i32
      scf.if %cond3A_905 {
        %dma_wait3A_1028 = arith.constant 0 : i32
        %dma_wait3A_1029 = arith.constant 0 : i32
        %dma_wait3A_1030 = tpu.memref_slice %arg7[%dma_wait3A_1028, %dma_wait3A_1029] : memref<10000x128xf32, #tpu.memory_space<vmem_shared>> -> memref<10000x128xf32, #tpu.memory_space<vmem_shared>>
        tpu.wait_indirect_dma semaphore(%arg52 : memref<!tpu.dma_semaphore, #tpu.memory_space<semaphore_mem>>) src(%arg27 : memref<80x128xf32, #tpu.memory_space<vmem>>) dst(%dma_wait3A_1030 : memref<10000x128xf32, #tpu.memory_space<vmem_shared>>)
      } else {
      }
      %add3A_906 = arith.constant 6 : i32
      %add3A_907 = arith.addi %add3A_887, %add3A_906 : i32
      %lt3A_908 = arith.constant 125 : i32
      %lt3A_909 = arith.cmpi slt, %add3A_907, %lt3A_908 : i32
      %convert_element_type3A_910 = arith.extui %lt3A_909 : i1 to i32
      %cond3A_911 = arith.constant 0 : i32
      %cond3A_912 = arith.cmpi ne, %convert_element_type3A_910, %cond3A_911 : i32
      scf.if %cond3A_912 {
        %add3A_1028 = arith.constant 6 : i32
        %add3A_1029 = arith.addi %add3A_887, %add3A_1028 : i32
        %dma_start3A_1030 = arith.constant 0 : i32
        %dma_start3A_1031 = arith.constant 0 : i32
        %dma_start3A_1032 = tpu.memref_slice %arg3[%add3A, %add3A_1029, %dma_start3A_1030, %dma_start3A_1031] : memref<32x125x1x80xi32, #tpu.memory_space<hbm>> -> memref<1x1x1x80xi32, #tpu.memory_space<hbm>>
        %dma_start3A_1033 = tpu.memref_squeeze %dma_start3A_1032 : memref<1x1x1x80xi32, #tpu.memory_space<hbm>> -> memref<80xi32, #tpu.memory_space<hbm>>
        %dma_start3A_1034 = arith.constant 0 : i32
        %dma_start3A_1035 = tpu.memref_slice %arg3[%add3A, %add3A_1029, %dma_start3A_1030, %dma_start3A_1034] : memref<32x125x1x80xi32, #tpu.memory_space<hbm>> -> memref<1x1x1x80xi32, #tpu.memory_space<hbm>>
        %dma_start3A_1036 = tpu.memref_squeeze %dma_start3A_1035 : memref<1x1x1x80xi32, #tpu.memory_space<hbm>> -> memref<80xi32, #tpu.memory_space<hbm>>
        tpu.enqueue_dma source(%dma_start3A_1036 : memref<80xi32, #tpu.memory_space<hbm>>) target(%arg11 : memref<80xi32, #tpu.memory_space<vmem>>) target_semaphore(%arg32 : memref<!tpu.dma_semaphore, #tpu.memory_space<semaphore_mem>>)
        %dma_start3A_1037 = arith.constant 0 : i32
        %dma_start3A_1038 = arith.constant 0 : i32
        %dma_start3A_1039 = tpu.memref_slice %arg4[%add3A, %add3A_1029, %dma_start3A_1037, %dma_start3A_1038] : memref<32x125x1x80xi32, #tpu.memory_space<hbm>> -> memref<1x1x1x80xi32, #tpu.memory_space<hbm>>
        %dma_start3A_1040 = tpu.memref_squeeze %dma_start3A_1039 : memref<1x1x1x80xi32, #tpu.memory_space<hbm>> -> memref<80xi32, #tpu.memory_space<hbm>>
        %dma_start3A_1041 = arith.constant 0 : i32
        %dma_start3A_1042 = tpu.memref_slice %arg4[%add3A, %add3A_1029, %dma_start3A_1037, %dma_start3A_1041] : memref<32x125x1x80xi32, #tpu.memory_space<hbm>> -> memref<1x1x1x80xi32, #tpu.memory_space<hbm>>
        %dma_start3A_1043 = tpu.memref_squeeze %dma_start3A_1042 : memref<1x1x1x80xi32, #tpu.memory_space<hbm>> -> memref<80xi32, #tpu.memory_space<hbm>>
        tpu.enqueue_dma source(%dma_start3A_1043 : memref<80xi32, #tpu.memory_space<hbm>>) target(%arg19 : memref<80xi32, #tpu.memory_space<vmem>>) target_semaphore(%arg40 : memref<!tpu.dma_semaphore, #tpu.memory_space<semaphore_mem>>)
      } else {
      }
      %add3A_913 = arith.constant 2 : i32
      %add3A_914 = arith.addi %add3A_887, %add3A_913 : i32
      %dma_wait3A_915 = arith.constant 0 : i32
      %dma_wait3A_916 = arith.constant 0 : i32
      %dma_wait3A_917 = tpu.memref_slice %arg3[%add3A, %add3A_914, %dma_wait3A_915, %dma_wait3A_916] : memref<32x125x1x80xi32, #tpu.memory_space<hbm>> -> memref<1x1x1x80xi32, #tpu.memory_space<hbm>>
      %dma_wait3A_918 = tpu.memref_squeeze %dma_wait3A_917 : memref<1x1x1x80xi32, #tpu.memory_space<hbm>> -> memref<80xi32, #tpu.memory_space<hbm>>
      %dma_wait3A_919 = arith.constant 0 : i32
      %dma_wait3A_920 = tpu.memref_slice %arg3[%add3A, %add3A_914, %dma_wait3A_915, %dma_wait3A_919] : memref<32x125x1x80xi32, #tpu.memory_space<hbm>> -> memref<1x1x1x80xi32, #tpu.memory_space<hbm>>
      %dma_wait3A_921 = tpu.memref_squeeze %dma_wait3A_920 : memref<1x1x1x80xi32, #tpu.memory_space<hbm>> -> memref<80xi32, #tpu.memory_space<hbm>>
      tpu.wait_dma2 semaphore(%arg36 : memref<!tpu.dma_semaphore, #tpu.memory_space<semaphore_mem>>) src(%dma_wait3A_921 : memref<80xi32, #tpu.memory_space<hbm>>) dst(%arg15 : memref<80xi32, #tpu.memory_space<vmem>>)
      %dma_wait3A_922 = arith.constant 0 : i32
      %dma_wait3A_923 = arith.constant 0 : i32
      %dma_wait3A_924 = tpu.memref_slice %arg4[%add3A, %add3A_914, %dma_wait3A_922, %dma_wait3A_923] : memref<32x125x1x80xi32, #tpu.memory_space<hbm>> -> memref<1x1x1x80xi32, #tpu.memory_space<hbm>>
      %dma_wait3A_925 = tpu.memref_squeeze %dma_wait3A_924 : memref<1x1x1x80xi32, #tpu.memory_space<hbm>> -> memref<80xi32, #tpu.memory_space<hbm>>
      %dma_wait3A_926 = arith.constant 0 : i32
      %dma_wait3A_927 = tpu.memref_slice %arg4[%add3A, %add3A_914, %dma_wait3A_922, %dma_wait3A_926] : memref<32x125x1x80xi32, #tpu.memory_space<hbm>> -> memref<1x1x1x80xi32, #tpu.memory_space<hbm>>
      %dma_wait3A_928 = tpu.memref_squeeze %dma_wait3A_927 : memref<1x1x1x80xi32, #tpu.memory_space<hbm>> -> memref<80xi32, #tpu.memory_space<hbm>>
      tpu.wait_dma2 semaphore(%arg44 : memref<!tpu.dma_semaphore, #tpu.memory_space<semaphore_mem>>) src(%dma_wait3A_928 : memref<80xi32, #tpu.memory_space<hbm>>) dst(%arg23 : memref<80xi32, #tpu.memory_space<vmem>>)
      %dma_start3A_929 = arith.constant 0 : i32
      %dma_start3A_930 = arith.constant 0 : i32
      %dma_start3A_931 = tpu.memref_slice %arg2[%dma_start3A_929, %dma_start3A_930] : memref<10000x128xf32, #tpu.memory_space<hbm>> -> memref<10000x128xf32, #tpu.memory_space<hbm>>
      tpu.enqueue_indirect_dma source(%dma_start3A_931 : memref<10000x128xf32, #tpu.memory_space<hbm>>) target(%arg27 : memref<80x128xf32, #tpu.memory_space<vmem>>) offsets(%arg15 : memref<80xi32, #tpu.memory_space<vmem>>) semaphore(%arg48 : memref<!tpu.dma_semaphore, #tpu.memory_space<semaphore_mem>>)
      %mul3A_932 = arith.constant 8 : i32
      %mul3A_933 = arith.muli %mul3A_932, %scan3A_645 : i32
      %add3A_934 = arith.constant 6 : i32
      %add3A_935 = arith.addi %mul3A_933, %add3A_934 : i32
      %dma_wait3A_936 = arith.constant 0 : i32
      %dma_wait3A_937 = arith.constant 0 : i32
      %dma_wait3A_938 = tpu.memref_slice %arg2[%dma_wait3A_936, %dma_wait3A_937] : memref<10000x128xf32, #tpu.memory_space<hbm>> -> memref<10000x128xf32, #tpu.memory_space<hbm>>
      tpu.wait_indirect_dma semaphore(%arg47 : memref<!tpu.dma_semaphore, #tpu.memory_space<semaphore_mem>>) src(%dma_wait3A_938 : memref<10000x128xf32, #tpu.memory_space<hbm>>) dst(%arg26 : memref<80x128xf32, #tpu.memory_space<vmem>>)
      %dma_start3A_939 = arith.constant 0 : i32
      %dma_start3A_940 = arith.constant 0 : i32
      %dma_start3A_941 = tpu.memref_slice %arg7[%dma_start3A_939, %dma_start3A_940] : memref<10000x128xf32, #tpu.memory_space<vmem_shared>> -> memref<10000x128xf32, #tpu.memory_space<vmem_shared>>
      tpu.enqueue_indirect_dma source(%arg26 : memref<80x128xf32, #tpu.memory_space<vmem>>) target(%dma_start3A_941 : memref<10000x128xf32, #tpu.memory_space<vmem_shared>>) offsets(%arg22 : memref<80xi32, #tpu.memory_space<vmem>>) semaphore(%arg51 : memref<!tpu.dma_semaphore, #tpu.memory_space<semaphore_mem>>) {add = true}
      %ge3A_942 = arith.constant 4 : i32
      %ge3A_943 = arith.cmpi sge, %add3A_935, %ge3A_942 : i32
      %convert_element_type3A_944 = arith.extui %ge3A_943 : i1 to i32
      %cond3A_945 = arith.constant 0 : i32
      %cond3A_946 = arith.cmpi ne, %convert_element_type3A_944, %cond3A_945 : i32
      scf.if %cond3A_946 {
        %dma_wait3A_1028 = arith.constant 0 : i32
        %dma_wait3A_1029 = tpu.memref_slice %arg54[%dma_wait3A_1028] : memref<10000xf32, #tpu.memory_space<vmem_shared>> -> memref<10000xf32, #tpu.memory_space<vmem_shared>>
        tpu.wait_indirect_dma semaphore(%arg59 : memref<!tpu.dma_semaphore, #tpu.memory_space<semaphore_mem>>) src(%arg55 : memref<80xf32, #tpu.memory_space<vmem>>) dst(%dma_wait3A_1029 : memref<10000xf32, #tpu.memory_space<vmem_shared>>)
      } else {
      }
      %dma_start3A_947 = arith.constant 0 : i32
      %dma_start3A_948 = tpu.memref_slice %arg54[%dma_start3A_947] : memref<10000xf32, #tpu.memory_space<vmem_shared>> -> memref<10000xf32, #tpu.memory_space<vmem_shared>>
      tpu.enqueue_indirect_dma source(%arg55 : memref<80xf32, #tpu.memory_space<vmem>>) target(%dma_start3A_948 : memref<10000xf32, #tpu.memory_space<vmem_shared>>) offsets(%arg22 : memref<80xi32, #tpu.memory_space<vmem>>) semaphore(%arg59 : memref<!tpu.dma_semaphore, #tpu.memory_space<semaphore_mem>>) {add = true}
      %ge3A_949 = arith.constant 2 : i32
      %ge3A_950 = arith.cmpi sge, %add3A_935, %ge3A_949 : i32
      %convert_element_type3A_951 = arith.extui %ge3A_950 : i1 to i32
      %cond3A_952 = arith.constant 0 : i32
      %cond3A_953 = arith.cmpi ne, %convert_element_type3A_951, %cond3A_952 : i32
      scf.if %cond3A_953 {
        %dma_wait3A_1028 = arith.constant 0 : i32
        %dma_wait3A_1029 = arith.constant 0 : i32
        %dma_wait3A_1030 = tpu.memref_slice %arg7[%dma_wait3A_1028, %dma_wait3A_1029] : memref<10000x128xf32, #tpu.memory_space<vmem_shared>> -> memref<10000x128xf32, #tpu.memory_space<vmem_shared>>
        tpu.wait_indirect_dma semaphore(%arg49 : memref<!tpu.dma_semaphore, #tpu.memory_space<semaphore_mem>>) src(%arg24 : memref<80x128xf32, #tpu.memory_space<vmem>>) dst(%dma_wait3A_1030 : memref<10000x128xf32, #tpu.memory_space<vmem_shared>>)
      } else {
      }
      %add3A_954 = arith.constant 6 : i32
      %add3A_955 = arith.addi %add3A_935, %add3A_954 : i32
      %lt3A_956 = arith.constant 125 : i32
      %lt3A_957 = arith.cmpi slt, %add3A_955, %lt3A_956 : i32
      %convert_element_type3A_958 = arith.extui %lt3A_957 : i1 to i32
      %cond3A_959 = arith.constant 0 : i32
      %cond3A_960 = arith.cmpi ne, %convert_element_type3A_958, %cond3A_959 : i32
      scf.if %cond3A_960 {
        %add3A_1028 = arith.constant 6 : i32
        %add3A_1029 = arith.addi %add3A_935, %add3A_1028 : i32
        %dma_start3A_1030 = arith.constant 0 : i32
        %dma_start3A_1031 = arith.constant 0 : i32
        %dma_start3A_1032 = tpu.memref_slice %arg3[%add3A, %add3A_1029, %dma_start3A_1030, %dma_start3A_1031] : memref<32x125x1x80xi32, #tpu.memory_space<hbm>> -> memref<1x1x1x80xi32, #tpu.memory_space<hbm>>
        %dma_start3A_1033 = tpu.memref_squeeze %dma_start3A_1032 : memref<1x1x1x80xi32, #tpu.memory_space<hbm>> -> memref<80xi32, #tpu.memory_space<hbm>>
        %dma_start3A_1034 = arith.constant 0 : i32
        %dma_start3A_1035 = tpu.memref_slice %arg3[%add3A, %add3A_1029, %dma_start3A_1030, %dma_start3A_1034] : memref<32x125x1x80xi32, #tpu.memory_space<hbm>> -> memref<1x1x1x80xi32, #tpu.memory_space<hbm>>
        %dma_start3A_1036 = tpu.memref_squeeze %dma_start3A_1035 : memref<1x1x1x80xi32, #tpu.memory_space<hbm>> -> memref<80xi32, #tpu.memory_space<hbm>>
        tpu.enqueue_dma source(%dma_start3A_1036 : memref<80xi32, #tpu.memory_space<hbm>>) target(%arg12 : memref<80xi32, #tpu.memory_space<vmem>>) target_semaphore(%arg33 : memref<!tpu.dma_semaphore, #tpu.memory_space<semaphore_mem>>)
        %dma_start3A_1037 = arith.constant 0 : i32
        %dma_start3A_1038 = arith.constant 0 : i32
        %dma_start3A_1039 = tpu.memref_slice %arg4[%add3A, %add3A_1029, %dma_start3A_1037, %dma_start3A_1038] : memref<32x125x1x80xi32, #tpu.memory_space<hbm>> -> memref<1x1x1x80xi32, #tpu.memory_space<hbm>>
        %dma_start3A_1040 = tpu.memref_squeeze %dma_start3A_1039 : memref<1x1x1x80xi32, #tpu.memory_space<hbm>> -> memref<80xi32, #tpu.memory_space<hbm>>
        %dma_start3A_1041 = arith.constant 0 : i32
        %dma_start3A_1042 = tpu.memref_slice %arg4[%add3A, %add3A_1029, %dma_start3A_1037, %dma_start3A_1041] : memref<32x125x1x80xi32, #tpu.memory_space<hbm>> -> memref<1x1x1x80xi32, #tpu.memory_space<hbm>>
        %dma_start3A_1043 = tpu.memref_squeeze %dma_start3A_1042 : memref<1x1x1x80xi32, #tpu.memory_space<hbm>> -> memref<80xi32, #tpu.memory_space<hbm>>
        tpu.enqueue_dma source(%dma_start3A_1043 : memref<80xi32, #tpu.memory_space<hbm>>) target(%arg20 : memref<80xi32, #tpu.memory_space<vmem>>) target_semaphore(%arg41 : memref<!tpu.dma_semaphore, #tpu.memory_space<semaphore_mem>>)
      } else {
      }
      %add3A_961 = arith.constant 2 : i32
      %add3A_962 = arith.addi %add3A_935, %add3A_961 : i32
      %dma_wait3A_963 = arith.constant 0 : i32
      %dma_wait3A_964 = arith.constant 0 : i32
      %dma_wait3A_965 = tpu.memref_slice %arg3[%add3A, %add3A_962, %dma_wait3A_963, %dma_wait3A_964] : memref<32x125x1x80xi32, #tpu.memory_space<hbm>> -> memref<1x1x1x80xi32, #tpu.memory_space<hbm>>
      %dma_wait3A_966 = tpu.memref_squeeze %dma_wait3A_965 : memref<1x1x1x80xi32, #tpu.memory_space<hbm>> -> memref<80xi32, #tpu.memory_space<hbm>>
      %dma_wait3A_967 = arith.constant 0 : i32
      %dma_wait3A_968 = tpu.memref_slice %arg3[%add3A, %add3A_962, %dma_wait3A_963, %dma_wait3A_967] : memref<32x125x1x80xi32, #tpu.memory_space<hbm>> -> memref<1x1x1x80xi32, #tpu.memory_space<hbm>>
      %dma_wait3A_969 = tpu.memref_squeeze %dma_wait3A_968 : memref<1x1x1x80xi32, #tpu.memory_space<hbm>> -> memref<80xi32, #tpu.memory_space<hbm>>
      tpu.wait_dma2 semaphore(%arg29 : memref<!tpu.dma_semaphore, #tpu.memory_space<semaphore_mem>>) src(%dma_wait3A_969 : memref<80xi32, #tpu.memory_space<hbm>>) dst(%arg8 : memref<80xi32, #tpu.memory_space<vmem>>)
      %dma_wait3A_970 = arith.constant 0 : i32
      %dma_wait3A_971 = arith.constant 0 : i32
      %dma_wait3A_972 = tpu.memref_slice %arg4[%add3A, %add3A_962, %dma_wait3A_970, %dma_wait3A_971] : memref<32x125x1x80xi32, #tpu.memory_space<hbm>> -> memref<1x1x1x80xi32, #tpu.memory_space<hbm>>
      %dma_wait3A_973 = tpu.memref_squeeze %dma_wait3A_972 : memref<1x1x1x80xi32, #tpu.memory_space<hbm>> -> memref<80xi32, #tpu.memory_space<hbm>>
      %dma_wait3A_974 = arith.constant 0 : i32
      %dma_wait3A_975 = tpu.memref_slice %arg4[%add3A, %add3A_962, %dma_wait3A_970, %dma_wait3A_974] : memref<32x125x1x80xi32, #tpu.memory_space<hbm>> -> memref<1x1x1x80xi32, #tpu.memory_space<hbm>>
      %dma_wait3A_976 = tpu.memref_squeeze %dma_wait3A_975 : memref<1x1x1x80xi32, #tpu.memory_space<hbm>> -> memref<80xi32, #tpu.memory_space<hbm>>
      tpu.wait_dma2 semaphore(%arg37 : memref<!tpu.dma_semaphore, #tpu.memory_space<semaphore_mem>>) src(%dma_wait3A_976 : memref<80xi32, #tpu.memory_space<hbm>>) dst(%arg16 : memref<80xi32, #tpu.memory_space<vmem>>)
      %dma_start3A_977 = arith.constant 0 : i32
      %dma_start3A_978 = arith.constant 0 : i32
      %dma_start3A_979 = tpu.memref_slice %arg2[%dma_start3A_977, %dma_start3A_978] : memref<10000x128xf32, #tpu.memory_space<hbm>> -> memref<10000x128xf32, #tpu.memory_space<hbm>>
      tpu.enqueue_indirect_dma source(%dma_start3A_979 : memref<10000x128xf32, #tpu.memory_space<hbm>>) target(%arg24 : memref<80x128xf32, #tpu.memory_space<vmem>>) offsets(%arg8 : memref<80xi32, #tpu.memory_space<vmem>>) semaphore(%arg45 : memref<!tpu.dma_semaphore, #tpu.memory_space<semaphore_mem>>)
      %mul3A_980 = arith.constant 8 : i32
      %mul3A_981 = arith.muli %mul3A_980, %scan3A_645 : i32
      %add3A_982 = arith.constant 7 : i32
      %add3A_983 = arith.addi %mul3A_981, %add3A_982 : i32
      %dma_wait3A_984 = arith.constant 0 : i32
      %dma_wait3A_985 = arith.constant 0 : i32
      %dma_wait3A_986 = tpu.memref_slice %arg2[%dma_wait3A_984, %dma_wait3A_985] : memref<10000x128xf32, #tpu.memory_space<hbm>> -> memref<10000x128xf32, #tpu.memory_space<hbm>>
      tpu.wait_indirect_dma semaphore(%arg48 : memref<!tpu.dma_semaphore, #tpu.memory_space<semaphore_mem>>) src(%dma_wait3A_986 : memref<10000x128xf32, #tpu.memory_space<hbm>>) dst(%arg27 : memref<80x128xf32, #tpu.memory_space<vmem>>)
      %dma_start3A_987 = arith.constant 0 : i32
      %dma_start3A_988 = arith.constant 0 : i32
      %dma_start3A_989 = tpu.memref_slice %arg7[%dma_start3A_987, %dma_start3A_988] : memref<10000x128xf32, #tpu.memory_space<vmem_shared>> -> memref<10000x128xf32, #tpu.memory_space<vmem_shared>>
      tpu.enqueue_indirect_dma source(%arg27 : memref<80x128xf32, #tpu.memory_space<vmem>>) target(%dma_start3A_989 : memref<10000x128xf32, #tpu.memory_space<vmem_shared>>) offsets(%arg23 : memref<80xi32, #tpu.memory_space<vmem>>) semaphore(%arg52 : memref<!tpu.dma_semaphore, #tpu.memory_space<semaphore_mem>>) {add = true}
      %ge3A_990 = arith.constant 4 : i32
      %ge3A_991 = arith.cmpi sge, %add3A_983, %ge3A_990 : i32
      %convert_element_type3A_992 = arith.extui %ge3A_991 : i1 to i32
      %cond3A_993 = arith.constant 0 : i32
      %cond3A_994 = arith.cmpi ne, %convert_element_type3A_992, %cond3A_993 : i32
      scf.if %cond3A_994 {
        %dma_wait3A_1028 = arith.constant 0 : i32
        %dma_wait3A_1029 = tpu.memref_slice %arg54[%dma_wait3A_1028] : memref<10000xf32, #tpu.memory_space<vmem_shared>> -> memref<10000xf32, #tpu.memory_space<vmem_shared>>
        tpu.wait_indirect_dma semaphore(%arg60 : memref<!tpu.dma_semaphore, #tpu.memory_space<semaphore_mem>>) src(%arg55 : memref<80xf32, #tpu.memory_space<vmem>>) dst(%dma_wait3A_1029 : memref<10000xf32, #tpu.memory_space<vmem_shared>>)
      } else {
      }
      %dma_start3A_995 = arith.constant 0 : i32
      %dma_start3A_996 = tpu.memref_slice %arg54[%dma_start3A_995] : memref<10000xf32, #tpu.memory_space<vmem_shared>> -> memref<10000xf32, #tpu.memory_space<vmem_shared>>
      tpu.enqueue_indirect_dma source(%arg55 : memref<80xf32, #tpu.memory_space<vmem>>) target(%dma_start3A_996 : memref<10000xf32, #tpu.memory_space<vmem_shared>>) offsets(%arg23 : memref<80xi32, #tpu.memory_space<vmem>>) semaphore(%arg60 : memref<!tpu.dma_semaphore, #tpu.memory_space<semaphore_mem>>) {add = true}
      %ge3A_997 = arith.constant 2 : i32
      %ge3A_998 = arith.cmpi sge, %add3A_983, %ge3A_997 : i32
      %convert_element_type3A_999 = arith.extui %ge3A_998 : i1 to i32
      %cond3A_1000 = arith.constant 0 : i32
      %cond3A_1001 = arith.cmpi ne, %convert_element_type3A_999, %cond3A_1000 : i32
      scf.if %cond3A_1001 {
        %dma_wait3A_1028 = arith.constant 0 : i32
        %dma_wait3A_1029 = arith.constant 0 : i32
        %dma_wait3A_1030 = tpu.memref_slice %arg7[%dma_wait3A_1028, %dma_wait3A_1029] : memref<10000x128xf32, #tpu.memory_space<vmem_shared>> -> memref<10000x128xf32, #tpu.memory_space<vmem_shared>>
        tpu.wait_indirect_dma semaphore(%arg50 : memref<!tpu.dma_semaphore, #tpu.memory_space<semaphore_mem>>) src(%arg25 : memref<80x128xf32, #tpu.memory_space<vmem>>) dst(%dma_wait3A_1030 : memref<10000x128xf32, #tpu.memory_space<vmem_shared>>)
      } else {
      }
      %add3A_1002 = arith.constant 6 : i32
      %add3A_1003 = arith.addi %add3A_983, %add3A_1002 : i32
      %lt3A_1004 = arith.constant 125 : i32
      %lt3A_1005 = arith.cmpi slt, %add3A_1003, %lt3A_1004 : i32
      %convert_element_type3A_1006 = arith.extui %lt3A_1005 : i1 to i32
      %cond3A_1007 = arith.constant 0 : i32
      %cond3A_1008 = arith.cmpi ne, %convert_element_type3A_1006, %cond3A_1007 : i32
      scf.if %cond3A_1008 {
        %add3A_1028 = arith.constant 6 : i32
        %add3A_1029 = arith.addi %add3A_983, %add3A_1028 : i32
        %dma_start3A_1030 = arith.constant 0 : i32
        %dma_start3A_1031 = arith.constant 0 : i32
        %dma_start3A_1032 = tpu.memref_slice %arg3[%add3A, %add3A_1029, %dma_start3A_1030, %dma_start3A_1031] : memref<32x125x1x80xi32, #tpu.memory_space<hbm>> -> memref<1x1x1x80xi32, #tpu.memory_space<hbm>>
        %dma_start3A_1033 = tpu.memref_squeeze %dma_start3A_1032 : memref<1x1x1x80xi32, #tpu.memory_space<hbm>> -> memref<80xi32, #tpu.memory_space<hbm>>
        %dma_start3A_1034 = arith.constant 0 : i32
        %dma_start3A_1035 = tpu.memref_slice %arg3[%add3A, %add3A_1029, %dma_start3A_1030, %dma_start3A_1034] : memref<32x125x1x80xi32, #tpu.memory_space<hbm>> -> memref<1x1x1x80xi32, #tpu.memory_space<hbm>>
        %dma_start3A_1036 = tpu.memref_squeeze %dma_start3A_1035 : memref<1x1x1x80xi32, #tpu.memory_space<hbm>> -> memref<80xi32, #tpu.memory_space<hbm>>
        tpu.enqueue_dma source(%dma_start3A_1036 : memref<80xi32, #tpu.memory_space<hbm>>) target(%arg13 : memref<80xi32, #tpu.memory_space<vmem>>) target_semaphore(%arg34 : memref<!tpu.dma_semaphore, #tpu.memory_space<semaphore_mem>>)
        %dma_start3A_1037 = arith.constant 0 : i32
        %dma_start3A_1038 = arith.constant 0 : i32
        %dma_start3A_1039 = tpu.memref_slice %arg4[%add3A, %add3A_1029, %dma_start3A_1037, %dma_start3A_1038] : memref<32x125x1x80xi32, #tpu.memory_space<hbm>> -> memref<1x1x1x80xi32, #tpu.memory_space<hbm>>
        %dma_start3A_1040 = tpu.memref_squeeze %dma_start3A_1039 : memref<1x1x1x80xi32, #tpu.memory_space<hbm>> -> memref<80xi32, #tpu.memory_space<hbm>>
        %dma_start3A_1041 = arith.constant 0 : i32
        %dma_start3A_1042 = tpu.memref_slice %arg4[%add3A, %add3A_1029, %dma_start3A_1037, %dma_start3A_1041] : memref<32x125x1x80xi32, #tpu.memory_space<hbm>> -> memref<1x1x1x80xi32, #tpu.memory_space<hbm>>
        %dma_start3A_1043 = tpu.memref_squeeze %dma_start3A_1042 : memref<1x1x1x80xi32, #tpu.memory_space<hbm>> -> memref<80xi32, #tpu.memory_space<hbm>>
        tpu.enqueue_dma source(%dma_start3A_1043 : memref<80xi32, #tpu.memory_space<hbm>>) target(%arg21 : memref<80xi32, #tpu.memory_space<vmem>>) target_semaphore(%arg42 : memref<!tpu.dma_semaphore, #tpu.memory_space<semaphore_mem>>)
      } else {
      }
      %add3A_1009 = arith.constant 2 : i32
      %add3A_1010 = arith.addi %add3A_983, %add3A_1009 : i32
      %dma_wait3A_1011 = arith.constant 0 : i32
      %dma_wait3A_1012 = arith.constant 0 : i32
      %dma_wait3A_1013 = tpu.memref_slice %arg3[%add3A, %add3A_1010, %dma_wait3A_1011, %dma_wait3A_1012] : memref<32x125x1x80xi32, #tpu.memory_space<hbm>> -> memref<1x1x1x80xi32, #tpu.memory_space<hbm>>
      %dma_wait3A_1014 = tpu.memref_squeeze %dma_wait3A_1013 : memref<1x1x1x80xi32, #tpu.memory_space<hbm>> -> memref<80xi32, #tpu.memory_space<hbm>>
      %dma_wait3A_1015 = arith.constant 0 : i32
      %dma_wait3A_1016 = tpu.memref_slice %arg3[%add3A, %add3A_1010, %dma_wait3A_1011, %dma_wait3A_1015] : memref<32x125x1x80xi32, #tpu.memory_space<hbm>> -> memref<1x1x1x80xi32, #tpu.memory_space<hbm>>
      %dma_wait3A_1017 = tpu.memref_squeeze %dma_wait3A_1016 : memref<1x1x1x80xi32, #tpu.memory_space<hbm>> -> memref<80xi32, #tpu.memory_space<hbm>>
      tpu.wait_dma2 semaphore(%arg30 : memref<!tpu.dma_semaphore, #tpu.memory_space<semaphore_mem>>) src(%dma_wait3A_1017 : memref<80xi32, #tpu.memory_space<hbm>>) dst(%arg9 : memref<80xi32, #tpu.memory_space<vmem>>)
      %dma_wait3A_1018 = arith.constant 0 : i32
      %dma_wait3A_1019 = arith.constant 0 : i32
      %dma_wait3A_1020 = tpu.memref_slice %arg4[%add3A, %add3A_1010, %dma_wait3A_1018, %dma_wait3A_1019] : memref<32x125x1x80xi32, #tpu.memory_space<hbm>> -> memref<1x1x1x80xi32, #tpu.memory_space<hbm>>
      %dma_wait3A_1021 = tpu.memref_squeeze %dma_wait3A_1020 : memref<1x1x1x80xi32, #tpu.memory_space<hbm>> -> memref<80xi32, #tpu.memory_space<hbm>>
      %dma_wait3A_1022 = arith.constant 0 : i32
      %dma_wait3A_1023 = tpu.memref_slice %arg4[%add3A, %add3A_1010, %dma_wait3A_1018, %dma_wait3A_1022] : memref<32x125x1x80xi32, #tpu.memory_space<hbm>> -> memref<1x1x1x80xi32, #tpu.memory_space<hbm>>
      %dma_wait3A_1024 = tpu.memref_squeeze %dma_wait3A_1023 : memref<1x1x1x80xi32, #tpu.memory_space<hbm>> -> memref<80xi32, #tpu.memory_space<hbm>>
      tpu.wait_dma2 semaphore(%arg38 : memref<!tpu.dma_semaphore, #tpu.memory_space<semaphore_mem>>) src(%dma_wait3A_1024 : memref<80xi32, #tpu.memory_space<hbm>>) dst(%arg17 : memref<80xi32, #tpu.memory_space<vmem>>)
      %dma_start3A_1025 = arith.constant 0 : i32
      %dma_start3A_1026 = arith.constant 0 : i32
      %dma_start3A_1027 = tpu.memref_slice %arg2[%dma_start3A_1025, %dma_start3A_1026] : memref<10000x128xf32, #tpu.memory_space<hbm>> -> memref<10000x128xf32, #tpu.memory_space<hbm>>
      tpu.enqueue_indirect_dma source(%dma_start3A_1027 : memref<10000x128xf32, #tpu.memory_space<hbm>>) target(%arg25 : memref<80x128xf32, #tpu.memory_space<vmem>>) offsets(%arg9 : memref<80xi32, #tpu.memory_space<vmem>>) semaphore(%arg46 : memref<!tpu.dma_semaphore, #tpu.memory_space<semaphore_mem>>)
    }
    %scan3A_491 = arith.constant 15 : i32
    %dma_wait3A_492 = arith.constant 0 : i32
    %dma_wait3A_493 = arith.constant 0 : i32
    %dma_wait3A_494 = tpu.memref_slice %arg2[%dma_wait3A_492, %dma_wait3A_493] : memref<10000x128xf32, #tpu.memory_space<hbm>> -> memref<10000x128xf32, #tpu.memory_space<hbm>>
    tpu.wait_indirect_dma semaphore(%arg45 : memref<!tpu.dma_semaphore, #tpu.memory_space<semaphore_mem>>) src(%dma_wait3A_494 : memref<10000x128xf32, #tpu.memory_space<hbm>>) dst(%arg24 : memref<80x128xf32, #tpu.memory_space<vmem>>)
    %dma_start3A_495 = arith.constant 0 : i32
    %dma_start3A_496 = arith.constant 0 : i32
    %dma_start3A_497 = tpu.memref_slice %arg7[%dma_start3A_495, %dma_start3A_496] : memref<10000x128xf32, #tpu.memory_space<vmem_shared>> -> memref<10000x128xf32, #tpu.memory_space<vmem_shared>>
    tpu.enqueue_indirect_dma source(%arg24 : memref<80x128xf32, #tpu.memory_space<vmem>>) target(%dma_start3A_497 : memref<10000x128xf32, #tpu.memory_space<vmem_shared>>) offsets(%arg16 : memref<80xi32, #tpu.memory_space<vmem>>) semaphore(%arg49 : memref<!tpu.dma_semaphore, #tpu.memory_space<semaphore_mem>>) {add = true}
    %dma_wait3A_498 = arith.constant 0 : i32
    %dma_wait3A_499 = tpu.memref_slice %arg54[%dma_wait3A_498] : memref<10000xf32, #tpu.memory_space<vmem_shared>> -> memref<10000xf32, #tpu.memory_space<vmem_shared>>
    tpu.wait_indirect_dma semaphore(%arg57 : memref<!tpu.dma_semaphore, #tpu.memory_space<semaphore_mem>>) src(%arg55 : memref<80xf32, #tpu.memory_space<vmem>>) dst(%dma_wait3A_499 : memref<10000xf32, #tpu.memory_space<vmem_shared>>)
    %dma_start3A_500 = arith.constant 0 : i32
    %dma_start3A_501 = tpu.memref_slice %arg54[%dma_start3A_500] : memref<10000xf32, #tpu.memory_space<vmem_shared>> -> memref<10000xf32, #tpu.memory_space<vmem_shared>>
    tpu.enqueue_indirect_dma source(%arg55 : memref<80xf32, #tpu.memory_space<vmem>>) target(%dma_start3A_501 : memref<10000xf32, #tpu.memory_space<vmem_shared>>) offsets(%arg16 : memref<80xi32, #tpu.memory_space<vmem>>) semaphore(%arg57 : memref<!tpu.dma_semaphore, #tpu.memory_space<semaphore_mem>>) {add = true}
    %dma_wait3A_502 = arith.constant 0 : i32
    %dma_wait3A_503 = arith.constant 0 : i32
    %dma_wait3A_504 = tpu.memref_slice %arg7[%dma_wait3A_502, %dma_wait3A_503] : memref<10000x128xf32, #tpu.memory_space<vmem_shared>> -> memref<10000x128xf32, #tpu.memory_space<vmem_shared>>
    tpu.wait_indirect_dma semaphore(%arg51 : memref<!tpu.dma_semaphore, #tpu.memory_space<semaphore_mem>>) src(%arg26 : memref<80x128xf32, #tpu.memory_space<vmem>>) dst(%dma_wait3A_504 : memref<10000x128xf32, #tpu.memory_space<vmem_shared>>)
    %dma_wait3A_505 = arith.constant 122 : i32
    %dma_wait3A_506 = arith.constant 0 : i32
    %dma_wait3A_507 = arith.constant 0 : i32
    %dma_wait3A_508 = tpu.memref_slice %arg3[%add3A, %dma_wait3A_505, %dma_wait3A_506, %dma_wait3A_507] : memref<32x125x1x80xi32, #tpu.memory_space<hbm>> -> memref<1x1x1x80xi32, #tpu.memory_space<hbm>>
    %dma_wait3A_509 = tpu.memref_squeeze %dma_wait3A_508 : memref<1x1x1x80xi32, #tpu.memory_space<hbm>> -> memref<80xi32, #tpu.memory_space<hbm>>
    %dma_wait3A_510 = arith.constant 0 : i32
    %dma_wait3A_511 = tpu.memref_slice %arg3[%add3A, %dma_wait3A_505, %dma_wait3A_506, %dma_wait3A_510] : memref<32x125x1x80xi32, #tpu.memory_space<hbm>> -> memref<1x1x1x80xi32, #tpu.memory_space<hbm>>
    %dma_wait3A_512 = tpu.memref_squeeze %dma_wait3A_511 : memref<1x1x1x80xi32, #tpu.memory_space<hbm>> -> memref<80xi32, #tpu.memory_space<hbm>>
    tpu.wait_dma2 semaphore(%arg31 : memref<!tpu.dma_semaphore, #tpu.memory_space<semaphore_mem>>) src(%dma_wait3A_512 : memref<80xi32, #tpu.memory_space<hbm>>) dst(%arg10 : memref<80xi32, #tpu.memory_space<vmem>>)
    %dma_wait3A_513 = arith.constant 122 : i32
    %dma_wait3A_514 = arith.constant 0 : i32
    %dma_wait3A_515 = arith.constant 0 : i32
    %dma_wait3A_516 = tpu.memref_slice %arg4[%add3A, %dma_wait3A_513, %dma_wait3A_514, %dma_wait3A_515] : memref<32x125x1x80xi32, #tpu.memory_space<hbm>> -> memref<1x1x1x80xi32, #tpu.memory_space<hbm>>
    %dma_wait3A_517 = tpu.memref_squeeze %dma_wait3A_516 : memref<1x1x1x80xi32, #tpu.memory_space<hbm>> -> memref<80xi32, #tpu.memory_space<hbm>>
    %dma_wait3A_518 = arith.constant 0 : i32
    %dma_wait3A_519 = tpu.memref_slice %arg4[%add3A, %dma_wait3A_513, %dma_wait3A_514, %dma_wait3A_518] : memref<32x125x1x80xi32, #tpu.memory_space<hbm>> -> memref<1x1x1x80xi32, #tpu.memory_space<hbm>>
    %dma_wait3A_520 = tpu.memref_squeeze %dma_wait3A_519 : memref<1x1x1x80xi32, #tpu.memory_space<hbm>> -> memref<80xi32, #tpu.memory_space<hbm>>
    tpu.wait_dma2 semaphore(%arg39 : memref<!tpu.dma_semaphore, #tpu.memory_space<semaphore_mem>>) src(%dma_wait3A_520 : memref<80xi32, #tpu.memory_space<hbm>>) dst(%arg18 : memref<80xi32, #tpu.memory_space<vmem>>)
    %dma_start3A_521 = arith.constant 0 : i32
    %dma_start3A_522 = arith.constant 0 : i32
    %dma_start3A_523 = tpu.memref_slice %arg2[%dma_start3A_521, %dma_start3A_522] : memref<10000x128xf32, #tpu.memory_space<hbm>> -> memref<10000x128xf32, #tpu.memory_space<hbm>>
    tpu.enqueue_indirect_dma source(%dma_start3A_523 : memref<10000x128xf32, #tpu.memory_space<hbm>>) target(%arg26 : memref<80x128xf32, #tpu.memory_space<vmem>>) offsets(%arg10 : memref<80xi32, #tpu.memory_space<vmem>>) semaphore(%arg47 : memref<!tpu.dma_semaphore, #tpu.memory_space<semaphore_mem>>)
    %dma_wait3A_524 = arith.constant 0 : i32
    %dma_wait3A_525 = arith.constant 0 : i32
    %dma_wait3A_526 = tpu.memref_slice %arg2[%dma_wait3A_524, %dma_wait3A_525] : memref<10000x128xf32, #tpu.memory_space<hbm>> -> memref<10000x128xf32, #tpu.memory_space<hbm>>
    tpu.wait_indirect_dma semaphore(%arg46 : memref<!tpu.dma_semaphore, #tpu.memory_space<semaphore_mem>>) src(%dma_wait3A_526 : memref<10000x128xf32, #tpu.memory_space<hbm>>) dst(%arg25 : memref<80x128xf32, #tpu.memory_space<vmem>>)
    %dma_start3A_527 = arith.constant 0 : i32
    %dma_start3A_528 = arith.constant 0 : i32
    %dma_start3A_529 = tpu.memref_slice %arg7[%dma_start3A_527, %dma_start3A_528] : memref<10000x128xf32, #tpu.memory_space<vmem_shared>> -> memref<10000x128xf32, #tpu.memory_space<vmem_shared>>
    tpu.enqueue_indirect_dma source(%arg25 : memref<80x128xf32, #tpu.memory_space<vmem>>) target(%dma_start3A_529 : memref<10000x128xf32, #tpu.memory_space<vmem_shared>>) offsets(%arg17 : memref<80xi32, #tpu.memory_space<vmem>>) semaphore(%arg50 : memref<!tpu.dma_semaphore, #tpu.memory_space<semaphore_mem>>) {add = true}
    %dma_wait3A_530 = arith.constant 0 : i32
    %dma_wait3A_531 = tpu.memref_slice %arg54[%dma_wait3A_530] : memref<10000xf32, #tpu.memory_space<vmem_shared>> -> memref<10000xf32, #tpu.memory_space<vmem_shared>>
    tpu.wait_indirect_dma semaphore(%arg58 : memref<!tpu.dma_semaphore, #tpu.memory_space<semaphore_mem>>) src(%arg55 : memref<80xf32, #tpu.memory_space<vmem>>) dst(%dma_wait3A_531 : memref<10000xf32, #tpu.memory_space<vmem_shared>>)
    %dma_start3A_532 = arith.constant 0 : i32
    %dma_start3A_533 = tpu.memref_slice %arg54[%dma_start3A_532] : memref<10000xf32, #tpu.memory_space<vmem_shared>> -> memref<10000xf32, #tpu.memory_space<vmem_shared>>
    tpu.enqueue_indirect_dma source(%arg55 : memref<80xf32, #tpu.memory_space<vmem>>) target(%dma_start3A_533 : memref<10000xf32, #tpu.memory_space<vmem_shared>>) offsets(%arg17 : memref<80xi32, #tpu.memory_space<vmem>>) semaphore(%arg58 : memref<!tpu.dma_semaphore, #tpu.memory_space<semaphore_mem>>) {add = true}
    %dma_wait3A_534 = arith.constant 0 : i32
    %dma_wait3A_535 = arith.constant 0 : i32
    %dma_wait3A_536 = tpu.memref_slice %arg7[%dma_wait3A_534, %dma_wait3A_535] : memref<10000x128xf32, #tpu.memory_space<vmem_shared>> -> memref<10000x128xf32, #tpu.memory_space<vmem_shared>>
    tpu.wait_indirect_dma semaphore(%arg52 : memref<!tpu.dma_semaphore, #tpu.memory_space<semaphore_mem>>) src(%arg27 : memref<80x128xf32, #tpu.memory_space<vmem>>) dst(%dma_wait3A_536 : memref<10000x128xf32, #tpu.memory_space<vmem_shared>>)
    %dma_wait3A_537 = arith.constant 123 : i32
    %dma_wait3A_538 = arith.constant 0 : i32
    %dma_wait3A_539 = arith.constant 0 : i32
    %dma_wait3A_540 = tpu.memref_slice %arg3[%add3A, %dma_wait3A_537, %dma_wait3A_538, %dma_wait3A_539] : memref<32x125x1x80xi32, #tpu.memory_space<hbm>> -> memref<1x1x1x80xi32, #tpu.memory_space<hbm>>
    %dma_wait3A_541 = tpu.memref_squeeze %dma_wait3A_540 : memref<1x1x1x80xi32, #tpu.memory_space<hbm>> -> memref<80xi32, #tpu.memory_space<hbm>>
    %dma_wait3A_542 = arith.constant 0 : i32
    %dma_wait3A_543 = tpu.memref_slice %arg3[%add3A, %dma_wait3A_537, %dma_wait3A_538, %dma_wait3A_542] : memref<32x125x1x80xi32, #tpu.memory_space<hbm>> -> memref<1x1x1x80xi32, #tpu.memory_space<hbm>>
    %dma_wait3A_544 = tpu.memref_squeeze %dma_wait3A_543 : memref<1x1x1x80xi32, #tpu.memory_space<hbm>> -> memref<80xi32, #tpu.memory_space<hbm>>
    tpu.wait_dma2 semaphore(%arg32 : memref<!tpu.dma_semaphore, #tpu.memory_space<semaphore_mem>>) src(%dma_wait3A_544 : memref<80xi32, #tpu.memory_space<hbm>>) dst(%arg11 : memref<80xi32, #tpu.memory_space<vmem>>)
    %dma_wait3A_545 = arith.constant 123 : i32
    %dma_wait3A_546 = arith.constant 0 : i32
    %dma_wait3A_547 = arith.constant 0 : i32
    %dma_wait3A_548 = tpu.memref_slice %arg4[%add3A, %dma_wait3A_545, %dma_wait3A_546, %dma_wait3A_547] : memref<32x125x1x80xi32, #tpu.memory_space<hbm>> -> memref<1x1x1x80xi32, #tpu.memory_space<hbm>>
    %dma_wait3A_549 = tpu.memref_squeeze %dma_wait3A_548 : memref<1x1x1x80xi32, #tpu.memory_space<hbm>> -> memref<80xi32, #tpu.memory_space<hbm>>
    %dma_wait3A_550 = arith.constant 0 : i32
    %dma_wait3A_551 = tpu.memref_slice %arg4[%add3A, %dma_wait3A_545, %dma_wait3A_546, %dma_wait3A_550] : memref<32x125x1x80xi32, #tpu.memory_space<hbm>> -> memref<1x1x1x80xi32, #tpu.memory_space<hbm>>
    %dma_wait3A_552 = tpu.memref_squeeze %dma_wait3A_551 : memref<1x1x1x80xi32, #tpu.memory_space<hbm>> -> memref<80xi32, #tpu.memory_space<hbm>>
    tpu.wait_dma2 semaphore(%arg40 : memref<!tpu.dma_semaphore, #tpu.memory_space<semaphore_mem>>) src(%dma_wait3A_552 : memref<80xi32, #tpu.memory_space<hbm>>) dst(%arg19 : memref<80xi32, #tpu.memory_space<vmem>>)
    %dma_start3A_553 = arith.constant 0 : i32
    %dma_start3A_554 = arith.constant 0 : i32
    %dma_start3A_555 = tpu.memref_slice %arg2[%dma_start3A_553, %dma_start3A_554] : memref<10000x128xf32, #tpu.memory_space<hbm>> -> memref<10000x128xf32, #tpu.memory_space<hbm>>
    tpu.enqueue_indirect_dma source(%dma_start3A_555 : memref<10000x128xf32, #tpu.memory_space<hbm>>) target(%arg27 : memref<80x128xf32, #tpu.memory_space<vmem>>) offsets(%arg11 : memref<80xi32, #tpu.memory_space<vmem>>) semaphore(%arg48 : memref<!tpu.dma_semaphore, #tpu.memory_space<semaphore_mem>>)
    %dma_wait3A_556 = arith.constant 0 : i32
    %dma_wait3A_557 = arith.constant 0 : i32
    %dma_wait3A_558 = tpu.memref_slice %arg2[%dma_wait3A_556, %dma_wait3A_557] : memref<10000x128xf32, #tpu.memory_space<hbm>> -> memref<10000x128xf32, #tpu.memory_space<hbm>>
    tpu.wait_indirect_dma semaphore(%arg47 : memref<!tpu.dma_semaphore, #tpu.memory_space<semaphore_mem>>) src(%dma_wait3A_558 : memref<10000x128xf32, #tpu.memory_space<hbm>>) dst(%arg26 : memref<80x128xf32, #tpu.memory_space<vmem>>)
    %dma_start3A_559 = arith.constant 0 : i32
    %dma_start3A_560 = arith.constant 0 : i32
    %dma_start3A_561 = tpu.memref_slice %arg7[%dma_start3A_559, %dma_start3A_560] : memref<10000x128xf32, #tpu.memory_space<vmem_shared>> -> memref<10000x128xf32, #tpu.memory_space<vmem_shared>>
    tpu.enqueue_indirect_dma source(%arg26 : memref<80x128xf32, #tpu.memory_space<vmem>>) target(%dma_start3A_561 : memref<10000x128xf32, #tpu.memory_space<vmem_shared>>) offsets(%arg18 : memref<80xi32, #tpu.memory_space<vmem>>) semaphore(%arg51 : memref<!tpu.dma_semaphore, #tpu.memory_space<semaphore_mem>>) {add = true}
    %dma_wait3A_562 = arith.constant 0 : i32
    %dma_wait3A_563 = tpu.memref_slice %arg54[%dma_wait3A_562] : memref<10000xf32, #tpu.memory_space<vmem_shared>> -> memref<10000xf32, #tpu.memory_space<vmem_shared>>
    tpu.wait_indirect_dma semaphore(%arg59 : memref<!tpu.dma_semaphore, #tpu.memory_space<semaphore_mem>>) src(%arg55 : memref<80xf32, #tpu.memory_space<vmem>>) dst(%dma_wait3A_563 : memref<10000xf32, #tpu.memory_space<vmem_shared>>)
    %dma_start3A_564 = arith.constant 0 : i32
    %dma_start3A_565 = tpu.memref_slice %arg54[%dma_start3A_564] : memref<10000xf32, #tpu.memory_space<vmem_shared>> -> memref<10000xf32, #tpu.memory_space<vmem_shared>>
    tpu.enqueue_indirect_dma source(%arg55 : memref<80xf32, #tpu.memory_space<vmem>>) target(%dma_start3A_565 : memref<10000xf32, #tpu.memory_space<vmem_shared>>) offsets(%arg18 : memref<80xi32, #tpu.memory_space<vmem>>) semaphore(%arg59 : memref<!tpu.dma_semaphore, #tpu.memory_space<semaphore_mem>>) {add = true}
    %dma_wait3A_566 = arith.constant 0 : i32
    %dma_wait3A_567 = arith.constant 0 : i32
    %dma_wait3A_568 = tpu.memref_slice %arg7[%dma_wait3A_566, %dma_wait3A_567] : memref<10000x128xf32, #tpu.memory_space<vmem_shared>> -> memref<10000x128xf32, #tpu.memory_space<vmem_shared>>
    tpu.wait_indirect_dma semaphore(%arg49 : memref<!tpu.dma_semaphore, #tpu.memory_space<semaphore_mem>>) src(%arg24 : memref<80x128xf32, #tpu.memory_space<vmem>>) dst(%dma_wait3A_568 : memref<10000x128xf32, #tpu.memory_space<vmem_shared>>)
    %dma_wait3A_569 = arith.constant 124 : i32
    %dma_wait3A_570 = arith.constant 0 : i32
    %dma_wait3A_571 = arith.constant 0 : i32
    %dma_wait3A_572 = tpu.memref_slice %arg3[%add3A, %dma_wait3A_569, %dma_wait3A_570, %dma_wait3A_571] : memref<32x125x1x80xi32, #tpu.memory_space<hbm>> -> memref<1x1x1x80xi32, #tpu.memory_space<hbm>>
    %dma_wait3A_573 = tpu.memref_squeeze %dma_wait3A_572 : memref<1x1x1x80xi32, #tpu.memory_space<hbm>> -> memref<80xi32, #tpu.memory_space<hbm>>
    %dma_wait3A_574 = arith.constant 0 : i32
    %dma_wait3A_575 = tpu.memref_slice %arg3[%add3A, %dma_wait3A_569, %dma_wait3A_570, %dma_wait3A_574] : memref<32x125x1x80xi32, #tpu.memory_space<hbm>> -> memref<1x1x1x80xi32, #tpu.memory_space<hbm>>
    %dma_wait3A_576 = tpu.memref_squeeze %dma_wait3A_575 : memref<1x1x1x80xi32, #tpu.memory_space<hbm>> -> memref<80xi32, #tpu.memory_space<hbm>>
    tpu.wait_dma2 semaphore(%arg33 : memref<!tpu.dma_semaphore, #tpu.memory_space<semaphore_mem>>) src(%dma_wait3A_576 : memref<80xi32, #tpu.memory_space<hbm>>) dst(%arg12 : memref<80xi32, #tpu.memory_space<vmem>>)
    %dma_wait3A_577 = arith.constant 124 : i32
    %dma_wait3A_578 = arith.constant 0 : i32
    %dma_wait3A_579 = arith.constant 0 : i32
    %dma_wait3A_580 = tpu.memref_slice %arg4[%add3A, %dma_wait3A_577, %dma_wait3A_578, %dma_wait3A_579] : memref<32x125x1x80xi32, #tpu.memory_space<hbm>> -> memref<1x1x1x80xi32, #tpu.memory_space<hbm>>
    %dma_wait3A_581 = tpu.memref_squeeze %dma_wait3A_580 : memref<1x1x1x80xi32, #tpu.memory_space<hbm>> -> memref<80xi32, #tpu.memory_space<hbm>>
    %dma_wait3A_582 = arith.constant 0 : i32
    %dma_wait3A_583 = tpu.memref_slice %arg4[%add3A, %dma_wait3A_577, %dma_wait3A_578, %dma_wait3A_582] : memref<32x125x1x80xi32, #tpu.memory_space<hbm>> -> memref<1x1x1x80xi32, #tpu.memory_space<hbm>>
    %dma_wait3A_584 = tpu.memref_squeeze %dma_wait3A_583 : memref<1x1x1x80xi32, #tpu.memory_space<hbm>> -> memref<80xi32, #tpu.memory_space<hbm>>
    tpu.wait_dma2 semaphore(%arg41 : memref<!tpu.dma_semaphore, #tpu.memory_space<semaphore_mem>>) src(%dma_wait3A_584 : memref<80xi32, #tpu.memory_space<hbm>>) dst(%arg20 : memref<80xi32, #tpu.memory_space<vmem>>)
    %dma_start3A_585 = arith.constant 0 : i32
    %dma_start3A_586 = arith.constant 0 : i32
    %dma_start3A_587 = tpu.memref_slice %arg2[%dma_start3A_585, %dma_start3A_586] : memref<10000x128xf32, #tpu.memory_space<hbm>> -> memref<10000x128xf32, #tpu.memory_space<hbm>>
    tpu.enqueue_indirect_dma source(%dma_start3A_587 : memref<10000x128xf32, #tpu.memory_space<hbm>>) target(%arg24 : memref<80x128xf32, #tpu.memory_space<vmem>>) offsets(%arg12 : memref<80xi32, #tpu.memory_space<vmem>>) semaphore(%arg45 : memref<!tpu.dma_semaphore, #tpu.memory_space<semaphore_mem>>)
    %dma_wait3A_588 = arith.constant 0 : i32
    %dma_wait3A_589 = arith.constant 0 : i32
    %dma_wait3A_590 = tpu.memref_slice %arg2[%dma_wait3A_588, %dma_wait3A_589] : memref<10000x128xf32, #tpu.memory_space<hbm>> -> memref<10000x128xf32, #tpu.memory_space<hbm>>
    tpu.wait_indirect_dma semaphore(%arg48 : memref<!tpu.dma_semaphore, #tpu.memory_space<semaphore_mem>>) src(%dma_wait3A_590 : memref<10000x128xf32, #tpu.memory_space<hbm>>) dst(%arg27 : memref<80x128xf32, #tpu.memory_space<vmem>>)
    %dma_start3A_591 = arith.constant 0 : i32
    %dma_start3A_592 = arith.constant 0 : i32
    %dma_start3A_593 = tpu.memref_slice %arg7[%dma_start3A_591, %dma_start3A_592] : memref<10000x128xf32, #tpu.memory_space<vmem_shared>> -> memref<10000x128xf32, #tpu.memory_space<vmem_shared>>
    tpu.enqueue_indirect_dma source(%arg27 : memref<80x128xf32, #tpu.memory_space<vmem>>) target(%dma_start3A_593 : memref<10000x128xf32, #tpu.memory_space<vmem_shared>>) offsets(%arg19 : memref<80xi32, #tpu.memory_space<vmem>>) semaphore(%arg52 : memref<!tpu.dma_semaphore, #tpu.memory_space<semaphore_mem>>) {add = true}
    %dma_wait3A_594 = arith.constant 0 : i32
    %dma_wait3A_595 = tpu.memref_slice %arg54[%dma_wait3A_594] : memref<10000xf32, #tpu.memory_space<vmem_shared>> -> memref<10000xf32, #tpu.memory_space<vmem_shared>>
    tpu.wait_indirect_dma semaphore(%arg60 : memref<!tpu.dma_semaphore, #tpu.memory_space<semaphore_mem>>) src(%arg55 : memref<80xf32, #tpu.memory_space<vmem>>) dst(%dma_wait3A_595 : memref<10000xf32, #tpu.memory_space<vmem_shared>>)
    %dma_start3A_596 = arith.constant 0 : i32
    %dma_start3A_597 = tpu.memref_slice %arg54[%dma_start3A_596] : memref<10000xf32, #tpu.memory_space<vmem_shared>> -> memref<10000xf32, #tpu.memory_space<vmem_shared>>
    tpu.enqueue_indirect_dma source(%arg55 : memref<80xf32, #tpu.memory_space<vmem>>) target(%dma_start3A_597 : memref<10000xf32, #tpu.memory_space<vmem_shared>>) offsets(%arg19 : memref<80xi32, #tpu.memory_space<vmem>>) semaphore(%arg60 : memref<!tpu.dma_semaphore, #tpu.memory_space<semaphore_mem>>) {add = true}
    %dma_wait3A_598 = arith.constant 0 : i32
    %dma_wait3A_599 = arith.constant 0 : i32
    %dma_wait3A_600 = tpu.memref_slice %arg7[%dma_wait3A_598, %dma_wait3A_599] : memref<10000x128xf32, #tpu.memory_space<vmem_shared>> -> memref<10000x128xf32, #tpu.memory_space<vmem_shared>>
    tpu.wait_indirect_dma semaphore(%arg50 : memref<!tpu.dma_semaphore, #tpu.memory_space<semaphore_mem>>) src(%arg25 : memref<80x128xf32, #tpu.memory_space<vmem>>) dst(%dma_wait3A_600 : memref<10000x128xf32, #tpu.memory_space<vmem_shared>>)
    %dma_wait3A_601 = arith.constant 0 : i32
    %dma_wait3A_602 = arith.constant 0 : i32
    %dma_wait3A_603 = tpu.memref_slice %arg2[%dma_wait3A_601, %dma_wait3A_602] : memref<10000x128xf32, #tpu.memory_space<hbm>> -> memref<10000x128xf32, #tpu.memory_space<hbm>>
    tpu.wait_indirect_dma semaphore(%arg45 : memref<!tpu.dma_semaphore, #tpu.memory_space<semaphore_mem>>) src(%dma_wait3A_603 : memref<10000x128xf32, #tpu.memory_space<hbm>>) dst(%arg24 : memref<80x128xf32, #tpu.memory_space<vmem>>)
    %dma_start3A_604 = arith.constant 0 : i32
    %dma_start3A_605 = arith.constant 0 : i32
    %dma_start3A_606 = tpu.memref_slice %arg7[%dma_start3A_604, %dma_start3A_605] : memref<10000x128xf32, #tpu.memory_space<vmem_shared>> -> memref<10000x128xf32, #tpu.memory_space<vmem_shared>>
    tpu.enqueue_indirect_dma source(%arg24 : memref<80x128xf32, #tpu.memory_space<vmem>>) target(%dma_start3A_606 : memref<10000x128xf32, #tpu.memory_space<vmem_shared>>) offsets(%arg20 : memref<80xi32, #tpu.memory_space<vmem>>) semaphore(%arg49 : memref<!tpu.dma_semaphore, #tpu.memory_space<semaphore_mem>>) {add = true}
    %dma_wait3A_607 = arith.constant 0 : i32
    %dma_wait3A_608 = tpu.memref_slice %arg54[%dma_wait3A_607] : memref<10000xf32, #tpu.memory_space<vmem_shared>> -> memref<10000xf32, #tpu.memory_space<vmem_shared>>
    tpu.wait_indirect_dma semaphore(%arg57 : memref<!tpu.dma_semaphore, #tpu.memory_space<semaphore_mem>>) src(%arg55 : memref<80xf32, #tpu.memory_space<vmem>>) dst(%dma_wait3A_608 : memref<10000xf32, #tpu.memory_space<vmem_shared>>)
    %dma_start3A_609 = arith.constant 0 : i32
    %dma_start3A_610 = tpu.memref_slice %arg54[%dma_start3A_609] : memref<10000xf32, #tpu.memory_space<vmem_shared>> -> memref<10000xf32, #tpu.memory_space<vmem_shared>>
    tpu.enqueue_indirect_dma source(%arg55 : memref<80xf32, #tpu.memory_space<vmem>>) target(%dma_start3A_610 : memref<10000xf32, #tpu.memory_space<vmem_shared>>) offsets(%arg20 : memref<80xi32, #tpu.memory_space<vmem>>) semaphore(%arg57 : memref<!tpu.dma_semaphore, #tpu.memory_space<semaphore_mem>>) {add = true}
    %dma_wait3A_611 = arith.constant 0 : i32
    %dma_wait3A_612 = arith.constant 0 : i32
    %dma_wait3A_613 = tpu.memref_slice %arg7[%dma_wait3A_611, %dma_wait3A_612] : memref<10000x128xf32, #tpu.memory_space<vmem_shared>> -> memref<10000x128xf32, #tpu.memory_space<vmem_shared>>
    tpu.wait_indirect_dma semaphore(%arg51 : memref<!tpu.dma_semaphore, #tpu.memory_space<semaphore_mem>>) src(%arg26 : memref<80x128xf32, #tpu.memory_space<vmem>>) dst(%dma_wait3A_613 : memref<10000x128xf32, #tpu.memory_space<vmem_shared>>)
    %dma_wait3A_614 = arith.constant 0 : i32
    %dma_wait3A_615 = arith.constant 0 : i32
    %dma_wait3A_616 = tpu.memref_slice %arg7[%dma_wait3A_614, %dma_wait3A_615] : memref<10000x128xf32, #tpu.memory_space<vmem_shared>> -> memref<10000x128xf32, #tpu.memory_space<vmem_shared>>
    tpu.wait_indirect_dma semaphore(%arg52 : memref<!tpu.dma_semaphore, #tpu.memory_space<semaphore_mem>>) src(%arg27 : memref<80x128xf32, #tpu.memory_space<vmem>>) dst(%dma_wait3A_616 : memref<10000x128xf32, #tpu.memory_space<vmem_shared>>)
    %dma_wait3A_617 = arith.constant 0 : i32
    %dma_wait3A_618 = arith.constant 0 : i32
    %dma_wait3A_619 = tpu.memref_slice %arg7[%dma_wait3A_617, %dma_wait3A_618] : memref<10000x128xf32, #tpu.memory_space<vmem_shared>> -> memref<10000x128xf32, #tpu.memory_space<vmem_shared>>
    tpu.wait_indirect_dma semaphore(%arg49 : memref<!tpu.dma_semaphore, #tpu.memory_space<semaphore_mem>>) src(%arg24 : memref<80x128xf32, #tpu.memory_space<vmem>>) dst(%dma_wait3A_619 : memref<10000x128xf32, #tpu.memory_space<vmem_shared>>)
    %dma_wait3A_620 = arith.constant 0 : i32
    %dma_wait3A_621 = tpu.memref_slice %arg54[%dma_wait3A_620] : memref<10000xf32, #tpu.memory_space<vmem_shared>> -> memref<10000xf32, #tpu.memory_space<vmem_shared>>
    tpu.wait_indirect_dma semaphore(%arg58 : memref<!tpu.dma_semaphore, #tpu.memory_space<semaphore_mem>>) src(%arg55 : memref<80xf32, #tpu.memory_space<vmem>>) dst(%dma_wait3A_621 : memref<10000xf32, #tpu.memory_space<vmem_shared>>)
    %dma_wait3A_622 = arith.constant 0 : i32
    %dma_wait3A_623 = tpu.memref_slice %arg54[%dma_wait3A_622] : memref<10000xf32, #tpu.memory_space<vmem_shared>> -> memref<10000xf32, #tpu.memory_space<vmem_shared>>
    tpu.wait_indirect_dma semaphore(%arg59 : memref<!tpu.dma_semaphore, #tpu.memory_space<semaphore_mem>>) src(%arg55 : memref<80xf32, #tpu.memory_space<vmem>>) dst(%dma_wait3A_623 : memref<10000xf32, #tpu.memory_space<vmem_shared>>)
    %dma_wait3A_624 = arith.constant 0 : i32
    %dma_wait3A_625 = tpu.memref_slice %arg54[%dma_wait3A_624] : memref<10000xf32, #tpu.memory_space<vmem_shared>> -> memref<10000xf32, #tpu.memory_space<vmem_shared>>
    tpu.wait_indirect_dma semaphore(%arg60 : memref<!tpu.dma_semaphore, #tpu.memory_space<semaphore_mem>>) src(%arg55 : memref<80xf32, #tpu.memory_space<vmem>>) dst(%dma_wait3A_625 : memref<10000xf32, #tpu.memory_space<vmem_shared>>)
    %dma_wait3A_626 = arith.constant 0 : i32
    %dma_wait3A_627 = tpu.memref_slice %arg54[%dma_wait3A_626] : memref<10000xf32, #tpu.memory_space<vmem_shared>> -> memref<10000xf32, #tpu.memory_space<vmem_shared>>
    tpu.wait_indirect_dma semaphore(%arg57 : memref<!tpu.dma_semaphore, #tpu.memory_space<semaphore_mem>>) src(%arg55 : memref<80xf32, #tpu.memory_space<vmem>>) dst(%dma_wait3A_627 : memref<10000xf32, #tpu.memory_space<vmem_shared>>)
    %barrier3A_628 = arith.constant 0 : index
    tpu.barrier barrier_id(%barrier3A_628)
    %mul3A_629 = arith.constant 624 : i32
    %mul3A_630 = arith.muli %arg1, %mul3A_629 : i32
    %mul3A_631 = arith.constant 624 : i32
    %mul3A_632 = arith.muli %arg1, %mul3A_631 : i32
    "tpu.region"() ({
      %run_scoped3A = tpu.sem_alloc : memref<!tpu.dma_semaphore, #tpu.memory_space<semaphore_mem>>
      %dma_start3A_645 = arith.constant 0 : i32
      %dma_start3A_646 = tpu.memref_slice %arg5[%arg0, %mul3A_632, %dma_start3A_645] : memref<2x10000x128xf32, #tpu.memory_space<hbm>> -> memref<1x624x128xf32, #tpu.memory_space<hbm>>
      %dma_start3A_647 = tpu.memref_squeeze %dma_start3A_646 : memref<1x624x128xf32, #tpu.memory_space<hbm>> -> memref<624x128xf32, #tpu.memory_space<hbm>>
      %dma_start3A_648 = arith.constant 0 : i32
      %dma_start3A_649 = tpu.memref_slice %arg7[%mul3A_630, %dma_start3A_648] : memref<10000x128xf32, #tpu.memory_space<vmem_shared>> -> memref<624x128xf32, #tpu.memory_space<vmem_shared>>
      tpu.enqueue_dma source(%dma_start3A_649 : memref<624x128xf32, #tpu.memory_space<vmem_shared>>) target(%dma_start3A_647 : memref<624x128xf32, #tpu.memory_space<hbm>>) target_semaphore(%run_scoped3A : memref<!tpu.dma_semaphore, #tpu.memory_space<semaphore_mem>>)
      %dma_wait3A_650 = arith.constant 0 : i32
      %dma_wait3A_651 = tpu.memref_slice %arg5[%arg0, %mul3A_632, %dma_wait3A_650] : memref<2x10000x128xf32, #tpu.memory_space<hbm>> -> memref<1x624x128xf32, #tpu.memory_space<hbm>>
      %dma_wait3A_652 = tpu.memref_squeeze %dma_wait3A_651 : memref<1x624x128xf32, #tpu.memory_space<hbm>> -> memref<624x128xf32, #tpu.memory_space<hbm>>
      %dma_wait3A_653 = arith.constant 0 : i32
      %dma_wait3A_654 = tpu.memref_slice %arg7[%mul3A_630, %dma_wait3A_653] : memref<10000x128xf32, #tpu.memory_space<vmem_shared>> -> memref<624x128xf32, #tpu.memory_space<vmem_shared>>
      tpu.wait_dma2 semaphore(%run_scoped3A : memref<!tpu.dma_semaphore, #tpu.memory_space<semaphore_mem>>) src(%dma_wait3A_654 : memref<624x128xf32, #tpu.memory_space<vmem_shared>>) dst(%dma_wait3A_652 : memref<624x128xf32, #tpu.memory_space<hbm>>)
      tpu.yield
    }) : () -> ()
    %mul3A_633 = arith.constant 624 : i32
    %mul3A_634 = arith.muli %arg1, %mul3A_633 : i32
    "tpu.region"() ({
      %run_scoped3A = tpu.sem_alloc : memref<!tpu.dma_semaphore, #tpu.memory_space<semaphore_mem>>
      %dma_start3A_645 = tpu.memref_slice %arg54[%mul3A_634] : memref<10000xf32, #tpu.memory_space<vmem_shared>> -> memref<624xf32, #tpu.memory_space<vmem_shared>>
      %dma_start3A_646 = tpu.memref_slice %arg54[%mul3A_634] : memref<10000xf32, #tpu.memory_space<vmem_shared>> -> memref<624xf32, #tpu.memory_space<vmem_shared>>
      tpu.enqueue_dma source(%dma_start3A_646 : memref<624xf32, #tpu.memory_space<vmem_shared>>) target(%arg56 : memref<624xf32, #tpu.memory_space<vmem>>) target_semaphore(%run_scoped3A : memref<!tpu.dma_semaphore, #tpu.memory_space<semaphore_mem>>)
      %dma_wait3A_647 = tpu.memref_slice %arg54[%mul3A_634] : memref<10000xf32, #tpu.memory_space<vmem_shared>> -> memref<624xf32, #tpu.memory_space<vmem_shared>>
      %dma_wait3A_648 = tpu.memref_slice %arg54[%mul3A_634] : memref<10000xf32, #tpu.memory_space<vmem_shared>> -> memref<624xf32, #tpu.memory_space<vmem_shared>>
      tpu.wait_dma2 semaphore(%run_scoped3A : memref<!tpu.dma_semaphore, #tpu.memory_space<semaphore_mem>>) src(%dma_wait3A_648 : memref<624xf32, #tpu.memory_space<vmem_shared>>) dst(%arg56 : memref<624xf32, #tpu.memory_space<vmem>>)
      tpu.yield
    }) : () -> ()
    %mul3A_635 = arith.constant 10000 : i32
    %mul3A_636 = arith.muli %arg0, %mul3A_635 : i32
    %mul3A_637 = arith.constant 624 : i32
    %mul3A_638 = arith.muli %arg1, %mul3A_637 : i32
    %add3A_639 = arith.addi %mul3A_636, %mul3A_638 : i32
    "tpu.region"() ({
      %run_scoped3A = tpu.sem_alloc : memref<!tpu.dma_semaphore, #tpu.memory_space<semaphore_mem>>
      %dma_start3A_645 = tpu.memref_slice %arg6[%add3A_639] : memref<20000xf32, #tpu.memory_space<hbm>> -> memref<624xf32, #tpu.memory_space<hbm>>
      %dma_start3A_646 = tpu.memref_slice %arg6[%add3A_639] : memref<20000xf32, #tpu.memory_space<hbm>> -> memref<624xf32, #tpu.memory_space<hbm>>
      tpu.enqueue_dma source(%arg56 : memref<624xf32, #tpu.memory_space<vmem>>) target(%dma_start3A_646 : memref<624xf32, #tpu.memory_space<hbm>>) target_semaphore(%run_scoped3A : memref<!tpu.dma_semaphore, #tpu.memory_space<semaphore_mem>>)
      %dma_wait3A_647 = tpu.memref_slice %arg6[%add3A_639] : memref<20000xf32, #tpu.memory_space<hbm>> -> memref<624xf32, #tpu.memory_space<hbm>>
      %dma_wait3A_648 = tpu.memref_slice %arg6[%add3A_639] : memref<20000xf32, #tpu.memory_space<hbm>> -> memref<624xf32, #tpu.memory_space<hbm>>
      tpu.wait_dma2 semaphore(%run_scoped3A : memref<!tpu.dma_semaphore, #tpu.memory_space<semaphore_mem>>) src(%arg56 : memref<624xf32, #tpu.memory_space<vmem>>) dst(%dma_wait3A_648 : memref<624xf32, #tpu.memory_space<hbm>>)
      tpu.yield
    }) : () -> ()
    %eq3A_640 = arith.constant 15 : i32
    %eq3A_641 = arith.cmpi eq, %arg1, %eq3A_640 : i32
    %convert_element_type3A_642 = arith.extui %eq3A_641 : i1 to i32
    %cond3A_643 = arith.constant 0 : i32
    %cond3A_644 = arith.cmpi ne, %convert_element_type3A_642, %cond3A_643 : i32
    scf.if %cond3A_644 {
      "tpu.region"() ({
        %run_scoped3A = tpu.sem_alloc : memref<!tpu.dma_semaphore, #tpu.memory_space<semaphore_mem>>
        %dma_start3A_649 = arith.constant 9984 : i32
        %dma_start3A_650 = arith.constant 0 : i32
        %dma_start3A_651 = tpu.memref_slice %arg5[%arg0, %dma_start3A_649, %dma_start3A_650] : memref<2x10000x128xf32, #tpu.memory_space<hbm>> -> memref<1x16x128xf32, #tpu.memory_space<hbm>>
        %dma_start3A_652 = tpu.memref_squeeze %dma_start3A_651 : memref<1x16x128xf32, #tpu.memory_space<hbm>> -> memref<16x128xf32, #tpu.memory_space<hbm>>
        %dma_start3A_653 = arith.constant 9984 : i32
        %dma_start3A_654 = arith.constant 0 : i32
        %dma_start3A_655 = tpu.memref_slice %arg7[%dma_start3A_653, %dma_start3A_654] : memref<10000x128xf32, #tpu.memory_space<vmem_shared>> -> memref<16x128xf32, #tpu.memory_space<vmem_shared>>
        tpu.enqueue_dma source(%dma_start3A_655 : memref<16x128xf32, #tpu.memory_space<vmem_shared>>) target(%dma_start3A_652 : memref<16x128xf32, #tpu.memory_space<hbm>>) target_semaphore(%run_scoped3A : memref<!tpu.dma_semaphore, #tpu.memory_space<semaphore_mem>>)
        %dma_wait3A_656 = arith.constant 9984 : i32
        %dma_wait3A_657 = arith.constant 0 : i32
        %dma_wait3A_658 = tpu.memref_slice %arg5[%arg0, %dma_wait3A_656, %dma_wait3A_657] : memref<2x10000x128xf32, #tpu.memory_space<hbm>> -> memref<1x16x128xf32, #tpu.memory_space<hbm>>
        %dma_wait3A_659 = tpu.memref_squeeze %dma_wait3A_658 : memref<1x16x128xf32, #tpu.memory_space<hbm>> -> memref<16x128xf32, #tpu.memory_space<hbm>>
        %dma_wait3A_660 = arith.constant 9984 : i32
        %dma_wait3A_661 = arith.constant 0 : i32
        %dma_wait3A_662 = tpu.memref_slice %arg7[%dma_wait3A_660, %dma_wait3A_661] : memref<10000x128xf32, #tpu.memory_space<vmem_shared>> -> memref<16x128xf32, #tpu.memory_space<vmem_shared>>
        tpu.wait_dma2 semaphore(%run_scoped3A : memref<!tpu.dma_semaphore, #tpu.memory_space<semaphore_mem>>) src(%dma_wait3A_662 : memref<16x128xf32, #tpu.memory_space<vmem_shared>>) dst(%dma_wait3A_659 : memref<16x128xf32, #tpu.memory_space<hbm>>)
        tpu.yield
      }) : () -> ()
      "tpu.region"() ({
        %run_scoped3A = tpu.sem_alloc : memref<!tpu.dma_semaphore, #tpu.memory_space<semaphore_mem>>
        %dma_start3A_649 = arith.constant 0 : i32
        %dma_start3A_650 = tpu.memref_slice %arg56[%dma_start3A_649] : memref<624xf32, #tpu.memory_space<vmem>> -> memref<16xf32, #tpu.memory_space<vmem>>
        %dma_start3A_651 = arith.constant 9984 : i32
        %dma_start3A_652 = tpu.memref_slice %arg54[%dma_start3A_651] : memref<10000xf32, #tpu.memory_space<vmem_shared>> -> memref<16xf32, #tpu.memory_space<vmem_shared>>
        %dma_start3A_653 = arith.constant 0 : i32
        %dma_start3A_654 = tpu.memref_slice %arg56[%dma_start3A_653] : memref<624xf32, #tpu.memory_space<vmem>> -> memref<16xf32, #tpu.memory_space<vmem>>
        %dma_start3A_655 = arith.constant 9984 : i32
        %dma_start3A_656 = tpu.memref_slice %arg54[%dma_start3A_655] : memref<10000xf32, #tpu.memory_space<vmem_shared>> -> memref<16xf32, #tpu.memory_space<vmem_shared>>
        tpu.enqueue_dma source(%dma_start3A_656 : memref<16xf32, #tpu.memory_space<vmem_shared>>) target(%dma_start3A_654 : memref<16xf32, #tpu.memory_space<vmem>>) target_semaphore(%run_scoped3A : memref<!tpu.dma_semaphore, #tpu.memory_space<semaphore_mem>>)
        %dma_wait3A_657 = arith.constant 0 : i32
        %dma_wait3A_658 = tpu.memref_slice %arg56[%dma_wait3A_657] : memref<624xf32, #tpu.memory_space<vmem>> -> memref<16xf32, #tpu.memory_space<vmem>>
        %dma_wait3A_659 = arith.constant 9984 : i32
        %dma_wait3A_660 = tpu.memref_slice %arg54[%dma_wait3A_659] : memref<10000xf32, #tpu.memory_space<vmem_shared>> -> memref<16xf32, #tpu.memory_space<vmem_shared>>
        %dma_wait3A_661 = arith.constant 0 : i32
        %dma_wait3A_662 = tpu.memref_slice %arg56[%dma_wait3A_661] : memref<624xf32, #tpu.memory_space<vmem>> -> memref<16xf32, #tpu.memory_space<vmem>>
        %dma_wait3A_663 = arith.constant 9984 : i32
        %dma_wait3A_664 = tpu.memref_slice %arg54[%dma_wait3A_663] : memref<10000xf32, #tpu.memory_space<vmem_shared>> -> memref<16xf32, #tpu.memory_space<vmem_shared>>
        tpu.wait_dma2 semaphore(%run_scoped3A : memref<!tpu.dma_semaphore, #tpu.memory_space<semaphore_mem>>) src(%dma_wait3A_664 : memref<16xf32, #tpu.memory_space<vmem_shared>>) dst(%dma_wait3A_662 : memref<16xf32, #tpu.memory_space<vmem>>)
        tpu.yield
      }) : () -> ()
      %mul3A_645 = arith.constant 10000 : i32
      %mul3A_646 = arith.muli %arg0, %mul3A_645 : i32
      %add3A_647 = arith.constant 9984 : i32
      %add3A_648 = arith.addi %mul3A_646, %add3A_647 : i32
      "tpu.region"() ({
        %run_scoped3A = tpu.sem_alloc : memref<!tpu.dma_semaphore, #tpu.memory_space<semaphore_mem>>
        %dma_start3A_649 = arith.constant 0 : i32
        %dma_start3A_650 = tpu.memref_slice %arg56[%dma_start3A_649] : memref<624xf32, #tpu.memory_space<vmem>> -> memref<16xf32, #tpu.memory_space<vmem>>
        %dma_start3A_651 = tpu.memref_slice %arg6[%add3A_648] : memref<20000xf32, #tpu.memory_space<hbm>> -> memref<16xf32, #tpu.memory_space<hbm>>
        %dma_start3A_652 = tpu.memref_slice %arg6[%add3A_648] : memref<20000xf32, #tpu.memory_space<hbm>> -> memref<16xf32, #tpu.memory_space<hbm>>
        %dma_start3A_653 = arith.constant 0 : i32
        %dma_start3A_654 = tpu.memref_slice %arg56[%dma_start3A_653] : memref<624xf32, #tpu.memory_space<vmem>> -> memref<16xf32, #tpu.memory_space<vmem>>
        tpu.enqueue_dma source(%dma_start3A_654 : memref<16xf32, #tpu.memory_space<vmem>>) target(%dma_start3A_652 : memref<16xf32, #tpu.memory_space<hbm>>) target_semaphore(%run_scoped3A : memref<!tpu.dma_semaphore, #tpu.memory_space<semaphore_mem>>)
        %dma_wait3A_655 = arith.constant 0 : i32
        %dma_wait3A_656 = tpu.memref_slice %arg56[%dma_wait3A_655] : memref<624xf32, #tpu.memory_space<vmem>> -> memref<16xf32, #tpu.memory_space<vmem>>
        %dma_wait3A_657 = tpu.memref_slice %arg6[%add3A_648] : memref<20000xf32, #tpu.memory_space<hbm>> -> memref<16xf32, #tpu.memory_space<hbm>>
        %dma_wait3A_658 = tpu.memref_slice %arg6[%add3A_648] : memref<20000xf32, #tpu.memory_space<hbm>> -> memref<16xf32, #tpu.memory_space<hbm>>
        %dma_wait3A_659 = arith.constant 0 : i32
        %dma_wait3A_660 = tpu.memref_slice %arg56[%dma_wait3A_659] : memref<624xf32, #tpu.memory_space<vmem>> -> memref<16xf32, #tpu.memory_space<vmem>>
        tpu.wait_dma2 semaphore(%run_scoped3A : memref<!tpu.dma_semaphore, #tpu.memory_space<semaphore_mem>>) src(%dma_wait3A_660 : memref<16xf32, #tpu.memory_space<vmem>>) dst(%dma_wait3A_658 : memref<16xf32, #tpu.memory_space<hbm>>)
        tpu.yield
      }) : () -> ()
    } else {
    }
    return
  }
}

#map = affine_map<(d0, d1) -> (0, 0)>
#map1 = affine_map<(d0, d1) -> (0, 0, 0, 0)>
#map2 = affine_map<(d0, d1) -> (0, 0, 0)>
module attributes {stable_mosaic.version = 14 : i64} {
  func.func @seg(%arg0: i32, %arg1: i32, %arg2: memref<10000x128xf32, #tpu.memory_space<hbm>>, %arg3: memref<32x125x1x80xi32, #tpu.memory_space<hbm>>, %arg4: memref<32x125x1x80xi32, #tpu.memory_space<hbm>>, %arg5: memref<2x10000x128xf32, #tpu.memory_space<hbm>>, %arg6: memref<10000x128xf32, #tpu.memory_space<vmem_shared>>, %arg7: memref<80xi32, #tpu.memory_space<vmem>>, %arg8: memref<80xi32, #tpu.memory_space<vmem>>, %arg9: memref<80xi32, #tpu.memory_space<vmem>>, %arg10: memref<80xi32, #tpu.memory_space<vmem>>, %arg11: memref<80xi32, #tpu.memory_space<vmem>>, %arg12: memref<80xi32, #tpu.memory_space<vmem>>, %arg13: memref<80xi32, #tpu.memory_space<vmem>>, %arg14: memref<80xi32, #tpu.memory_space<vmem>>, %arg15: memref<80xi32, #tpu.memory_space<vmem>>, %arg16: memref<80xi32, #tpu.memory_space<vmem>>, %arg17: memref<80xi32, #tpu.memory_space<vmem>>, %arg18: memref<80xi32, #tpu.memory_space<vmem>>, %arg19: memref<80xi32, #tpu.memory_space<vmem>>, %arg20: memref<80xi32, #tpu.memory_space<vmem>>, %arg21: memref<80xi32, #tpu.memory_space<vmem>>, %arg22: memref<80xi32, #tpu.memory_space<vmem>>, %arg23: memref<80x128xf32, #tpu.memory_space<vmem>>, %arg24: memref<80x128xf32, #tpu.memory_space<vmem>>, %arg25: memref<80x128xf32, #tpu.memory_space<vmem>>, %arg26: memref<80x128xf32, #tpu.memory_space<vmem>>, %arg27: memref<24x128xf32, #tpu.memory_space<vmem>>, %arg28: memref<!tpu.dma_semaphore, #tpu.memory_space<semaphore_mem>>, %arg29: memref<!tpu.dma_semaphore, #tpu.memory_space<semaphore_mem>>, %arg30: memref<!tpu.dma_semaphore, #tpu.memory_space<semaphore_mem>>, %arg31: memref<!tpu.dma_semaphore, #tpu.memory_space<semaphore_mem>>, %arg32: memref<!tpu.dma_semaphore, #tpu.memory_space<semaphore_mem>>, %arg33: memref<!tpu.dma_semaphore, #tpu.memory_space<semaphore_mem>>, %arg34: memref<!tpu.dma_semaphore, #tpu.memory_space<semaphore_mem>>, %arg35: memref<!tpu.dma_semaphore, #tpu.memory_space<semaphore_mem>>, %arg36: memref<!tpu.dma_semaphore, #tpu.memory_space<semaphore_mem>>, %arg37: memref<!tpu.dma_semaphore, #tpu.memory_space<semaphore_mem>>, %arg38: memref<!tpu.dma_semaphore, #tpu.memory_space<semaphore_mem>>, %arg39: memref<!tpu.dma_semaphore, #tpu.memory_space<semaphore_mem>>, %arg40: memref<!tpu.dma_semaphore, #tpu.memory_space<semaphore_mem>>, %arg41: memref<!tpu.dma_semaphore, #tpu.memory_space<semaphore_mem>>, %arg42: memref<!tpu.dma_semaphore, #tpu.memory_space<semaphore_mem>>, %arg43: memref<!tpu.dma_semaphore, #tpu.memory_space<semaphore_mem>>, %arg44: memref<!tpu.dma_semaphore, #tpu.memory_space<semaphore_mem>>, %arg45: memref<!tpu.dma_semaphore, #tpu.memory_space<semaphore_mem>>, %arg46: memref<!tpu.dma_semaphore, #tpu.memory_space<semaphore_mem>>, %arg47: memref<!tpu.dma_semaphore, #tpu.memory_space<semaphore_mem>>, %arg48: memref<!tpu.dma_semaphore, #tpu.memory_space<semaphore_mem>>, %arg49: memref<!tpu.dma_semaphore, #tpu.memory_space<semaphore_mem>>, %arg50: memref<!tpu.dma_semaphore, #tpu.memory_space<semaphore_mem>>, %arg51: memref<!tpu.dma_semaphore, #tpu.memory_space<semaphore_mem>>, %arg52: memref<!tpu.dma_semaphore, #tpu.memory_space<semaphore_mem>>) attributes {dimension_semantics = [#tpu.dimension_semantics<core_parallel>, #tpu.dimension_semantics<subcore_parallel>], iteration_bounds = array<i64: 2, 16>, scalar_prefetch = 0 : i64, scratch_operands = 47 : i64, tpu.core_type = #tpu.core_type<sc_vector_subcore>, window_params = [{transform_indices = #map}, {transform_indices = #map1}, {transform_indices = #map1}, {transform_indices = #map2}]} {
    %mul3A = arith.constant 2 : i32
    %mul3A_0 = arith.muli %arg1, %mul3A : i32
    %add3A = arith.addi %mul3A_0, %arg0 : i32
    %dma_start3A = arith.constant 0 : i32
    %dma_start3A_1 = arith.constant 0 : i32
    %dma_start3A_2 = arith.constant 0 : i32
    %dma_start3A_3 = tpu.memref_slice %arg3[%add3A, %dma_start3A, %dma_start3A_1, %dma_start3A_2] : memref<32x125x1x80xi32, #tpu.memory_space<hbm>> -> memref<1x1x1x80xi32, #tpu.memory_space<hbm>>
    %dma_start3A_4 = tpu.memref_squeeze %dma_start3A_3 : memref<1x1x1x80xi32, #tpu.memory_space<hbm>> -> memref<80xi32, #tpu.memory_space<hbm>>
    %dma_start3A_5 = arith.constant 0 : i32
    %dma_start3A_6 = tpu.memref_slice %arg3[%add3A, %dma_start3A, %dma_start3A_1, %dma_start3A_5] : memref<32x125x1x80xi32, #tpu.memory_space<hbm>> -> memref<1x1x1x80xi32, #tpu.memory_space<hbm>>
    %dma_start3A_7 = tpu.memref_squeeze %dma_start3A_6 : memref<1x1x1x80xi32, #tpu.memory_space<hbm>> -> memref<80xi32, #tpu.memory_space<hbm>>
    tpu.enqueue_dma source(%dma_start3A_7 : memref<80xi32, #tpu.memory_space<hbm>>) target(%arg7 : memref<80xi32, #tpu.memory_space<vmem>>) target_semaphore(%arg28 : memref<!tpu.dma_semaphore, #tpu.memory_space<semaphore_mem>>)
    %dma_start3A_8 = arith.constant 0 : i32
    %dma_start3A_9 = arith.constant 0 : i32
    %dma_start3A_10 = arith.constant 0 : i32
    %dma_start3A_11 = tpu.memref_slice %arg4[%add3A, %dma_start3A_8, %dma_start3A_9, %dma_start3A_10] : memref<32x125x1x80xi32, #tpu.memory_space<hbm>> -> memref<1x1x1x80xi32, #tpu.memory_space<hbm>>
    %dma_start3A_12 = tpu.memref_squeeze %dma_start3A_11 : memref<1x1x1x80xi32, #tpu.memory_space<hbm>> -> memref<80xi32, #tpu.memory_space<hbm>>
    %dma_start3A_13 = arith.constant 0 : i32
    %dma_start3A_14 = tpu.memref_slice %arg4[%add3A, %dma_start3A_8, %dma_start3A_9, %dma_start3A_13] : memref<32x125x1x80xi32, #tpu.memory_space<hbm>> -> memref<1x1x1x80xi32, #tpu.memory_space<hbm>>
    %dma_start3A_15 = tpu.memref_squeeze %dma_start3A_14 : memref<1x1x1x80xi32, #tpu.memory_space<hbm>> -> memref<80xi32, #tpu.memory_space<hbm>>
    tpu.enqueue_dma source(%dma_start3A_15 : memref<80xi32, #tpu.memory_space<hbm>>) target(%arg15 : memref<80xi32, #tpu.memory_space<vmem>>) target_semaphore(%arg36 : memref<!tpu.dma_semaphore, #tpu.memory_space<semaphore_mem>>)
    %dma_start3A_16 = arith.constant 1 : i32
    %dma_start3A_17 = arith.constant 0 : i32
    %dma_start3A_18 = arith.constant 0 : i32
    %dma_start3A_19 = tpu.memref_slice %arg3[%add3A, %dma_start3A_16, %dma_start3A_17, %dma_start3A_18] : memref<32x125x1x80xi32, #tpu.memory_space<hbm>> -> memref<1x1x1x80xi32, #tpu.memory_space<hbm>>
    %dma_start3A_20 = tpu.memref_squeeze %dma_start3A_19 : memref<1x1x1x80xi32, #tpu.memory_space<hbm>> -> memref<80xi32, #tpu.memory_space<hbm>>
    %dma_start3A_21 = arith.constant 0 : i32
    %dma_start3A_22 = tpu.memref_slice %arg3[%add3A, %dma_start3A_16, %dma_start3A_17, %dma_start3A_21] : memref<32x125x1x80xi32, #tpu.memory_space<hbm>> -> memref<1x1x1x80xi32, #tpu.memory_space<hbm>>
    %dma_start3A_23 = tpu.memref_squeeze %dma_start3A_22 : memref<1x1x1x80xi32, #tpu.memory_space<hbm>> -> memref<80xi32, #tpu.memory_space<hbm>>
    tpu.enqueue_dma source(%dma_start3A_23 : memref<80xi32, #tpu.memory_space<hbm>>) target(%arg8 : memref<80xi32, #tpu.memory_space<vmem>>) target_semaphore(%arg29 : memref<!tpu.dma_semaphore, #tpu.memory_space<semaphore_mem>>)
    %dma_start3A_24 = arith.constant 1 : i32
    %dma_start3A_25 = arith.constant 0 : i32
    %dma_start3A_26 = arith.constant 0 : i32
    %dma_start3A_27 = tpu.memref_slice %arg4[%add3A, %dma_start3A_24, %dma_start3A_25, %dma_start3A_26] : memref<32x125x1x80xi32, #tpu.memory_space<hbm>> -> memref<1x1x1x80xi32, #tpu.memory_space<hbm>>
    %dma_start3A_28 = tpu.memref_squeeze %dma_start3A_27 : memref<1x1x1x80xi32, #tpu.memory_space<hbm>> -> memref<80xi32, #tpu.memory_space<hbm>>
    %dma_start3A_29 = arith.constant 0 : i32
    %dma_start3A_30 = tpu.memref_slice %arg4[%add3A, %dma_start3A_24, %dma_start3A_25, %dma_start3A_29] : memref<32x125x1x80xi32, #tpu.memory_space<hbm>> -> memref<1x1x1x80xi32, #tpu.memory_space<hbm>>
    %dma_start3A_31 = tpu.memref_squeeze %dma_start3A_30 : memref<1x1x1x80xi32, #tpu.memory_space<hbm>> -> memref<80xi32, #tpu.memory_space<hbm>>
    tpu.enqueue_dma source(%dma_start3A_31 : memref<80xi32, #tpu.memory_space<hbm>>) target(%arg16 : memref<80xi32, #tpu.memory_space<vmem>>) target_semaphore(%arg37 : memref<!tpu.dma_semaphore, #tpu.memory_space<semaphore_mem>>)
    %dma_start3A_32 = arith.constant 2 : i32
    %dma_start3A_33 = arith.constant 0 : i32
    %dma_start3A_34 = arith.constant 0 : i32
    %dma_start3A_35 = tpu.memref_slice %arg3[%add3A, %dma_start3A_32, %dma_start3A_33, %dma_start3A_34] : memref<32x125x1x80xi32, #tpu.memory_space<hbm>> -> memref<1x1x1x80xi32, #tpu.memory_space<hbm>>
    %dma_start3A_36 = tpu.memref_squeeze %dma_start3A_35 : memref<1x1x1x80xi32, #tpu.memory_space<hbm>> -> memref<80xi32, #tpu.memory_space<hbm>>
    %dma_start3A_37 = arith.constant 0 : i32
    %dma_start3A_38 = tpu.memref_slice %arg3[%add3A, %dma_start3A_32, %dma_start3A_33, %dma_start3A_37] : memref<32x125x1x80xi32, #tpu.memory_space<hbm>> -> memref<1x1x1x80xi32, #tpu.memory_space<hbm>>
    %dma_start3A_39 = tpu.memref_squeeze %dma_start3A_38 : memref<1x1x1x80xi32, #tpu.memory_space<hbm>> -> memref<80xi32, #tpu.memory_space<hbm>>
    tpu.enqueue_dma source(%dma_start3A_39 : memref<80xi32, #tpu.memory_space<hbm>>) target(%arg9 : memref<80xi32, #tpu.memory_space<vmem>>) target_semaphore(%arg30 : memref<!tpu.dma_semaphore, #tpu.memory_space<semaphore_mem>>)
    %dma_start3A_40 = arith.constant 2 : i32
    %dma_start3A_41 = arith.constant 0 : i32
    %dma_start3A_42 = arith.constant 0 : i32
    %dma_start3A_43 = tpu.memref_slice %arg4[%add3A, %dma_start3A_40, %dma_start3A_41, %dma_start3A_42] : memref<32x125x1x80xi32, #tpu.memory_space<hbm>> -> memref<1x1x1x80xi32, #tpu.memory_space<hbm>>
    %dma_start3A_44 = tpu.memref_squeeze %dma_start3A_43 : memref<1x1x1x80xi32, #tpu.memory_space<hbm>> -> memref<80xi32, #tpu.memory_space<hbm>>
    %dma_start3A_45 = arith.constant 0 : i32
    %dma_start3A_46 = tpu.memref_slice %arg4[%add3A, %dma_start3A_40, %dma_start3A_41, %dma_start3A_45] : memref<32x125x1x80xi32, #tpu.memory_space<hbm>> -> memref<1x1x1x80xi32, #tpu.memory_space<hbm>>
    %dma_start3A_47 = tpu.memref_squeeze %dma_start3A_46 : memref<1x1x1x80xi32, #tpu.memory_space<hbm>> -> memref<80xi32, #tpu.memory_space<hbm>>
    tpu.enqueue_dma source(%dma_start3A_47 : memref<80xi32, #tpu.memory_space<hbm>>) target(%arg17 : memref<80xi32, #tpu.memory_space<vmem>>) target_semaphore(%arg38 : memref<!tpu.dma_semaphore, #tpu.memory_space<semaphore_mem>>)
    %dma_start3A_48 = arith.constant 3 : i32
    %dma_start3A_49 = arith.constant 0 : i32
    %dma_start3A_50 = arith.constant 0 : i32
    %dma_start3A_51 = tpu.memref_slice %arg3[%add3A, %dma_start3A_48, %dma_start3A_49, %dma_start3A_50] : memref<32x125x1x80xi32, #tpu.memory_space<hbm>> -> memref<1x1x1x80xi32, #tpu.memory_space<hbm>>
    %dma_start3A_52 = tpu.memref_squeeze %dma_start3A_51 : memref<1x1x1x80xi32, #tpu.memory_space<hbm>> -> memref<80xi32, #tpu.memory_space<hbm>>
    %dma_start3A_53 = arith.constant 0 : i32
    %dma_start3A_54 = tpu.memref_slice %arg3[%add3A, %dma_start3A_48, %dma_start3A_49, %dma_start3A_53] : memref<32x125x1x80xi32, #tpu.memory_space<hbm>> -> memref<1x1x1x80xi32, #tpu.memory_space<hbm>>
    %dma_start3A_55 = tpu.memref_squeeze %dma_start3A_54 : memref<1x1x1x80xi32, #tpu.memory_space<hbm>> -> memref<80xi32, #tpu.memory_space<hbm>>
    tpu.enqueue_dma source(%dma_start3A_55 : memref<80xi32, #tpu.memory_space<hbm>>) target(%arg10 : memref<80xi32, #tpu.memory_space<vmem>>) target_semaphore(%arg31 : memref<!tpu.dma_semaphore, #tpu.memory_space<semaphore_mem>>)
    %dma_start3A_56 = arith.constant 3 : i32
    %dma_start3A_57 = arith.constant 0 : i32
    %dma_start3A_58 = arith.constant 0 : i32
    %dma_start3A_59 = tpu.memref_slice %arg4[%add3A, %dma_start3A_56, %dma_start3A_57, %dma_start3A_58] : memref<32x125x1x80xi32, #tpu.memory_space<hbm>> -> memref<1x1x1x80xi32, #tpu.memory_space<hbm>>
    %dma_start3A_60 = tpu.memref_squeeze %dma_start3A_59 : memref<1x1x1x80xi32, #tpu.memory_space<hbm>> -> memref<80xi32, #tpu.memory_space<hbm>>
    %dma_start3A_61 = arith.constant 0 : i32
    %dma_start3A_62 = tpu.memref_slice %arg4[%add3A, %dma_start3A_56, %dma_start3A_57, %dma_start3A_61] : memref<32x125x1x80xi32, #tpu.memory_space<hbm>> -> memref<1x1x1x80xi32, #tpu.memory_space<hbm>>
    %dma_start3A_63 = tpu.memref_squeeze %dma_start3A_62 : memref<1x1x1x80xi32, #tpu.memory_space<hbm>> -> memref<80xi32, #tpu.memory_space<hbm>>
    tpu.enqueue_dma source(%dma_start3A_63 : memref<80xi32, #tpu.memory_space<hbm>>) target(%arg18 : memref<80xi32, #tpu.memory_space<vmem>>) target_semaphore(%arg39 : memref<!tpu.dma_semaphore, #tpu.memory_space<semaphore_mem>>)
    %dma_start3A_64 = arith.constant 4 : i32
    %dma_start3A_65 = arith.constant 0 : i32
    %dma_start3A_66 = arith.constant 0 : i32
    %dma_start3A_67 = tpu.memref_slice %arg3[%add3A, %dma_start3A_64, %dma_start3A_65, %dma_start3A_66] : memref<32x125x1x80xi32, #tpu.memory_space<hbm>> -> memref<1x1x1x80xi32, #tpu.memory_space<hbm>>
    %dma_start3A_68 = tpu.memref_squeeze %dma_start3A_67 : memref<1x1x1x80xi32, #tpu.memory_space<hbm>> -> memref<80xi32, #tpu.memory_space<hbm>>
    %dma_start3A_69 = arith.constant 0 : i32
    %dma_start3A_70 = tpu.memref_slice %arg3[%add3A, %dma_start3A_64, %dma_start3A_65, %dma_start3A_69] : memref<32x125x1x80xi32, #tpu.memory_space<hbm>> -> memref<1x1x1x80xi32, #tpu.memory_space<hbm>>
    %dma_start3A_71 = tpu.memref_squeeze %dma_start3A_70 : memref<1x1x1x80xi32, #tpu.memory_space<hbm>> -> memref<80xi32, #tpu.memory_space<hbm>>
    tpu.enqueue_dma source(%dma_start3A_71 : memref<80xi32, #tpu.memory_space<hbm>>) target(%arg11 : memref<80xi32, #tpu.memory_space<vmem>>) target_semaphore(%arg32 : memref<!tpu.dma_semaphore, #tpu.memory_space<semaphore_mem>>)
    %dma_start3A_72 = arith.constant 4 : i32
    %dma_start3A_73 = arith.constant 0 : i32
    %dma_start3A_74 = arith.constant 0 : i32
    %dma_start3A_75 = tpu.memref_slice %arg4[%add3A, %dma_start3A_72, %dma_start3A_73, %dma_start3A_74] : memref<32x125x1x80xi32, #tpu.memory_space<hbm>> -> memref<1x1x1x80xi32, #tpu.memory_space<hbm>>
    %dma_start3A_76 = tpu.memref_squeeze %dma_start3A_75 : memref<1x1x1x80xi32, #tpu.memory_space<hbm>> -> memref<80xi32, #tpu.memory_space<hbm>>
    %dma_start3A_77 = arith.constant 0 : i32
    %dma_start3A_78 = tpu.memref_slice %arg4[%add3A, %dma_start3A_72, %dma_start3A_73, %dma_start3A_77] : memref<32x125x1x80xi32, #tpu.memory_space<hbm>> -> memref<1x1x1x80xi32, #tpu.memory_space<hbm>>
    %dma_start3A_79 = tpu.memref_squeeze %dma_start3A_78 : memref<1x1x1x80xi32, #tpu.memory_space<hbm>> -> memref<80xi32, #tpu.memory_space<hbm>>
    tpu.enqueue_dma source(%dma_start3A_79 : memref<80xi32, #tpu.memory_space<hbm>>) target(%arg19 : memref<80xi32, #tpu.memory_space<vmem>>) target_semaphore(%arg40 : memref<!tpu.dma_semaphore, #tpu.memory_space<semaphore_mem>>)
    %dma_start3A_80 = arith.constant 5 : i32
    %dma_start3A_81 = arith.constant 0 : i32
    %dma_start3A_82 = arith.constant 0 : i32
    %dma_start3A_83 = tpu.memref_slice %arg3[%add3A, %dma_start3A_80, %dma_start3A_81, %dma_start3A_82] : memref<32x125x1x80xi32, #tpu.memory_space<hbm>> -> memref<1x1x1x80xi32, #tpu.memory_space<hbm>>
    %dma_start3A_84 = tpu.memref_squeeze %dma_start3A_83 : memref<1x1x1x80xi32, #tpu.memory_space<hbm>> -> memref<80xi32, #tpu.memory_space<hbm>>
    %dma_start3A_85 = arith.constant 0 : i32
    %dma_start3A_86 = tpu.memref_slice %arg3[%add3A, %dma_start3A_80, %dma_start3A_81, %dma_start3A_85] : memref<32x125x1x80xi32, #tpu.memory_space<hbm>> -> memref<1x1x1x80xi32, #tpu.memory_space<hbm>>
    %dma_start3A_87 = tpu.memref_squeeze %dma_start3A_86 : memref<1x1x1x80xi32, #tpu.memory_space<hbm>> -> memref<80xi32, #tpu.memory_space<hbm>>
    tpu.enqueue_dma source(%dma_start3A_87 : memref<80xi32, #tpu.memory_space<hbm>>) target(%arg12 : memref<80xi32, #tpu.memory_space<vmem>>) target_semaphore(%arg33 : memref<!tpu.dma_semaphore, #tpu.memory_space<semaphore_mem>>)
    %dma_start3A_88 = arith.constant 5 : i32
    %dma_start3A_89 = arith.constant 0 : i32
    %dma_start3A_90 = arith.constant 0 : i32
    %dma_start3A_91 = tpu.memref_slice %arg4[%add3A, %dma_start3A_88, %dma_start3A_89, %dma_start3A_90] : memref<32x125x1x80xi32, #tpu.memory_space<hbm>> -> memref<1x1x1x80xi32, #tpu.memory_space<hbm>>
    %dma_start3A_92 = tpu.memref_squeeze %dma_start3A_91 : memref<1x1x1x80xi32, #tpu.memory_space<hbm>> -> memref<80xi32, #tpu.memory_space<hbm>>
    %dma_start3A_93 = arith.constant 0 : i32
    %dma_start3A_94 = tpu.memref_slice %arg4[%add3A, %dma_start3A_88, %dma_start3A_89, %dma_start3A_93] : memref<32x125x1x80xi32, #tpu.memory_space<hbm>> -> memref<1x1x1x80xi32, #tpu.memory_space<hbm>>
    %dma_start3A_95 = tpu.memref_squeeze %dma_start3A_94 : memref<1x1x1x80xi32, #tpu.memory_space<hbm>> -> memref<80xi32, #tpu.memory_space<hbm>>
    tpu.enqueue_dma source(%dma_start3A_95 : memref<80xi32, #tpu.memory_space<hbm>>) target(%arg20 : memref<80xi32, #tpu.memory_space<vmem>>) target_semaphore(%arg41 : memref<!tpu.dma_semaphore, #tpu.memory_space<semaphore_mem>>)
    %broadcast_in_dim3A = arith.constant 0.000000e+00 : f32
    %broadcast_in_dim3A_96 = vector.broadcast %broadcast_in_dim3A : f32 to vector<16xf32>
    %scan3A = arith.constant 0 : i32
    %scan3A_97 = arith.constant 0 : i32
    %scan3A_98 = arith.constant 24 : i32
    %scan3A_99 = arith.addi %scan3A_97, %scan3A_98 : i32
    %scan3A_100 = arith.constant 1 : i32
    scf.for %scan3A_577 = %scan3A_97 to %scan3A_99 step %scan3A_100  : i32 {
      %swap3A = arith.index_cast %scan3A_577 : i32 to index
      %swap3A_578 = arith.constant 0 : index
      %swap3A_579 = tpu.vector_load %arg27[%swap3A, %swap3A_578] {strides = array<i32>} : memref<24x128xf32, #tpu.memory_space<vmem>>, vector<1x16xf32>,
      %swap3A_580 = vector.shape_cast %swap3A_579 : vector<1x16xf32> to vector<16xf32>
      %swap3A_581 = vector.shape_cast %broadcast_in_dim3A_96 : vector<16xf32> to vector<1x16xf32>
      tpu.vector_store %arg27[%swap3A, %swap3A_578], %swap3A_581 {strides = array<i32>} : memref<24x128xf32, #tpu.memory_space<vmem>>, vector<1x16xf32>,
      %swap3A_582 = arith.index_cast %scan3A_577 : i32 to index
      %swap3A_583 = arith.constant 16 : index
      %swap3A_584 = tpu.vector_load %arg27[%swap3A_582, %swap3A_583] {strides = array<i32>} : memref<24x128xf32, #tpu.memory_space<vmem>>, vector<1x16xf32>,
      %swap3A_585 = vector.shape_cast %swap3A_584 : vector<1x16xf32> to vector<16xf32>
      %swap3A_586 = vector.shape_cast %broadcast_in_dim3A_96 : vector<16xf32> to vector<1x16xf32>
      tpu.vector_store %arg27[%swap3A_582, %swap3A_583], %swap3A_586 {strides = array<i32>} : memref<24x128xf32, #tpu.memory_space<vmem>>, vector<1x16xf32>,
      %swap3A_587 = arith.index_cast %scan3A_577 : i32 to index
      %swap3A_588 = arith.constant 32 : index
      %swap3A_589 = tpu.vector_load %arg27[%swap3A_587, %swap3A_588] {strides = array<i32>} : memref<24x128xf32, #tpu.memory_space<vmem>>, vector<1x16xf32>,
      %swap3A_590 = vector.shape_cast %swap3A_589 : vector<1x16xf32> to vector<16xf32>
      %swap3A_591 = vector.shape_cast %broadcast_in_dim3A_96 : vector<16xf32> to vector<1x16xf32>
      tpu.vector_store %arg27[%swap3A_587, %swap3A_588], %swap3A_591 {strides = array<i32>} : memref<24x128xf32, #tpu.memory_space<vmem>>, vector<1x16xf32>,
      %swap3A_592 = arith.index_cast %scan3A_577 : i32 to index
      %swap3A_593 = arith.constant 48 : index
      %swap3A_594 = tpu.vector_load %arg27[%swap3A_592, %swap3A_593] {strides = array<i32>} : memref<24x128xf32, #tpu.memory_space<vmem>>, vector<1x16xf32>,
      %swap3A_595 = vector.shape_cast %swap3A_594 : vector<1x16xf32> to vector<16xf32>
      %swap3A_596 = vector.shape_cast %broadcast_in_dim3A_96 : vector<16xf32> to vector<1x16xf32>
      tpu.vector_store %arg27[%swap3A_592, %swap3A_593], %swap3A_596 {strides = array<i32>} : memref<24x128xf32, #tpu.memory_space<vmem>>, vector<1x16xf32>,
      %swap3A_597 = arith.index_cast %scan3A_577 : i32 to index
      %swap3A_598 = arith.constant 64 : index
      %swap3A_599 = tpu.vector_load %arg27[%swap3A_597, %swap3A_598] {strides = array<i32>} : memref<24x128xf32, #tpu.memory_space<vmem>>, vector<1x16xf32>,
      %swap3A_600 = vector.shape_cast %swap3A_599 : vector<1x16xf32> to vector<16xf32>
      %swap3A_601 = vector.shape_cast %broadcast_in_dim3A_96 : vector<16xf32> to vector<1x16xf32>
      tpu.vector_store %arg27[%swap3A_597, %swap3A_598], %swap3A_601 {strides = array<i32>} : memref<24x128xf32, #tpu.memory_space<vmem>>, vector<1x16xf32>,
      %swap3A_602 = arith.index_cast %scan3A_577 : i32 to index
      %swap3A_603 = arith.constant 80 : index
      %swap3A_604 = tpu.vector_load %arg27[%swap3A_602, %swap3A_603] {strides = array<i32>} : memref<24x128xf32, #tpu.memory_space<vmem>>, vector<1x16xf32>,
      %swap3A_605 = vector.shape_cast %swap3A_604 : vector<1x16xf32> to vector<16xf32>
      %swap3A_606 = vector.shape_cast %broadcast_in_dim3A_96 : vector<16xf32> to vector<1x16xf32>
      tpu.vector_store %arg27[%swap3A_602, %swap3A_603], %swap3A_606 {strides = array<i32>} : memref<24x128xf32, #tpu.memory_space<vmem>>, vector<1x16xf32>,
      %swap3A_607 = arith.index_cast %scan3A_577 : i32 to index
      %swap3A_608 = arith.constant 96 : index
      %swap3A_609 = tpu.vector_load %arg27[%swap3A_607, %swap3A_608] {strides = array<i32>} : memref<24x128xf32, #tpu.memory_space<vmem>>, vector<1x16xf32>,
      %swap3A_610 = vector.shape_cast %swap3A_609 : vector<1x16xf32> to vector<16xf32>
      %swap3A_611 = vector.shape_cast %broadcast_in_dim3A_96 : vector<16xf32> to vector<1x16xf32>
      tpu.vector_store %arg27[%swap3A_607, %swap3A_608], %swap3A_611 {strides = array<i32>} : memref<24x128xf32, #tpu.memory_space<vmem>>, vector<1x16xf32>,
      %swap3A_612 = arith.index_cast %scan3A_577 : i32 to index
      %swap3A_613 = arith.constant 112 : index
      %swap3A_614 = tpu.vector_load %arg27[%swap3A_612, %swap3A_613] {strides = array<i32>} : memref<24x128xf32, #tpu.memory_space<vmem>>, vector<1x16xf32>,
      %swap3A_615 = vector.shape_cast %swap3A_614 : vector<1x16xf32> to vector<16xf32>
      %swap3A_616 = vector.shape_cast %broadcast_in_dim3A_96 : vector<16xf32> to vector<1x16xf32>
      tpu.vector_store %arg27[%swap3A_612, %swap3A_613], %swap3A_616 {strides = array<i32>} : memref<24x128xf32, #tpu.memory_space<vmem>>, vector<1x16xf32>,
    }
    %scan3A_101 = arith.constant 24 : i32
    %mul3A_102 = arith.constant 624 : i32
    %mul3A_103 = arith.muli %arg1, %mul3A_102 : i32
    %add3A_104 = arith.constant 0 : i32
    %add3A_105 = arith.addi %mul3A_103, %add3A_104 : i32
    %mul3A_106 = arith.constant 624 : i32
    %mul3A_107 = arith.muli %arg1, %mul3A_106 : i32
    %add3A_108 = arith.constant 24 : i32
    %add3A_109 = arith.addi %mul3A_107, %add3A_108 : i32
    %mul3A_110 = arith.constant 624 : i32
    %mul3A_111 = arith.muli %arg1, %mul3A_110 : i32
    %add3A_112 = arith.constant 48 : i32
    %add3A_113 = arith.addi %mul3A_111, %add3A_112 : i32
    %mul3A_114 = arith.constant 624 : i32
    %mul3A_115 = arith.muli %arg1, %mul3A_114 : i32
    %add3A_116 = arith.constant 72 : i32
    %add3A_117 = arith.addi %mul3A_115, %add3A_116 : i32
    %mul3A_118 = arith.constant 624 : i32
    %mul3A_119 = arith.muli %arg1, %mul3A_118 : i32
    %add3A_120 = arith.constant 96 : i32
    %add3A_121 = arith.addi %mul3A_119, %add3A_120 : i32
    %mul3A_122 = arith.constant 624 : i32
    %mul3A_123 = arith.muli %arg1, %mul3A_122 : i32
    %add3A_124 = arith.constant 120 : i32
    %add3A_125 = arith.addi %mul3A_123, %add3A_124 : i32
    %mul3A_126 = arith.constant 624 : i32
    %mul3A_127 = arith.muli %arg1, %mul3A_126 : i32
    %add3A_128 = arith.constant 144 : i32
    %add3A_129 = arith.addi %mul3A_127, %add3A_128 : i32
    %mul3A_130 = arith.constant 624 : i32
    %mul3A_131 = arith.muli %arg1, %mul3A_130 : i32
    %add3A_132 = arith.constant 168 : i32
    %add3A_133 = arith.addi %mul3A_131, %add3A_132 : i32
    %mul3A_134 = arith.constant 624 : i32
    %mul3A_135 = arith.muli %arg1, %mul3A_134 : i32
    %add3A_136 = arith.constant 192 : i32
    %add3A_137 = arith.addi %mul3A_135, %add3A_136 : i32
    %mul3A_138 = arith.constant 624 : i32
    %mul3A_139 = arith.muli %arg1, %mul3A_138 : i32
    %add3A_140 = arith.constant 216 : i32
    %add3A_141 = arith.addi %mul3A_139, %add3A_140 : i32
    %mul3A_142 = arith.constant 624 : i32
    %mul3A_143 = arith.muli %arg1, %mul3A_142 : i32
    %add3A_144 = arith.constant 240 : i32
    %add3A_145 = arith.addi %mul3A_143, %add3A_144 : i32
    %mul3A_146 = arith.constant 624 : i32
    %mul3A_147 = arith.muli %arg1, %mul3A_146 : i32
    %add3A_148 = arith.constant 264 : i32
    %add3A_149 = arith.addi %mul3A_147, %add3A_148 : i32
    %mul3A_150 = arith.constant 624 : i32
    %mul3A_151 = arith.muli %arg1, %mul3A_150 : i32
    %add3A_152 = arith.constant 288 : i32
    %add3A_153 = arith.addi %mul3A_151, %add3A_152 : i32
    %mul3A_154 = arith.constant 624 : i32
    %mul3A_155 = arith.muli %arg1, %mul3A_154 : i32
    %add3A_156 = arith.constant 312 : i32
    %add3A_157 = arith.addi %mul3A_155, %add3A_156 : i32
    %mul3A_158 = arith.constant 624 : i32
    %mul3A_159 = arith.muli %arg1, %mul3A_158 : i32
    %add3A_160 = arith.constant 336 : i32
    %add3A_161 = arith.addi %mul3A_159, %add3A_160 : i32
    %mul3A_162 = arith.constant 624 : i32
    %mul3A_163 = arith.muli %arg1, %mul3A_162 : i32
    %add3A_164 = arith.constant 360 : i32
    %add3A_165 = arith.addi %mul3A_163, %add3A_164 : i32
    %mul3A_166 = arith.constant 624 : i32
    %mul3A_167 = arith.muli %arg1, %mul3A_166 : i32
    %add3A_168 = arith.constant 384 : i32
    %add3A_169 = arith.addi %mul3A_167, %add3A_168 : i32
    %mul3A_170 = arith.constant 624 : i32
    %mul3A_171 = arith.muli %arg1, %mul3A_170 : i32
    %add3A_172 = arith.constant 408 : i32
    %add3A_173 = arith.addi %mul3A_171, %add3A_172 : i32
    %mul3A_174 = arith.constant 624 : i32
    %mul3A_175 = arith.muli %arg1, %mul3A_174 : i32
    %add3A_176 = arith.constant 432 : i32
    %add3A_177 = arith.addi %mul3A_175, %add3A_176 : i32
    %mul3A_178 = arith.constant 624 : i32
    %mul3A_179 = arith.muli %arg1, %mul3A_178 : i32
    %add3A_180 = arith.constant 456 : i32
    %add3A_181 = arith.addi %mul3A_179, %add3A_180 : i32
    %mul3A_182 = arith.constant 624 : i32
    %mul3A_183 = arith.muli %arg1, %mul3A_182 : i32
    %add3A_184 = arith.constant 480 : i32
    %add3A_185 = arith.addi %mul3A_183, %add3A_184 : i32
    %mul3A_186 = arith.constant 624 : i32
    %mul3A_187 = arith.muli %arg1, %mul3A_186 : i32
    %add3A_188 = arith.constant 504 : i32
    %add3A_189 = arith.addi %mul3A_187, %add3A_188 : i32
    %mul3A_190 = arith.constant 624 : i32
    %mul3A_191 = arith.muli %arg1, %mul3A_190 : i32
    %add3A_192 = arith.constant 528 : i32
    %add3A_193 = arith.addi %mul3A_191, %add3A_192 : i32
    %mul3A_194 = arith.constant 624 : i32
    %mul3A_195 = arith.muli %arg1, %mul3A_194 : i32
    %add3A_196 = arith.constant 552 : i32
    %add3A_197 = arith.addi %mul3A_195, %add3A_196 : i32
    %mul3A_198 = arith.constant 624 : i32
    %mul3A_199 = arith.muli %arg1, %mul3A_198 : i32
    %add3A_200 = arith.constant 576 : i32
    %add3A_201 = arith.addi %mul3A_199, %add3A_200 : i32
    %mul3A_202 = arith.constant 624 : i32
    %mul3A_203 = arith.muli %arg1, %mul3A_202 : i32
    %add3A_204 = arith.constant 600 : i32
    %add3A_205 = arith.addi %mul3A_203, %add3A_204 : i32
    %dma_start3A_206 = arith.constant 0 : i32
    %dma_start3A_207 = tpu.memref_slice %arg6[%add3A_105, %dma_start3A_206] : memref<10000x128xf32, #tpu.memory_space<vmem_shared>> -> memref<24x128xf32, #tpu.memory_space<vmem_shared>>
    %dma_start3A_208 = arith.constant 0 : i32
    %dma_start3A_209 = tpu.memref_slice %arg6[%add3A_105, %dma_start3A_208] : memref<10000x128xf32, #tpu.memory_space<vmem_shared>> -> memref<24x128xf32, #tpu.memory_space<vmem_shared>>
    tpu.enqueue_dma source(%arg27 : memref<24x128xf32, #tpu.memory_space<vmem>>) target(%dma_start3A_209 : memref<24x128xf32, #tpu.memory_space<vmem_shared>>) target_semaphore(%arg52 : memref<!tpu.dma_semaphore, #tpu.memory_space<semaphore_mem>>)
    %dma_start3A_210 = arith.constant 0 : i32
    %dma_start3A_211 = tpu.memref_slice %arg6[%add3A_109, %dma_start3A_210] : memref<10000x128xf32, #tpu.memory_space<vmem_shared>> -> memref<24x128xf32, #tpu.memory_space<vmem_shared>>
    %dma_start3A_212 = arith.constant 0 : i32
    %dma_start3A_213 = tpu.memref_slice %arg6[%add3A_109, %dma_start3A_212] : memref<10000x128xf32, #tpu.memory_space<vmem_shared>> -> memref<24x128xf32, #tpu.memory_space<vmem_shared>>
    tpu.enqueue_dma source(%arg27 : memref<24x128xf32, #tpu.memory_space<vmem>>) target(%dma_start3A_213 : memref<24x128xf32, #tpu.memory_space<vmem_shared>>) target_semaphore(%arg52 : memref<!tpu.dma_semaphore, #tpu.memory_space<semaphore_mem>>)
    %dma_start3A_214 = arith.constant 0 : i32
    %dma_start3A_215 = tpu.memref_slice %arg6[%add3A_113, %dma_start3A_214] : memref<10000x128xf32, #tpu.memory_space<vmem_shared>> -> memref<24x128xf32, #tpu.memory_space<vmem_shared>>
    %dma_start3A_216 = arith.constant 0 : i32
    %dma_start3A_217 = tpu.memref_slice %arg6[%add3A_113, %dma_start3A_216] : memref<10000x128xf32, #tpu.memory_space<vmem_shared>> -> memref<24x128xf32, #tpu.memory_space<vmem_shared>>
    tpu.enqueue_dma source(%arg27 : memref<24x128xf32, #tpu.memory_space<vmem>>) target(%dma_start3A_217 : memref<24x128xf32, #tpu.memory_space<vmem_shared>>) target_semaphore(%arg52 : memref<!tpu.dma_semaphore, #tpu.memory_space<semaphore_mem>>)
    %dma_start3A_218 = arith.constant 0 : i32
    %dma_start3A_219 = tpu.memref_slice %arg6[%add3A_117, %dma_start3A_218] : memref<10000x128xf32, #tpu.memory_space<vmem_shared>> -> memref<24x128xf32, #tpu.memory_space<vmem_shared>>
    %dma_start3A_220 = arith.constant 0 : i32
    %dma_start3A_221 = tpu.memref_slice %arg6[%add3A_117, %dma_start3A_220] : memref<10000x128xf32, #tpu.memory_space<vmem_shared>> -> memref<24x128xf32, #tpu.memory_space<vmem_shared>>
    tpu.enqueue_dma source(%arg27 : memref<24x128xf32, #tpu.memory_space<vmem>>) target(%dma_start3A_221 : memref<24x128xf32, #tpu.memory_space<vmem_shared>>) target_semaphore(%arg52 : memref<!tpu.dma_semaphore, #tpu.memory_space<semaphore_mem>>)
    %dma_start3A_222 = arith.constant 0 : i32
    %dma_start3A_223 = tpu.memref_slice %arg6[%add3A_121, %dma_start3A_222] : memref<10000x128xf32, #tpu.memory_space<vmem_shared>> -> memref<24x128xf32, #tpu.memory_space<vmem_shared>>
    %dma_start3A_224 = arith.constant 0 : i32
    %dma_start3A_225 = tpu.memref_slice %arg6[%add3A_121, %dma_start3A_224] : memref<10000x128xf32, #tpu.memory_space<vmem_shared>> -> memref<24x128xf32, #tpu.memory_space<vmem_shared>>
    tpu.enqueue_dma source(%arg27 : memref<24x128xf32, #tpu.memory_space<vmem>>) target(%dma_start3A_225 : memref<24x128xf32, #tpu.memory_space<vmem_shared>>) target_semaphore(%arg52 : memref<!tpu.dma_semaphore, #tpu.memory_space<semaphore_mem>>)
    %dma_start3A_226 = arith.constant 0 : i32
    %dma_start3A_227 = tpu.memref_slice %arg6[%add3A_125, %dma_start3A_226] : memref<10000x128xf32, #tpu.memory_space<vmem_shared>> -> memref<24x128xf32, #tpu.memory_space<vmem_shared>>
    %dma_start3A_228 = arith.constant 0 : i32
    %dma_start3A_229 = tpu.memref_slice %arg6[%add3A_125, %dma_start3A_228] : memref<10000x128xf32, #tpu.memory_space<vmem_shared>> -> memref<24x128xf32, #tpu.memory_space<vmem_shared>>
    tpu.enqueue_dma source(%arg27 : memref<24x128xf32, #tpu.memory_space<vmem>>) target(%dma_start3A_229 : memref<24x128xf32, #tpu.memory_space<vmem_shared>>) target_semaphore(%arg52 : memref<!tpu.dma_semaphore, #tpu.memory_space<semaphore_mem>>)
    %dma_start3A_230 = arith.constant 0 : i32
    %dma_start3A_231 = tpu.memref_slice %arg6[%add3A_129, %dma_start3A_230] : memref<10000x128xf32, #tpu.memory_space<vmem_shared>> -> memref<24x128xf32, #tpu.memory_space<vmem_shared>>
    %dma_start3A_232 = arith.constant 0 : i32
    %dma_start3A_233 = tpu.memref_slice %arg6[%add3A_129, %dma_start3A_232] : memref<10000x128xf32, #tpu.memory_space<vmem_shared>> -> memref<24x128xf32, #tpu.memory_space<vmem_shared>>
    tpu.enqueue_dma source(%arg27 : memref<24x128xf32, #tpu.memory_space<vmem>>) target(%dma_start3A_233 : memref<24x128xf32, #tpu.memory_space<vmem_shared>>) target_semaphore(%arg52 : memref<!tpu.dma_semaphore, #tpu.memory_space<semaphore_mem>>)
    %dma_start3A_234 = arith.constant 0 : i32
    %dma_start3A_235 = tpu.memref_slice %arg6[%add3A_133, %dma_start3A_234] : memref<10000x128xf32, #tpu.memory_space<vmem_shared>> -> memref<24x128xf32, #tpu.memory_space<vmem_shared>>
    %dma_start3A_236 = arith.constant 0 : i32
    %dma_start3A_237 = tpu.memref_slice %arg6[%add3A_133, %dma_start3A_236] : memref<10000x128xf32, #tpu.memory_space<vmem_shared>> -> memref<24x128xf32, #tpu.memory_space<vmem_shared>>
    tpu.enqueue_dma source(%arg27 : memref<24x128xf32, #tpu.memory_space<vmem>>) target(%dma_start3A_237 : memref<24x128xf32, #tpu.memory_space<vmem_shared>>) target_semaphore(%arg52 : memref<!tpu.dma_semaphore, #tpu.memory_space<semaphore_mem>>)
    %dma_start3A_238 = arith.constant 0 : i32
    %dma_start3A_239 = tpu.memref_slice %arg6[%add3A_137, %dma_start3A_238] : memref<10000x128xf32, #tpu.memory_space<vmem_shared>> -> memref<24x128xf32, #tpu.memory_space<vmem_shared>>
    %dma_start3A_240 = arith.constant 0 : i32
    %dma_start3A_241 = tpu.memref_slice %arg6[%add3A_137, %dma_start3A_240] : memref<10000x128xf32, #tpu.memory_space<vmem_shared>> -> memref<24x128xf32, #tpu.memory_space<vmem_shared>>
    tpu.enqueue_dma source(%arg27 : memref<24x128xf32, #tpu.memory_space<vmem>>) target(%dma_start3A_241 : memref<24x128xf32, #tpu.memory_space<vmem_shared>>) target_semaphore(%arg52 : memref<!tpu.dma_semaphore, #tpu.memory_space<semaphore_mem>>)
    %dma_start3A_242 = arith.constant 0 : i32
    %dma_start3A_243 = tpu.memref_slice %arg6[%add3A_141, %dma_start3A_242] : memref<10000x128xf32, #tpu.memory_space<vmem_shared>> -> memref<24x128xf32, #tpu.memory_space<vmem_shared>>
    %dma_start3A_244 = arith.constant 0 : i32
    %dma_start3A_245 = tpu.memref_slice %arg6[%add3A_141, %dma_start3A_244] : memref<10000x128xf32, #tpu.memory_space<vmem_shared>> -> memref<24x128xf32, #tpu.memory_space<vmem_shared>>
    tpu.enqueue_dma source(%arg27 : memref<24x128xf32, #tpu.memory_space<vmem>>) target(%dma_start3A_245 : memref<24x128xf32, #tpu.memory_space<vmem_shared>>) target_semaphore(%arg52 : memref<!tpu.dma_semaphore, #tpu.memory_space<semaphore_mem>>)
    %dma_start3A_246 = arith.constant 0 : i32
    %dma_start3A_247 = tpu.memref_slice %arg6[%add3A_145, %dma_start3A_246] : memref<10000x128xf32, #tpu.memory_space<vmem_shared>> -> memref<24x128xf32, #tpu.memory_space<vmem_shared>>
    %dma_start3A_248 = arith.constant 0 : i32
    %dma_start3A_249 = tpu.memref_slice %arg6[%add3A_145, %dma_start3A_248] : memref<10000x128xf32, #tpu.memory_space<vmem_shared>> -> memref<24x128xf32, #tpu.memory_space<vmem_shared>>
    tpu.enqueue_dma source(%arg27 : memref<24x128xf32, #tpu.memory_space<vmem>>) target(%dma_start3A_249 : memref<24x128xf32, #tpu.memory_space<vmem_shared>>) target_semaphore(%arg52 : memref<!tpu.dma_semaphore, #tpu.memory_space<semaphore_mem>>)
    %dma_start3A_250 = arith.constant 0 : i32
    %dma_start3A_251 = tpu.memref_slice %arg6[%add3A_149, %dma_start3A_250] : memref<10000x128xf32, #tpu.memory_space<vmem_shared>> -> memref<24x128xf32, #tpu.memory_space<vmem_shared>>
    %dma_start3A_252 = arith.constant 0 : i32
    %dma_start3A_253 = tpu.memref_slice %arg6[%add3A_149, %dma_start3A_252] : memref<10000x128xf32, #tpu.memory_space<vmem_shared>> -> memref<24x128xf32, #tpu.memory_space<vmem_shared>>
    tpu.enqueue_dma source(%arg27 : memref<24x128xf32, #tpu.memory_space<vmem>>) target(%dma_start3A_253 : memref<24x128xf32, #tpu.memory_space<vmem_shared>>) target_semaphore(%arg52 : memref<!tpu.dma_semaphore, #tpu.memory_space<semaphore_mem>>)
    %dma_start3A_254 = arith.constant 0 : i32
    %dma_start3A_255 = tpu.memref_slice %arg6[%add3A_153, %dma_start3A_254] : memref<10000x128xf32, #tpu.memory_space<vmem_shared>> -> memref<24x128xf32, #tpu.memory_space<vmem_shared>>
    %dma_start3A_256 = arith.constant 0 : i32
    %dma_start3A_257 = tpu.memref_slice %arg6[%add3A_153, %dma_start3A_256] : memref<10000x128xf32, #tpu.memory_space<vmem_shared>> -> memref<24x128xf32, #tpu.memory_space<vmem_shared>>
    tpu.enqueue_dma source(%arg27 : memref<24x128xf32, #tpu.memory_space<vmem>>) target(%dma_start3A_257 : memref<24x128xf32, #tpu.memory_space<vmem_shared>>) target_semaphore(%arg52 : memref<!tpu.dma_semaphore, #tpu.memory_space<semaphore_mem>>)
    %dma_start3A_258 = arith.constant 0 : i32
    %dma_start3A_259 = tpu.memref_slice %arg6[%add3A_157, %dma_start3A_258] : memref<10000x128xf32, #tpu.memory_space<vmem_shared>> -> memref<24x128xf32, #tpu.memory_space<vmem_shared>>
    %dma_start3A_260 = arith.constant 0 : i32
    %dma_start3A_261 = tpu.memref_slice %arg6[%add3A_157, %dma_start3A_260] : memref<10000x128xf32, #tpu.memory_space<vmem_shared>> -> memref<24x128xf32, #tpu.memory_space<vmem_shared>>
    tpu.enqueue_dma source(%arg27 : memref<24x128xf32, #tpu.memory_space<vmem>>) target(%dma_start3A_261 : memref<24x128xf32, #tpu.memory_space<vmem_shared>>) target_semaphore(%arg52 : memref<!tpu.dma_semaphore, #tpu.memory_space<semaphore_mem>>)
    %dma_start3A_262 = arith.constant 0 : i32
    %dma_start3A_263 = tpu.memref_slice %arg6[%add3A_161, %dma_start3A_262] : memref<10000x128xf32, #tpu.memory_space<vmem_shared>> -> memref<24x128xf32, #tpu.memory_space<vmem_shared>>
    %dma_start3A_264 = arith.constant 0 : i32
    %dma_start3A_265 = tpu.memref_slice %arg6[%add3A_161, %dma_start3A_264] : memref<10000x128xf32, #tpu.memory_space<vmem_shared>> -> memref<24x128xf32, #tpu.memory_space<vmem_shared>>
    tpu.enqueue_dma source(%arg27 : memref<24x128xf32, #tpu.memory_space<vmem>>) target(%dma_start3A_265 : memref<24x128xf32, #tpu.memory_space<vmem_shared>>) target_semaphore(%arg52 : memref<!tpu.dma_semaphore, #tpu.memory_space<semaphore_mem>>)
    %dma_start3A_266 = arith.constant 0 : i32
    %dma_start3A_267 = tpu.memref_slice %arg6[%add3A_165, %dma_start3A_266] : memref<10000x128xf32, #tpu.memory_space<vmem_shared>> -> memref<24x128xf32, #tpu.memory_space<vmem_shared>>
    %dma_start3A_268 = arith.constant 0 : i32
    %dma_start3A_269 = tpu.memref_slice %arg6[%add3A_165, %dma_start3A_268] : memref<10000x128xf32, #tpu.memory_space<vmem_shared>> -> memref<24x128xf32, #tpu.memory_space<vmem_shared>>
    tpu.enqueue_dma source(%arg27 : memref<24x128xf32, #tpu.memory_space<vmem>>) target(%dma_start3A_269 : memref<24x128xf32, #tpu.memory_space<vmem_shared>>) target_semaphore(%arg52 : memref<!tpu.dma_semaphore, #tpu.memory_space<semaphore_mem>>)
    %dma_start3A_270 = arith.constant 0 : i32
    %dma_start3A_271 = tpu.memref_slice %arg6[%add3A_169, %dma_start3A_270] : memref<10000x128xf32, #tpu.memory_space<vmem_shared>> -> memref<24x128xf32, #tpu.memory_space<vmem_shared>>
    %dma_start3A_272 = arith.constant 0 : i32
    %dma_start3A_273 = tpu.memref_slice %arg6[%add3A_169, %dma_start3A_272] : memref<10000x128xf32, #tpu.memory_space<vmem_shared>> -> memref<24x128xf32, #tpu.memory_space<vmem_shared>>
    tpu.enqueue_dma source(%arg27 : memref<24x128xf32, #tpu.memory_space<vmem>>) target(%dma_start3A_273 : memref<24x128xf32, #tpu.memory_space<vmem_shared>>) target_semaphore(%arg52 : memref<!tpu.dma_semaphore, #tpu.memory_space<semaphore_mem>>)
    %dma_start3A_274 = arith.constant 0 : i32
    %dma_start3A_275 = tpu.memref_slice %arg6[%add3A_173, %dma_start3A_274] : memref<10000x128xf32, #tpu.memory_space<vmem_shared>> -> memref<24x128xf32, #tpu.memory_space<vmem_shared>>
    %dma_start3A_276 = arith.constant 0 : i32
    %dma_start3A_277 = tpu.memref_slice %arg6[%add3A_173, %dma_start3A_276] : memref<10000x128xf32, #tpu.memory_space<vmem_shared>> -> memref<24x128xf32, #tpu.memory_space<vmem_shared>>
    tpu.enqueue_dma source(%arg27 : memref<24x128xf32, #tpu.memory_space<vmem>>) target(%dma_start3A_277 : memref<24x128xf32, #tpu.memory_space<vmem_shared>>) target_semaphore(%arg52 : memref<!tpu.dma_semaphore, #tpu.memory_space<semaphore_mem>>)
    %dma_start3A_278 = arith.constant 0 : i32
    %dma_start3A_279 = tpu.memref_slice %arg6[%add3A_177, %dma_start3A_278] : memref<10000x128xf32, #tpu.memory_space<vmem_shared>> -> memref<24x128xf32, #tpu.memory_space<vmem_shared>>
    %dma_start3A_280 = arith.constant 0 : i32
    %dma_start3A_281 = tpu.memref_slice %arg6[%add3A_177, %dma_start3A_280] : memref<10000x128xf32, #tpu.memory_space<vmem_shared>> -> memref<24x128xf32, #tpu.memory_space<vmem_shared>>
    tpu.enqueue_dma source(%arg27 : memref<24x128xf32, #tpu.memory_space<vmem>>) target(%dma_start3A_281 : memref<24x128xf32, #tpu.memory_space<vmem_shared>>) target_semaphore(%arg52 : memref<!tpu.dma_semaphore, #tpu.memory_space<semaphore_mem>>)
    %dma_start3A_282 = arith.constant 0 : i32
    %dma_start3A_283 = tpu.memref_slice %arg6[%add3A_181, %dma_start3A_282] : memref<10000x128xf32, #tpu.memory_space<vmem_shared>> -> memref<24x128xf32, #tpu.memory_space<vmem_shared>>
    %dma_start3A_284 = arith.constant 0 : i32
    %dma_start3A_285 = tpu.memref_slice %arg6[%add3A_181, %dma_start3A_284] : memref<10000x128xf32, #tpu.memory_space<vmem_shared>> -> memref<24x128xf32, #tpu.memory_space<vmem_shared>>
    tpu.enqueue_dma source(%arg27 : memref<24x128xf32, #tpu.memory_space<vmem>>) target(%dma_start3A_285 : memref<24x128xf32, #tpu.memory_space<vmem_shared>>) target_semaphore(%arg52 : memref<!tpu.dma_semaphore, #tpu.memory_space<semaphore_mem>>)
    %dma_start3A_286 = arith.constant 0 : i32
    %dma_start3A_287 = tpu.memref_slice %arg6[%add3A_185, %dma_start3A_286] : memref<10000x128xf32, #tpu.memory_space<vmem_shared>> -> memref<24x128xf32, #tpu.memory_space<vmem_shared>>
    %dma_start3A_288 = arith.constant 0 : i32
    %dma_start3A_289 = tpu.memref_slice %arg6[%add3A_185, %dma_start3A_288] : memref<10000x128xf32, #tpu.memory_space<vmem_shared>> -> memref<24x128xf32, #tpu.memory_space<vmem_shared>>
    tpu.enqueue_dma source(%arg27 : memref<24x128xf32, #tpu.memory_space<vmem>>) target(%dma_start3A_289 : memref<24x128xf32, #tpu.memory_space<vmem_shared>>) target_semaphore(%arg52 : memref<!tpu.dma_semaphore, #tpu.memory_space<semaphore_mem>>)
    %dma_start3A_290 = arith.constant 0 : i32
    %dma_start3A_291 = tpu.memref_slice %arg6[%add3A_189, %dma_start3A_290] : memref<10000x128xf32, #tpu.memory_space<vmem_shared>> -> memref<24x128xf32, #tpu.memory_space<vmem_shared>>
    %dma_start3A_292 = arith.constant 0 : i32
    %dma_start3A_293 = tpu.memref_slice %arg6[%add3A_189, %dma_start3A_292] : memref<10000x128xf32, #tpu.memory_space<vmem_shared>> -> memref<24x128xf32, #tpu.memory_space<vmem_shared>>
    tpu.enqueue_dma source(%arg27 : memref<24x128xf32, #tpu.memory_space<vmem>>) target(%dma_start3A_293 : memref<24x128xf32, #tpu.memory_space<vmem_shared>>) target_semaphore(%arg52 : memref<!tpu.dma_semaphore, #tpu.memory_space<semaphore_mem>>)
    %dma_start3A_294 = arith.constant 0 : i32
    %dma_start3A_295 = tpu.memref_slice %arg6[%add3A_193, %dma_start3A_294] : memref<10000x128xf32, #tpu.memory_space<vmem_shared>> -> memref<24x128xf32, #tpu.memory_space<vmem_shared>>
    %dma_start3A_296 = arith.constant 0 : i32
    %dma_start3A_297 = tpu.memref_slice %arg6[%add3A_193, %dma_start3A_296] : memref<10000x128xf32, #tpu.memory_space<vmem_shared>> -> memref<24x128xf32, #tpu.memory_space<vmem_shared>>
    tpu.enqueue_dma source(%arg27 : memref<24x128xf32, #tpu.memory_space<vmem>>) target(%dma_start3A_297 : memref<24x128xf32, #tpu.memory_space<vmem_shared>>) target_semaphore(%arg52 : memref<!tpu.dma_semaphore, #tpu.memory_space<semaphore_mem>>)
    %dma_start3A_298 = arith.constant 0 : i32
    %dma_start3A_299 = tpu.memref_slice %arg6[%add3A_197, %dma_start3A_298] : memref<10000x128xf32, #tpu.memory_space<vmem_shared>> -> memref<24x128xf32, #tpu.memory_space<vmem_shared>>
    %dma_start3A_300 = arith.constant 0 : i32
    %dma_start3A_301 = tpu.memref_slice %arg6[%add3A_197, %dma_start3A_300] : memref<10000x128xf32, #tpu.memory_space<vmem_shared>> -> memref<24x128xf32, #tpu.memory_space<vmem_shared>>
    tpu.enqueue_dma source(%arg27 : memref<24x128xf32, #tpu.memory_space<vmem>>) target(%dma_start3A_301 : memref<24x128xf32, #tpu.memory_space<vmem_shared>>) target_semaphore(%arg52 : memref<!tpu.dma_semaphore, #tpu.memory_space<semaphore_mem>>)
    %dma_start3A_302 = arith.constant 0 : i32
    %dma_start3A_303 = tpu.memref_slice %arg6[%add3A_201, %dma_start3A_302] : memref<10000x128xf32, #tpu.memory_space<vmem_shared>> -> memref<24x128xf32, #tpu.memory_space<vmem_shared>>
    %dma_start3A_304 = arith.constant 0 : i32
    %dma_start3A_305 = tpu.memref_slice %arg6[%add3A_201, %dma_start3A_304] : memref<10000x128xf32, #tpu.memory_space<vmem_shared>> -> memref<24x128xf32, #tpu.memory_space<vmem_shared>>
    tpu.enqueue_dma source(%arg27 : memref<24x128xf32, #tpu.memory_space<vmem>>) target(%dma_start3A_305 : memref<24x128xf32, #tpu.memory_space<vmem_shared>>) target_semaphore(%arg52 : memref<!tpu.dma_semaphore, #tpu.memory_space<semaphore_mem>>)
    %dma_start3A_306 = arith.constant 0 : i32
    %dma_start3A_307 = tpu.memref_slice %arg6[%add3A_205, %dma_start3A_306] : memref<10000x128xf32, #tpu.memory_space<vmem_shared>> -> memref<24x128xf32, #tpu.memory_space<vmem_shared>>
    %dma_start3A_308 = arith.constant 0 : i32
    %dma_start3A_309 = tpu.memref_slice %arg6[%add3A_205, %dma_start3A_308] : memref<10000x128xf32, #tpu.memory_space<vmem_shared>> -> memref<24x128xf32, #tpu.memory_space<vmem_shared>>
    tpu.enqueue_dma source(%arg27 : memref<24x128xf32, #tpu.memory_space<vmem>>) target(%dma_start3A_309 : memref<24x128xf32, #tpu.memory_space<vmem_shared>>) target_semaphore(%arg52 : memref<!tpu.dma_semaphore, #tpu.memory_space<semaphore_mem>>)
    %eq3A = arith.constant 15 : i32
    %eq3A_310 = arith.cmpi eq, %arg1, %eq3A : i32
    %convert_element_type3A = arith.extui %eq3A_310 : i1 to i32
    %cond3A = arith.constant 0 : i32
    %cond3A_311 = arith.cmpi ne, %convert_element_type3A, %cond3A : i32
    scf.if %cond3A_311 {
      "tpu.region"() ({
        %run_scoped3A = tpu.sem_alloc : memref<!tpu.dma_semaphore, #tpu.memory_space<semaphore_mem>>
        %dma_start3A_577 = arith.constant 0 : i32
        %dma_start3A_578 = arith.constant 0 : i32
        %dma_start3A_579 = tpu.memref_slice %arg27[%dma_start3A_577, %dma_start3A_578] : memref<24x128xf32, #tpu.memory_space<vmem>> -> memref<16x128xf32, #tpu.memory_space<vmem>>
        %dma_start3A_580 = arith.constant 9984 : i32
        %dma_start3A_581 = arith.constant 0 : i32
        %dma_start3A_582 = tpu.memref_slice %arg6[%dma_start3A_580, %dma_start3A_581] : memref<10000x128xf32, #tpu.memory_space<vmem_shared>> -> memref<16x128xf32, #tpu.memory_space<vmem_shared>>
        %dma_start3A_583 = arith.constant 9984 : i32
        %dma_start3A_584 = arith.constant 0 : i32
        %dma_start3A_585 = tpu.memref_slice %arg6[%dma_start3A_583, %dma_start3A_584] : memref<10000x128xf32, #tpu.memory_space<vmem_shared>> -> memref<16x128xf32, #tpu.memory_space<vmem_shared>>
        %dma_start3A_586 = arith.constant 0 : i32
        %dma_start3A_587 = arith.constant 0 : i32
        %dma_start3A_588 = tpu.memref_slice %arg27[%dma_start3A_586, %dma_start3A_587] : memref<24x128xf32, #tpu.memory_space<vmem>> -> memref<16x128xf32, #tpu.memory_space<vmem>>
        tpu.enqueue_dma source(%dma_start3A_588 : memref<16x128xf32, #tpu.memory_space<vmem>>) target(%dma_start3A_585 : memref<16x128xf32, #tpu.memory_space<vmem_shared>>) target_semaphore(%run_scoped3A : memref<!tpu.dma_semaphore, #tpu.memory_space<semaphore_mem>>)
        %dma_wait3A_589 = arith.constant 0 : i32
        %dma_wait3A_590 = arith.constant 0 : i32
        %dma_wait3A_591 = tpu.memref_slice %arg27[%dma_wait3A_589, %dma_wait3A_590] : memref<24x128xf32, #tpu.memory_space<vmem>> -> memref<16x128xf32, #tpu.memory_space<vmem>>
        %dma_wait3A_592 = arith.constant 9984 : i32
        %dma_wait3A_593 = arith.constant 0 : i32
        %dma_wait3A_594 = tpu.memref_slice %arg6[%dma_wait3A_592, %dma_wait3A_593] : memref<10000x128xf32, #tpu.memory_space<vmem_shared>> -> memref<16x128xf32, #tpu.memory_space<vmem_shared>>
        %dma_wait3A_595 = arith.constant 9984 : i32
        %dma_wait3A_596 = arith.constant 0 : i32
        %dma_wait3A_597 = tpu.memref_slice %arg6[%dma_wait3A_595, %dma_wait3A_596] : memref<10000x128xf32, #tpu.memory_space<vmem_shared>> -> memref<16x128xf32, #tpu.memory_space<vmem_shared>>
        %dma_wait3A_598 = arith.constant 0 : i32
        %dma_wait3A_599 = arith.constant 0 : i32
        %dma_wait3A_600 = tpu.memref_slice %arg27[%dma_wait3A_598, %dma_wait3A_599] : memref<24x128xf32, #tpu.memory_space<vmem>> -> memref<16x128xf32, #tpu.memory_space<vmem>>
        tpu.wait_dma2 semaphore(%run_scoped3A : memref<!tpu.dma_semaphore, #tpu.memory_space<semaphore_mem>>) src(%dma_wait3A_600 : memref<16x128xf32, #tpu.memory_space<vmem>>) dst(%dma_wait3A_597 : memref<16x128xf32, #tpu.memory_space<vmem_shared>>)
        tpu.yield
      }) : () -> ()
    } else {
    }
    %dma_wait3A = arith.constant 0 : i32
    %dma_wait3A_312 = arith.constant 0 : i32
    %dma_wait3A_313 = arith.constant 0 : i32
    %dma_wait3A_314 = tpu.memref_slice %arg3[%add3A, %dma_wait3A, %dma_wait3A_312, %dma_wait3A_313] : memref<32x125x1x80xi32, #tpu.memory_space<hbm>> -> memref<1x1x1x80xi32, #tpu.memory_space<hbm>>
    %dma_wait3A_315 = tpu.memref_squeeze %dma_wait3A_314 : memref<1x1x1x80xi32, #tpu.memory_space<hbm>> -> memref<80xi32, #tpu.memory_space<hbm>>
    %dma_wait3A_316 = arith.constant 0 : i32
    %dma_wait3A_317 = tpu.memref_slice %arg3[%add3A, %dma_wait3A, %dma_wait3A_312, %dma_wait3A_316] : memref<32x125x1x80xi32, #tpu.memory_space<hbm>> -> memref<1x1x1x80xi32, #tpu.memory_space<hbm>>
    %dma_wait3A_318 = tpu.memref_squeeze %dma_wait3A_317 : memref<1x1x1x80xi32, #tpu.memory_space<hbm>> -> memref<80xi32, #tpu.memory_space<hbm>>
    tpu.wait_dma2 semaphore(%arg28 : memref<!tpu.dma_semaphore, #tpu.memory_space<semaphore_mem>>) src(%dma_wait3A_318 : memref<80xi32, #tpu.memory_space<hbm>>) dst(%arg7 : memref<80xi32, #tpu.memory_space<vmem>>)
    %dma_wait3A_319 = arith.constant 0 : i32
    %dma_wait3A_320 = arith.constant 0 : i32
    %dma_wait3A_321 = arith.constant 0 : i32
    %dma_wait3A_322 = tpu.memref_slice %arg4[%add3A, %dma_wait3A_319, %dma_wait3A_320, %dma_wait3A_321] : memref<32x125x1x80xi32, #tpu.memory_space<hbm>> -> memref<1x1x1x80xi32, #tpu.memory_space<hbm>>
    %dma_wait3A_323 = tpu.memref_squeeze %dma_wait3A_322 : memref<1x1x1x80xi32, #tpu.memory_space<hbm>> -> memref<80xi32, #tpu.memory_space<hbm>>
    %dma_wait3A_324 = arith.constant 0 : i32
    %dma_wait3A_325 = tpu.memref_slice %arg4[%add3A, %dma_wait3A_319, %dma_wait3A_320, %dma_wait3A_324] : memref<32x125x1x80xi32, #tpu.memory_space<hbm>> -> memref<1x1x1x80xi32, #tpu.memory_space<hbm>>
    %dma_wait3A_326 = tpu.memref_squeeze %dma_wait3A_325 : memref<1x1x1x80xi32, #tpu.memory_space<hbm>> -> memref<80xi32, #tpu.memory_space<hbm>>
    tpu.wait_dma2 semaphore(%arg36 : memref<!tpu.dma_semaphore, #tpu.memory_space<semaphore_mem>>) src(%dma_wait3A_326 : memref<80xi32, #tpu.memory_space<hbm>>) dst(%arg15 : memref<80xi32, #tpu.memory_space<vmem>>)
    %dma_start3A_327 = arith.constant 0 : i32
    %dma_start3A_328 = arith.constant 0 : i32
    %dma_start3A_329 = tpu.memref_slice %arg2[%dma_start3A_327, %dma_start3A_328] : memref<10000x128xf32, #tpu.memory_space<hbm>> -> memref<10000x128xf32, #tpu.memory_space<hbm>>
    tpu.enqueue_indirect_dma source(%dma_start3A_329 : memref<10000x128xf32, #tpu.memory_space<hbm>>) target(%arg23 : memref<80x128xf32, #tpu.memory_space<vmem>>) offsets(%arg7 : memref<80xi32, #tpu.memory_space<vmem>>) semaphore(%arg44 : memref<!tpu.dma_semaphore, #tpu.memory_space<semaphore_mem>>)
    %dma_wait3A_330 = arith.constant 1 : i32
    %dma_wait3A_331 = arith.constant 0 : i32
    %dma_wait3A_332 = arith.constant 0 : i32
    %dma_wait3A_333 = tpu.memref_slice %arg3[%add3A, %dma_wait3A_330, %dma_wait3A_331, %dma_wait3A_332] : memref<32x125x1x80xi32, #tpu.memory_space<hbm>> -> memref<1x1x1x80xi32, #tpu.memory_space<hbm>>
    %dma_wait3A_334 = tpu.memref_squeeze %dma_wait3A_333 : memref<1x1x1x80xi32, #tpu.memory_space<hbm>> -> memref<80xi32, #tpu.memory_space<hbm>>
    %dma_wait3A_335 = arith.constant 0 : i32
    %dma_wait3A_336 = tpu.memref_slice %arg3[%add3A, %dma_wait3A_330, %dma_wait3A_331, %dma_wait3A_335] : memref<32x125x1x80xi32, #tpu.memory_space<hbm>> -> memref<1x1x1x80xi32, #tpu.memory_space<hbm>>
    %dma_wait3A_337 = tpu.memref_squeeze %dma_wait3A_336 : memref<1x1x1x80xi32, #tpu.memory_space<hbm>> -> memref<80xi32, #tpu.memory_space<hbm>>
    tpu.wait_dma2 semaphore(%arg29 : memref<!tpu.dma_semaphore, #tpu.memory_space<semaphore_mem>>) src(%dma_wait3A_337 : memref<80xi32, #tpu.memory_space<hbm>>) dst(%arg8 : memref<80xi32, #tpu.memory_space<vmem>>)
    %dma_wait3A_338 = arith.constant 1 : i32
    %dma_wait3A_339 = arith.constant 0 : i32
    %dma_wait3A_340 = arith.constant 0 : i32
    %dma_wait3A_341 = tpu.memref_slice %arg4[%add3A, %dma_wait3A_338, %dma_wait3A_339, %dma_wait3A_340] : memref<32x125x1x80xi32, #tpu.memory_space<hbm>> -> memref<1x1x1x80xi32, #tpu.memory_space<hbm>>
    %dma_wait3A_342 = tpu.memref_squeeze %dma_wait3A_341 : memref<1x1x1x80xi32, #tpu.memory_space<hbm>> -> memref<80xi32, #tpu.memory_space<hbm>>
    %dma_wait3A_343 = arith.constant 0 : i32
    %dma_wait3A_344 = tpu.memref_slice %arg4[%add3A, %dma_wait3A_338, %dma_wait3A_339, %dma_wait3A_343] : memref<32x125x1x80xi32, #tpu.memory_space<hbm>> -> memref<1x1x1x80xi32, #tpu.memory_space<hbm>>
    %dma_wait3A_345 = tpu.memref_squeeze %dma_wait3A_344 : memref<1x1x1x80xi32, #tpu.memory_space<hbm>> -> memref<80xi32, #tpu.memory_space<hbm>>
    tpu.wait_dma2 semaphore(%arg37 : memref<!tpu.dma_semaphore, #tpu.memory_space<semaphore_mem>>) src(%dma_wait3A_345 : memref<80xi32, #tpu.memory_space<hbm>>) dst(%arg16 : memref<80xi32, #tpu.memory_space<vmem>>)
    %dma_start3A_346 = arith.constant 0 : i32
    %dma_start3A_347 = arith.constant 0 : i32
    %dma_start3A_348 = tpu.memref_slice %arg2[%dma_start3A_346, %dma_start3A_347] : memref<10000x128xf32, #tpu.memory_space<hbm>> -> memref<10000x128xf32, #tpu.memory_space<hbm>>
    tpu.enqueue_indirect_dma source(%dma_start3A_348 : memref<10000x128xf32, #tpu.memory_space<hbm>>) target(%arg24 : memref<80x128xf32, #tpu.memory_space<vmem>>) offsets(%arg8 : memref<80xi32, #tpu.memory_space<vmem>>) semaphore(%arg45 : memref<!tpu.dma_semaphore, #tpu.memory_space<semaphore_mem>>)
    %dma_wait3A_349 = arith.constant 0 : i32
    %dma_wait3A_350 = tpu.memref_slice %arg6[%add3A_105, %dma_wait3A_349] : memref<10000x128xf32, #tpu.memory_space<vmem_shared>> -> memref<24x128xf32, #tpu.memory_space<vmem_shared>>
    %dma_wait3A_351 = arith.constant 0 : i32
    %dma_wait3A_352 = tpu.memref_slice %arg6[%add3A_105, %dma_wait3A_351] : memref<10000x128xf32, #tpu.memory_space<vmem_shared>> -> memref<24x128xf32, #tpu.memory_space<vmem_shared>>
    tpu.wait_dma2 semaphore(%arg52 : memref<!tpu.dma_semaphore, #tpu.memory_space<semaphore_mem>>) src(%arg27 : memref<24x128xf32, #tpu.memory_space<vmem>>) dst(%dma_wait3A_352 : memref<24x128xf32, #tpu.memory_space<vmem_shared>>)
    %dma_wait3A_353 = arith.constant 0 : i32
    %dma_wait3A_354 = tpu.memref_slice %arg6[%add3A_109, %dma_wait3A_353] : memref<10000x128xf32, #tpu.memory_space<vmem_shared>> -> memref<24x128xf32, #tpu.memory_space<vmem_shared>>
    %dma_wait3A_355 = arith.constant 0 : i32
    %dma_wait3A_356 = tpu.memref_slice %arg6[%add3A_109, %dma_wait3A_355] : memref<10000x128xf32, #tpu.memory_space<vmem_shared>> -> memref<24x128xf32, #tpu.memory_space<vmem_shared>>
    tpu.wait_dma2 semaphore(%arg52 : memref<!tpu.dma_semaphore, #tpu.memory_space<semaphore_mem>>) src(%arg27 : memref<24x128xf32, #tpu.memory_space<vmem>>) dst(%dma_wait3A_356 : memref<24x128xf32, #tpu.memory_space<vmem_shared>>)
    %dma_wait3A_357 = arith.constant 0 : i32
    %dma_wait3A_358 = tpu.memref_slice %arg6[%add3A_113, %dma_wait3A_357] : memref<10000x128xf32, #tpu.memory_space<vmem_shared>> -> memref<24x128xf32, #tpu.memory_space<vmem_shared>>
    %dma_wait3A_359 = arith.constant 0 : i32
    %dma_wait3A_360 = tpu.memref_slice %arg6[%add3A_113, %dma_wait3A_359] : memref<10000x128xf32, #tpu.memory_space<vmem_shared>> -> memref<24x128xf32, #tpu.memory_space<vmem_shared>>
    tpu.wait_dma2 semaphore(%arg52 : memref<!tpu.dma_semaphore, #tpu.memory_space<semaphore_mem>>) src(%arg27 : memref<24x128xf32, #tpu.memory_space<vmem>>) dst(%dma_wait3A_360 : memref<24x128xf32, #tpu.memory_space<vmem_shared>>)
    %dma_wait3A_361 = arith.constant 0 : i32
    %dma_wait3A_362 = tpu.memref_slice %arg6[%add3A_117, %dma_wait3A_361] : memref<10000x128xf32, #tpu.memory_space<vmem_shared>> -> memref<24x128xf32, #tpu.memory_space<vmem_shared>>
    %dma_wait3A_363 = arith.constant 0 : i32
    %dma_wait3A_364 = tpu.memref_slice %arg6[%add3A_117, %dma_wait3A_363] : memref<10000x128xf32, #tpu.memory_space<vmem_shared>> -> memref<24x128xf32, #tpu.memory_space<vmem_shared>>
    tpu.wait_dma2 semaphore(%arg52 : memref<!tpu.dma_semaphore, #tpu.memory_space<semaphore_mem>>) src(%arg27 : memref<24x128xf32, #tpu.memory_space<vmem>>) dst(%dma_wait3A_364 : memref<24x128xf32, #tpu.memory_space<vmem_shared>>)
    %dma_wait3A_365 = arith.constant 0 : i32
    %dma_wait3A_366 = tpu.memref_slice %arg6[%add3A_121, %dma_wait3A_365] : memref<10000x128xf32, #tpu.memory_space<vmem_shared>> -> memref<24x128xf32, #tpu.memory_space<vmem_shared>>
    %dma_wait3A_367 = arith.constant 0 : i32
    %dma_wait3A_368 = tpu.memref_slice %arg6[%add3A_121, %dma_wait3A_367] : memref<10000x128xf32, #tpu.memory_space<vmem_shared>> -> memref<24x128xf32, #tpu.memory_space<vmem_shared>>
    tpu.wait_dma2 semaphore(%arg52 : memref<!tpu.dma_semaphore, #tpu.memory_space<semaphore_mem>>) src(%arg27 : memref<24x128xf32, #tpu.memory_space<vmem>>) dst(%dma_wait3A_368 : memref<24x128xf32, #tpu.memory_space<vmem_shared>>)
    %dma_wait3A_369 = arith.constant 0 : i32
    %dma_wait3A_370 = tpu.memref_slice %arg6[%add3A_125, %dma_wait3A_369] : memref<10000x128xf32, #tpu.memory_space<vmem_shared>> -> memref<24x128xf32, #tpu.memory_space<vmem_shared>>
    %dma_wait3A_371 = arith.constant 0 : i32
    %dma_wait3A_372 = tpu.memref_slice %arg6[%add3A_125, %dma_wait3A_371] : memref<10000x128xf32, #tpu.memory_space<vmem_shared>> -> memref<24x128xf32, #tpu.memory_space<vmem_shared>>
    tpu.wait_dma2 semaphore(%arg52 : memref<!tpu.dma_semaphore, #tpu.memory_space<semaphore_mem>>) src(%arg27 : memref<24x128xf32, #tpu.memory_space<vmem>>) dst(%dma_wait3A_372 : memref<24x128xf32, #tpu.memory_space<vmem_shared>>)
    %dma_wait3A_373 = arith.constant 0 : i32
    %dma_wait3A_374 = tpu.memref_slice %arg6[%add3A_129, %dma_wait3A_373] : memref<10000x128xf32, #tpu.memory_space<vmem_shared>> -> memref<24x128xf32, #tpu.memory_space<vmem_shared>>
    %dma_wait3A_375 = arith.constant 0 : i32
    %dma_wait3A_376 = tpu.memref_slice %arg6[%add3A_129, %dma_wait3A_375] : memref<10000x128xf32, #tpu.memory_space<vmem_shared>> -> memref<24x128xf32, #tpu.memory_space<vmem_shared>>
    tpu.wait_dma2 semaphore(%arg52 : memref<!tpu.dma_semaphore, #tpu.memory_space<semaphore_mem>>) src(%arg27 : memref<24x128xf32, #tpu.memory_space<vmem>>) dst(%dma_wait3A_376 : memref<24x128xf32, #tpu.memory_space<vmem_shared>>)
    %dma_wait3A_377 = arith.constant 0 : i32
    %dma_wait3A_378 = tpu.memref_slice %arg6[%add3A_133, %dma_wait3A_377] : memref<10000x128xf32, #tpu.memory_space<vmem_shared>> -> memref<24x128xf32, #tpu.memory_space<vmem_shared>>
    %dma_wait3A_379 = arith.constant 0 : i32
    %dma_wait3A_380 = tpu.memref_slice %arg6[%add3A_133, %dma_wait3A_379] : memref<10000x128xf32, #tpu.memory_space<vmem_shared>> -> memref<24x128xf32, #tpu.memory_space<vmem_shared>>
    tpu.wait_dma2 semaphore(%arg52 : memref<!tpu.dma_semaphore, #tpu.memory_space<semaphore_mem>>) src(%arg27 : memref<24x128xf32, #tpu.memory_space<vmem>>) dst(%dma_wait3A_380 : memref<24x128xf32, #tpu.memory_space<vmem_shared>>)
    %dma_wait3A_381 = arith.constant 0 : i32
    %dma_wait3A_382 = tpu.memref_slice %arg6[%add3A_137, %dma_wait3A_381] : memref<10000x128xf32, #tpu.memory_space<vmem_shared>> -> memref<24x128xf32, #tpu.memory_space<vmem_shared>>
    %dma_wait3A_383 = arith.constant 0 : i32
    %dma_wait3A_384 = tpu.memref_slice %arg6[%add3A_137, %dma_wait3A_383] : memref<10000x128xf32, #tpu.memory_space<vmem_shared>> -> memref<24x128xf32, #tpu.memory_space<vmem_shared>>
    tpu.wait_dma2 semaphore(%arg52 : memref<!tpu.dma_semaphore, #tpu.memory_space<semaphore_mem>>) src(%arg27 : memref<24x128xf32, #tpu.memory_space<vmem>>) dst(%dma_wait3A_384 : memref<24x128xf32, #tpu.memory_space<vmem_shared>>)
    %dma_wait3A_385 = arith.constant 0 : i32
    %dma_wait3A_386 = tpu.memref_slice %arg6[%add3A_141, %dma_wait3A_385] : memref<10000x128xf32, #tpu.memory_space<vmem_shared>> -> memref<24x128xf32, #tpu.memory_space<vmem_shared>>
    %dma_wait3A_387 = arith.constant 0 : i32
    %dma_wait3A_388 = tpu.memref_slice %arg6[%add3A_141, %dma_wait3A_387] : memref<10000x128xf32, #tpu.memory_space<vmem_shared>> -> memref<24x128xf32, #tpu.memory_space<vmem_shared>>
    tpu.wait_dma2 semaphore(%arg52 : memref<!tpu.dma_semaphore, #tpu.memory_space<semaphore_mem>>) src(%arg27 : memref<24x128xf32, #tpu.memory_space<vmem>>) dst(%dma_wait3A_388 : memref<24x128xf32, #tpu.memory_space<vmem_shared>>)
    %dma_wait3A_389 = arith.constant 0 : i32
    %dma_wait3A_390 = tpu.memref_slice %arg6[%add3A_145, %dma_wait3A_389] : memref<10000x128xf32, #tpu.memory_space<vmem_shared>> -> memref<24x128xf32, #tpu.memory_space<vmem_shared>>
    %dma_wait3A_391 = arith.constant 0 : i32
    %dma_wait3A_392 = tpu.memref_slice %arg6[%add3A_145, %dma_wait3A_391] : memref<10000x128xf32, #tpu.memory_space<vmem_shared>> -> memref<24x128xf32, #tpu.memory_space<vmem_shared>>
    tpu.wait_dma2 semaphore(%arg52 : memref<!tpu.dma_semaphore, #tpu.memory_space<semaphore_mem>>) src(%arg27 : memref<24x128xf32, #tpu.memory_space<vmem>>) dst(%dma_wait3A_392 : memref<24x128xf32, #tpu.memory_space<vmem_shared>>)
    %dma_wait3A_393 = arith.constant 0 : i32
    %dma_wait3A_394 = tpu.memref_slice %arg6[%add3A_149, %dma_wait3A_393] : memref<10000x128xf32, #tpu.memory_space<vmem_shared>> -> memref<24x128xf32, #tpu.memory_space<vmem_shared>>
    %dma_wait3A_395 = arith.constant 0 : i32
    %dma_wait3A_396 = tpu.memref_slice %arg6[%add3A_149, %dma_wait3A_395] : memref<10000x128xf32, #tpu.memory_space<vmem_shared>> -> memref<24x128xf32, #tpu.memory_space<vmem_shared>>
    tpu.wait_dma2 semaphore(%arg52 : memref<!tpu.dma_semaphore, #tpu.memory_space<semaphore_mem>>) src(%arg27 : memref<24x128xf32, #tpu.memory_space<vmem>>) dst(%dma_wait3A_396 : memref<24x128xf32, #tpu.memory_space<vmem_shared>>)
    %dma_wait3A_397 = arith.constant 0 : i32
    %dma_wait3A_398 = tpu.memref_slice %arg6[%add3A_153, %dma_wait3A_397] : memref<10000x128xf32, #tpu.memory_space<vmem_shared>> -> memref<24x128xf32, #tpu.memory_space<vmem_shared>>
    %dma_wait3A_399 = arith.constant 0 : i32
    %dma_wait3A_400 = tpu.memref_slice %arg6[%add3A_153, %dma_wait3A_399] : memref<10000x128xf32, #tpu.memory_space<vmem_shared>> -> memref<24x128xf32, #tpu.memory_space<vmem_shared>>
    tpu.wait_dma2 semaphore(%arg52 : memref<!tpu.dma_semaphore, #tpu.memory_space<semaphore_mem>>) src(%arg27 : memref<24x128xf32, #tpu.memory_space<vmem>>) dst(%dma_wait3A_400 : memref<24x128xf32, #tpu.memory_space<vmem_shared>>)
    %dma_wait3A_401 = arith.constant 0 : i32
    %dma_wait3A_402 = tpu.memref_slice %arg6[%add3A_157, %dma_wait3A_401] : memref<10000x128xf32, #tpu.memory_space<vmem_shared>> -> memref<24x128xf32, #tpu.memory_space<vmem_shared>>
    %dma_wait3A_403 = arith.constant 0 : i32
    %dma_wait3A_404 = tpu.memref_slice %arg6[%add3A_157, %dma_wait3A_403] : memref<10000x128xf32, #tpu.memory_space<vmem_shared>> -> memref<24x128xf32, #tpu.memory_space<vmem_shared>>
    tpu.wait_dma2 semaphore(%arg52 : memref<!tpu.dma_semaphore, #tpu.memory_space<semaphore_mem>>) src(%arg27 : memref<24x128xf32, #tpu.memory_space<vmem>>) dst(%dma_wait3A_404 : memref<24x128xf32, #tpu.memory_space<vmem_shared>>)
    %dma_wait3A_405 = arith.constant 0 : i32
    %dma_wait3A_406 = tpu.memref_slice %arg6[%add3A_161, %dma_wait3A_405] : memref<10000x128xf32, #tpu.memory_space<vmem_shared>> -> memref<24x128xf32, #tpu.memory_space<vmem_shared>>
    %dma_wait3A_407 = arith.constant 0 : i32
    %dma_wait3A_408 = tpu.memref_slice %arg6[%add3A_161, %dma_wait3A_407] : memref<10000x128xf32, #tpu.memory_space<vmem_shared>> -> memref<24x128xf32, #tpu.memory_space<vmem_shared>>
    tpu.wait_dma2 semaphore(%arg52 : memref<!tpu.dma_semaphore, #tpu.memory_space<semaphore_mem>>) src(%arg27 : memref<24x128xf32, #tpu.memory_space<vmem>>) dst(%dma_wait3A_408 : memref<24x128xf32, #tpu.memory_space<vmem_shared>>)
    %dma_wait3A_409 = arith.constant 0 : i32
    %dma_wait3A_410 = tpu.memref_slice %arg6[%add3A_165, %dma_wait3A_409] : memref<10000x128xf32, #tpu.memory_space<vmem_shared>> -> memref<24x128xf32, #tpu.memory_space<vmem_shared>>
    %dma_wait3A_411 = arith.constant 0 : i32
    %dma_wait3A_412 = tpu.memref_slice %arg6[%add3A_165, %dma_wait3A_411] : memref<10000x128xf32, #tpu.memory_space<vmem_shared>> -> memref<24x128xf32, #tpu.memory_space<vmem_shared>>
    tpu.wait_dma2 semaphore(%arg52 : memref<!tpu.dma_semaphore, #tpu.memory_space<semaphore_mem>>) src(%arg27 : memref<24x128xf32, #tpu.memory_space<vmem>>) dst(%dma_wait3A_412 : memref<24x128xf32, #tpu.memory_space<vmem_shared>>)
    %dma_wait3A_413 = arith.constant 0 : i32
    %dma_wait3A_414 = tpu.memref_slice %arg6[%add3A_169, %dma_wait3A_413] : memref<10000x128xf32, #tpu.memory_space<vmem_shared>> -> memref<24x128xf32, #tpu.memory_space<vmem_shared>>
    %dma_wait3A_415 = arith.constant 0 : i32
    %dma_wait3A_416 = tpu.memref_slice %arg6[%add3A_169, %dma_wait3A_415] : memref<10000x128xf32, #tpu.memory_space<vmem_shared>> -> memref<24x128xf32, #tpu.memory_space<vmem_shared>>
    tpu.wait_dma2 semaphore(%arg52 : memref<!tpu.dma_semaphore, #tpu.memory_space<semaphore_mem>>) src(%arg27 : memref<24x128xf32, #tpu.memory_space<vmem>>) dst(%dma_wait3A_416 : memref<24x128xf32, #tpu.memory_space<vmem_shared>>)
    %dma_wait3A_417 = arith.constant 0 : i32
    %dma_wait3A_418 = tpu.memref_slice %arg6[%add3A_173, %dma_wait3A_417] : memref<10000x128xf32, #tpu.memory_space<vmem_shared>> -> memref<24x128xf32, #tpu.memory_space<vmem_shared>>
    %dma_wait3A_419 = arith.constant 0 : i32
    %dma_wait3A_420 = tpu.memref_slice %arg6[%add3A_173, %dma_wait3A_419] : memref<10000x128xf32, #tpu.memory_space<vmem_shared>> -> memref<24x128xf32, #tpu.memory_space<vmem_shared>>
    tpu.wait_dma2 semaphore(%arg52 : memref<!tpu.dma_semaphore, #tpu.memory_space<semaphore_mem>>) src(%arg27 : memref<24x128xf32, #tpu.memory_space<vmem>>) dst(%dma_wait3A_420 : memref<24x128xf32, #tpu.memory_space<vmem_shared>>)
    %dma_wait3A_421 = arith.constant 0 : i32
    %dma_wait3A_422 = tpu.memref_slice %arg6[%add3A_177, %dma_wait3A_421] : memref<10000x128xf32, #tpu.memory_space<vmem_shared>> -> memref<24x128xf32, #tpu.memory_space<vmem_shared>>
    %dma_wait3A_423 = arith.constant 0 : i32
    %dma_wait3A_424 = tpu.memref_slice %arg6[%add3A_177, %dma_wait3A_423] : memref<10000x128xf32, #tpu.memory_space<vmem_shared>> -> memref<24x128xf32, #tpu.memory_space<vmem_shared>>
    tpu.wait_dma2 semaphore(%arg52 : memref<!tpu.dma_semaphore, #tpu.memory_space<semaphore_mem>>) src(%arg27 : memref<24x128xf32, #tpu.memory_space<vmem>>) dst(%dma_wait3A_424 : memref<24x128xf32, #tpu.memory_space<vmem_shared>>)
    %dma_wait3A_425 = arith.constant 0 : i32
    %dma_wait3A_426 = tpu.memref_slice %arg6[%add3A_181, %dma_wait3A_425] : memref<10000x128xf32, #tpu.memory_space<vmem_shared>> -> memref<24x128xf32, #tpu.memory_space<vmem_shared>>
    %dma_wait3A_427 = arith.constant 0 : i32
    %dma_wait3A_428 = tpu.memref_slice %arg6[%add3A_181, %dma_wait3A_427] : memref<10000x128xf32, #tpu.memory_space<vmem_shared>> -> memref<24x128xf32, #tpu.memory_space<vmem_shared>>
    tpu.wait_dma2 semaphore(%arg52 : memref<!tpu.dma_semaphore, #tpu.memory_space<semaphore_mem>>) src(%arg27 : memref<24x128xf32, #tpu.memory_space<vmem>>) dst(%dma_wait3A_428 : memref<24x128xf32, #tpu.memory_space<vmem_shared>>)
    %dma_wait3A_429 = arith.constant 0 : i32
    %dma_wait3A_430 = tpu.memref_slice %arg6[%add3A_185, %dma_wait3A_429] : memref<10000x128xf32, #tpu.memory_space<vmem_shared>> -> memref<24x128xf32, #tpu.memory_space<vmem_shared>>
    %dma_wait3A_431 = arith.constant 0 : i32
    %dma_wait3A_432 = tpu.memref_slice %arg6[%add3A_185, %dma_wait3A_431] : memref<10000x128xf32, #tpu.memory_space<vmem_shared>> -> memref<24x128xf32, #tpu.memory_space<vmem_shared>>
    tpu.wait_dma2 semaphore(%arg52 : memref<!tpu.dma_semaphore, #tpu.memory_space<semaphore_mem>>) src(%arg27 : memref<24x128xf32, #tpu.memory_space<vmem>>) dst(%dma_wait3A_432 : memref<24x128xf32, #tpu.memory_space<vmem_shared>>)
    %dma_wait3A_433 = arith.constant 0 : i32
    %dma_wait3A_434 = tpu.memref_slice %arg6[%add3A_189, %dma_wait3A_433] : memref<10000x128xf32, #tpu.memory_space<vmem_shared>> -> memref<24x128xf32, #tpu.memory_space<vmem_shared>>
    %dma_wait3A_435 = arith.constant 0 : i32
    %dma_wait3A_436 = tpu.memref_slice %arg6[%add3A_189, %dma_wait3A_435] : memref<10000x128xf32, #tpu.memory_space<vmem_shared>> -> memref<24x128xf32, #tpu.memory_space<vmem_shared>>
    tpu.wait_dma2 semaphore(%arg52 : memref<!tpu.dma_semaphore, #tpu.memory_space<semaphore_mem>>) src(%arg27 : memref<24x128xf32, #tpu.memory_space<vmem>>) dst(%dma_wait3A_436 : memref<24x128xf32, #tpu.memory_space<vmem_shared>>)
    %dma_wait3A_437 = arith.constant 0 : i32
    %dma_wait3A_438 = tpu.memref_slice %arg6[%add3A_193, %dma_wait3A_437] : memref<10000x128xf32, #tpu.memory_space<vmem_shared>> -> memref<24x128xf32, #tpu.memory_space<vmem_shared>>
    %dma_wait3A_439 = arith.constant 0 : i32
    %dma_wait3A_440 = tpu.memref_slice %arg6[%add3A_193, %dma_wait3A_439] : memref<10000x128xf32, #tpu.memory_space<vmem_shared>> -> memref<24x128xf32, #tpu.memory_space<vmem_shared>>
    tpu.wait_dma2 semaphore(%arg52 : memref<!tpu.dma_semaphore, #tpu.memory_space<semaphore_mem>>) src(%arg27 : memref<24x128xf32, #tpu.memory_space<vmem>>) dst(%dma_wait3A_440 : memref<24x128xf32, #tpu.memory_space<vmem_shared>>)
    %dma_wait3A_441 = arith.constant 0 : i32
    %dma_wait3A_442 = tpu.memref_slice %arg6[%add3A_197, %dma_wait3A_441] : memref<10000x128xf32, #tpu.memory_space<vmem_shared>> -> memref<24x128xf32, #tpu.memory_space<vmem_shared>>
    %dma_wait3A_443 = arith.constant 0 : i32
    %dma_wait3A_444 = tpu.memref_slice %arg6[%add3A_197, %dma_wait3A_443] : memref<10000x128xf32, #tpu.memory_space<vmem_shared>> -> memref<24x128xf32, #tpu.memory_space<vmem_shared>>
    tpu.wait_dma2 semaphore(%arg52 : memref<!tpu.dma_semaphore, #tpu.memory_space<semaphore_mem>>) src(%arg27 : memref<24x128xf32, #tpu.memory_space<vmem>>) dst(%dma_wait3A_444 : memref<24x128xf32, #tpu.memory_space<vmem_shared>>)
    %dma_wait3A_445 = arith.constant 0 : i32
    %dma_wait3A_446 = tpu.memref_slice %arg6[%add3A_201, %dma_wait3A_445] : memref<10000x128xf32, #tpu.memory_space<vmem_shared>> -> memref<24x128xf32, #tpu.memory_space<vmem_shared>>
    %dma_wait3A_447 = arith.constant 0 : i32
    %dma_wait3A_448 = tpu.memref_slice %arg6[%add3A_201, %dma_wait3A_447] : memref<10000x128xf32, #tpu.memory_space<vmem_shared>> -> memref<24x128xf32, #tpu.memory_space<vmem_shared>>
    tpu.wait_dma2 semaphore(%arg52 : memref<!tpu.dma_semaphore, #tpu.memory_space<semaphore_mem>>) src(%arg27 : memref<24x128xf32, #tpu.memory_space<vmem>>) dst(%dma_wait3A_448 : memref<24x128xf32, #tpu.memory_space<vmem_shared>>)
    %dma_wait3A_449 = arith.constant 0 : i32
    %dma_wait3A_450 = tpu.memref_slice %arg6[%add3A_205, %dma_wait3A_449] : memref<10000x128xf32, #tpu.memory_space<vmem_shared>> -> memref<24x128xf32, #tpu.memory_space<vmem_shared>>
    %dma_wait3A_451 = arith.constant 0 : i32
    %dma_wait3A_452 = tpu.memref_slice %arg6[%add3A_205, %dma_wait3A_451] : memref<10000x128xf32, #tpu.memory_space<vmem_shared>> -> memref<24x128xf32, #tpu.memory_space<vmem_shared>>
    tpu.wait_dma2 semaphore(%arg52 : memref<!tpu.dma_semaphore, #tpu.memory_space<semaphore_mem>>) src(%arg27 : memref<24x128xf32, #tpu.memory_space<vmem>>) dst(%dma_wait3A_452 : memref<24x128xf32, #tpu.memory_space<vmem_shared>>)
    %barrier3A = arith.constant 0 : index
    tpu.barrier barrier_id(%barrier3A)
    %scan3A_453 = arith.constant 0 : i32
    %scan3A_454 = arith.constant 0 : i32
    %scan3A_455 = arith.constant 15 : i32
    %scan3A_456 = arith.addi %scan3A_454, %scan3A_455 : i32
    %scan3A_457 = arith.constant 1 : i32
    scf.for %scan3A_577 = %scan3A_454 to %scan3A_456 step %scan3A_457  : i32 {
      %mul3A_578 = arith.constant 8 : i32
      %mul3A_579 = arith.muli %mul3A_578, %scan3A_577 : i32
      %add3A_580 = arith.constant 0 : i32
      %add3A_581 = arith.addi %mul3A_579, %add3A_580 : i32
      %dma_wait3A_582 = arith.constant 0 : i32
      %dma_wait3A_583 = arith.constant 0 : i32
      %dma_wait3A_584 = tpu.memref_slice %arg2[%dma_wait3A_582, %dma_wait3A_583] : memref<10000x128xf32, #tpu.memory_space<hbm>> -> memref<10000x128xf32, #tpu.memory_space<hbm>>
      tpu.wait_indirect_dma semaphore(%arg44 : memref<!tpu.dma_semaphore, #tpu.memory_space<semaphore_mem>>) src(%dma_wait3A_584 : memref<10000x128xf32, #tpu.memory_space<hbm>>) dst(%arg23 : memref<80x128xf32, #tpu.memory_space<vmem>>)
      %dma_start3A_585 = arith.constant 0 : i32
      %dma_start3A_586 = arith.constant 0 : i32
      %dma_start3A_587 = tpu.memref_slice %arg6[%dma_start3A_585, %dma_start3A_586] : memref<10000x128xf32, #tpu.memory_space<vmem_shared>> -> memref<10000x128xf32, #tpu.memory_space<vmem_shared>>
      tpu.enqueue_indirect_dma source(%arg23 : memref<80x128xf32, #tpu.memory_space<vmem>>) target(%dma_start3A_587 : memref<10000x128xf32, #tpu.memory_space<vmem_shared>>) offsets(%arg15 : memref<80xi32, #tpu.memory_space<vmem>>) semaphore(%arg48 : memref<!tpu.dma_semaphore, #tpu.memory_space<semaphore_mem>>) {add = true}
      %ge3A = arith.constant 2 : i32
      %ge3A_588 = arith.cmpi sge, %add3A_581, %ge3A : i32
      %convert_element_type3A_589 = arith.extui %ge3A_588 : i1 to i32
      %cond3A_590 = arith.constant 0 : i32
      %cond3A_591 = arith.cmpi ne, %convert_element_type3A_589, %cond3A_590 : i32
      scf.if %cond3A_591 {
        %dma_wait3A_904 = arith.constant 0 : i32
        %dma_wait3A_905 = arith.constant 0 : i32
        %dma_wait3A_906 = tpu.memref_slice %arg6[%dma_wait3A_904, %dma_wait3A_905] : memref<10000x128xf32, #tpu.memory_space<vmem_shared>> -> memref<10000x128xf32, #tpu.memory_space<vmem_shared>>
        tpu.wait_indirect_dma semaphore(%arg50 : memref<!tpu.dma_semaphore, #tpu.memory_space<semaphore_mem>>) src(%arg25 : memref<80x128xf32, #tpu.memory_space<vmem>>) dst(%dma_wait3A_906 : memref<10000x128xf32, #tpu.memory_space<vmem_shared>>)
      } else {
      }
      %add3A_592 = arith.constant 6 : i32
      %add3A_593 = arith.addi %add3A_581, %add3A_592 : i32
      %lt3A = arith.constant 125 : i32
      %lt3A_594 = arith.cmpi slt, %add3A_593, %lt3A : i32
      %convert_element_type3A_595 = arith.extui %lt3A_594 : i1 to i32
      %cond3A_596 = arith.constant 0 : i32
      %cond3A_597 = arith.cmpi ne, %convert_element_type3A_595, %cond3A_596 : i32
      scf.if %cond3A_597 {
        %add3A_904 = arith.constant 6 : i32
        %add3A_905 = arith.addi %add3A_581, %add3A_904 : i32
        %dma_start3A_906 = arith.constant 0 : i32
        %dma_start3A_907 = arith.constant 0 : i32
        %dma_start3A_908 = tpu.memref_slice %arg3[%add3A, %add3A_905, %dma_start3A_906, %dma_start3A_907] : memref<32x125x1x80xi32, #tpu.memory_space<hbm>> -> memref<1x1x1x80xi32, #tpu.memory_space<hbm>>
        %dma_start3A_909 = tpu.memref_squeeze %dma_start3A_908 : memref<1x1x1x80xi32, #tpu.memory_space<hbm>> -> memref<80xi32, #tpu.memory_space<hbm>>
        %dma_start3A_910 = arith.constant 0 : i32
        %dma_start3A_911 = tpu.memref_slice %arg3[%add3A, %add3A_905, %dma_start3A_906, %dma_start3A_910] : memref<32x125x1x80xi32, #tpu.memory_space<hbm>> -> memref<1x1x1x80xi32, #tpu.memory_space<hbm>>
        %dma_start3A_912 = tpu.memref_squeeze %dma_start3A_911 : memref<1x1x1x80xi32, #tpu.memory_space<hbm>> -> memref<80xi32, #tpu.memory_space<hbm>>
        tpu.enqueue_dma source(%dma_start3A_912 : memref<80xi32, #tpu.memory_space<hbm>>) target(%arg13 : memref<80xi32, #tpu.memory_space<vmem>>) target_semaphore(%arg34 : memref<!tpu.dma_semaphore, #tpu.memory_space<semaphore_mem>>)
        %dma_start3A_913 = arith.constant 0 : i32
        %dma_start3A_914 = arith.constant 0 : i32
        %dma_start3A_915 = tpu.memref_slice %arg4[%add3A, %add3A_905, %dma_start3A_913, %dma_start3A_914] : memref<32x125x1x80xi32, #tpu.memory_space<hbm>> -> memref<1x1x1x80xi32, #tpu.memory_space<hbm>>
        %dma_start3A_916 = tpu.memref_squeeze %dma_start3A_915 : memref<1x1x1x80xi32, #tpu.memory_space<hbm>> -> memref<80xi32, #tpu.memory_space<hbm>>
        %dma_start3A_917 = arith.constant 0 : i32
        %dma_start3A_918 = tpu.memref_slice %arg4[%add3A, %add3A_905, %dma_start3A_913, %dma_start3A_917] : memref<32x125x1x80xi32, #tpu.memory_space<hbm>> -> memref<1x1x1x80xi32, #tpu.memory_space<hbm>>
        %dma_start3A_919 = tpu.memref_squeeze %dma_start3A_918 : memref<1x1x1x80xi32, #tpu.memory_space<hbm>> -> memref<80xi32, #tpu.memory_space<hbm>>
        tpu.enqueue_dma source(%dma_start3A_919 : memref<80xi32, #tpu.memory_space<hbm>>) target(%arg21 : memref<80xi32, #tpu.memory_space<vmem>>) target_semaphore(%arg42 : memref<!tpu.dma_semaphore, #tpu.memory_space<semaphore_mem>>)
      } else {
      }
      %add3A_598 = arith.constant 2 : i32
      %add3A_599 = arith.addi %add3A_581, %add3A_598 : i32
      %dma_wait3A_600 = arith.constant 0 : i32
      %dma_wait3A_601 = arith.constant 0 : i32
      %dma_wait3A_602 = tpu.memref_slice %arg3[%add3A, %add3A_599, %dma_wait3A_600, %dma_wait3A_601] : memref<32x125x1x80xi32, #tpu.memory_space<hbm>> -> memref<1x1x1x80xi32, #tpu.memory_space<hbm>>
      %dma_wait3A_603 = tpu.memref_squeeze %dma_wait3A_602 : memref<1x1x1x80xi32, #tpu.memory_space<hbm>> -> memref<80xi32, #tpu.memory_space<hbm>>
      %dma_wait3A_604 = arith.constant 0 : i32
      %dma_wait3A_605 = tpu.memref_slice %arg3[%add3A, %add3A_599, %dma_wait3A_600, %dma_wait3A_604] : memref<32x125x1x80xi32, #tpu.memory_space<hbm>> -> memref<1x1x1x80xi32, #tpu.memory_space<hbm>>
      %dma_wait3A_606 = tpu.memref_squeeze %dma_wait3A_605 : memref<1x1x1x80xi32, #tpu.memory_space<hbm>> -> memref<80xi32, #tpu.memory_space<hbm>>
      tpu.wait_dma2 semaphore(%arg30 : memref<!tpu.dma_semaphore, #tpu.memory_space<semaphore_mem>>) src(%dma_wait3A_606 : memref<80xi32, #tpu.memory_space<hbm>>) dst(%arg9 : memref<80xi32, #tpu.memory_space<vmem>>)
      %dma_wait3A_607 = arith.constant 0 : i32
      %dma_wait3A_608 = arith.constant 0 : i32
      %dma_wait3A_609 = tpu.memref_slice %arg4[%add3A, %add3A_599, %dma_wait3A_607, %dma_wait3A_608] : memref<32x125x1x80xi32, #tpu.memory_space<hbm>> -> memref<1x1x1x80xi32, #tpu.memory_space<hbm>>
      %dma_wait3A_610 = tpu.memref_squeeze %dma_wait3A_609 : memref<1x1x1x80xi32, #tpu.memory_space<hbm>> -> memref<80xi32, #tpu.memory_space<hbm>>
      %dma_wait3A_611 = arith.constant 0 : i32
      %dma_wait3A_612 = tpu.memref_slice %arg4[%add3A, %add3A_599, %dma_wait3A_607, %dma_wait3A_611] : memref<32x125x1x80xi32, #tpu.memory_space<hbm>> -> memref<1x1x1x80xi32, #tpu.memory_space<hbm>>
      %dma_wait3A_613 = tpu.memref_squeeze %dma_wait3A_612 : memref<1x1x1x80xi32, #tpu.memory_space<hbm>> -> memref<80xi32, #tpu.memory_space<hbm>>
      tpu.wait_dma2 semaphore(%arg38 : memref<!tpu.dma_semaphore, #tpu.memory_space<semaphore_mem>>) src(%dma_wait3A_613 : memref<80xi32, #tpu.memory_space<hbm>>) dst(%arg17 : memref<80xi32, #tpu.memory_space<vmem>>)
      %dma_start3A_614 = arith.constant 0 : i32
      %dma_start3A_615 = arith.constant 0 : i32
      %dma_start3A_616 = tpu.memref_slice %arg2[%dma_start3A_614, %dma_start3A_615] : memref<10000x128xf32, #tpu.memory_space<hbm>> -> memref<10000x128xf32, #tpu.memory_space<hbm>>
      tpu.enqueue_indirect_dma source(%dma_start3A_616 : memref<10000x128xf32, #tpu.memory_space<hbm>>) target(%arg25 : memref<80x128xf32, #tpu.memory_space<vmem>>) offsets(%arg9 : memref<80xi32, #tpu.memory_space<vmem>>) semaphore(%arg46 : memref<!tpu.dma_semaphore, #tpu.memory_space<semaphore_mem>>)
      %mul3A_617 = arith.constant 8 : i32
      %mul3A_618 = arith.muli %mul3A_617, %scan3A_577 : i32
      %add3A_619 = arith.constant 1 : i32
      %add3A_620 = arith.addi %mul3A_618, %add3A_619 : i32
      %dma_wait3A_621 = arith.constant 0 : i32
      %dma_wait3A_622 = arith.constant 0 : i32
      %dma_wait3A_623 = tpu.memref_slice %arg2[%dma_wait3A_621, %dma_wait3A_622] : memref<10000x128xf32, #tpu.memory_space<hbm>> -> memref<10000x128xf32, #tpu.memory_space<hbm>>
      tpu.wait_indirect_dma semaphore(%arg45 : memref<!tpu.dma_semaphore, #tpu.memory_space<semaphore_mem>>) src(%dma_wait3A_623 : memref<10000x128xf32, #tpu.memory_space<hbm>>) dst(%arg24 : memref<80x128xf32, #tpu.memory_space<vmem>>)
      %dma_start3A_624 = arith.constant 0 : i32
      %dma_start3A_625 = arith.constant 0 : i32
      %dma_start3A_626 = tpu.memref_slice %arg6[%dma_start3A_624, %dma_start3A_625] : memref<10000x128xf32, #tpu.memory_space<vmem_shared>> -> memref<10000x128xf32, #tpu.memory_space<vmem_shared>>
      tpu.enqueue_indirect_dma source(%arg24 : memref<80x128xf32, #tpu.memory_space<vmem>>) target(%dma_start3A_626 : memref<10000x128xf32, #tpu.memory_space<vmem_shared>>) offsets(%arg16 : memref<80xi32, #tpu.memory_space<vmem>>) semaphore(%arg49 : memref<!tpu.dma_semaphore, #tpu.memory_space<semaphore_mem>>) {add = true}
      %ge3A_627 = arith.constant 2 : i32
      %ge3A_628 = arith.cmpi sge, %add3A_620, %ge3A_627 : i32
      %convert_element_type3A_629 = arith.extui %ge3A_628 : i1 to i32
      %cond3A_630 = arith.constant 0 : i32
      %cond3A_631 = arith.cmpi ne, %convert_element_type3A_629, %cond3A_630 : i32
      scf.if %cond3A_631 {
        %dma_wait3A_904 = arith.constant 0 : i32
        %dma_wait3A_905 = arith.constant 0 : i32
        %dma_wait3A_906 = tpu.memref_slice %arg6[%dma_wait3A_904, %dma_wait3A_905] : memref<10000x128xf32, #tpu.memory_space<vmem_shared>> -> memref<10000x128xf32, #tpu.memory_space<vmem_shared>>
        tpu.wait_indirect_dma semaphore(%arg51 : memref<!tpu.dma_semaphore, #tpu.memory_space<semaphore_mem>>) src(%arg26 : memref<80x128xf32, #tpu.memory_space<vmem>>) dst(%dma_wait3A_906 : memref<10000x128xf32, #tpu.memory_space<vmem_shared>>)
      } else {
      }
      %add3A_632 = arith.constant 6 : i32
      %add3A_633 = arith.addi %add3A_620, %add3A_632 : i32
      %lt3A_634 = arith.constant 125 : i32
      %lt3A_635 = arith.cmpi slt, %add3A_633, %lt3A_634 : i32
      %convert_element_type3A_636 = arith.extui %lt3A_635 : i1 to i32
      %cond3A_637 = arith.constant 0 : i32
      %cond3A_638 = arith.cmpi ne, %convert_element_type3A_636, %cond3A_637 : i32
      scf.if %cond3A_638 {
        %add3A_904 = arith.constant 6 : i32
        %add3A_905 = arith.addi %add3A_620, %add3A_904 : i32
        %dma_start3A_906 = arith.constant 0 : i32
        %dma_start3A_907 = arith.constant 0 : i32
        %dma_start3A_908 = tpu.memref_slice %arg3[%add3A, %add3A_905, %dma_start3A_906, %dma_start3A_907] : memref<32x125x1x80xi32, #tpu.memory_space<hbm>> -> memref<1x1x1x80xi32, #tpu.memory_space<hbm>>
        %dma_start3A_909 = tpu.memref_squeeze %dma_start3A_908 : memref<1x1x1x80xi32, #tpu.memory_space<hbm>> -> memref<80xi32, #tpu.memory_space<hbm>>
        %dma_start3A_910 = arith.constant 0 : i32
        %dma_start3A_911 = tpu.memref_slice %arg3[%add3A, %add3A_905, %dma_start3A_906, %dma_start3A_910] : memref<32x125x1x80xi32, #tpu.memory_space<hbm>> -> memref<1x1x1x80xi32, #tpu.memory_space<hbm>>
        %dma_start3A_912 = tpu.memref_squeeze %dma_start3A_911 : memref<1x1x1x80xi32, #tpu.memory_space<hbm>> -> memref<80xi32, #tpu.memory_space<hbm>>
        tpu.enqueue_dma source(%dma_start3A_912 : memref<80xi32, #tpu.memory_space<hbm>>) target(%arg14 : memref<80xi32, #tpu.memory_space<vmem>>) target_semaphore(%arg35 : memref<!tpu.dma_semaphore, #tpu.memory_space<semaphore_mem>>)
        %dma_start3A_913 = arith.constant 0 : i32
        %dma_start3A_914 = arith.constant 0 : i32
        %dma_start3A_915 = tpu.memref_slice %arg4[%add3A, %add3A_905, %dma_start3A_913, %dma_start3A_914] : memref<32x125x1x80xi32, #tpu.memory_space<hbm>> -> memref<1x1x1x80xi32, #tpu.memory_space<hbm>>
        %dma_start3A_916 = tpu.memref_squeeze %dma_start3A_915 : memref<1x1x1x80xi32, #tpu.memory_space<hbm>> -> memref<80xi32, #tpu.memory_space<hbm>>
        %dma_start3A_917 = arith.constant 0 : i32
        %dma_start3A_918 = tpu.memref_slice %arg4[%add3A, %add3A_905, %dma_start3A_913, %dma_start3A_917] : memref<32x125x1x80xi32, #tpu.memory_space<hbm>> -> memref<1x1x1x80xi32, #tpu.memory_space<hbm>>
        %dma_start3A_919 = tpu.memref_squeeze %dma_start3A_918 : memref<1x1x1x80xi32, #tpu.memory_space<hbm>> -> memref<80xi32, #tpu.memory_space<hbm>>
        tpu.enqueue_dma source(%dma_start3A_919 : memref<80xi32, #tpu.memory_space<hbm>>) target(%arg22 : memref<80xi32, #tpu.memory_space<vmem>>) target_semaphore(%arg43 : memref<!tpu.dma_semaphore, #tpu.memory_space<semaphore_mem>>)
      } else {
      }
      %add3A_639 = arith.constant 2 : i32
      %add3A_640 = arith.addi %add3A_620, %add3A_639 : i32
      %dma_wait3A_641 = arith.constant 0 : i32
      %dma_wait3A_642 = arith.constant 0 : i32
      %dma_wait3A_643 = tpu.memref_slice %arg3[%add3A, %add3A_640, %dma_wait3A_641, %dma_wait3A_642] : memref<32x125x1x80xi32, #tpu.memory_space<hbm>> -> memref<1x1x1x80xi32, #tpu.memory_space<hbm>>
      %dma_wait3A_644 = tpu.memref_squeeze %dma_wait3A_643 : memref<1x1x1x80xi32, #tpu.memory_space<hbm>> -> memref<80xi32, #tpu.memory_space<hbm>>
      %dma_wait3A_645 = arith.constant 0 : i32
      %dma_wait3A_646 = tpu.memref_slice %arg3[%add3A, %add3A_640, %dma_wait3A_641, %dma_wait3A_645] : memref<32x125x1x80xi32, #tpu.memory_space<hbm>> -> memref<1x1x1x80xi32, #tpu.memory_space<hbm>>
      %dma_wait3A_647 = tpu.memref_squeeze %dma_wait3A_646 : memref<1x1x1x80xi32, #tpu.memory_space<hbm>> -> memref<80xi32, #tpu.memory_space<hbm>>
      tpu.wait_dma2 semaphore(%arg31 : memref<!tpu.dma_semaphore, #tpu.memory_space<semaphore_mem>>) src(%dma_wait3A_647 : memref<80xi32, #tpu.memory_space<hbm>>) dst(%arg10 : memref<80xi32, #tpu.memory_space<vmem>>)
      %dma_wait3A_648 = arith.constant 0 : i32
      %dma_wait3A_649 = arith.constant 0 : i32
      %dma_wait3A_650 = tpu.memref_slice %arg4[%add3A, %add3A_640, %dma_wait3A_648, %dma_wait3A_649] : memref<32x125x1x80xi32, #tpu.memory_space<hbm>> -> memref<1x1x1x80xi32, #tpu.memory_space<hbm>>
      %dma_wait3A_651 = tpu.memref_squeeze %dma_wait3A_650 : memref<1x1x1x80xi32, #tpu.memory_space<hbm>> -> memref<80xi32, #tpu.memory_space<hbm>>
      %dma_wait3A_652 = arith.constant 0 : i32
      %dma_wait3A_653 = tpu.memref_slice %arg4[%add3A, %add3A_640, %dma_wait3A_648, %dma_wait3A_652] : memref<32x125x1x80xi32, #tpu.memory_space<hbm>> -> memref<1x1x1x80xi32, #tpu.memory_space<hbm>>
      %dma_wait3A_654 = tpu.memref_squeeze %dma_wait3A_653 : memref<1x1x1x80xi32, #tpu.memory_space<hbm>> -> memref<80xi32, #tpu.memory_space<hbm>>
      tpu.wait_dma2 semaphore(%arg39 : memref<!tpu.dma_semaphore, #tpu.memory_space<semaphore_mem>>) src(%dma_wait3A_654 : memref<80xi32, #tpu.memory_space<hbm>>) dst(%arg18 : memref<80xi32, #tpu.memory_space<vmem>>)
      %dma_start3A_655 = arith.constant 0 : i32
      %dma_start3A_656 = arith.constant 0 : i32
      %dma_start3A_657 = tpu.memref_slice %arg2[%dma_start3A_655, %dma_start3A_656] : memref<10000x128xf32, #tpu.memory_space<hbm>> -> memref<10000x128xf32, #tpu.memory_space<hbm>>
      tpu.enqueue_indirect_dma source(%dma_start3A_657 : memref<10000x128xf32, #tpu.memory_space<hbm>>) target(%arg26 : memref<80x128xf32, #tpu.memory_space<vmem>>) offsets(%arg10 : memref<80xi32, #tpu.memory_space<vmem>>) semaphore(%arg47 : memref<!tpu.dma_semaphore, #tpu.memory_space<semaphore_mem>>)
      %mul3A_658 = arith.constant 8 : i32
      %mul3A_659 = arith.muli %mul3A_658, %scan3A_577 : i32
      %add3A_660 = arith.constant 2 : i32
      %add3A_661 = arith.addi %mul3A_659, %add3A_660 : i32
      %dma_wait3A_662 = arith.constant 0 : i32
      %dma_wait3A_663 = arith.constant 0 : i32
      %dma_wait3A_664 = tpu.memref_slice %arg2[%dma_wait3A_662, %dma_wait3A_663] : memref<10000x128xf32, #tpu.memory_space<hbm>> -> memref<10000x128xf32, #tpu.memory_space<hbm>>
      tpu.wait_indirect_dma semaphore(%arg46 : memref<!tpu.dma_semaphore, #tpu.memory_space<semaphore_mem>>) src(%dma_wait3A_664 : memref<10000x128xf32, #tpu.memory_space<hbm>>) dst(%arg25 : memref<80x128xf32, #tpu.memory_space<vmem>>)
      %dma_start3A_665 = arith.constant 0 : i32
      %dma_start3A_666 = arith.constant 0 : i32
      %dma_start3A_667 = tpu.memref_slice %arg6[%dma_start3A_665, %dma_start3A_666] : memref<10000x128xf32, #tpu.memory_space<vmem_shared>> -> memref<10000x128xf32, #tpu.memory_space<vmem_shared>>
      tpu.enqueue_indirect_dma source(%arg25 : memref<80x128xf32, #tpu.memory_space<vmem>>) target(%dma_start3A_667 : memref<10000x128xf32, #tpu.memory_space<vmem_shared>>) offsets(%arg17 : memref<80xi32, #tpu.memory_space<vmem>>) semaphore(%arg50 : memref<!tpu.dma_semaphore, #tpu.memory_space<semaphore_mem>>) {add = true}
      %ge3A_668 = arith.constant 2 : i32
      %ge3A_669 = arith.cmpi sge, %add3A_661, %ge3A_668 : i32
      %convert_element_type3A_670 = arith.extui %ge3A_669 : i1 to i32
      %cond3A_671 = arith.constant 0 : i32
      %cond3A_672 = arith.cmpi ne, %convert_element_type3A_670, %cond3A_671 : i32
      scf.if %cond3A_672 {
        %dma_wait3A_904 = arith.constant 0 : i32
        %dma_wait3A_905 = arith.constant 0 : i32
        %dma_wait3A_906 = tpu.memref_slice %arg6[%dma_wait3A_904, %dma_wait3A_905] : memref<10000x128xf32, #tpu.memory_space<vmem_shared>> -> memref<10000x128xf32, #tpu.memory_space<vmem_shared>>
        tpu.wait_indirect_dma semaphore(%arg48 : memref<!tpu.dma_semaphore, #tpu.memory_space<semaphore_mem>>) src(%arg23 : memref<80x128xf32, #tpu.memory_space<vmem>>) dst(%dma_wait3A_906 : memref<10000x128xf32, #tpu.memory_space<vmem_shared>>)
      } else {
      }
      %add3A_673 = arith.constant 6 : i32
      %add3A_674 = arith.addi %add3A_661, %add3A_673 : i32
      %lt3A_675 = arith.constant 125 : i32
      %lt3A_676 = arith.cmpi slt, %add3A_674, %lt3A_675 : i32
      %convert_element_type3A_677 = arith.extui %lt3A_676 : i1 to i32
      %cond3A_678 = arith.constant 0 : i32
      %cond3A_679 = arith.cmpi ne, %convert_element_type3A_677, %cond3A_678 : i32
      scf.if %cond3A_679 {
        %add3A_904 = arith.constant 6 : i32
        %add3A_905 = arith.addi %add3A_661, %add3A_904 : i32
        %dma_start3A_906 = arith.constant 0 : i32
        %dma_start3A_907 = arith.constant 0 : i32
        %dma_start3A_908 = tpu.memref_slice %arg3[%add3A, %add3A_905, %dma_start3A_906, %dma_start3A_907] : memref<32x125x1x80xi32, #tpu.memory_space<hbm>> -> memref<1x1x1x80xi32, #tpu.memory_space<hbm>>
        %dma_start3A_909 = tpu.memref_squeeze %dma_start3A_908 : memref<1x1x1x80xi32, #tpu.memory_space<hbm>> -> memref<80xi32, #tpu.memory_space<hbm>>
        %dma_start3A_910 = arith.constant 0 : i32
        %dma_start3A_911 = tpu.memref_slice %arg3[%add3A, %add3A_905, %dma_start3A_906, %dma_start3A_910] : memref<32x125x1x80xi32, #tpu.memory_space<hbm>> -> memref<1x1x1x80xi32, #tpu.memory_space<hbm>>
        %dma_start3A_912 = tpu.memref_squeeze %dma_start3A_911 : memref<1x1x1x80xi32, #tpu.memory_space<hbm>> -> memref<80xi32, #tpu.memory_space<hbm>>
        tpu.enqueue_dma source(%dma_start3A_912 : memref<80xi32, #tpu.memory_space<hbm>>) target(%arg7 : memref<80xi32, #tpu.memory_space<vmem>>) target_semaphore(%arg28 : memref<!tpu.dma_semaphore, #tpu.memory_space<semaphore_mem>>)
        %dma_start3A_913 = arith.constant 0 : i32
        %dma_start3A_914 = arith.constant 0 : i32
        %dma_start3A_915 = tpu.memref_slice %arg4[%add3A, %add3A_905, %dma_start3A_913, %dma_start3A_914] : memref<32x125x1x80xi32, #tpu.memory_space<hbm>> -> memref<1x1x1x80xi32, #tpu.memory_space<hbm>>
        %dma_start3A_916 = tpu.memref_squeeze %dma_start3A_915 : memref<1x1x1x80xi32, #tpu.memory_space<hbm>> -> memref<80xi32, #tpu.memory_space<hbm>>
        %dma_start3A_917 = arith.constant 0 : i32
        %dma_start3A_918 = tpu.memref_slice %arg4[%add3A, %add3A_905, %dma_start3A_913, %dma_start3A_917] : memref<32x125x1x80xi32, #tpu.memory_space<hbm>> -> memref<1x1x1x80xi32, #tpu.memory_space<hbm>>
        %dma_start3A_919 = tpu.memref_squeeze %dma_start3A_918 : memref<1x1x1x80xi32, #tpu.memory_space<hbm>> -> memref<80xi32, #tpu.memory_space<hbm>>
        tpu.enqueue_dma source(%dma_start3A_919 : memref<80xi32, #tpu.memory_space<hbm>>) target(%arg15 : memref<80xi32, #tpu.memory_space<vmem>>) target_semaphore(%arg36 : memref<!tpu.dma_semaphore, #tpu.memory_space<semaphore_mem>>)
      } else {
      }
      %add3A_680 = arith.constant 2 : i32
      %add3A_681 = arith.addi %add3A_661, %add3A_680 : i32
      %dma_wait3A_682 = arith.constant 0 : i32
      %dma_wait3A_683 = arith.constant 0 : i32
      %dma_wait3A_684 = tpu.memref_slice %arg3[%add3A, %add3A_681, %dma_wait3A_682, %dma_wait3A_683] : memref<32x125x1x80xi32, #tpu.memory_space<hbm>> -> memref<1x1x1x80xi32, #tpu.memory_space<hbm>>
      %dma_wait3A_685 = tpu.memref_squeeze %dma_wait3A_684 : memref<1x1x1x80xi32, #tpu.memory_space<hbm>> -> memref<80xi32, #tpu.memory_space<hbm>>
      %dma_wait3A_686 = arith.constant 0 : i32
      %dma_wait3A_687 = tpu.memref_slice %arg3[%add3A, %add3A_681, %dma_wait3A_682, %dma_wait3A_686] : memref<32x125x1x80xi32, #tpu.memory_space<hbm>> -> memref<1x1x1x80xi32, #tpu.memory_space<hbm>>
      %dma_wait3A_688 = tpu.memref_squeeze %dma_wait3A_687 : memref<1x1x1x80xi32, #tpu.memory_space<hbm>> -> memref<80xi32, #tpu.memory_space<hbm>>
      tpu.wait_dma2 semaphore(%arg32 : memref<!tpu.dma_semaphore, #tpu.memory_space<semaphore_mem>>) src(%dma_wait3A_688 : memref<80xi32, #tpu.memory_space<hbm>>) dst(%arg11 : memref<80xi32, #tpu.memory_space<vmem>>)
      %dma_wait3A_689 = arith.constant 0 : i32
      %dma_wait3A_690 = arith.constant 0 : i32
      %dma_wait3A_691 = tpu.memref_slice %arg4[%add3A, %add3A_681, %dma_wait3A_689, %dma_wait3A_690] : memref<32x125x1x80xi32, #tpu.memory_space<hbm>> -> memref<1x1x1x80xi32, #tpu.memory_space<hbm>>
      %dma_wait3A_692 = tpu.memref_squeeze %dma_wait3A_691 : memref<1x1x1x80xi32, #tpu.memory_space<hbm>> -> memref<80xi32, #tpu.memory_space<hbm>>
      %dma_wait3A_693 = arith.constant 0 : i32
      %dma_wait3A_694 = tpu.memref_slice %arg4[%add3A, %add3A_681, %dma_wait3A_689, %dma_wait3A_693] : memref<32x125x1x80xi32, #tpu.memory_space<hbm>> -> memref<1x1x1x80xi32, #tpu.memory_space<hbm>>
      %dma_wait3A_695 = tpu.memref_squeeze %dma_wait3A_694 : memref<1x1x1x80xi32, #tpu.memory_space<hbm>> -> memref<80xi32, #tpu.memory_space<hbm>>
      tpu.wait_dma2 semaphore(%arg40 : memref<!tpu.dma_semaphore, #tpu.memory_space<semaphore_mem>>) src(%dma_wait3A_695 : memref<80xi32, #tpu.memory_space<hbm>>) dst(%arg19 : memref<80xi32, #tpu.memory_space<vmem>>)
      %dma_start3A_696 = arith.constant 0 : i32
      %dma_start3A_697 = arith.constant 0 : i32
      %dma_start3A_698 = tpu.memref_slice %arg2[%dma_start3A_696, %dma_start3A_697] : memref<10000x128xf32, #tpu.memory_space<hbm>> -> memref<10000x128xf32, #tpu.memory_space<hbm>>
      tpu.enqueue_indirect_dma source(%dma_start3A_698 : memref<10000x128xf32, #tpu.memory_space<hbm>>) target(%arg23 : memref<80x128xf32, #tpu.memory_space<vmem>>) offsets(%arg11 : memref<80xi32, #tpu.memory_space<vmem>>) semaphore(%arg44 : memref<!tpu.dma_semaphore, #tpu.memory_space<semaphore_mem>>)
      %mul3A_699 = arith.constant 8 : i32
      %mul3A_700 = arith.muli %mul3A_699, %scan3A_577 : i32
      %add3A_701 = arith.constant 3 : i32
      %add3A_702 = arith.addi %mul3A_700, %add3A_701 : i32
      %dma_wait3A_703 = arith.constant 0 : i32
      %dma_wait3A_704 = arith.constant 0 : i32
      %dma_wait3A_705 = tpu.memref_slice %arg2[%dma_wait3A_703, %dma_wait3A_704] : memref<10000x128xf32, #tpu.memory_space<hbm>> -> memref<10000x128xf32, #tpu.memory_space<hbm>>
      tpu.wait_indirect_dma semaphore(%arg47 : memref<!tpu.dma_semaphore, #tpu.memory_space<semaphore_mem>>) src(%dma_wait3A_705 : memref<10000x128xf32, #tpu.memory_space<hbm>>) dst(%arg26 : memref<80x128xf32, #tpu.memory_space<vmem>>)
      %dma_start3A_706 = arith.constant 0 : i32
      %dma_start3A_707 = arith.constant 0 : i32
      %dma_start3A_708 = tpu.memref_slice %arg6[%dma_start3A_706, %dma_start3A_707] : memref<10000x128xf32, #tpu.memory_space<vmem_shared>> -> memref<10000x128xf32, #tpu.memory_space<vmem_shared>>
      tpu.enqueue_indirect_dma source(%arg26 : memref<80x128xf32, #tpu.memory_space<vmem>>) target(%dma_start3A_708 : memref<10000x128xf32, #tpu.memory_space<vmem_shared>>) offsets(%arg18 : memref<80xi32, #tpu.memory_space<vmem>>) semaphore(%arg51 : memref<!tpu.dma_semaphore, #tpu.memory_space<semaphore_mem>>) {add = true}
      %ge3A_709 = arith.constant 2 : i32
      %ge3A_710 = arith.cmpi sge, %add3A_702, %ge3A_709 : i32
      %convert_element_type3A_711 = arith.extui %ge3A_710 : i1 to i32
      %cond3A_712 = arith.constant 0 : i32
      %cond3A_713 = arith.cmpi ne, %convert_element_type3A_711, %cond3A_712 : i32
      scf.if %cond3A_713 {
        %dma_wait3A_904 = arith.constant 0 : i32
        %dma_wait3A_905 = arith.constant 0 : i32
        %dma_wait3A_906 = tpu.memref_slice %arg6[%dma_wait3A_904, %dma_wait3A_905] : memref<10000x128xf32, #tpu.memory_space<vmem_shared>> -> memref<10000x128xf32, #tpu.memory_space<vmem_shared>>
        tpu.wait_indirect_dma semaphore(%arg49 : memref<!tpu.dma_semaphore, #tpu.memory_space<semaphore_mem>>) src(%arg24 : memref<80x128xf32, #tpu.memory_space<vmem>>) dst(%dma_wait3A_906 : memref<10000x128xf32, #tpu.memory_space<vmem_shared>>)
      } else {
      }
      %add3A_714 = arith.constant 6 : i32
      %add3A_715 = arith.addi %add3A_702, %add3A_714 : i32
      %lt3A_716 = arith.constant 125 : i32
      %lt3A_717 = arith.cmpi slt, %add3A_715, %lt3A_716 : i32
      %convert_element_type3A_718 = arith.extui %lt3A_717 : i1 to i32
      %cond3A_719 = arith.constant 0 : i32
      %cond3A_720 = arith.cmpi ne, %convert_element_type3A_718, %cond3A_719 : i32
      scf.if %cond3A_720 {
        %add3A_904 = arith.constant 6 : i32
        %add3A_905 = arith.addi %add3A_702, %add3A_904 : i32
        %dma_start3A_906 = arith.constant 0 : i32
        %dma_start3A_907 = arith.constant 0 : i32
        %dma_start3A_908 = tpu.memref_slice %arg3[%add3A, %add3A_905, %dma_start3A_906, %dma_start3A_907] : memref<32x125x1x80xi32, #tpu.memory_space<hbm>> -> memref<1x1x1x80xi32, #tpu.memory_space<hbm>>
        %dma_start3A_909 = tpu.memref_squeeze %dma_start3A_908 : memref<1x1x1x80xi32, #tpu.memory_space<hbm>> -> memref<80xi32, #tpu.memory_space<hbm>>
        %dma_start3A_910 = arith.constant 0 : i32
        %dma_start3A_911 = tpu.memref_slice %arg3[%add3A, %add3A_905, %dma_start3A_906, %dma_start3A_910] : memref<32x125x1x80xi32, #tpu.memory_space<hbm>> -> memref<1x1x1x80xi32, #tpu.memory_space<hbm>>
        %dma_start3A_912 = tpu.memref_squeeze %dma_start3A_911 : memref<1x1x1x80xi32, #tpu.memory_space<hbm>> -> memref<80xi32, #tpu.memory_space<hbm>>
        tpu.enqueue_dma source(%dma_start3A_912 : memref<80xi32, #tpu.memory_space<hbm>>) target(%arg8 : memref<80xi32, #tpu.memory_space<vmem>>) target_semaphore(%arg29 : memref<!tpu.dma_semaphore, #tpu.memory_space<semaphore_mem>>)
        %dma_start3A_913 = arith.constant 0 : i32
        %dma_start3A_914 = arith.constant 0 : i32
        %dma_start3A_915 = tpu.memref_slice %arg4[%add3A, %add3A_905, %dma_start3A_913, %dma_start3A_914] : memref<32x125x1x80xi32, #tpu.memory_space<hbm>> -> memref<1x1x1x80xi32, #tpu.memory_space<hbm>>
        %dma_start3A_916 = tpu.memref_squeeze %dma_start3A_915 : memref<1x1x1x80xi32, #tpu.memory_space<hbm>> -> memref<80xi32, #tpu.memory_space<hbm>>
        %dma_start3A_917 = arith.constant 0 : i32
        %dma_start3A_918 = tpu.memref_slice %arg4[%add3A, %add3A_905, %dma_start3A_913, %dma_start3A_917] : memref<32x125x1x80xi32, #tpu.memory_space<hbm>> -> memref<1x1x1x80xi32, #tpu.memory_space<hbm>>
        %dma_start3A_919 = tpu.memref_squeeze %dma_start3A_918 : memref<1x1x1x80xi32, #tpu.memory_space<hbm>> -> memref<80xi32, #tpu.memory_space<hbm>>
        tpu.enqueue_dma source(%dma_start3A_919 : memref<80xi32, #tpu.memory_space<hbm>>) target(%arg16 : memref<80xi32, #tpu.memory_space<vmem>>) target_semaphore(%arg37 : memref<!tpu.dma_semaphore, #tpu.memory_space<semaphore_mem>>)
      } else {
      }
      %add3A_721 = arith.constant 2 : i32
      %add3A_722 = arith.addi %add3A_702, %add3A_721 : i32
      %dma_wait3A_723 = arith.constant 0 : i32
      %dma_wait3A_724 = arith.constant 0 : i32
      %dma_wait3A_725 = tpu.memref_slice %arg3[%add3A, %add3A_722, %dma_wait3A_723, %dma_wait3A_724] : memref<32x125x1x80xi32, #tpu.memory_space<hbm>> -> memref<1x1x1x80xi32, #tpu.memory_space<hbm>>
      %dma_wait3A_726 = tpu.memref_squeeze %dma_wait3A_725 : memref<1x1x1x80xi32, #tpu.memory_space<hbm>> -> memref<80xi32, #tpu.memory_space<hbm>>
      %dma_wait3A_727 = arith.constant 0 : i32
      %dma_wait3A_728 = tpu.memref_slice %arg3[%add3A, %add3A_722, %dma_wait3A_723, %dma_wait3A_727] : memref<32x125x1x80xi32, #tpu.memory_space<hbm>> -> memref<1x1x1x80xi32, #tpu.memory_space<hbm>>
      %dma_wait3A_729 = tpu.memref_squeeze %dma_wait3A_728 : memref<1x1x1x80xi32, #tpu.memory_space<hbm>> -> memref<80xi32, #tpu.memory_space<hbm>>
      tpu.wait_dma2 semaphore(%arg33 : memref<!tpu.dma_semaphore, #tpu.memory_space<semaphore_mem>>) src(%dma_wait3A_729 : memref<80xi32, #tpu.memory_space<hbm>>) dst(%arg12 : memref<80xi32, #tpu.memory_space<vmem>>)
      %dma_wait3A_730 = arith.constant 0 : i32
      %dma_wait3A_731 = arith.constant 0 : i32
      %dma_wait3A_732 = tpu.memref_slice %arg4[%add3A, %add3A_722, %dma_wait3A_730, %dma_wait3A_731] : memref<32x125x1x80xi32, #tpu.memory_space<hbm>> -> memref<1x1x1x80xi32, #tpu.memory_space<hbm>>
      %dma_wait3A_733 = tpu.memref_squeeze %dma_wait3A_732 : memref<1x1x1x80xi32, #tpu.memory_space<hbm>> -> memref<80xi32, #tpu.memory_space<hbm>>
      %dma_wait3A_734 = arith.constant 0 : i32
      %dma_wait3A_735 = tpu.memref_slice %arg4[%add3A, %add3A_722, %dma_wait3A_730, %dma_wait3A_734] : memref<32x125x1x80xi32, #tpu.memory_space<hbm>> -> memref<1x1x1x80xi32, #tpu.memory_space<hbm>>
      %dma_wait3A_736 = tpu.memref_squeeze %dma_wait3A_735 : memref<1x1x1x80xi32, #tpu.memory_space<hbm>> -> memref<80xi32, #tpu.memory_space<hbm>>
      tpu.wait_dma2 semaphore(%arg41 : memref<!tpu.dma_semaphore, #tpu.memory_space<semaphore_mem>>) src(%dma_wait3A_736 : memref<80xi32, #tpu.memory_space<hbm>>) dst(%arg20 : memref<80xi32, #tpu.memory_space<vmem>>)
      %dma_start3A_737 = arith.constant 0 : i32
      %dma_start3A_738 = arith.constant 0 : i32
      %dma_start3A_739 = tpu.memref_slice %arg2[%dma_start3A_737, %dma_start3A_738] : memref<10000x128xf32, #tpu.memory_space<hbm>> -> memref<10000x128xf32, #tpu.memory_space<hbm>>
      tpu.enqueue_indirect_dma source(%dma_start3A_739 : memref<10000x128xf32, #tpu.memory_space<hbm>>) target(%arg24 : memref<80x128xf32, #tpu.memory_space<vmem>>) offsets(%arg12 : memref<80xi32, #tpu.memory_space<vmem>>) semaphore(%arg45 : memref<!tpu.dma_semaphore, #tpu.memory_space<semaphore_mem>>)
      %mul3A_740 = arith.constant 8 : i32
      %mul3A_741 = arith.muli %mul3A_740, %scan3A_577 : i32
      %add3A_742 = arith.constant 4 : i32
      %add3A_743 = arith.addi %mul3A_741, %add3A_742 : i32
      %dma_wait3A_744 = arith.constant 0 : i32
      %dma_wait3A_745 = arith.constant 0 : i32
      %dma_wait3A_746 = tpu.memref_slice %arg2[%dma_wait3A_744, %dma_wait3A_745] : memref<10000x128xf32, #tpu.memory_space<hbm>> -> memref<10000x128xf32, #tpu.memory_space<hbm>>
      tpu.wait_indirect_dma semaphore(%arg44 : memref<!tpu.dma_semaphore, #tpu.memory_space<semaphore_mem>>) src(%dma_wait3A_746 : memref<10000x128xf32, #tpu.memory_space<hbm>>) dst(%arg23 : memref<80x128xf32, #tpu.memory_space<vmem>>)
      %dma_start3A_747 = arith.constant 0 : i32
      %dma_start3A_748 = arith.constant 0 : i32
      %dma_start3A_749 = tpu.memref_slice %arg6[%dma_start3A_747, %dma_start3A_748] : memref<10000x128xf32, #tpu.memory_space<vmem_shared>> -> memref<10000x128xf32, #tpu.memory_space<vmem_shared>>
      tpu.enqueue_indirect_dma source(%arg23 : memref<80x128xf32, #tpu.memory_space<vmem>>) target(%dma_start3A_749 : memref<10000x128xf32, #tpu.memory_space<vmem_shared>>) offsets(%arg19 : memref<80xi32, #tpu.memory_space<vmem>>) semaphore(%arg48 : memref<!tpu.dma_semaphore, #tpu.memory_space<semaphore_mem>>) {add = true}
      %ge3A_750 = arith.constant 2 : i32
      %ge3A_751 = arith.cmpi sge, %add3A_743, %ge3A_750 : i32
      %convert_element_type3A_752 = arith.extui %ge3A_751 : i1 to i32
      %cond3A_753 = arith.constant 0 : i32
      %cond3A_754 = arith.cmpi ne, %convert_element_type3A_752, %cond3A_753 : i32
      scf.if %cond3A_754 {
        %dma_wait3A_904 = arith.constant 0 : i32
        %dma_wait3A_905 = arith.constant 0 : i32
        %dma_wait3A_906 = tpu.memref_slice %arg6[%dma_wait3A_904, %dma_wait3A_905] : memref<10000x128xf32, #tpu.memory_space<vmem_shared>> -> memref<10000x128xf32, #tpu.memory_space<vmem_shared>>
        tpu.wait_indirect_dma semaphore(%arg50 : memref<!tpu.dma_semaphore, #tpu.memory_space<semaphore_mem>>) src(%arg25 : memref<80x128xf32, #tpu.memory_space<vmem>>) dst(%dma_wait3A_906 : memref<10000x128xf32, #tpu.memory_space<vmem_shared>>)
      } else {
      }
      %add3A_755 = arith.constant 6 : i32
      %add3A_756 = arith.addi %add3A_743, %add3A_755 : i32
      %lt3A_757 = arith.constant 125 : i32
      %lt3A_758 = arith.cmpi slt, %add3A_756, %lt3A_757 : i32
      %convert_element_type3A_759 = arith.extui %lt3A_758 : i1 to i32
      %cond3A_760 = arith.constant 0 : i32
      %cond3A_761 = arith.cmpi ne, %convert_element_type3A_759, %cond3A_760 : i32
      scf.if %cond3A_761 {
        %add3A_904 = arith.constant 6 : i32
        %add3A_905 = arith.addi %add3A_743, %add3A_904 : i32
        %dma_start3A_906 = arith.constant 0 : i32
        %dma_start3A_907 = arith.constant 0 : i32
        %dma_start3A_908 = tpu.memref_slice %arg3[%add3A, %add3A_905, %dma_start3A_906, %dma_start3A_907] : memref<32x125x1x80xi32, #tpu.memory_space<hbm>> -> memref<1x1x1x80xi32, #tpu.memory_space<hbm>>
        %dma_start3A_909 = tpu.memref_squeeze %dma_start3A_908 : memref<1x1x1x80xi32, #tpu.memory_space<hbm>> -> memref<80xi32, #tpu.memory_space<hbm>>
        %dma_start3A_910 = arith.constant 0 : i32
        %dma_start3A_911 = tpu.memref_slice %arg3[%add3A, %add3A_905, %dma_start3A_906, %dma_start3A_910] : memref<32x125x1x80xi32, #tpu.memory_space<hbm>> -> memref<1x1x1x80xi32, #tpu.memory_space<hbm>>
        %dma_start3A_912 = tpu.memref_squeeze %dma_start3A_911 : memref<1x1x1x80xi32, #tpu.memory_space<hbm>> -> memref<80xi32, #tpu.memory_space<hbm>>
        tpu.enqueue_dma source(%dma_start3A_912 : memref<80xi32, #tpu.memory_space<hbm>>) target(%arg9 : memref<80xi32, #tpu.memory_space<vmem>>) target_semaphore(%arg30 : memref<!tpu.dma_semaphore, #tpu.memory_space<semaphore_mem>>)
        %dma_start3A_913 = arith.constant 0 : i32
        %dma_start3A_914 = arith.constant 0 : i32
        %dma_start3A_915 = tpu.memref_slice %arg4[%add3A, %add3A_905, %dma_start3A_913, %dma_start3A_914] : memref<32x125x1x80xi32, #tpu.memory_space<hbm>> -> memref<1x1x1x80xi32, #tpu.memory_space<hbm>>
        %dma_start3A_916 = tpu.memref_squeeze %dma_start3A_915 : memref<1x1x1x80xi32, #tpu.memory_space<hbm>> -> memref<80xi32, #tpu.memory_space<hbm>>
        %dma_start3A_917 = arith.constant 0 : i32
        %dma_start3A_918 = tpu.memref_slice %arg4[%add3A, %add3A_905, %dma_start3A_913, %dma_start3A_917] : memref<32x125x1x80xi32, #tpu.memory_space<hbm>> -> memref<1x1x1x80xi32, #tpu.memory_space<hbm>>
        %dma_start3A_919 = tpu.memref_squeeze %dma_start3A_918 : memref<1x1x1x80xi32, #tpu.memory_space<hbm>> -> memref<80xi32, #tpu.memory_space<hbm>>
        tpu.enqueue_dma source(%dma_start3A_919 : memref<80xi32, #tpu.memory_space<hbm>>) target(%arg17 : memref<80xi32, #tpu.memory_space<vmem>>) target_semaphore(%arg38 : memref<!tpu.dma_semaphore, #tpu.memory_space<semaphore_mem>>)
      } else {
      }
      %add3A_762 = arith.constant 2 : i32
      %add3A_763 = arith.addi %add3A_743, %add3A_762 : i32
      %dma_wait3A_764 = arith.constant 0 : i32
      %dma_wait3A_765 = arith.constant 0 : i32
      %dma_wait3A_766 = tpu.memref_slice %arg3[%add3A, %add3A_763, %dma_wait3A_764, %dma_wait3A_765] : memref<32x125x1x80xi32, #tpu.memory_space<hbm>> -> memref<1x1x1x80xi32, #tpu.memory_space<hbm>>
      %dma_wait3A_767 = tpu.memref_squeeze %dma_wait3A_766 : memref<1x1x1x80xi32, #tpu.memory_space<hbm>> -> memref<80xi32, #tpu.memory_space<hbm>>
      %dma_wait3A_768 = arith.constant 0 : i32
      %dma_wait3A_769 = tpu.memref_slice %arg3[%add3A, %add3A_763, %dma_wait3A_764, %dma_wait3A_768] : memref<32x125x1x80xi32, #tpu.memory_space<hbm>> -> memref<1x1x1x80xi32, #tpu.memory_space<hbm>>
      %dma_wait3A_770 = tpu.memref_squeeze %dma_wait3A_769 : memref<1x1x1x80xi32, #tpu.memory_space<hbm>> -> memref<80xi32, #tpu.memory_space<hbm>>
      tpu.wait_dma2 semaphore(%arg34 : memref<!tpu.dma_semaphore, #tpu.memory_space<semaphore_mem>>) src(%dma_wait3A_770 : memref<80xi32, #tpu.memory_space<hbm>>) dst(%arg13 : memref<80xi32, #tpu.memory_space<vmem>>)
      %dma_wait3A_771 = arith.constant 0 : i32
      %dma_wait3A_772 = arith.constant 0 : i32
      %dma_wait3A_773 = tpu.memref_slice %arg4[%add3A, %add3A_763, %dma_wait3A_771, %dma_wait3A_772] : memref<32x125x1x80xi32, #tpu.memory_space<hbm>> -> memref<1x1x1x80xi32, #tpu.memory_space<hbm>>
      %dma_wait3A_774 = tpu.memref_squeeze %dma_wait3A_773 : memref<1x1x1x80xi32, #tpu.memory_space<hbm>> -> memref<80xi32, #tpu.memory_space<hbm>>
      %dma_wait3A_775 = arith.constant 0 : i32
      %dma_wait3A_776 = tpu.memref_slice %arg4[%add3A, %add3A_763, %dma_wait3A_771, %dma_wait3A_775] : memref<32x125x1x80xi32, #tpu.memory_space<hbm>> -> memref<1x1x1x80xi32, #tpu.memory_space<hbm>>
      %dma_wait3A_777 = tpu.memref_squeeze %dma_wait3A_776 : memref<1x1x1x80xi32, #tpu.memory_space<hbm>> -> memref<80xi32, #tpu.memory_space<hbm>>
      tpu.wait_dma2 semaphore(%arg42 : memref<!tpu.dma_semaphore, #tpu.memory_space<semaphore_mem>>) src(%dma_wait3A_777 : memref<80xi32, #tpu.memory_space<hbm>>) dst(%arg21 : memref<80xi32, #tpu.memory_space<vmem>>)
      %dma_start3A_778 = arith.constant 0 : i32
      %dma_start3A_779 = arith.constant 0 : i32
      %dma_start3A_780 = tpu.memref_slice %arg2[%dma_start3A_778, %dma_start3A_779] : memref<10000x128xf32, #tpu.memory_space<hbm>> -> memref<10000x128xf32, #tpu.memory_space<hbm>>
      tpu.enqueue_indirect_dma source(%dma_start3A_780 : memref<10000x128xf32, #tpu.memory_space<hbm>>) target(%arg25 : memref<80x128xf32, #tpu.memory_space<vmem>>) offsets(%arg13 : memref<80xi32, #tpu.memory_space<vmem>>) semaphore(%arg46 : memref<!tpu.dma_semaphore, #tpu.memory_space<semaphore_mem>>)
      %mul3A_781 = arith.constant 8 : i32
      %mul3A_782 = arith.muli %mul3A_781, %scan3A_577 : i32
      %add3A_783 = arith.constant 5 : i32
      %add3A_784 = arith.addi %mul3A_782, %add3A_783 : i32
      %dma_wait3A_785 = arith.constant 0 : i32
      %dma_wait3A_786 = arith.constant 0 : i32
      %dma_wait3A_787 = tpu.memref_slice %arg2[%dma_wait3A_785, %dma_wait3A_786] : memref<10000x128xf32, #tpu.memory_space<hbm>> -> memref<10000x128xf32, #tpu.memory_space<hbm>>
      tpu.wait_indirect_dma semaphore(%arg45 : memref<!tpu.dma_semaphore, #tpu.memory_space<semaphore_mem>>) src(%dma_wait3A_787 : memref<10000x128xf32, #tpu.memory_space<hbm>>) dst(%arg24 : memref<80x128xf32, #tpu.memory_space<vmem>>)
      %dma_start3A_788 = arith.constant 0 : i32
      %dma_start3A_789 = arith.constant 0 : i32
      %dma_start3A_790 = tpu.memref_slice %arg6[%dma_start3A_788, %dma_start3A_789] : memref<10000x128xf32, #tpu.memory_space<vmem_shared>> -> memref<10000x128xf32, #tpu.memory_space<vmem_shared>>
      tpu.enqueue_indirect_dma source(%arg24 : memref<80x128xf32, #tpu.memory_space<vmem>>) target(%dma_start3A_790 : memref<10000x128xf32, #tpu.memory_space<vmem_shared>>) offsets(%arg20 : memref<80xi32, #tpu.memory_space<vmem>>) semaphore(%arg49 : memref<!tpu.dma_semaphore, #tpu.memory_space<semaphore_mem>>) {add = true}
      %ge3A_791 = arith.constant 2 : i32
      %ge3A_792 = arith.cmpi sge, %add3A_784, %ge3A_791 : i32
      %convert_element_type3A_793 = arith.extui %ge3A_792 : i1 to i32
      %cond3A_794 = arith.constant 0 : i32
      %cond3A_795 = arith.cmpi ne, %convert_element_type3A_793, %cond3A_794 : i32
      scf.if %cond3A_795 {
        %dma_wait3A_904 = arith.constant 0 : i32
        %dma_wait3A_905 = arith.constant 0 : i32
        %dma_wait3A_906 = tpu.memref_slice %arg6[%dma_wait3A_904, %dma_wait3A_905] : memref<10000x128xf32, #tpu.memory_space<vmem_shared>> -> memref<10000x128xf32, #tpu.memory_space<vmem_shared>>
        tpu.wait_indirect_dma semaphore(%arg51 : memref<!tpu.dma_semaphore, #tpu.memory_space<semaphore_mem>>) src(%arg26 : memref<80x128xf32, #tpu.memory_space<vmem>>) dst(%dma_wait3A_906 : memref<10000x128xf32, #tpu.memory_space<vmem_shared>>)
      } else {
      }
      %add3A_796 = arith.constant 6 : i32
      %add3A_797 = arith.addi %add3A_784, %add3A_796 : i32
      %lt3A_798 = arith.constant 125 : i32
      %lt3A_799 = arith.cmpi slt, %add3A_797, %lt3A_798 : i32
      %convert_element_type3A_800 = arith.extui %lt3A_799 : i1 to i32
      %cond3A_801 = arith.constant 0 : i32
      %cond3A_802 = arith.cmpi ne, %convert_element_type3A_800, %cond3A_801 : i32
      scf.if %cond3A_802 {
        %add3A_904 = arith.constant 6 : i32
        %add3A_905 = arith.addi %add3A_784, %add3A_904 : i32
        %dma_start3A_906 = arith.constant 0 : i32
        %dma_start3A_907 = arith.constant 0 : i32
        %dma_start3A_908 = tpu.memref_slice %arg3[%add3A, %add3A_905, %dma_start3A_906, %dma_start3A_907] : memref<32x125x1x80xi32, #tpu.memory_space<hbm>> -> memref<1x1x1x80xi32, #tpu.memory_space<hbm>>
        %dma_start3A_909 = tpu.memref_squeeze %dma_start3A_908 : memref<1x1x1x80xi32, #tpu.memory_space<hbm>> -> memref<80xi32, #tpu.memory_space<hbm>>
        %dma_start3A_910 = arith.constant 0 : i32
        %dma_start3A_911 = tpu.memref_slice %arg3[%add3A, %add3A_905, %dma_start3A_906, %dma_start3A_910] : memref<32x125x1x80xi32, #tpu.memory_space<hbm>> -> memref<1x1x1x80xi32, #tpu.memory_space<hbm>>
        %dma_start3A_912 = tpu.memref_squeeze %dma_start3A_911 : memref<1x1x1x80xi32, #tpu.memory_space<hbm>> -> memref<80xi32, #tpu.memory_space<hbm>>
        tpu.enqueue_dma source(%dma_start3A_912 : memref<80xi32, #tpu.memory_space<hbm>>) target(%arg10 : memref<80xi32, #tpu.memory_space<vmem>>) target_semaphore(%arg31 : memref<!tpu.dma_semaphore, #tpu.memory_space<semaphore_mem>>)
        %dma_start3A_913 = arith.constant 0 : i32
        %dma_start3A_914 = arith.constant 0 : i32
        %dma_start3A_915 = tpu.memref_slice %arg4[%add3A, %add3A_905, %dma_start3A_913, %dma_start3A_914] : memref<32x125x1x80xi32, #tpu.memory_space<hbm>> -> memref<1x1x1x80xi32, #tpu.memory_space<hbm>>
        %dma_start3A_916 = tpu.memref_squeeze %dma_start3A_915 : memref<1x1x1x80xi32, #tpu.memory_space<hbm>> -> memref<80xi32, #tpu.memory_space<hbm>>
        %dma_start3A_917 = arith.constant 0 : i32
        %dma_start3A_918 = tpu.memref_slice %arg4[%add3A, %add3A_905, %dma_start3A_913, %dma_start3A_917] : memref<32x125x1x80xi32, #tpu.memory_space<hbm>> -> memref<1x1x1x80xi32, #tpu.memory_space<hbm>>
        %dma_start3A_919 = tpu.memref_squeeze %dma_start3A_918 : memref<1x1x1x80xi32, #tpu.memory_space<hbm>> -> memref<80xi32, #tpu.memory_space<hbm>>
        tpu.enqueue_dma source(%dma_start3A_919 : memref<80xi32, #tpu.memory_space<hbm>>) target(%arg18 : memref<80xi32, #tpu.memory_space<vmem>>) target_semaphore(%arg39 : memref<!tpu.dma_semaphore, #tpu.memory_space<semaphore_mem>>)
      } else {
      }
      %add3A_803 = arith.constant 2 : i32
      %add3A_804 = arith.addi %add3A_784, %add3A_803 : i32
      %dma_wait3A_805 = arith.constant 0 : i32
      %dma_wait3A_806 = arith.constant 0 : i32
      %dma_wait3A_807 = tpu.memref_slice %arg3[%add3A, %add3A_804, %dma_wait3A_805, %dma_wait3A_806] : memref<32x125x1x80xi32, #tpu.memory_space<hbm>> -> memref<1x1x1x80xi32, #tpu.memory_space<hbm>>
      %dma_wait3A_808 = tpu.memref_squeeze %dma_wait3A_807 : memref<1x1x1x80xi32, #tpu.memory_space<hbm>> -> memref<80xi32, #tpu.memory_space<hbm>>
      %dma_wait3A_809 = arith.constant 0 : i32
      %dma_wait3A_810 = tpu.memref_slice %arg3[%add3A, %add3A_804, %dma_wait3A_805, %dma_wait3A_809] : memref<32x125x1x80xi32, #tpu.memory_space<hbm>> -> memref<1x1x1x80xi32, #tpu.memory_space<hbm>>
      %dma_wait3A_811 = tpu.memref_squeeze %dma_wait3A_810 : memref<1x1x1x80xi32, #tpu.memory_space<hbm>> -> memref<80xi32, #tpu.memory_space<hbm>>
      tpu.wait_dma2 semaphore(%arg35 : memref<!tpu.dma_semaphore, #tpu.memory_space<semaphore_mem>>) src(%dma_wait3A_811 : memref<80xi32, #tpu.memory_space<hbm>>) dst(%arg14 : memref<80xi32, #tpu.memory_space<vmem>>)
      %dma_wait3A_812 = arith.constant 0 : i32
      %dma_wait3A_813 = arith.constant 0 : i32
      %dma_wait3A_814 = tpu.memref_slice %arg4[%add3A, %add3A_804, %dma_wait3A_812, %dma_wait3A_813] : memref<32x125x1x80xi32, #tpu.memory_space<hbm>> -> memref<1x1x1x80xi32, #tpu.memory_space<hbm>>
      %dma_wait3A_815 = tpu.memref_squeeze %dma_wait3A_814 : memref<1x1x1x80xi32, #tpu.memory_space<hbm>> -> memref<80xi32, #tpu.memory_space<hbm>>
      %dma_wait3A_816 = arith.constant 0 : i32
      %dma_wait3A_817 = tpu.memref_slice %arg4[%add3A, %add3A_804, %dma_wait3A_812, %dma_wait3A_816] : memref<32x125x1x80xi32, #tpu.memory_space<hbm>> -> memref<1x1x1x80xi32, #tpu.memory_space<hbm>>
      %dma_wait3A_818 = tpu.memref_squeeze %dma_wait3A_817 : memref<1x1x1x80xi32, #tpu.memory_space<hbm>> -> memref<80xi32, #tpu.memory_space<hbm>>
      tpu.wait_dma2 semaphore(%arg43 : memref<!tpu.dma_semaphore, #tpu.memory_space<semaphore_mem>>) src(%dma_wait3A_818 : memref<80xi32, #tpu.memory_space<hbm>>) dst(%arg22 : memref<80xi32, #tpu.memory_space<vmem>>)
      %dma_start3A_819 = arith.constant 0 : i32
      %dma_start3A_820 = arith.constant 0 : i32
      %dma_start3A_821 = tpu.memref_slice %arg2[%dma_start3A_819, %dma_start3A_820] : memref<10000x128xf32, #tpu.memory_space<hbm>> -> memref<10000x128xf32, #tpu.memory_space<hbm>>
      tpu.enqueue_indirect_dma source(%dma_start3A_821 : memref<10000x128xf32, #tpu.memory_space<hbm>>) target(%arg26 : memref<80x128xf32, #tpu.memory_space<vmem>>) offsets(%arg14 : memref<80xi32, #tpu.memory_space<vmem>>) semaphore(%arg47 : memref<!tpu.dma_semaphore, #tpu.memory_space<semaphore_mem>>)
      %mul3A_822 = arith.constant 8 : i32
      %mul3A_823 = arith.muli %mul3A_822, %scan3A_577 : i32
      %add3A_824 = arith.constant 6 : i32
      %add3A_825 = arith.addi %mul3A_823, %add3A_824 : i32
      %dma_wait3A_826 = arith.constant 0 : i32
      %dma_wait3A_827 = arith.constant 0 : i32
      %dma_wait3A_828 = tpu.memref_slice %arg2[%dma_wait3A_826, %dma_wait3A_827] : memref<10000x128xf32, #tpu.memory_space<hbm>> -> memref<10000x128xf32, #tpu.memory_space<hbm>>
      tpu.wait_indirect_dma semaphore(%arg46 : memref<!tpu.dma_semaphore, #tpu.memory_space<semaphore_mem>>) src(%dma_wait3A_828 : memref<10000x128xf32, #tpu.memory_space<hbm>>) dst(%arg25 : memref<80x128xf32, #tpu.memory_space<vmem>>)
      %dma_start3A_829 = arith.constant 0 : i32
      %dma_start3A_830 = arith.constant 0 : i32
      %dma_start3A_831 = tpu.memref_slice %arg6[%dma_start3A_829, %dma_start3A_830] : memref<10000x128xf32, #tpu.memory_space<vmem_shared>> -> memref<10000x128xf32, #tpu.memory_space<vmem_shared>>
      tpu.enqueue_indirect_dma source(%arg25 : memref<80x128xf32, #tpu.memory_space<vmem>>) target(%dma_start3A_831 : memref<10000x128xf32, #tpu.memory_space<vmem_shared>>) offsets(%arg21 : memref<80xi32, #tpu.memory_space<vmem>>) semaphore(%arg50 : memref<!tpu.dma_semaphore, #tpu.memory_space<semaphore_mem>>) {add = true}
      %ge3A_832 = arith.constant 2 : i32
      %ge3A_833 = arith.cmpi sge, %add3A_825, %ge3A_832 : i32
      %convert_element_type3A_834 = arith.extui %ge3A_833 : i1 to i32
      %cond3A_835 = arith.constant 0 : i32
      %cond3A_836 = arith.cmpi ne, %convert_element_type3A_834, %cond3A_835 : i32
      scf.if %cond3A_836 {
        %dma_wait3A_904 = arith.constant 0 : i32
        %dma_wait3A_905 = arith.constant 0 : i32
        %dma_wait3A_906 = tpu.memref_slice %arg6[%dma_wait3A_904, %dma_wait3A_905] : memref<10000x128xf32, #tpu.memory_space<vmem_shared>> -> memref<10000x128xf32, #tpu.memory_space<vmem_shared>>
        tpu.wait_indirect_dma semaphore(%arg48 : memref<!tpu.dma_semaphore, #tpu.memory_space<semaphore_mem>>) src(%arg23 : memref<80x128xf32, #tpu.memory_space<vmem>>) dst(%dma_wait3A_906 : memref<10000x128xf32, #tpu.memory_space<vmem_shared>>)
      } else {
      }
      %add3A_837 = arith.constant 6 : i32
      %add3A_838 = arith.addi %add3A_825, %add3A_837 : i32
      %lt3A_839 = arith.constant 125 : i32
      %lt3A_840 = arith.cmpi slt, %add3A_838, %lt3A_839 : i32
      %convert_element_type3A_841 = arith.extui %lt3A_840 : i1 to i32
      %cond3A_842 = arith.constant 0 : i32
      %cond3A_843 = arith.cmpi ne, %convert_element_type3A_841, %cond3A_842 : i32
      scf.if %cond3A_843 {
        %add3A_904 = arith.constant 6 : i32
        %add3A_905 = arith.addi %add3A_825, %add3A_904 : i32
        %dma_start3A_906 = arith.constant 0 : i32
        %dma_start3A_907 = arith.constant 0 : i32
        %dma_start3A_908 = tpu.memref_slice %arg3[%add3A, %add3A_905, %dma_start3A_906, %dma_start3A_907] : memref<32x125x1x80xi32, #tpu.memory_space<hbm>> -> memref<1x1x1x80xi32, #tpu.memory_space<hbm>>
        %dma_start3A_909 = tpu.memref_squeeze %dma_start3A_908 : memref<1x1x1x80xi32, #tpu.memory_space<hbm>> -> memref<80xi32, #tpu.memory_space<hbm>>
        %dma_start3A_910 = arith.constant 0 : i32
        %dma_start3A_911 = tpu.memref_slice %arg3[%add3A, %add3A_905, %dma_start3A_906, %dma_start3A_910] : memref<32x125x1x80xi32, #tpu.memory_space<hbm>> -> memref<1x1x1x80xi32, #tpu.memory_space<hbm>>
        %dma_start3A_912 = tpu.memref_squeeze %dma_start3A_911 : memref<1x1x1x80xi32, #tpu.memory_space<hbm>> -> memref<80xi32, #tpu.memory_space<hbm>>
        tpu.enqueue_dma source(%dma_start3A_912 : memref<80xi32, #tpu.memory_space<hbm>>) target(%arg11 : memref<80xi32, #tpu.memory_space<vmem>>) target_semaphore(%arg32 : memref<!tpu.dma_semaphore, #tpu.memory_space<semaphore_mem>>)
        %dma_start3A_913 = arith.constant 0 : i32
        %dma_start3A_914 = arith.constant 0 : i32
        %dma_start3A_915 = tpu.memref_slice %arg4[%add3A, %add3A_905, %dma_start3A_913, %dma_start3A_914] : memref<32x125x1x80xi32, #tpu.memory_space<hbm>> -> memref<1x1x1x80xi32, #tpu.memory_space<hbm>>
        %dma_start3A_916 = tpu.memref_squeeze %dma_start3A_915 : memref<1x1x1x80xi32, #tpu.memory_space<hbm>> -> memref<80xi32, #tpu.memory_space<hbm>>
        %dma_start3A_917 = arith.constant 0 : i32
        %dma_start3A_918 = tpu.memref_slice %arg4[%add3A, %add3A_905, %dma_start3A_913, %dma_start3A_917] : memref<32x125x1x80xi32, #tpu.memory_space<hbm>> -> memref<1x1x1x80xi32, #tpu.memory_space<hbm>>
        %dma_start3A_919 = tpu.memref_squeeze %dma_start3A_918 : memref<1x1x1x80xi32, #tpu.memory_space<hbm>> -> memref<80xi32, #tpu.memory_space<hbm>>
        tpu.enqueue_dma source(%dma_start3A_919 : memref<80xi32, #tpu.memory_space<hbm>>) target(%arg19 : memref<80xi32, #tpu.memory_space<vmem>>) target_semaphore(%arg40 : memref<!tpu.dma_semaphore, #tpu.memory_space<semaphore_mem>>)
      } else {
      }
      %add3A_844 = arith.constant 2 : i32
      %add3A_845 = arith.addi %add3A_825, %add3A_844 : i32
      %dma_wait3A_846 = arith.constant 0 : i32
      %dma_wait3A_847 = arith.constant 0 : i32
      %dma_wait3A_848 = tpu.memref_slice %arg3[%add3A, %add3A_845, %dma_wait3A_846, %dma_wait3A_847] : memref<32x125x1x80xi32, #tpu.memory_space<hbm>> -> memref<1x1x1x80xi32, #tpu.memory_space<hbm>>
      %dma_wait3A_849 = tpu.memref_squeeze %dma_wait3A_848 : memref<1x1x1x80xi32, #tpu.memory_space<hbm>> -> memref<80xi32, #tpu.memory_space<hbm>>
      %dma_wait3A_850 = arith.constant 0 : i32
      %dma_wait3A_851 = tpu.memref_slice %arg3[%add3A, %add3A_845, %dma_wait3A_846, %dma_wait3A_850] : memref<32x125x1x80xi32, #tpu.memory_space<hbm>> -> memref<1x1x1x80xi32, #tpu.memory_space<hbm>>
      %dma_wait3A_852 = tpu.memref_squeeze %dma_wait3A_851 : memref<1x1x1x80xi32, #tpu.memory_space<hbm>> -> memref<80xi32, #tpu.memory_space<hbm>>
      tpu.wait_dma2 semaphore(%arg28 : memref<!tpu.dma_semaphore, #tpu.memory_space<semaphore_mem>>) src(%dma_wait3A_852 : memref<80xi32, #tpu.memory_space<hbm>>) dst(%arg7 : memref<80xi32, #tpu.memory_space<vmem>>)
      %dma_wait3A_853 = arith.constant 0 : i32
      %dma_wait3A_854 = arith.constant 0 : i32
      %dma_wait3A_855 = tpu.memref_slice %arg4[%add3A, %add3A_845, %dma_wait3A_853, %dma_wait3A_854] : memref<32x125x1x80xi32, #tpu.memory_space<hbm>> -> memref<1x1x1x80xi32, #tpu.memory_space<hbm>>
      %dma_wait3A_856 = tpu.memref_squeeze %dma_wait3A_855 : memref<1x1x1x80xi32, #tpu.memory_space<hbm>> -> memref<80xi32, #tpu.memory_space<hbm>>
      %dma_wait3A_857 = arith.constant 0 : i32
      %dma_wait3A_858 = tpu.memref_slice %arg4[%add3A, %add3A_845, %dma_wait3A_853, %dma_wait3A_857] : memref<32x125x1x80xi32, #tpu.memory_space<hbm>> -> memref<1x1x1x80xi32, #tpu.memory_space<hbm>>
      %dma_wait3A_859 = tpu.memref_squeeze %dma_wait3A_858 : memref<1x1x1x80xi32, #tpu.memory_space<hbm>> -> memref<80xi32, #tpu.memory_space<hbm>>
      tpu.wait_dma2 semaphore(%arg36 : memref<!tpu.dma_semaphore, #tpu.memory_space<semaphore_mem>>) src(%dma_wait3A_859 : memref<80xi32, #tpu.memory_space<hbm>>) dst(%arg15 : memref<80xi32, #tpu.memory_space<vmem>>)
      %dma_start3A_860 = arith.constant 0 : i32
      %dma_start3A_861 = arith.constant 0 : i32
      %dma_start3A_862 = tpu.memref_slice %arg2[%dma_start3A_860, %dma_start3A_861] : memref<10000x128xf32, #tpu.memory_space<hbm>> -> memref<10000x128xf32, #tpu.memory_space<hbm>>
      tpu.enqueue_indirect_dma source(%dma_start3A_862 : memref<10000x128xf32, #tpu.memory_space<hbm>>) target(%arg23 : memref<80x128xf32, #tpu.memory_space<vmem>>) offsets(%arg7 : memref<80xi32, #tpu.memory_space<vmem>>) semaphore(%arg44 : memref<!tpu.dma_semaphore, #tpu.memory_space<semaphore_mem>>)
      %mul3A_863 = arith.constant 8 : i32
      %mul3A_864 = arith.muli %mul3A_863, %scan3A_577 : i32
      %add3A_865 = arith.constant 7 : i32
      %add3A_866 = arith.addi %mul3A_864, %add3A_865 : i32
      %dma_wait3A_867 = arith.constant 0 : i32
      %dma_wait3A_868 = arith.constant 0 : i32
      %dma_wait3A_869 = tpu.memref_slice %arg2[%dma_wait3A_867, %dma_wait3A_868] : memref<10000x128xf32, #tpu.memory_space<hbm>> -> memref<10000x128xf32, #tpu.memory_space<hbm>>
      tpu.wait_indirect_dma semaphore(%arg47 : memref<!tpu.dma_semaphore, #tpu.memory_space<semaphore_mem>>) src(%dma_wait3A_869 : memref<10000x128xf32, #tpu.memory_space<hbm>>) dst(%arg26 : memref<80x128xf32, #tpu.memory_space<vmem>>)
      %dma_start3A_870 = arith.constant 0 : i32
      %dma_start3A_871 = arith.constant 0 : i32
      %dma_start3A_872 = tpu.memref_slice %arg6[%dma_start3A_870, %dma_start3A_871] : memref<10000x128xf32, #tpu.memory_space<vmem_shared>> -> memref<10000x128xf32, #tpu.memory_space<vmem_shared>>
      tpu.enqueue_indirect_dma source(%arg26 : memref<80x128xf32, #tpu.memory_space<vmem>>) target(%dma_start3A_872 : memref<10000x128xf32, #tpu.memory_space<vmem_shared>>) offsets(%arg22 : memref<80xi32, #tpu.memory_space<vmem>>) semaphore(%arg51 : memref<!tpu.dma_semaphore, #tpu.memory_space<semaphore_mem>>) {add = true}
      %ge3A_873 = arith.constant 2 : i32
      %ge3A_874 = arith.cmpi sge, %add3A_866, %ge3A_873 : i32
      %convert_element_type3A_875 = arith.extui %ge3A_874 : i1 to i32
      %cond3A_876 = arith.constant 0 : i32
      %cond3A_877 = arith.cmpi ne, %convert_element_type3A_875, %cond3A_876 : i32
      scf.if %cond3A_877 {
        %dma_wait3A_904 = arith.constant 0 : i32
        %dma_wait3A_905 = arith.constant 0 : i32
        %dma_wait3A_906 = tpu.memref_slice %arg6[%dma_wait3A_904, %dma_wait3A_905] : memref<10000x128xf32, #tpu.memory_space<vmem_shared>> -> memref<10000x128xf32, #tpu.memory_space<vmem_shared>>
        tpu.wait_indirect_dma semaphore(%arg49 : memref<!tpu.dma_semaphore, #tpu.memory_space<semaphore_mem>>) src(%arg24 : memref<80x128xf32, #tpu.memory_space<vmem>>) dst(%dma_wait3A_906 : memref<10000x128xf32, #tpu.memory_space<vmem_shared>>)
      } else {
      }
      %add3A_878 = arith.constant 6 : i32
      %add3A_879 = arith.addi %add3A_866, %add3A_878 : i32
      %lt3A_880 = arith.constant 125 : i32
      %lt3A_881 = arith.cmpi slt, %add3A_879, %lt3A_880 : i32
      %convert_element_type3A_882 = arith.extui %lt3A_881 : i1 to i32
      %cond3A_883 = arith.constant 0 : i32
      %cond3A_884 = arith.cmpi ne, %convert_element_type3A_882, %cond3A_883 : i32
      scf.if %cond3A_884 {
        %add3A_904 = arith.constant 6 : i32
        %add3A_905 = arith.addi %add3A_866, %add3A_904 : i32
        %dma_start3A_906 = arith.constant 0 : i32
        %dma_start3A_907 = arith.constant 0 : i32
        %dma_start3A_908 = tpu.memref_slice %arg3[%add3A, %add3A_905, %dma_start3A_906, %dma_start3A_907] : memref<32x125x1x80xi32, #tpu.memory_space<hbm>> -> memref<1x1x1x80xi32, #tpu.memory_space<hbm>>
        %dma_start3A_909 = tpu.memref_squeeze %dma_start3A_908 : memref<1x1x1x80xi32, #tpu.memory_space<hbm>> -> memref<80xi32, #tpu.memory_space<hbm>>
        %dma_start3A_910 = arith.constant 0 : i32
        %dma_start3A_911 = tpu.memref_slice %arg3[%add3A, %add3A_905, %dma_start3A_906, %dma_start3A_910] : memref<32x125x1x80xi32, #tpu.memory_space<hbm>> -> memref<1x1x1x80xi32, #tpu.memory_space<hbm>>
        %dma_start3A_912 = tpu.memref_squeeze %dma_start3A_911 : memref<1x1x1x80xi32, #tpu.memory_space<hbm>> -> memref<80xi32, #tpu.memory_space<hbm>>
        tpu.enqueue_dma source(%dma_start3A_912 : memref<80xi32, #tpu.memory_space<hbm>>) target(%arg12 : memref<80xi32, #tpu.memory_space<vmem>>) target_semaphore(%arg33 : memref<!tpu.dma_semaphore, #tpu.memory_space<semaphore_mem>>)
        %dma_start3A_913 = arith.constant 0 : i32
        %dma_start3A_914 = arith.constant 0 : i32
        %dma_start3A_915 = tpu.memref_slice %arg4[%add3A, %add3A_905, %dma_start3A_913, %dma_start3A_914] : memref<32x125x1x80xi32, #tpu.memory_space<hbm>> -> memref<1x1x1x80xi32, #tpu.memory_space<hbm>>
        %dma_start3A_916 = tpu.memref_squeeze %dma_start3A_915 : memref<1x1x1x80xi32, #tpu.memory_space<hbm>> -> memref<80xi32, #tpu.memory_space<hbm>>
        %dma_start3A_917 = arith.constant 0 : i32
        %dma_start3A_918 = tpu.memref_slice %arg4[%add3A, %add3A_905, %dma_start3A_913, %dma_start3A_917] : memref<32x125x1x80xi32, #tpu.memory_space<hbm>> -> memref<1x1x1x80xi32, #tpu.memory_space<hbm>>
        %dma_start3A_919 = tpu.memref_squeeze %dma_start3A_918 : memref<1x1x1x80xi32, #tpu.memory_space<hbm>> -> memref<80xi32, #tpu.memory_space<hbm>>
        tpu.enqueue_dma source(%dma_start3A_919 : memref<80xi32, #tpu.memory_space<hbm>>) target(%arg20 : memref<80xi32, #tpu.memory_space<vmem>>) target_semaphore(%arg41 : memref<!tpu.dma_semaphore, #tpu.memory_space<semaphore_mem>>)
      } else {
      }
      %add3A_885 = arith.constant 2 : i32
      %add3A_886 = arith.addi %add3A_866, %add3A_885 : i32
      %dma_wait3A_887 = arith.constant 0 : i32
      %dma_wait3A_888 = arith.constant 0 : i32
      %dma_wait3A_889 = tpu.memref_slice %arg3[%add3A, %add3A_886, %dma_wait3A_887, %dma_wait3A_888] : memref<32x125x1x80xi32, #tpu.memory_space<hbm>> -> memref<1x1x1x80xi32, #tpu.memory_space<hbm>>
      %dma_wait3A_890 = tpu.memref_squeeze %dma_wait3A_889 : memref<1x1x1x80xi32, #tpu.memory_space<hbm>> -> memref<80xi32, #tpu.memory_space<hbm>>
      %dma_wait3A_891 = arith.constant 0 : i32
      %dma_wait3A_892 = tpu.memref_slice %arg3[%add3A, %add3A_886, %dma_wait3A_887, %dma_wait3A_891] : memref<32x125x1x80xi32, #tpu.memory_space<hbm>> -> memref<1x1x1x80xi32, #tpu.memory_space<hbm>>
      %dma_wait3A_893 = tpu.memref_squeeze %dma_wait3A_892 : memref<1x1x1x80xi32, #tpu.memory_space<hbm>> -> memref<80xi32, #tpu.memory_space<hbm>>
      tpu.wait_dma2 semaphore(%arg29 : memref<!tpu.dma_semaphore, #tpu.memory_space<semaphore_mem>>) src(%dma_wait3A_893 : memref<80xi32, #tpu.memory_space<hbm>>) dst(%arg8 : memref<80xi32, #tpu.memory_space<vmem>>)
      %dma_wait3A_894 = arith.constant 0 : i32
      %dma_wait3A_895 = arith.constant 0 : i32
      %dma_wait3A_896 = tpu.memref_slice %arg4[%add3A, %add3A_886, %dma_wait3A_894, %dma_wait3A_895] : memref<32x125x1x80xi32, #tpu.memory_space<hbm>> -> memref<1x1x1x80xi32, #tpu.memory_space<hbm>>
      %dma_wait3A_897 = tpu.memref_squeeze %dma_wait3A_896 : memref<1x1x1x80xi32, #tpu.memory_space<hbm>> -> memref<80xi32, #tpu.memory_space<hbm>>
      %dma_wait3A_898 = arith.constant 0 : i32
      %dma_wait3A_899 = tpu.memref_slice %arg4[%add3A, %add3A_886, %dma_wait3A_894, %dma_wait3A_898] : memref<32x125x1x80xi32, #tpu.memory_space<hbm>> -> memref<1x1x1x80xi32, #tpu.memory_space<hbm>>
      %dma_wait3A_900 = tpu.memref_squeeze %dma_wait3A_899 : memref<1x1x1x80xi32, #tpu.memory_space<hbm>> -> memref<80xi32, #tpu.memory_space<hbm>>
      tpu.wait_dma2 semaphore(%arg37 : memref<!tpu.dma_semaphore, #tpu.memory_space<semaphore_mem>>) src(%dma_wait3A_900 : memref<80xi32, #tpu.memory_space<hbm>>) dst(%arg16 : memref<80xi32, #tpu.memory_space<vmem>>)
      %dma_start3A_901 = arith.constant 0 : i32
      %dma_start3A_902 = arith.constant 0 : i32
      %dma_start3A_903 = tpu.memref_slice %arg2[%dma_start3A_901, %dma_start3A_902] : memref<10000x128xf32, #tpu.memory_space<hbm>> -> memref<10000x128xf32, #tpu.memory_space<hbm>>
      tpu.enqueue_indirect_dma source(%dma_start3A_903 : memref<10000x128xf32, #tpu.memory_space<hbm>>) target(%arg24 : memref<80x128xf32, #tpu.memory_space<vmem>>) offsets(%arg8 : memref<80xi32, #tpu.memory_space<vmem>>) semaphore(%arg45 : memref<!tpu.dma_semaphore, #tpu.memory_space<semaphore_mem>>)
    }
    %scan3A_458 = arith.constant 15 : i32
    %dma_wait3A_459 = arith.constant 0 : i32
    %dma_wait3A_460 = arith.constant 0 : i32
    %dma_wait3A_461 = tpu.memref_slice %arg2[%dma_wait3A_459, %dma_wait3A_460] : memref<10000x128xf32, #tpu.memory_space<hbm>> -> memref<10000x128xf32, #tpu.memory_space<hbm>>
    tpu.wait_indirect_dma semaphore(%arg44 : memref<!tpu.dma_semaphore, #tpu.memory_space<semaphore_mem>>) src(%dma_wait3A_461 : memref<10000x128xf32, #tpu.memory_space<hbm>>) dst(%arg23 : memref<80x128xf32, #tpu.memory_space<vmem>>)
    %dma_start3A_462 = arith.constant 0 : i32
    %dma_start3A_463 = arith.constant 0 : i32
    %dma_start3A_464 = tpu.memref_slice %arg6[%dma_start3A_462, %dma_start3A_463] : memref<10000x128xf32, #tpu.memory_space<vmem_shared>> -> memref<10000x128xf32, #tpu.memory_space<vmem_shared>>
    tpu.enqueue_indirect_dma source(%arg23 : memref<80x128xf32, #tpu.memory_space<vmem>>) target(%dma_start3A_464 : memref<10000x128xf32, #tpu.memory_space<vmem_shared>>) offsets(%arg15 : memref<80xi32, #tpu.memory_space<vmem>>) semaphore(%arg48 : memref<!tpu.dma_semaphore, #tpu.memory_space<semaphore_mem>>) {add = true}
    %dma_wait3A_465 = arith.constant 0 : i32
    %dma_wait3A_466 = arith.constant 0 : i32
    %dma_wait3A_467 = tpu.memref_slice %arg6[%dma_wait3A_465, %dma_wait3A_466] : memref<10000x128xf32, #tpu.memory_space<vmem_shared>> -> memref<10000x128xf32, #tpu.memory_space<vmem_shared>>
    tpu.wait_indirect_dma semaphore(%arg50 : memref<!tpu.dma_semaphore, #tpu.memory_space<semaphore_mem>>) src(%arg25 : memref<80x128xf32, #tpu.memory_space<vmem>>) dst(%dma_wait3A_467 : memref<10000x128xf32, #tpu.memory_space<vmem_shared>>)
    %dma_wait3A_468 = arith.constant 122 : i32
    %dma_wait3A_469 = arith.constant 0 : i32
    %dma_wait3A_470 = arith.constant 0 : i32
    %dma_wait3A_471 = tpu.memref_slice %arg3[%add3A, %dma_wait3A_468, %dma_wait3A_469, %dma_wait3A_470] : memref<32x125x1x80xi32, #tpu.memory_space<hbm>> -> memref<1x1x1x80xi32, #tpu.memory_space<hbm>>
    %dma_wait3A_472 = tpu.memref_squeeze %dma_wait3A_471 : memref<1x1x1x80xi32, #tpu.memory_space<hbm>> -> memref<80xi32, #tpu.memory_space<hbm>>
    %dma_wait3A_473 = arith.constant 0 : i32
    %dma_wait3A_474 = tpu.memref_slice %arg3[%add3A, %dma_wait3A_468, %dma_wait3A_469, %dma_wait3A_473] : memref<32x125x1x80xi32, #tpu.memory_space<hbm>> -> memref<1x1x1x80xi32, #tpu.memory_space<hbm>>
    %dma_wait3A_475 = tpu.memref_squeeze %dma_wait3A_474 : memref<1x1x1x80xi32, #tpu.memory_space<hbm>> -> memref<80xi32, #tpu.memory_space<hbm>>
    tpu.wait_dma2 semaphore(%arg30 : memref<!tpu.dma_semaphore, #tpu.memory_space<semaphore_mem>>) src(%dma_wait3A_475 : memref<80xi32, #tpu.memory_space<hbm>>) dst(%arg9 : memref<80xi32, #tpu.memory_space<vmem>>)
    %dma_wait3A_476 = arith.constant 122 : i32
    %dma_wait3A_477 = arith.constant 0 : i32
    %dma_wait3A_478 = arith.constant 0 : i32
    %dma_wait3A_479 = tpu.memref_slice %arg4[%add3A, %dma_wait3A_476, %dma_wait3A_477, %dma_wait3A_478] : memref<32x125x1x80xi32, #tpu.memory_space<hbm>> -> memref<1x1x1x80xi32, #tpu.memory_space<hbm>>
    %dma_wait3A_480 = tpu.memref_squeeze %dma_wait3A_479 : memref<1x1x1x80xi32, #tpu.memory_space<hbm>> -> memref<80xi32, #tpu.memory_space<hbm>>
    %dma_wait3A_481 = arith.constant 0 : i32
    %dma_wait3A_482 = tpu.memref_slice %arg4[%add3A, %dma_wait3A_476, %dma_wait3A_477, %dma_wait3A_481] : memref<32x125x1x80xi32, #tpu.memory_space<hbm>> -> memref<1x1x1x80xi32, #tpu.memory_space<hbm>>
    %dma_wait3A_483 = tpu.memref_squeeze %dma_wait3A_482 : memref<1x1x1x80xi32, #tpu.memory_space<hbm>> -> memref<80xi32, #tpu.memory_space<hbm>>
    tpu.wait_dma2 semaphore(%arg38 : memref<!tpu.dma_semaphore, #tpu.memory_space<semaphore_mem>>) src(%dma_wait3A_483 : memref<80xi32, #tpu.memory_space<hbm>>) dst(%arg17 : memref<80xi32, #tpu.memory_space<vmem>>)
    %dma_start3A_484 = arith.constant 0 : i32
    %dma_start3A_485 = arith.constant 0 : i32
    %dma_start3A_486 = tpu.memref_slice %arg2[%dma_start3A_484, %dma_start3A_485] : memref<10000x128xf32, #tpu.memory_space<hbm>> -> memref<10000x128xf32, #tpu.memory_space<hbm>>
    tpu.enqueue_indirect_dma source(%dma_start3A_486 : memref<10000x128xf32, #tpu.memory_space<hbm>>) target(%arg25 : memref<80x128xf32, #tpu.memory_space<vmem>>) offsets(%arg9 : memref<80xi32, #tpu.memory_space<vmem>>) semaphore(%arg46 : memref<!tpu.dma_semaphore, #tpu.memory_space<semaphore_mem>>)
    %dma_wait3A_487 = arith.constant 0 : i32
    %dma_wait3A_488 = arith.constant 0 : i32
    %dma_wait3A_489 = tpu.memref_slice %arg2[%dma_wait3A_487, %dma_wait3A_488] : memref<10000x128xf32, #tpu.memory_space<hbm>> -> memref<10000x128xf32, #tpu.memory_space<hbm>>
    tpu.wait_indirect_dma semaphore(%arg45 : memref<!tpu.dma_semaphore, #tpu.memory_space<semaphore_mem>>) src(%dma_wait3A_489 : memref<10000x128xf32, #tpu.memory_space<hbm>>) dst(%arg24 : memref<80x128xf32, #tpu.memory_space<vmem>>)
    %dma_start3A_490 = arith.constant 0 : i32
    %dma_start3A_491 = arith.constant 0 : i32
    %dma_start3A_492 = tpu.memref_slice %arg6[%dma_start3A_490, %dma_start3A_491] : memref<10000x128xf32, #tpu.memory_space<vmem_shared>> -> memref<10000x128xf32, #tpu.memory_space<vmem_shared>>
    tpu.enqueue_indirect_dma source(%arg24 : memref<80x128xf32, #tpu.memory_space<vmem>>) target(%dma_start3A_492 : memref<10000x128xf32, #tpu.memory_space<vmem_shared>>) offsets(%arg16 : memref<80xi32, #tpu.memory_space<vmem>>) semaphore(%arg49 : memref<!tpu.dma_semaphore, #tpu.memory_space<semaphore_mem>>) {add = true}
    %dma_wait3A_493 = arith.constant 0 : i32
    %dma_wait3A_494 = arith.constant 0 : i32
    %dma_wait3A_495 = tpu.memref_slice %arg6[%dma_wait3A_493, %dma_wait3A_494] : memref<10000x128xf32, #tpu.memory_space<vmem_shared>> -> memref<10000x128xf32, #tpu.memory_space<vmem_shared>>
    tpu.wait_indirect_dma semaphore(%arg51 : memref<!tpu.dma_semaphore, #tpu.memory_space<semaphore_mem>>) src(%arg26 : memref<80x128xf32, #tpu.memory_space<vmem>>) dst(%dma_wait3A_495 : memref<10000x128xf32, #tpu.memory_space<vmem_shared>>)
    %dma_wait3A_496 = arith.constant 123 : i32
    %dma_wait3A_497 = arith.constant 0 : i32
    %dma_wait3A_498 = arith.constant 0 : i32
    %dma_wait3A_499 = tpu.memref_slice %arg3[%add3A, %dma_wait3A_496, %dma_wait3A_497, %dma_wait3A_498] : memref<32x125x1x80xi32, #tpu.memory_space<hbm>> -> memref<1x1x1x80xi32, #tpu.memory_space<hbm>>
    %dma_wait3A_500 = tpu.memref_squeeze %dma_wait3A_499 : memref<1x1x1x80xi32, #tpu.memory_space<hbm>> -> memref<80xi32, #tpu.memory_space<hbm>>
    %dma_wait3A_501 = arith.constant 0 : i32
    %dma_wait3A_502 = tpu.memref_slice %arg3[%add3A, %dma_wait3A_496, %dma_wait3A_497, %dma_wait3A_501] : memref<32x125x1x80xi32, #tpu.memory_space<hbm>> -> memref<1x1x1x80xi32, #tpu.memory_space<hbm>>
    %dma_wait3A_503 = tpu.memref_squeeze %dma_wait3A_502 : memref<1x1x1x80xi32, #tpu.memory_space<hbm>> -> memref<80xi32, #tpu.memory_space<hbm>>
    tpu.wait_dma2 semaphore(%arg31 : memref<!tpu.dma_semaphore, #tpu.memory_space<semaphore_mem>>) src(%dma_wait3A_503 : memref<80xi32, #tpu.memory_space<hbm>>) dst(%arg10 : memref<80xi32, #tpu.memory_space<vmem>>)
    %dma_wait3A_504 = arith.constant 123 : i32
    %dma_wait3A_505 = arith.constant 0 : i32
    %dma_wait3A_506 = arith.constant 0 : i32
    %dma_wait3A_507 = tpu.memref_slice %arg4[%add3A, %dma_wait3A_504, %dma_wait3A_505, %dma_wait3A_506] : memref<32x125x1x80xi32, #tpu.memory_space<hbm>> -> memref<1x1x1x80xi32, #tpu.memory_space<hbm>>
    %dma_wait3A_508 = tpu.memref_squeeze %dma_wait3A_507 : memref<1x1x1x80xi32, #tpu.memory_space<hbm>> -> memref<80xi32, #tpu.memory_space<hbm>>
    %dma_wait3A_509 = arith.constant 0 : i32
    %dma_wait3A_510 = tpu.memref_slice %arg4[%add3A, %dma_wait3A_504, %dma_wait3A_505, %dma_wait3A_509] : memref<32x125x1x80xi32, #tpu.memory_space<hbm>> -> memref<1x1x1x80xi32, #tpu.memory_space<hbm>>
    %dma_wait3A_511 = tpu.memref_squeeze %dma_wait3A_510 : memref<1x1x1x80xi32, #tpu.memory_space<hbm>> -> memref<80xi32, #tpu.memory_space<hbm>>
    tpu.wait_dma2 semaphore(%arg39 : memref<!tpu.dma_semaphore, #tpu.memory_space<semaphore_mem>>) src(%dma_wait3A_511 : memref<80xi32, #tpu.memory_space<hbm>>) dst(%arg18 : memref<80xi32, #tpu.memory_space<vmem>>)
    %dma_start3A_512 = arith.constant 0 : i32
    %dma_start3A_513 = arith.constant 0 : i32
    %dma_start3A_514 = tpu.memref_slice %arg2[%dma_start3A_512, %dma_start3A_513] : memref<10000x128xf32, #tpu.memory_space<hbm>> -> memref<10000x128xf32, #tpu.memory_space<hbm>>
    tpu.enqueue_indirect_dma source(%dma_start3A_514 : memref<10000x128xf32, #tpu.memory_space<hbm>>) target(%arg26 : memref<80x128xf32, #tpu.memory_space<vmem>>) offsets(%arg10 : memref<80xi32, #tpu.memory_space<vmem>>) semaphore(%arg47 : memref<!tpu.dma_semaphore, #tpu.memory_space<semaphore_mem>>)
    %dma_wait3A_515 = arith.constant 0 : i32
    %dma_wait3A_516 = arith.constant 0 : i32
    %dma_wait3A_517 = tpu.memref_slice %arg2[%dma_wait3A_515, %dma_wait3A_516] : memref<10000x128xf32, #tpu.memory_space<hbm>> -> memref<10000x128xf32, #tpu.memory_space<hbm>>
    tpu.wait_indirect_dma semaphore(%arg46 : memref<!tpu.dma_semaphore, #tpu.memory_space<semaphore_mem>>) src(%dma_wait3A_517 : memref<10000x128xf32, #tpu.memory_space<hbm>>) dst(%arg25 : memref<80x128xf32, #tpu.memory_space<vmem>>)
    %dma_start3A_518 = arith.constant 0 : i32
    %dma_start3A_519 = arith.constant 0 : i32
    %dma_start3A_520 = tpu.memref_slice %arg6[%dma_start3A_518, %dma_start3A_519] : memref<10000x128xf32, #tpu.memory_space<vmem_shared>> -> memref<10000x128xf32, #tpu.memory_space<vmem_shared>>
    tpu.enqueue_indirect_dma source(%arg25 : memref<80x128xf32, #tpu.memory_space<vmem>>) target(%dma_start3A_520 : memref<10000x128xf32, #tpu.memory_space<vmem_shared>>) offsets(%arg17 : memref<80xi32, #tpu.memory_space<vmem>>) semaphore(%arg50 : memref<!tpu.dma_semaphore, #tpu.memory_space<semaphore_mem>>) {add = true}
    %dma_wait3A_521 = arith.constant 0 : i32
    %dma_wait3A_522 = arith.constant 0 : i32
    %dma_wait3A_523 = tpu.memref_slice %arg6[%dma_wait3A_521, %dma_wait3A_522] : memref<10000x128xf32, #tpu.memory_space<vmem_shared>> -> memref<10000x128xf32, #tpu.memory_space<vmem_shared>>
    tpu.wait_indirect_dma semaphore(%arg48 : memref<!tpu.dma_semaphore, #tpu.memory_space<semaphore_mem>>) src(%arg23 : memref<80x128xf32, #tpu.memory_space<vmem>>) dst(%dma_wait3A_523 : memref<10000x128xf32, #tpu.memory_space<vmem_shared>>)
    %dma_wait3A_524 = arith.constant 124 : i32
    %dma_wait3A_525 = arith.constant 0 : i32
    %dma_wait3A_526 = arith.constant 0 : i32
    %dma_wait3A_527 = tpu.memref_slice %arg3[%add3A, %dma_wait3A_524, %dma_wait3A_525, %dma_wait3A_526] : memref<32x125x1x80xi32, #tpu.memory_space<hbm>> -> memref<1x1x1x80xi32, #tpu.memory_space<hbm>>
    %dma_wait3A_528 = tpu.memref_squeeze %dma_wait3A_527 : memref<1x1x1x80xi32, #tpu.memory_space<hbm>> -> memref<80xi32, #tpu.memory_space<hbm>>
    %dma_wait3A_529 = arith.constant 0 : i32
    %dma_wait3A_530 = tpu.memref_slice %arg3[%add3A, %dma_wait3A_524, %dma_wait3A_525, %dma_wait3A_529] : memref<32x125x1x80xi32, #tpu.memory_space<hbm>> -> memref<1x1x1x80xi32, #tpu.memory_space<hbm>>
    %dma_wait3A_531 = tpu.memref_squeeze %dma_wait3A_530 : memref<1x1x1x80xi32, #tpu.memory_space<hbm>> -> memref<80xi32, #tpu.memory_space<hbm>>
    tpu.wait_dma2 semaphore(%arg32 : memref<!tpu.dma_semaphore, #tpu.memory_space<semaphore_mem>>) src(%dma_wait3A_531 : memref<80xi32, #tpu.memory_space<hbm>>) dst(%arg11 : memref<80xi32, #tpu.memory_space<vmem>>)
    %dma_wait3A_532 = arith.constant 124 : i32
    %dma_wait3A_533 = arith.constant 0 : i32
    %dma_wait3A_534 = arith.constant 0 : i32
    %dma_wait3A_535 = tpu.memref_slice %arg4[%add3A, %dma_wait3A_532, %dma_wait3A_533, %dma_wait3A_534] : memref<32x125x1x80xi32, #tpu.memory_space<hbm>> -> memref<1x1x1x80xi32, #tpu.memory_space<hbm>>
    %dma_wait3A_536 = tpu.memref_squeeze %dma_wait3A_535 : memref<1x1x1x80xi32, #tpu.memory_space<hbm>> -> memref<80xi32, #tpu.memory_space<hbm>>
    %dma_wait3A_537 = arith.constant 0 : i32
    %dma_wait3A_538 = tpu.memref_slice %arg4[%add3A, %dma_wait3A_532, %dma_wait3A_533, %dma_wait3A_537] : memref<32x125x1x80xi32, #tpu.memory_space<hbm>> -> memref<1x1x1x80xi32, #tpu.memory_space<hbm>>
    %dma_wait3A_539 = tpu.memref_squeeze %dma_wait3A_538 : memref<1x1x1x80xi32, #tpu.memory_space<hbm>> -> memref<80xi32, #tpu.memory_space<hbm>>
    tpu.wait_dma2 semaphore(%arg40 : memref<!tpu.dma_semaphore, #tpu.memory_space<semaphore_mem>>) src(%dma_wait3A_539 : memref<80xi32, #tpu.memory_space<hbm>>) dst(%arg19 : memref<80xi32, #tpu.memory_space<vmem>>)
    %dma_start3A_540 = arith.constant 0 : i32
    %dma_start3A_541 = arith.constant 0 : i32
    %dma_start3A_542 = tpu.memref_slice %arg2[%dma_start3A_540, %dma_start3A_541] : memref<10000x128xf32, #tpu.memory_space<hbm>> -> memref<10000x128xf32, #tpu.memory_space<hbm>>
    tpu.enqueue_indirect_dma source(%dma_start3A_542 : memref<10000x128xf32, #tpu.memory_space<hbm>>) target(%arg23 : memref<80x128xf32, #tpu.memory_space<vmem>>) offsets(%arg11 : memref<80xi32, #tpu.memory_space<vmem>>) semaphore(%arg44 : memref<!tpu.dma_semaphore, #tpu.memory_space<semaphore_mem>>)
    %dma_wait3A_543 = arith.constant 0 : i32
    %dma_wait3A_544 = arith.constant 0 : i32
    %dma_wait3A_545 = tpu.memref_slice %arg2[%dma_wait3A_543, %dma_wait3A_544] : memref<10000x128xf32, #tpu.memory_space<hbm>> -> memref<10000x128xf32, #tpu.memory_space<hbm>>
    tpu.wait_indirect_dma semaphore(%arg47 : memref<!tpu.dma_semaphore, #tpu.memory_space<semaphore_mem>>) src(%dma_wait3A_545 : memref<10000x128xf32, #tpu.memory_space<hbm>>) dst(%arg26 : memref<80x128xf32, #tpu.memory_space<vmem>>)
    %dma_start3A_546 = arith.constant 0 : i32
    %dma_start3A_547 = arith.constant 0 : i32
    %dma_start3A_548 = tpu.memref_slice %arg6[%dma_start3A_546, %dma_start3A_547] : memref<10000x128xf32, #tpu.memory_space<vmem_shared>> -> memref<10000x128xf32, #tpu.memory_space<vmem_shared>>
    tpu.enqueue_indirect_dma source(%arg26 : memref<80x128xf32, #tpu.memory_space<vmem>>) target(%dma_start3A_548 : memref<10000x128xf32, #tpu.memory_space<vmem_shared>>) offsets(%arg18 : memref<80xi32, #tpu.memory_space<vmem>>) semaphore(%arg51 : memref<!tpu.dma_semaphore, #tpu.memory_space<semaphore_mem>>) {add = true}
    %dma_wait3A_549 = arith.constant 0 : i32
    %dma_wait3A_550 = arith.constant 0 : i32
    %dma_wait3A_551 = tpu.memref_slice %arg6[%dma_wait3A_549, %dma_wait3A_550] : memref<10000x128xf32, #tpu.memory_space<vmem_shared>> -> memref<10000x128xf32, #tpu.memory_space<vmem_shared>>
    tpu.wait_indirect_dma semaphore(%arg49 : memref<!tpu.dma_semaphore, #tpu.memory_space<semaphore_mem>>) src(%arg24 : memref<80x128xf32, #tpu.memory_space<vmem>>) dst(%dma_wait3A_551 : memref<10000x128xf32, #tpu.memory_space<vmem_shared>>)
    %dma_wait3A_552 = arith.constant 0 : i32
    %dma_wait3A_553 = arith.constant 0 : i32
    %dma_wait3A_554 = tpu.memref_slice %arg2[%dma_wait3A_552, %dma_wait3A_553] : memref<10000x128xf32, #tpu.memory_space<hbm>> -> memref<10000x128xf32, #tpu.memory_space<hbm>>
    tpu.wait_indirect_dma semaphore(%arg44 : memref<!tpu.dma_semaphore, #tpu.memory_space<semaphore_mem>>) src(%dma_wait3A_554 : memref<10000x128xf32, #tpu.memory_space<hbm>>) dst(%arg23 : memref<80x128xf32, #tpu.memory_space<vmem>>)
    %dma_start3A_555 = arith.constant 0 : i32
    %dma_start3A_556 = arith.constant 0 : i32
    %dma_start3A_557 = tpu.memref_slice %arg6[%dma_start3A_555, %dma_start3A_556] : memref<10000x128xf32, #tpu.memory_space<vmem_shared>> -> memref<10000x128xf32, #tpu.memory_space<vmem_shared>>
    tpu.enqueue_indirect_dma source(%arg23 : memref<80x128xf32, #tpu.memory_space<vmem>>) target(%dma_start3A_557 : memref<10000x128xf32, #tpu.memory_space<vmem_shared>>) offsets(%arg19 : memref<80xi32, #tpu.memory_space<vmem>>) semaphore(%arg48 : memref<!tpu.dma_semaphore, #tpu.memory_space<semaphore_mem>>) {add = true}
    %dma_wait3A_558 = arith.constant 0 : i32
    %dma_wait3A_559 = arith.constant 0 : i32
    %dma_wait3A_560 = tpu.memref_slice %arg6[%dma_wait3A_558, %dma_wait3A_559] : memref<10000x128xf32, #tpu.memory_space<vmem_shared>> -> memref<10000x128xf32, #tpu.memory_space<vmem_shared>>
    tpu.wait_indirect_dma semaphore(%arg50 : memref<!tpu.dma_semaphore, #tpu.memory_space<semaphore_mem>>) src(%arg25 : memref<80x128xf32, #tpu.memory_space<vmem>>) dst(%dma_wait3A_560 : memref<10000x128xf32, #tpu.memory_space<vmem_shared>>)
    %dma_wait3A_561 = arith.constant 0 : i32
    %dma_wait3A_562 = arith.constant 0 : i32
    %dma_wait3A_563 = tpu.memref_slice %arg6[%dma_wait3A_561, %dma_wait3A_562] : memref<10000x128xf32, #tpu.memory_space<vmem_shared>> -> memref<10000x128xf32, #tpu.memory_space<vmem_shared>>
    tpu.wait_indirect_dma semaphore(%arg51 : memref<!tpu.dma_semaphore, #tpu.memory_space<semaphore_mem>>) src(%arg26 : memref<80x128xf32, #tpu.memory_space<vmem>>) dst(%dma_wait3A_563 : memref<10000x128xf32, #tpu.memory_space<vmem_shared>>)
    %dma_wait3A_564 = arith.constant 0 : i32
    %dma_wait3A_565 = arith.constant 0 : i32
    %dma_wait3A_566 = tpu.memref_slice %arg6[%dma_wait3A_564, %dma_wait3A_565] : memref<10000x128xf32, #tpu.memory_space<vmem_shared>> -> memref<10000x128xf32, #tpu.memory_space<vmem_shared>>
    tpu.wait_indirect_dma semaphore(%arg48 : memref<!tpu.dma_semaphore, #tpu.memory_space<semaphore_mem>>) src(%arg23 : memref<80x128xf32, #tpu.memory_space<vmem>>) dst(%dma_wait3A_566 : memref<10000x128xf32, #tpu.memory_space<vmem_shared>>)
    %barrier3A_567 = arith.constant 0 : index
    tpu.barrier barrier_id(%barrier3A_567)
    %mul3A_568 = arith.constant 624 : i32
    %mul3A_569 = arith.muli %arg1, %mul3A_568 : i32
    %mul3A_570 = arith.constant 624 : i32
    %mul3A_571 = arith.muli %arg1, %mul3A_570 : i32
    "tpu.region"() ({
      %run_scoped3A = tpu.sem_alloc : memref<!tpu.dma_semaphore, #tpu.memory_space<semaphore_mem>>
      %dma_start3A_577 = arith.constant 0 : i32
      %dma_start3A_578 = tpu.memref_slice %arg5[%arg0, %mul3A_571, %dma_start3A_577] : memref<2x10000x128xf32, #tpu.memory_space<hbm>> -> memref<1x624x128xf32, #tpu.memory_space<hbm>>
      %dma_start3A_579 = tpu.memref_squeeze %dma_start3A_578 : memref<1x624x128xf32, #tpu.memory_space<hbm>> -> memref<624x128xf32, #tpu.memory_space<hbm>>
      %dma_start3A_580 = arith.constant 0 : i32
      %dma_start3A_581 = tpu.memref_slice %arg6[%mul3A_569, %dma_start3A_580] : memref<10000x128xf32, #tpu.memory_space<vmem_shared>> -> memref<624x128xf32, #tpu.memory_space<vmem_shared>>
      tpu.enqueue_dma source(%dma_start3A_581 : memref<624x128xf32, #tpu.memory_space<vmem_shared>>) target(%dma_start3A_579 : memref<624x128xf32, #tpu.memory_space<hbm>>) target_semaphore(%run_scoped3A : memref<!tpu.dma_semaphore, #tpu.memory_space<semaphore_mem>>)
      %dma_wait3A_582 = arith.constant 0 : i32
      %dma_wait3A_583 = tpu.memref_slice %arg5[%arg0, %mul3A_571, %dma_wait3A_582] : memref<2x10000x128xf32, #tpu.memory_space<hbm>> -> memref<1x624x128xf32, #tpu.memory_space<hbm>>
      %dma_wait3A_584 = tpu.memref_squeeze %dma_wait3A_583 : memref<1x624x128xf32, #tpu.memory_space<hbm>> -> memref<624x128xf32, #tpu.memory_space<hbm>>
      %dma_wait3A_585 = arith.constant 0 : i32
      %dma_wait3A_586 = tpu.memref_slice %arg6[%mul3A_569, %dma_wait3A_585] : memref<10000x128xf32, #tpu.memory_space<vmem_shared>> -> memref<624x128xf32, #tpu.memory_space<vmem_shared>>
      tpu.wait_dma2 semaphore(%run_scoped3A : memref<!tpu.dma_semaphore, #tpu.memory_space<semaphore_mem>>) src(%dma_wait3A_586 : memref<624x128xf32, #tpu.memory_space<vmem_shared>>) dst(%dma_wait3A_584 : memref<624x128xf32, #tpu.memory_space<hbm>>)
      tpu.yield
    }) : () -> ()
    %eq3A_572 = arith.constant 15 : i32
    %eq3A_573 = arith.cmpi eq, %arg1, %eq3A_572 : i32
    %convert_element_type3A_574 = arith.extui %eq3A_573 : i1 to i32
    %cond3A_575 = arith.constant 0 : i32
    %cond3A_576 = arith.cmpi ne, %convert_element_type3A_574, %cond3A_575 : i32
    scf.if %cond3A_576 {
      "tpu.region"() ({
        %run_scoped3A = tpu.sem_alloc : memref<!tpu.dma_semaphore, #tpu.memory_space<semaphore_mem>>
        %dma_start3A_577 = arith.constant 9984 : i32
        %dma_start3A_578 = arith.constant 0 : i32
        %dma_start3A_579 = tpu.memref_slice %arg5[%arg0, %dma_start3A_577, %dma_start3A_578] : memref<2x10000x128xf32, #tpu.memory_space<hbm>> -> memref<1x16x128xf32, #tpu.memory_space<hbm>>
        %dma_start3A_580 = tpu.memref_squeeze %dma_start3A_579 : memref<1x16x128xf32, #tpu.memory_space<hbm>> -> memref<16x128xf32, #tpu.memory_space<hbm>>
        %dma_start3A_581 = arith.constant 9984 : i32
        %dma_start3A_582 = arith.constant 0 : i32
        %dma_start3A_583 = tpu.memref_slice %arg6[%dma_start3A_581, %dma_start3A_582] : memref<10000x128xf32, #tpu.memory_space<vmem_shared>> -> memref<16x128xf32, #tpu.memory_space<vmem_shared>>
        tpu.enqueue_dma source(%dma_start3A_583 : memref<16x128xf32, #tpu.memory_space<vmem_shared>>) target(%dma_start3A_580 : memref<16x128xf32, #tpu.memory_space<hbm>>) target_semaphore(%run_scoped3A : memref<!tpu.dma_semaphore, #tpu.memory_space<semaphore_mem>>)
        %dma_wait3A_584 = arith.constant 9984 : i32
        %dma_wait3A_585 = arith.constant 0 : i32
        %dma_wait3A_586 = tpu.memref_slice %arg5[%arg0, %dma_wait3A_584, %dma_wait3A_585] : memref<2x10000x128xf32, #tpu.memory_space<hbm>> -> memref<1x16x128xf32, #tpu.memory_space<hbm>>
        %dma_wait3A_587 = tpu.memref_squeeze %dma_wait3A_586 : memref<1x16x128xf32, #tpu.memory_space<hbm>> -> memref<16x128xf32, #tpu.memory_space<hbm>>
        %dma_wait3A_588 = arith.constant 9984 : i32
        %dma_wait3A_589 = arith.constant 0 : i32
        %dma_wait3A_590 = tpu.memref_slice %arg6[%dma_wait3A_588, %dma_wait3A_589] : memref<10000x128xf32, #tpu.memory_space<vmem_shared>> -> memref<16x128xf32, #tpu.memory_space<vmem_shared>>
        tpu.wait_dma2 semaphore(%run_scoped3A : memref<!tpu.dma_semaphore, #tpu.memory_space<semaphore_mem>>) src(%dma_wait3A_590 : memref<16x128xf32, #tpu.memory_space<vmem_shared>>) dst(%dma_wait3A_587 : memref<16x128xf32, #tpu.memory_space<hbm>>)
        tpu.yield
      }) : () -> ()
    } else {
    }
    return
  }
}

module attributes {stable_mosaic.version = 14 : i64} {
  func.func @_tca_body(%arg0: i32, %arg1: memref<400x128xf32, #tpu.memory_space<vmem>>, %arg2: memref<128x128xf32, #tpu.memory_space<vmem>>, %arg3: memref<1x128xf32, #tpu.memory_space<vmem>>, %arg4: memref<400x128xf32, #tpu.memory_space<vmem>>) attributes {dimension_semantics = [#tpu.dimension_semantics<arbitrary>], iteration_bounds = array<i64: 25>, scalar_prefetch = 0 : i64, scratch_operands = 0 : i64, tpu.core_type = #tpu.core_type<tc>, window_params = [{transform_indices = @transform_0, window_bounds = array<i64: 400, 128>}, {pipeline_mode = #tpu.pipeline_mode<synchronous>, transform_indices = @transform_1, window_bounds = array<i64: 128, 128>}, {pipeline_mode = #tpu.pipeline_mode<synchronous>, transform_indices = @transform_2, window_bounds = array<i64: 1, 128>}, {transform_indices = @transform_3, window_bounds = array<i64: 400, 128>}]} {
    %get3A = arith.constant 0 : index
    %get3A_0 = arith.constant 0 : index
    %get3A_1 = vector.load %arg1[%get3A, %get3A_0] : memref<400x128xf32, #tpu.memory_space<vmem>>, vector<400x128xf32>
    %get3A_2 = arith.constant 0 : index
    %get3A_3 = arith.constant 0 : index
    %get3A_4 = vector.load %arg2[%get3A_2, %get3A_3] : memref<128x128xf32, #tpu.memory_space<vmem>>, vector<128x128xf32>
    %dot_general3A = arith.constant dense<0.000000e+00> : vector<400x128xf32>
    %dot_general3A_5 = tpu.matmul %get3A_1, %get3A_4, %dot_general3A {dimension_numbers = #tpu.dot_dimension_numbers<[1], [0], [0], [1], [0, 0, 1, 1], [], []>, transpose_lhs_hint = false} : vector<400x128xf32>, vector<128x128xf32>, vector<400x128xf32> -> vector<400x128xf32>
    %get3A_6 = arith.constant 0 : index
    %get3A_7 = arith.constant 0 : index
    %get3A_8 = vector.load %arg3[%get3A_6, %get3A_7] : memref<1x128xf32, #tpu.memory_space<vmem>>, vector<1x128xf32>
    %add3A = vector.broadcast %get3A_8 : vector<1x128xf32> to vector<400x128xf32>
    %add3A_9 = arith.addf %dot_general3A_5, %add3A : vector<400x128xf32>
    %swap3A = arith.constant 0 : index
    %swap3A_10 = arith.constant 0 : index
    %swap3A_11 = vector.load %arg4[%swap3A, %swap3A_10] : memref<400x128xf32, #tpu.memory_space<vmem>>, vector<400x128xf32>
    tpu.vector_store %arg4[%swap3A, %swap3A_10], %add3A_9 {strides = array<i32>} : memref<400x128xf32, #tpu.memory_space<vmem>>, vector<400x128xf32>,
    return
  }
  func.func @transform_0(%arg0: i32) -> (i32, i32) {
    %c0_i32 = arith.constant 0 : i32
    %c0_i32_0 = arith.constant 0 : i32
    return %arg0, %c0_i32 : i32, i32
  }
  func.func @transform_1(%arg0: i32) -> (i32, i32) {
    %c0_i32 = arith.constant 0 : i32
    %c0_i32_0 = arith.constant 0 : i32
    %c0_i32_1 = arith.constant 0 : i32
    return %c0_i32, %c0_i32_0 : i32, i32
  }
  func.func @transform_2(%arg0: i32) -> (i32, i32) {
    %c0_i32 = arith.constant 0 : i32
    %c0_i32_0 = arith.constant 0 : i32
    %c0_i32_1 = arith.constant 0 : i32
    return %c0_i32, %c0_i32_0 : i32, i32
  }
  func.func @transform_3(%arg0: i32) -> (i32, i32) {
    %c0_i32 = arith.constant 0 : i32
    %c0_i32_0 = arith.constant 0 : i32
    return %arg0, %c0_i32 : i32, i32
  }
}

module attributes {stable_mosaic.version = 14 : i64} {
  func.func @_tc1b_body(%arg0: i32, %arg1: memref<400x128xf32, #tpu.memory_space<vmem>>, %arg2: memref<2x400x128xf32, #tpu.memory_space<vmem>>, %arg3: memref<400x2xf32, #tpu.memory_space<vmem>>, %arg4: memref<128x128xf32, #tpu.memory_space<vmem>>, %arg5: memref<400x128xf32, #tpu.memory_space<vmem>>) attributes {dimension_semantics = [#tpu.dimension_semantics<arbitrary>], iteration_bounds = array<i64: 25>, scalar_prefetch = 0 : i64, scratch_operands = 0 : i64, tpu.core_type = #tpu.core_type<tc>, window_params = [{transform_indices = @transform_0, window_bounds = array<i64: 400, 128>}, {transform_indices = @transform_1, window_bounds = array<i64: 2, 400, 128>}, {transform_indices = @transform_2, window_bounds = array<i64: 400, 2>}, {pipeline_mode = #tpu.pipeline_mode<synchronous>, transform_indices = @transform_3, window_bounds = array<i64: 128, 128>}, {transform_indices = @transform_4, window_bounds = array<i64: 400, 128>}]} {
    %get3A = arith.constant 0 : index
    %get3A_0 = arith.constant 0 : index
    %get3A_1 = arith.constant 0 : index
    %get3A_2 = vector.load %arg2[%get3A, %get3A_0, %get3A_1] : memref<2x400x128xf32, #tpu.memory_space<vmem>>, vector<1x400x128xf32>
    %get3A_3 = vector.shape_cast %get3A_2 : vector<1x400x128xf32> to vector<400x128xf32>
    %get3A_4 = arith.constant 1 : index
    %get3A_5 = arith.constant 0 : index
    %get3A_6 = arith.constant 0 : index
    %get3A_7 = vector.load %arg2[%get3A_4, %get3A_5, %get3A_6] : memref<2x400x128xf32, #tpu.memory_space<vmem>>, vector<1x400x128xf32>
    %get3A_8 = vector.shape_cast %get3A_7 : vector<1x400x128xf32> to vector<400x128xf32>
    %add3A = arith.addf %get3A_3, %get3A_8 : vector<400x128xf32>
    %get3A_9 = arith.constant 0 : index
    %get3A_10 = arith.constant 0 : index
    %get3A_11 = vector.load %arg3[%get3A_9, %get3A_10] : memref<400x2xf32, #tpu.memory_space<vmem>>, vector<400x1xf32>
    %get3A_12 = arith.constant 0 : index
    %get3A_13 = arith.constant 1 : index
    %get3A_14 = vector.load %arg3[%get3A_12, %get3A_13] : memref<400x2xf32, #tpu.memory_space<vmem>>, vector<400x1xf32>
    %add3A_15 = arith.addf %get3A_11, %get3A_14 : vector<400x1xf32>
    %max3A = arith.constant 1.000000e+00 : f32
    %max3A_16 = vector.broadcast %max3A : f32 to vector<400x1xf32>
    %max3A_17 = arith.maximumf %add3A_15, %max3A_16 : vector<400x1xf32>
    %div3A = vector.broadcast %max3A_17 : vector<400x1xf32> to vector<400x128xf32>
    %div3A_18 = arith.divf %add3A, %div3A : vector<400x128xf32>
    %get3A_19 = arith.constant 0 : index
    %get3A_20 = arith.constant 0 : index
    %get3A_21 = vector.load %arg1[%get3A_19, %get3A_20] : memref<400x128xf32, #tpu.memory_space<vmem>>, vector<400x128xf32>
    %get3A_22 = arith.constant 0 : index
    %get3A_23 = arith.constant 0 : index
    %get3A_24 = vector.load %arg4[%get3A_22, %get3A_23] : memref<128x128xf32, #tpu.memory_space<vmem>>, vector<128x128xf32>
    %dot_general3A = arith.constant dense<0.000000e+00> : vector<400x128xf32>
    %dot_general3A_25 = tpu.matmul %div3A_18, %get3A_24, %dot_general3A {dimension_numbers = #tpu.dot_dimension_numbers<[1], [0], [0], [1], [0, 0, 1, 1], [], []>, transpose_lhs_hint = false} : vector<400x128xf32>, vector<128x128xf32>, vector<400x128xf32> -> vector<400x128xf32>
    %add3A_26 = arith.addf %get3A_21, %dot_general3A_25 : vector<400x128xf32>
    %swap3A = arith.constant 0 : index
    %swap3A_27 = arith.constant 0 : index
    %swap3A_28 = vector.load %arg5[%swap3A, %swap3A_27] : memref<400x128xf32, #tpu.memory_space<vmem>>, vector<400x128xf32>
    tpu.vector_store %arg5[%swap3A, %swap3A_27], %add3A_26 {strides = array<i32>} : memref<400x128xf32, #tpu.memory_space<vmem>>, vector<400x128xf32>,
    return
  }
  func.func @transform_0(%arg0: i32) -> (i32, i32) {
    %c0_i32 = arith.constant 0 : i32
    %c0_i32_0 = arith.constant 0 : i32
    return %arg0, %c0_i32 : i32, i32
  }
  func.func @transform_1(%arg0: i32) -> (i32, i32, i32) {
    %c0_i32 = arith.constant 0 : i32
    %c0_i32_0 = arith.constant 0 : i32
    %c0_i32_1 = arith.constant 0 : i32
    return %c0_i32, %arg0, %c0_i32_0 : i32, i32, i32
  }
  func.func @transform_2(%arg0: i32) -> (i32, i32) {
    %c0_i32 = arith.constant 0 : i32
    %c0_i32_0 = arith.constant 0 : i32
    return %arg0, %c0_i32 : i32, i32
  }
  func.func @transform_3(%arg0: i32) -> (i32, i32) {
    %c0_i32 = arith.constant 0 : i32
    %c0_i32_0 = arith.constant 0 : i32
    %c0_i32_1 = arith.constant 0 : i32
    return %c0_i32, %c0_i32_0 : i32, i32
  }
  func.func @transform_4(%arg0: i32) -> (i32, i32) {
    %c0_i32 = arith.constant 0 : i32
    %c0_i32_0 = arith.constant 0 : i32
    return %arg0, %c0_i32 : i32, i32
  }
}

module attributes {stable_mosaic.version = 14 : i64} {
  func.func @_tcc_body(%arg0: i32, %arg1: memref<400x128xf32, #tpu.memory_space<vmem>>, %arg2: memref<128x128xf32, #tpu.memory_space<vmem>>, %arg3: memref<1x128xf32, #tpu.memory_space<vmem>>, %arg4: memref<128x128xf32, #tpu.memory_space<vmem>>, %arg5: memref<400x128xf32, #tpu.memory_space<vmem>>, %arg6: memref<400x128xf32, #tpu.memory_space<vmem>>) attributes {dimension_semantics = [#tpu.dimension_semantics<arbitrary>], iteration_bounds = array<i64: 25>, scalar_prefetch = 0 : i64, scratch_operands = 0 : i64, tpu.core_type = #tpu.core_type<tc>, window_params = [{transform_indices = @transform_0, window_bounds = array<i64: 400, 128>}, {pipeline_mode = #tpu.pipeline_mode<synchronous>, transform_indices = @transform_1, window_bounds = array<i64: 128, 128>}, {pipeline_mode = #tpu.pipeline_mode<synchronous>, transform_indices = @transform_2, window_bounds = array<i64: 1, 128>}, {pipeline_mode = #tpu.pipeline_mode<synchronous>, transform_indices = @transform_3, window_bounds = array<i64: 128, 128>}, {transform_indices = @transform_4, window_bounds = array<i64: 400, 128>}, {transform_indices = @transform_5, window_bounds = array<i64: 400, 128>}]} {
    %get3A = arith.constant 0 : index
    %get3A_0 = arith.constant 0 : index
    %get3A_1 = vector.load %arg1[%get3A, %get3A_0] : memref<400x128xf32, #tpu.memory_space<vmem>>, vector<400x128xf32>
    %get3A_2 = arith.constant 0 : index
    %get3A_3 = arith.constant 0 : index
    %get3A_4 = vector.load %arg2[%get3A_2, %get3A_3] : memref<128x128xf32, #tpu.memory_space<vmem>>, vector<128x128xf32>
    %dot_general3A = arith.constant dense<0.000000e+00> : vector<400x128xf32>
    %dot_general3A_5 = tpu.matmul %get3A_1, %get3A_4, %dot_general3A {dimension_numbers = #tpu.dot_dimension_numbers<[1], [0], [0], [1], [0, 0, 1, 1], [], []>, transpose_lhs_hint = false} : vector<400x128xf32>, vector<128x128xf32>, vector<400x128xf32> -> vector<400x128xf32>
    %get3A_6 = arith.constant 0 : index
    %get3A_7 = arith.constant 0 : index
    %get3A_8 = vector.load %arg3[%get3A_6, %get3A_7] : memref<1x128xf32, #tpu.memory_space<vmem>>, vector<1x128xf32>
    %add3A = vector.broadcast %get3A_8 : vector<1x128xf32> to vector<400x128xf32>
    %add3A_9 = arith.addf %dot_general3A_5, %add3A : vector<400x128xf32>
    %swap3A = arith.constant 0 : index
    %swap3A_10 = arith.constant 0 : index
    %swap3A_11 = vector.load %arg5[%swap3A, %swap3A_10] : memref<400x128xf32, #tpu.memory_space<vmem>>, vector<400x128xf32>
    tpu.vector_store %arg5[%swap3A, %swap3A_10], %add3A_9 {strides = array<i32>} : memref<400x128xf32, #tpu.memory_space<vmem>>, vector<400x128xf32>,
    %get3A_12 = arith.constant 0 : index
    %get3A_13 = arith.constant 0 : index
    %get3A_14 = vector.load %arg4[%get3A_12, %get3A_13] : memref<128x128xf32, #tpu.memory_space<vmem>>, vector<128x128xf32>
    %dot_general3A_15 = arith.constant dense<0.000000e+00> : vector<400x128xf32>
    %dot_general3A_16 = tpu.matmul %get3A_1, %get3A_14, %dot_general3A_15 {dimension_numbers = #tpu.dot_dimension_numbers<[1], [0], [0], [1], [0, 0, 1, 1], [], []>, transpose_lhs_hint = false} : vector<400x128xf32>, vector<128x128xf32>, vector<400x128xf32> -> vector<400x128xf32>
    %swap3A_17 = arith.constant 0 : index
    %swap3A_18 = arith.constant 0 : index
    %swap3A_19 = vector.load %arg6[%swap3A_17, %swap3A_18] : memref<400x128xf32, #tpu.memory_space<vmem>>, vector<400x128xf32>
    tpu.vector_store %arg6[%swap3A_17, %swap3A_18], %dot_general3A_16 {strides = array<i32>} : memref<400x128xf32, #tpu.memory_space<vmem>>, vector<400x128xf32>,
    return
  }
  func.func @transform_0(%arg0: i32) -> (i32, i32) {
    %c0_i32 = arith.constant 0 : i32
    %c0_i32_0 = arith.constant 0 : i32
    return %arg0, %c0_i32 : i32, i32
  }
  func.func @transform_1(%arg0: i32) -> (i32, i32) {
    %c0_i32 = arith.constant 0 : i32
    %c0_i32_0 = arith.constant 0 : i32
    %c0_i32_1 = arith.constant 0 : i32
    return %c0_i32, %c0_i32_0 : i32, i32
  }
  func.func @transform_2(%arg0: i32) -> (i32, i32) {
    %c0_i32 = arith.constant 0 : i32
    %c0_i32_0 = arith.constant 0 : i32
    %c0_i32_1 = arith.constant 0 : i32
    return %c0_i32, %c0_i32_0 : i32, i32
  }
  func.func @transform_3(%arg0: i32) -> (i32, i32) {
    %c0_i32 = arith.constant 0 : i32
    %c0_i32_0 = arith.constant 0 : i32
    %c0_i32_1 = arith.constant 0 : i32
    return %c0_i32, %c0_i32_0 : i32, i32
  }
  func.func @transform_4(%arg0: i32) -> (i32, i32) {
    %c0_i32 = arith.constant 0 : i32
    %c0_i32_0 = arith.constant 0 : i32
    return %arg0, %c0_i32 : i32, i32
  }
  func.func @transform_5(%arg0: i32) -> (i32, i32) {
    %c0_i32 = arith.constant 0 : i32
    %c0_i32_0 = arith.constant 0 : i32
    return %arg0, %c0_i32 : i32, i32
  }
}

module attributes {stable_mosaic.version = 14 : i64} {
  func.func @_tc2b_body(%arg0: i32, %arg1: memref<400x128xf32, #tpu.memory_space<vmem>>, %arg2: memref<400x128xf32, #tpu.memory_space<vmem>>, %arg3: memref<2x400x128xf32, #tpu.memory_space<vmem>>, %arg4: memref<400x2xf32, #tpu.memory_space<vmem>>, %arg5: memref<128x128xf32, #tpu.memory_space<vmem>>, %arg6: memref<1x128xf32, #tpu.memory_space<vmem>>, %arg7: memref<1x128xf32, #tpu.memory_space<vmem>>, %arg8: memref<128x128xf32, #tpu.memory_space<vmem>>, %arg9: memref<1x128xf32, #tpu.memory_space<vmem>>, %arg10: memref<400x128xf32, #tpu.memory_space<vmem>>) attributes {dimension_semantics = [#tpu.dimension_semantics<arbitrary>], iteration_bounds = array<i64: 25>, scalar_prefetch = 0 : i64, scratch_operands = 0 : i64, tpu.core_type = #tpu.core_type<tc>, window_params = [{transform_indices = @transform_0, window_bounds = array<i64: 400, 128>}, {transform_indices = @transform_1, window_bounds = array<i64: 400, 128>}, {transform_indices = @transform_2, window_bounds = array<i64: 2, 400, 128>}, {transform_indices = @transform_3, window_bounds = array<i64: 400, 2>}, {pipeline_mode = #tpu.pipeline_mode<synchronous>, transform_indices = @transform_4, window_bounds = array<i64: 128, 128>}, {pipeline_mode = #tpu.pipeline_mode<synchronous>, transform_indices = @transform_5, window_bounds = array<i64: 1, 128>}, {pipeline_mode = #tpu.pipeline_mode<synchronous>, transform_indices = @transform_6, window_bounds = array<i64: 1, 128>}, {pipeline_mode = #tpu.pipeline_mode<synchronous>, transform_indices = @transform_7, window_bounds = array<i64: 128, 128>}, {pipeline_mode = #tpu.pipeline_mode<synchronous>, transform_indices = @transform_8, window_bounds = array<i64: 1, 128>}, {transform_indices = @transform_9, window_bounds = array<i64: 400, 128>}]} {
    %get3A = arith.constant 0 : index
    %get3A_0 = arith.constant 0 : index
    %get3A_1 = arith.constant 0 : index
    %get3A_2 = vector.load %arg3[%get3A, %get3A_0, %get3A_1] : memref<2x400x128xf32, #tpu.memory_space<vmem>>, vector<1x400x128xf32>
    %get3A_3 = vector.shape_cast %get3A_2 : vector<1x400x128xf32> to vector<400x128xf32>
    %get3A_4 = arith.constant 1 : index
    %get3A_5 = arith.constant 0 : index
    %get3A_6 = arith.constant 0 : index
    %get3A_7 = vector.load %arg3[%get3A_4, %get3A_5, %get3A_6] : memref<2x400x128xf32, #tpu.memory_space<vmem>>, vector<1x400x128xf32>
    %get3A_8 = vector.shape_cast %get3A_7 : vector<1x400x128xf32> to vector<400x128xf32>
    %add3A = arith.addf %get3A_3, %get3A_8 : vector<400x128xf32>
    %get3A_9 = arith.constant 0 : index
    %get3A_10 = arith.constant 0 : index
    %get3A_11 = vector.load %arg4[%get3A_9, %get3A_10] : memref<400x2xf32, #tpu.memory_space<vmem>>, vector<400x1xf32>
    %get3A_12 = arith.constant 0 : index
    %get3A_13 = arith.constant 1 : index
    %get3A_14 = vector.load %arg4[%get3A_12, %get3A_13] : memref<400x2xf32, #tpu.memory_space<vmem>>, vector<400x1xf32>
    %add3A_15 = arith.addf %get3A_11, %get3A_14 : vector<400x1xf32>
    %max3A = arith.constant 1.000000e+00 : f32
    %max3A_16 = vector.broadcast %max3A : f32 to vector<400x1xf32>
    %max3A_17 = arith.maximumf %add3A_15, %max3A_16 : vector<400x1xf32>
    %div3A = vector.broadcast %max3A_17 : vector<400x1xf32> to vector<400x128xf32>
    %div3A_18 = arith.divf %add3A, %div3A : vector<400x128xf32>
    %reduce_sum3A = arith.constant dense<0.000000e+00> : vector<400xf32>
    %reduce_sum3A_19 = vector.multi_reduction <add>, %div3A_18, %reduce_sum3A [1] : vector<400x128xf32> to vector<400xf32>
    %broadcast_in_dim3A = vector.shape_cast %reduce_sum3A_19 : vector<400xf32> to vector<400x1xf32>
    %div3A_20 = arith.constant 1.280000e+02 : f32
    %div3A_21 = vector.broadcast %div3A_20 : f32 to vector<400x1xf32>
    %div3A_22 = arith.divf %broadcast_in_dim3A, %div3A_21 : vector<400x1xf32>
    %sub3A = vector.broadcast %div3A_22 : vector<400x1xf32> to vector<400x128xf32>
    %sub3A_23 = arith.subf %div3A_18, %sub3A : vector<400x128xf32>
    %sub3A_24 = vector.broadcast %div3A_22 : vector<400x1xf32> to vector<400x128xf32>
    %sub3A_25 = arith.subf %div3A_18, %sub3A_24 : vector<400x128xf32>
    %mul3A = arith.mulf %sub3A_23, %sub3A_25 : vector<400x128xf32>
    %reduce_sum3A_26 = arith.constant dense<0.000000e+00> : vector<400xf32>
    %reduce_sum3A_27 = vector.multi_reduction <add>, %mul3A, %reduce_sum3A_26 [1] : vector<400x128xf32> to vector<400xf32>
    %broadcast_in_dim3A_28 = vector.shape_cast %reduce_sum3A_27 : vector<400xf32> to vector<400x1xf32>
    %div3A_29 = arith.constant 1.280000e+02 : f32
    %div3A_30 = vector.broadcast %div3A_29 : f32 to vector<400x1xf32>
    %div3A_31 = arith.divf %broadcast_in_dim3A_28, %div3A_30 : vector<400x1xf32>
    %sub3A_32 = vector.broadcast %div3A_22 : vector<400x1xf32> to vector<400x128xf32>
    %sub3A_33 = arith.subf %div3A_18, %sub3A_32 : vector<400x128xf32>
    %add3A_34 = arith.constant 9.99999974E-6 : f32
    %add3A_35 = vector.broadcast %add3A_34 : f32 to vector<400x1xf32>
    %add3A_36 = arith.addf %div3A_31, %add3A_35 : vector<400x1xf32>
    %sqrt3A = math.sqrt %add3A_36 : vector<400x1xf32>
    %div3A_37 = vector.broadcast %sqrt3A : vector<400x1xf32> to vector<400x128xf32>
    %div3A_38 = arith.divf %sub3A_33, %div3A_37 : vector<400x128xf32>
    %get3A_39 = arith.constant 0 : index
    %get3A_40 = arith.constant 0 : index
    %get3A_41 = vector.load %arg6[%get3A_39, %get3A_40] : memref<1x128xf32, #tpu.memory_space<vmem>>, vector<1x128xf32>
    %mul3A_42 = vector.broadcast %get3A_41 : vector<1x128xf32> to vector<400x128xf32>
    %mul3A_43 = arith.mulf %div3A_38, %mul3A_42 : vector<400x128xf32>
    %get3A_44 = arith.constant 0 : index
    %get3A_45 = arith.constant 0 : index
    %get3A_46 = vector.load %arg7[%get3A_44, %get3A_45] : memref<1x128xf32, #tpu.memory_space<vmem>>, vector<1x128xf32>
    %add3A_47 = vector.broadcast %get3A_46 : vector<1x128xf32> to vector<400x128xf32>
    %add3A_48 = arith.addf %mul3A_43, %add3A_47 : vector<400x128xf32>
    %get3A_49 = arith.constant 0 : index
    %get3A_50 = arith.constant 0 : index
    %get3A_51 = vector.load %arg1[%get3A_49, %get3A_50] : memref<400x128xf32, #tpu.memory_space<vmem>>, vector<400x128xf32>
    %get3A_52 = arith.constant 0 : index
    %get3A_53 = arith.constant 0 : index
    %get3A_54 = vector.load %arg5[%get3A_52, %get3A_53] : memref<128x128xf32, #tpu.memory_space<vmem>>, vector<128x128xf32>
    %dot_general3A = arith.constant dense<0.000000e+00> : vector<400x128xf32>
    %dot_general3A_55 = tpu.matmul %add3A_48, %get3A_54, %dot_general3A {dimension_numbers = #tpu.dot_dimension_numbers<[1], [0], [0], [1], [0, 0, 1, 1], [], []>, transpose_lhs_hint = false} : vector<400x128xf32>, vector<128x128xf32>, vector<400x128xf32> -> vector<400x128xf32>
    %add3A_56 = arith.addf %get3A_51, %dot_general3A_55 : vector<400x128xf32>
    %get3A_57 = arith.constant 0 : index
    %get3A_58 = arith.constant 0 : index
    %get3A_59 = vector.load %arg2[%get3A_57, %get3A_58] : memref<400x128xf32, #tpu.memory_space<vmem>>, vector<400x128xf32>
    %get3A_60 = arith.constant 0 : index
    %get3A_61 = arith.constant 0 : index
    %get3A_62 = vector.load %arg8[%get3A_60, %get3A_61] : memref<128x128xf32, #tpu.memory_space<vmem>>, vector<128x128xf32>
    %dot_general3A_63 = arith.constant dense<0.000000e+00> : vector<400x128xf32>
    %dot_general3A_64 = tpu.matmul %add3A_56, %get3A_62, %dot_general3A_63 {dimension_numbers = #tpu.dot_dimension_numbers<[1], [0], [0], [1], [0, 0, 1, 1], [], []>, transpose_lhs_hint = false} : vector<400x128xf32>, vector<128x128xf32>, vector<400x128xf32> -> vector<400x128xf32>
    %add3A_65 = arith.addf %get3A_59, %dot_general3A_64 : vector<400x128xf32>
    %get3A_66 = arith.constant 0 : index
    %get3A_67 = arith.constant 0 : index
    %get3A_68 = vector.load %arg9[%get3A_66, %get3A_67] : memref<1x128xf32, #tpu.memory_space<vmem>>, vector<1x128xf32>
    %add3A_69 = vector.broadcast %get3A_68 : vector<1x128xf32> to vector<400x128xf32>
    %add3A_70 = arith.addf %add3A_65, %add3A_69 : vector<400x128xf32>
    %max3A_71 = arith.constant 0.000000e+00 : f32
    %max3A_72 = vector.broadcast %max3A_71 : f32 to vector<400x128xf32>
    %max3A_73 = arith.maximumf %add3A_70, %max3A_72 : vector<400x128xf32>
    %swap3A = arith.constant 0 : index
    %swap3A_74 = arith.constant 0 : index
    %swap3A_75 = vector.load %arg10[%swap3A, %swap3A_74] : memref<400x128xf32, #tpu.memory_space<vmem>>, vector<400x128xf32>
    tpu.vector_store %arg10[%swap3A, %swap3A_74], %max3A_73 {strides = array<i32>} : memref<400x128xf32, #tpu.memory_space<vmem>>, vector<400x128xf32>,
    return
  }
  func.func @transform_0(%arg0: i32) -> (i32, i32) {
    %c0_i32 = arith.constant 0 : i32
    %c0_i32_0 = arith.constant 0 : i32
    return %arg0, %c0_i32 : i32, i32
  }
  func.func @transform_1(%arg0: i32) -> (i32, i32) {
    %c0_i32 = arith.constant 0 : i32
    %c0_i32_0 = arith.constant 0 : i32
    return %arg0, %c0_i32 : i32, i32
  }
  func.func @transform_2(%arg0: i32) -> (i32, i32, i32) {
    %c0_i32 = arith.constant 0 : i32
    %c0_i32_0 = arith.constant 0 : i32
    %c0_i32_1 = arith.constant 0 : i32
    return %c0_i32, %arg0, %c0_i32_0 : i32, i32, i32
  }
  func.func @transform_3(%arg0: i32) -> (i32, i32) {
    %c0_i32 = arith.constant 0 : i32
    %c0_i32_0 = arith.constant 0 : i32
    return %arg0, %c0_i32 : i32, i32
  }
  func.func @transform_4(%arg0: i32) -> (i32, i32) {
    %c0_i32 = arith.constant 0 : i32
    %c0_i32_0 = arith.constant 0 : i32
    %c0_i32_1 = arith.constant 0 : i32
    return %c0_i32, %c0_i32_0 : i32, i32
  }
  func.func @transform_5(%arg0: i32) -> (i32, i32) {
    %c0_i32 = arith.constant 0 : i32
    %c0_i32_0 = arith.constant 0 : i32
    %c0_i32_1 = arith.constant 0 : i32
    return %c0_i32, %c0_i32_0 : i32, i32
  }
  func.func @transform_6(%arg0: i32) -> (i32, i32) {
    %c0_i32 = arith.constant 0 : i32
    %c0_i32_0 = arith.constant 0 : i32
    %c0_i32_1 = arith.constant 0 : i32
    return %c0_i32, %c0_i32_0 : i32, i32
  }
  func.func @transform_7(%arg0: i32) -> (i32, i32) {
    %c0_i32 = arith.constant 0 : i32
    %c0_i32_0 = arith.constant 0 : i32
    %c0_i32_1 = arith.constant 0 : i32
    return %c0_i32, %c0_i32_0 : i32, i32
  }
  func.func @transform_8(%arg0: i32) -> (i32, i32) {
    %c0_i32 = arith.constant 0 : i32
    %c0_i32_0 = arith.constant 0 : i32
    %c0_i32_1 = arith.constant 0 : i32
    return %c0_i32, %c0_i32_0 : i32, i32
  }
  func.func @transform_9(%arg0: i32) -> (i32, i32) {
    %c0_i32 = arith.constant 0 : i32
    %c0_i32_0 = arith.constant 0 : i32
    return %arg0, %c0_i32 : i32, i32
  }
}

</mosaic_0001>

<sc_bundles>
// kernel: kernel.11.cloned.1.call-start
scs
__scs_entry_jumppad:
0x0: {  	(pc) =	sbr.rel $0x88, $3  }
0x1: {  	(tag) =	ssettag $0x0;
	lr =	simm.s32 $0x1  }
0x2: {  	[smem:$0x3F95] =	sst lr;
	_ =	strace $0xD0000000  }
0x3: {  	_ = 	snop  }
0x4: {  	_ = 	snop  }
0x5: {  	_ = 	snop  }
0x6: {  	_ = 	snop  }
0x7: {  	_ = 	snop  }
__scs_overlays_trampoline_lowered:
0x8: {  	[smem:$0x3FA4] =	sst s0  }
0x9: {  	[smem:$0x3FA5] =	sst s1  }
0xa: {  	[smem:$0x3FA6] =	sst s2  }
0xb: {  	[smem:$0x3FA7] =	sst s3  }
0xc: {  	[smem:$0x3FA8] =	sst s4  }
0xd: {  	[smem:$0x3FA9] =	sst s5  }
0xe: {  	[smem:$0x3FAA] =	sst s6  }
0xf: {  	[smem:$0x3FAB] =	sst s7  }
0x10: {  	[smem:$0x3FAC] =	sst s8  }
0x11: {  	[smem:$0x3FAD] =	sst s9;
	s0 =	simm.s32 @!p0 $0x0  }
0x12: {  	s1 =	sld [smem:$0x3F93];
	s0 =	simm.s32 @p0 $0x1  }
0x13: {  	[smem:$0x3FAE] =	sst s0;
	s0 =	simm.s32 @!p1 $0x0  }
0x14: {  	s2 =	sld [smem:$0x3F92];
	s0 =	simm.s32 @p1 $0x1  }
0x15: {  	[smem:$0x3FAF] =	sst s0;
	s0 =	simm.s32 @!p2 $0x0  }
0x16: {  	s3 =	sld [smem:$0x3FDB];
	s0 =	simm.s32 @p2 $0x1  }
0x17: {  	s4 =	simm.s32 $0x1BF5;
	[smem:$0x3FB1] =	sst s0  }
0x18: {  	s0 =	sld [smem:$0x3F94];
	_ =	swait.ge [sflag:s4], $0x0  }
0x19: {  	s7 =	sld [smem:$0x3F95]  }
0x1a: {  	s8 =	sadd.s32 $0xFFFFE003, lr  }
0x1b: {  	s9 =	sadd.s32 $0xFFFFFEF7, lr;
	s5 =	simm.s32 $0xFFFFFFFF;
	p2 =	slt.u32 s8, $0xFFFFF086  }
0x1c: {  	p1 =	slt.u32 s9, $0xF7A;
	s5 =	simm.s32 @!p2 $0x0  }
0x1d: {  	s5 =	simm.s32 @p1 $0x1;
	p0 =	seq.s32 s7, s2  }
0x1e: {  	s7 =	smul.u32 @!p0 $0xF7A, s2;
	p2 =	seq.s32 @!p0 s5, $0x0  }
0x1f: {  	s9 =	smul.u32 $0xF7A, s1;
	s8 =	simm.s32 @!p0 $0x1BF5;
	p2 =	por !p2, p0  }
0x20: {  	[sflag:s8] =	ssyncset.s32 @!p0 $0xFFFFF086;
	s6 =	sadd.s32 @!p0 s3, s7;
	s7 =	simm.s32 @!p0 $0x108  }
0x21: {  	s3 =	sadd.s32 s3, s9;
	s6 =	sadd.s32 @!p0 $0x88, s6;
	s7 =	simm.s32 @p2 $0x1082  }
0x22: {  	[simem:s7], [sflag:s8] =	dma.local @!p0 [hbm:s6], $0xF7A  }
0x23: {  	s9 =	sor.u32 $0xD0000000, s2;
	s6 =	simm.s32 $0x108;
	_ =	swait.ge @!p0 [sflag:s8], $0x0  }
0x24: {  	s3 =	sadd.s32 $0x88, s3;
	s6 =	simm.s32 @!p1 $0x1082;
	[sflag:s4] =	ssyncset.s32 $0xFFFFF086  }
0x25: {  	[simem:s6], [sflag:s4] =	dma.local [hbm:s3], $0xF7A  }
0x26: {  	[smem:$0x3F95] =	sst s1;
	(tag) =	ssettag s2;
	_ =	strace s9  }
0x27: {  	s1 =	sld [smem:$0x3FA5]  }
0x28: {  	s2 =	sld [smem:$0x3FA6]  }
0x29: {  	s4 =	sld [smem:$0x3FA8]  }
0x2a: {  	p0 =	seq.s32 s5, $0x0;
	s5 =	sld [smem:$0x3FA9]  }
0x2b: {  	s6 =	sld [smem:$0x3FAA]  }
0x2c: {  	s7 =	sld [smem:$0x3FAB]  }
0x2d: {  	s3 =	simm.s32 $0x108;
	s8 =	sld [smem:$0x3FAC]  }
0x2e: {  	s3 =	simm.s32 @!p0 $0x1082;
	s9 =	sld [smem:$0x3FAD]  }
0x2f: {  	lr =	sadd.s32 s0, s3;
	s0 =	sld [smem:$0x3FA4]  }
0x30: {  	s3 =	sld [smem:$0x3FA7]  }
0x31: {  	[smem:$0x3FB0] =	sst s10  }
0x32: {  	s10 =	sld [smem:$0x3FAE];
	_ =	sdelay $0x3  }
0x33: {  	p0 =	seq.s32 s10, $0x1;
	s10 =	sld [smem:$0x3FB0];
	_ =	sdelay $0x3  }
0x34: {  	[smem:$0x3FB0] =	sst s10  }
0x35: {  	s10 =	sld [smem:$0x3FAF];
	_ =	sdelay $0x3  }
0x36: {  	p1 =	seq.s32 s10, $0x1;
	s10 =	sld [smem:$0x3FB0];
	_ =	sdelay $0x3  }
0x37: {  	[smem:$0x3FB0] =	sst s10  }
0x38: {  	s10 =	sld [smem:$0x3FB1]  }
0x39: {  	_ = 	snop;
	(pc) =	sbr.ind lr, $3  }
0x3a: {  	_ = 	snop  }
0x3b: {  	_ = 	snop  }
0x3c: {  	p2 =	seq.s32 s10, $0x1;
	s10 =	sld [smem:$0x3FB0]  }
0x3d: {  	_ =	shalt  }
0x3e: {  	_ =	shalt  }
0x3f: {  	_ =	shalt  }
0x40: {  	_ =	shalt  }
0x41: {  	_ =	shalt  }
0x42: {  	_ =	shalt  }
0x43: {  	_ =	shalt  }
0x44: {  	_ =	shalt  }
0x45: {  	_ =	shalt  }
0x46: {  	_ =	shalt  }
0x47: {  	_ =	shalt  }
0x48: {  	_ =	shalt  }
0x49: {  	_ =	shalt  }
0x4a: {  	_ =	shalt  }
0x4b: {  	_ =	shalt  }
0x4c: {  	_ =	shalt  }
0x4d: {  	_ =	shalt  }
0x4e: {  	_ =	shalt  }
0x4f: {  	_ =	shalt  }
0x50: {  	_ =	shalt  }
0x51: {  	_ =	shalt  }
0x52: {  	_ =	shalt  }
0x53: {  	_ =	shalt  }
0x54: {  	_ =	shalt  }
0x55: {  	_ =	shalt  }
0x56: {  	_ =	shalt  }
0x57: {  	_ =	shalt  }
0x58: {  	_ =	shalt  }
0x59: {  	_ =	shalt  }
0x5a: {  	_ =	shalt  }
0x5b: {  	_ =	shalt  }
0x5c: {  	_ =	shalt  }
0x5d: {  	_ =	shalt  }
0x5e: {  	_ =	shalt  }
0x5f: {  	_ =	shalt  }
0x60: {  	_ =	shalt  }
0x61: {  	_ =	shalt  }
0x62: {  	_ =	shalt  }
0x63: {  	_ =	shalt  }
0x64: {  	_ =	shalt  }
0x65: {  	_ =	shalt  }
0x66: {  	_ =	shalt  }
0x67: {  	_ =	shalt  }
0x68: {  	_ =	shalt  }
0x69: {  	_ =	shalt  }
0x6a: {  	_ =	shalt  }
0x6b: {  	_ =	shalt  }
0x6c: {  	_ =	shalt  }
0x6d: {  	_ =	shalt  }
0x6e: {  	_ =	shalt  }
0x6f: {  	_ =	shalt  }
0x70: {  	_ =	shalt  }
0x71: {  	_ =	shalt  }
0x72: {  	_ =	shalt  }
0x73: {  	_ =	shalt  }
0x74: {  	_ =	shalt  }
0x75: {  	_ =	shalt  }
0x76: {  	_ =	shalt  }
0x77: {  	_ =	shalt  }
0x78: {  	_ =	shalt  }
0x79: {  	_ =	shalt  }
0x7a: {  	_ =	shalt  }
0x7b: {  	_ =	shalt  }
0x7c: {  	_ =	shalt  }
0x7d: {  	_ =	shalt  }
0x7e: {  	_ =	shalt  }
0x7f: {  	_ =	shalt  }
0x80: {  	_ =	shalt  }
0x81: {  	_ =	shalt  }
0x82: {  	_ =	shalt  }
0x83: {  	_ =	shalt  }
0x84: {  	_ =	shalt  }
0x85: {  	_ =	shalt  }
0x86: {  	_ =	shalt  }
0x87: {  	_ =	shalt  }
.Lfunc_end0:
.L_simem_size_0:
called_computation.1_lowered:
.L_overlay_start_0:
0x88: {  	s2 =	sld [smem:$0x3FD9]  }
0x89: {  	s3 =	sld [smem:$0x3FFE];
	_ =	sdelay $0x1  }
0x8a: {  	s1 =	srdreg.scid  }
0x8b: {  	s0 =	sand.u32 $0x1, s1  }
0x8c: {  	s17 =	sshll.u32 s0, $0xA;
	s2 =	sadd.s32 s3, s2  }
0x8d: {  	s2 =	sadd.s32 s2, s17  }
0x8e: {  	[smem:$0x3FBC] =	sst s2  }
0x8f: {  	_ = 	snop  }
0x90: {  	s2 =	sld [smem:$0x3FD0];
	(tm) =	ssettm $0x1  }
0x91: {  	s18 =	sld [smem:$0x3FFB];
	_ =	sdelay $0x3  }
0x92: {  	_ =	strace s18  }
0x93: {  	s3 =	sld [smem:$0x3FFC];
	_ =	sdelay $0x3  }
0x94: {  	_ =	strace s3  }
0x95: {  	s3 =	sld [smem:$0x3FFD];
	_ =	sdelay $0x3  }
0x96: {  	_ =	strace s3  }
0x97: {  	_ =	strace $0x8FFFFFFF  }
0x98: {  	s19 =	sld [smem:$0x3FDB];
	_ =	sdelay $0x1  }
0x99: {  	s4 =	simm.s32 $_scs_section_size  }
0x9a: {  	s5 =	simm.s32 $_size__tile_overlayer_lowered;
	s6 =	simm.s32 $_tile_overlayer_lowered  }
0x9b: {  	s22 =	simm.s32 $0x1BFF;
	s21 =	sshll.u32 s6, $0x1;
	s3 =	sadd.s32 s4, s19  }
0x9c: {  	s7 =	simm.s32 $0x0;
	s20 =	sshll.u32 s5, $0x1;
	s5 =	sadd.s32 s21, s3  }
0x9d: {  	[timem:s7], [sflag:s22] =	dma.local [hbm:s5], s20  }
0x9e: {  	_ =	swait.ge [sflag:s22], s20  }
0x9f: {  	s4 =	ssub.s32 $0x0, s20;
	[sflag:s22] =	ssyncset.done $0x0  }
0xa0: {  	[sflag:s22] =	ssyncadd.s32 s4;
	_ =	sdelay $0x1  }
0xa1: {  	s23 =	simm.s32 $0x1B8B  }
0xa2: {  	_ =	swait.ge [sflag:s23], $0x1  }
0xa3: {  	[sflag:s23] =	ssyncset.done $0x0  }
0xa4: {  	s25 =	simm.s32 $0x1B8E;
	s24 =	sld [smem:$0x3FFE];
	[sflag:s23] =	ssyncadd.s32 $0xFFFFFFFF  }
0xa5: {  	s26 =	simm.s32 $execute0_lowered;
	[smem:$0x3FD2] =	sst s25  }
0xa6: {  	s5 =	sshll.u32 s26, $0x1;
	_ =	strace $0x80000049;
	[dreg:$0x1] =	wrdreg $0xFFFFFFFF  }
0xa7: {  	s28 =	simm.s32 $_size_execute0_lowered;
	s3 =	sadd.s32 s3, s5;
	[dreg:$0x0] =	wrdreg $0x0  }
0xa8: {  	s5 =	sshll.u32 s28, $0x1;
	[dreg:$0x2] =	wrdreg s3  }
0xa9: {  	[dreg:$0x3] =	wrdreg s5  }
0xaa: {  	[dreg:$0x4] =	wrdreg $0xC0  }
0xab: {  	_ =	task [dreg:s7], $0x5FFFF  }
0xac: {  	[dreg:$0x1] =	wrdreg $0xFFFFFFFF  }
0xad: {  	[dreg:$0x0] =	wrdreg $0x60  }
0xae: {  	[dreg:$0x2] =	wrdreg s2  }
0xaf: {  	[dreg:$0x3] =	wrdreg s24  }
0xb0: {  	[dreg:$0x4] =	wrdreg $0x0  }
0xb1: {  	[dreg:$0x5] =	wrdreg $0x9  }
0xb2: {  	_ =	task.clear_ibuf [dreg:s7], $0x6FFFF;
	_ =	strace $0x90000049  }
0xb3: {  	s29 =	simm.s32 $0x9;
	_ =	strace $0x8000004B  }
0xb4: {  	_ =	swait.ge [sflag:s29], $0x1  }
0xb5: {  	[sflag:s29] =	ssyncadd.s32 $0xFFFFFFFF  }
0xb6: {  	_ =	strace $0x9000004B  }
0xb7: {  	_ =	sfence  }
0xb8: {  	s30 =	sld [smem:$0x0];
	_ =	sdelay $0x2  }
0xb9: {  	s31 =	sshll.u32 s1, $0xD;
	s1 =	sshrl.u32 s1, $0x2  }
0xba: {  	s3 =	sand.u32 $0x4000, s31;
	s1 =	sadd.s32 s1, s30  }
0xbb: {  	s0 =	sor.u32 s3, s0;
	s1 =	sshll.u32 s1, $0x11  }
0xbc: {  	s0 =	sor.u32 s1, s0  }
0xbd: {  	s0 =	sadd.s32 $0x8F2B, s0  }
0xbe: {  	[sflag:s0] =	ssyncadd.remote.s32 $0x1  }
0xbf: {  	_ =	sfence.sel $0xFFFF  }
0xc0: {  	[dreg:$0x0] =	wrdreg $0xFFFFFFFF;
	(pc) =	sbr.abs _section_cstart, $3  }
0xc1: {  	[dreg:$0x1] =	wrdreg $0xFFFFFFFF  }
0xc2: {  	_ =	task.clear_ibuf [dreg:s7], $0x2FFFF;
	_ =	strace $0x9FFFFFFF  }
0xc3: {  	(tm) =	ssettm $0x7FFFFFFF  }
tec
execute0_lowered:
.L_overlay_start_1:
0x0: {  	(tag) =	ssettag $0x1  }
0x1: {  	s3 =	rddreg [dreg:$0x0]  }
0x2: {  	s0 =	rddreg [dreg:$0x1]  }
0x3: {  	s1 =	rddreg [dreg:$0x2]  }
0x4: {  	s2 =	srdreg.scid;
	s15 =	stileid.u32;
	s4 =	simm.s32 $0x0  }
0x5: {  	s2 =	sand.u32 $0x1, s2;
	s5 =	sshll.u32 s15, $0x1;
	[smem:$0x7FF] =	sst s4  }
0x6: {  	s29 =	sadd.s32 $0x2800, s0;
	s7 =	sadd.s32 $0x12200, s0;
	s10 =	sadd.s32 $0x21C00, s0  }
0x7: {  	s30 =	sadd.s32 $0x138000, s1;
	s5 =	sor.u32 s2, s5;
	s8 =	ssub.s32 $0x2, s2  }
0x8: {  	_ =	strace $0x8000004A;
	[smem:$0x7FD] =	sst s30;
	s9 =	sshrl.u32 s8, $0x1  }
0x9: {  	[dreg:$0xf] =	wrdreg s29;
	s5 =	smul.u32 $0x3E80, s5;
	s0 =	ssub.s32 s8, s9  }
0xa: {  	s6 =	smul.u32 $0x13800, s15;
	[dreg:$0x10] =	wrdreg s7;
	s0 =	smax.u32 s0, $0x1  }
0xb: {  	s17 =	smov.u32 s5;
	s8 =	sshrl.u32 s5, $0x3;
	[smem:$0x7E4] =	sst s0  }
0xc: {  	s13 =	smul.u32 $0x7D00, s15;
	s25 =	sadd.s32 s29, s8;
	[dreg:$0xe] =	wrdreg s17  }
0xd: {  	s26 =	sadd.s32 $0x10, s8;
	s12 =	sadd.s32 s7, s8;
	[dreg:$0x11] =	wrdreg s25  }
0xe: {  	s11 =	smul.u32 $0x138800, s2;
	[dreg:$0x12] =	wrdreg s12;
	s5 =	sadd.s32 s29, s26  }
0xf: {  	s16 =	sadd.s32 $0x20, s8;
	s9 =	sadd.s32 s7, s26;
	[dreg:$0x13] =	wrdreg s5  }
0x10: {  	s18 =	sadd.s32 $0x30, s8;
	s14 =	sadd.s32 s29, s16;
	[dreg:$0x14] =	wrdreg s9  }
0x11: {  	s2 =	smul.u32 $0x3E80, s2;
	s19 =	sadd.s32 s29, s18;
	[dreg:$0x15] =	wrdreg s14  }
0x12: {  	s24 =	sshrl.u32 s11, $0x3;
	s20 =	sadd.s32 s7, s18;
	[dreg:$0x17] =	wrdreg s19  }
0x13: {  	s12 =	sadd.s32 s6, s11;
	s9 =	sadd.s32 s7, s16;
	[dreg:$0x18] =	wrdreg s20  }
0x14: {  	s5 =	sadd.s32 s2, s13;
	s22 =	sshrl.u32 s12, $0x3;
	[dreg:$0x16] =	wrdreg s9  }
0x15: {  	s9 =	sadd.s32 $0x40, s8;
	s23 =	sadd.s32 $0x480, s5;
	s2 =	sadd.s32 s10, s22  }
0x16: {  	s6 =	sadd.s32 $0x500, s5;
	s21 =	sadd.s32 s29, s9;
	[dreg:$0x1a] =	wrdreg s2  }
0x17: {  	s25 =	sshrl.u32 s23, $0x3;
	s9 =	sadd.s32 s7, s9;
	[dreg:$0x19] =	wrdreg s21  }
0x18: {  	s18 =	sadd.s32 $0x580, s5;
	s26 =	sadd.s32 s25, s7;
	[dreg:$0x1b] =	wrdreg s9  }
0x19: {  	s14 =	sshrl.u32 s6, $0x3;
	s13 =	sadd.s32 s25, s29;
	[dreg:$0x4] =	wrdreg s26  }
0x1a: {  	s22 =	sadd.s32 $0x600, s5;
	s16 =	sadd.s32 s14, s7;
	[dreg:$0x5] =	wrdreg s13  }
0x1b: {  	s20 =	sshrl.u32 s18, $0x3;
	s19 =	sadd.s32 s14, s29;
	[dreg:$0x6] =	wrdreg s16  }
0x1c: {  	s8 =	sadd.s32 $0x50, s8;
	s21 =	sadd.s32 s20, s7;
	[dreg:$0x7] =	wrdreg s19  }
0x1d: {  	s6 =	sshrl.u32 s22, $0x3;
	s23 =	sadd.s32 s20, s29;
	[dreg:$0x8] =	wrdreg s21  }
0x1e: {  	s2 =	sadd.s32 s10, s24;
	s24 =	sadd.s32 s6, s7;
	[dreg:$0x9] =	wrdreg s23  }
0x1f: {  	s11 =	smov.u32 s5;
	s14 =	sadd.s32 s29, s8;
	[dreg:$0xa] =	wrdreg s24  }
0x20: {  	s25 =	sadd.s32 $0x680, s5;
	s8 =	sadd.s32 s7, s8;
	[dreg:$0x1c] =	wrdreg s14  }
0x21: {  	s2 =	sadd.s32 $0x27000, s2;
	s26 =	sadd.s32 s6, s29;
	[dreg:$0x1d] =	wrdreg s8  }
0x22: {  	s5 =	sshrl.u32 s25, $0x3;
	s6 =	smul.u32 $0x4E000, s15;
	[smem:$0x7E3] =	sst s2  }
0x23: {  	[dreg:$0xb] =	wrdreg s26;
	s13 =	sadd.s32 s5, s7  }
0x24: {  	s18 =	sadd.s32 s5, s29;
	[dreg:$0xc] =	wrdreg s13;
	s16 =	sshrl.u32 s6, $0x2  }
0x25: {  	[dreg:$0xd] =	wrdreg s18;
	s22 =	sadd.s32 s16, s1  }
0x26: {  	s19 =	sadd.s32 $0xC00, s22;
	[dreg:$0x1e] =	wrdreg s22  }
0x27: {  	s20 =	sadd.s32 $0x1800, s22;
	[dreg:$0x1f] =	wrdreg s19  }
0x28: {  	s21 =	sadd.s32 $0x2400, s22;
	[smem:$0x7E5] =	sst s20  }
0x29: {  	s23 =	sadd.s32 $0x3000, s22;
	[smem:$0x7E6] =	sst s21  }
0x2a: {  	s24 =	sadd.s32 $0x3C00, s22;
	[smem:$0x7E7] =	sst s23  }
0x2b: {  	s25 =	sadd.s32 $0x4800, s22;
	[smem:$0x7E8] =	sst s24  }
0x2c: {  	s26 =	sadd.s32 $0x5400, s22;
	[smem:$0x7E9] =	sst s25  }
0x2d: {  	s2 =	sadd.s32 $0x6000, s22;
	[smem:$0x7EA] =	sst s26  }
0x2e: {  	s5 =	sadd.s32 $0x6C00, s22;
	[smem:$0x7EB] =	sst s2  }
0x2f: {  	s6 =	sadd.s32 $0x7800, s22;
	[smem:$0x7EC] =	sst s5  }
0x30: {  	s8 =	sadd.s32 $0x8400, s22;
	[smem:$0x7ED] =	sst s6  }
0x31: {  	s9 =	sadd.s32 $0x9000, s22;
	[smem:$0x7EE] =	sst s8  }
0x32: {  	s10 =	sadd.s32 $0x9C00, s22;
	[smem:$0x7EF] =	sst s9  }
0x33: {  	s13 =	sadd.s32 $0xA800, s22;
	[smem:$0x7F0] =	sst s10  }
0x34: {  	s31 =	simm.s32 $0x13900;
	s14 =	sadd.s32 $0xB400, s22;
	[smem:$0x7F1] =	sst s13  }
0x35: {  	p0 =	sne.s32 s15, $0xF;
	s15 =	sadd.s32 $0xC000, s22;
	[smem:$0x7F2] =	sst s14  }
0x36: {  	s28 =	simm.s32 $0x13A00;
	s16 =	sadd.s32 $0xCC00, s22;
	[smem:$0x7F3] =	sst s15  }
0x37: {  	s0 =	simm.s32 $0x0;
	s18 =	sadd.s32 $0xD800, s22;
	[smem:$0x7F4] =	sst s16  }
0x38: {  	s12 =	smov.u32 s1;
	s1 =	simm.s32 $0x13980;
	[smem:$0x7F5] =	sst s18  }
0x39: {  	s19 =	sadd.s32 $0xE400, s22;
	s20 =	sadd.s32 $0xF000, s22;
	s21 =	sadd.s32 $0xFC00, s22  }
0x3a: {  	s23 =	sadd.s32 $0x10800, s22;
	s24 =	sadd.s32 $0x11400, s22;
	[smem:$0x7F6] =	sst s19  }
0x3b: {  	s25 =	sadd.s32 $0x12000, s22;
	s26 =	sadd.s32 $0x12C00, s22;
	[smem:$0x7F7] =	sst s20  }
0x3c: {  	s10 =	simm.s32 $0x13880;
	s16 =	simm.s32 $0x13C80;
	[smem:$0x7F8] =	sst s21  }
0x3d: {  	s18 =	simm.s32 $0x13D00;
	s2 =	simm.s32 $0x13D80;
	[smem:$0x7F9] =	sst s23  }
0x3e: {  	s8 =	simm.s32 $0x13E00;
	s6 =	simm.s32 $0x13A80;
	[smem:$0x7FA] =	sst s24  }
0x3f: {  	s13 =	simm.s32 $0x13B00;
	s15 =	simm.s32 $0x13F00;
	[smem:$0x7FB] =	sst s25  }
0x40: {  	s14 =	simm.s32 $0x12;
	s5 =	simm.s32 $0x14000;
	[smem:$0x7FC] =	sst s26  }
0x41: {  	v0 =	vimm.f32 $0.0e+00;
	s26 =	simm.s32 $0x13E80;
	s19 =	simm.s32 $0x50;
	s21 =	simm.s32 $0x11  }
.LBB2_1:
0x42: {  	[smem:$0x7E2] =	sst s0  }
0x43: {  	s9 =	rddreg [dreg:$0x11]  }
0x44: {  	[tilespmem:s10], [sflag:$0x1] =	stream.linear.gather [hbm4b:s9+s4], $0x80, $0x38;
	[tilespmem:$0x1EC80] =	vst v63  }
0x45: {  	s25 =	rddreg [dreg:$0x12]  }
0x46: {  	[tilespmem:s16], [sflag:$0x9] =	stream.linear.gather [hbm4b:s25+s4], $0x80, $0x38;
	[tilespmem:$0x1EC80] =	vst v63  }
0x47: {  	s0 =	rddreg [dreg:$0x13]  }
0x48: {  	[tilespmem:s31], [sflag:$0x2] =	stream.linear.gather [hbm4b:s0+s4], $0x80, $0x38;
	[tilespmem:$0x1EC80] =	vst v63  }
0x49: {  	s20 =	rddreg [dreg:$0x14]  }
0x4a: {  	[tilespmem:s18], [sflag:$0xA] =	stream.linear.gather [hbm4b:s20+s4], $0x80, $0x38;
	[tilespmem:$0x1EC80] =	vst v63  }
0x4b: {  	s23 =	rddreg [dreg:$0x15]  }
0x4c: {  	[tilespmem:s1], [sflag:$0x3] =	stream.linear.gather [hbm4b:s23+s4], $0x80, $0x38;
	[tilespmem:$0x1EC80] =	vst v63  }
0x4d: {  	s24 =	rddreg [dreg:$0x16]  }
0x4e: {  	[tilespmem:s2], [sflag:$0xB] =	stream.linear.gather [hbm4b:s24+s4], $0x80, $0x38;
	[tilespmem:$0x1EC80] =	vst v63  }
0x4f: {  	s25 =	rddreg [dreg:$0x17]  }
0x50: {  	[tilespmem:s28], [sflag:$0x4] =	stream.linear.gather [hbm4b:s25+s4], $0x80, $0x38;
	[tilespmem:$0x1EC80] =	vst v63  }
0x51: {  	s0 =	rddreg [dreg:$0x18]  }
0x52: {  	[tilespmem:s8], [sflag:$0xC] =	stream.linear.gather [hbm4b:s0+s4], $0x80, $0x38;
	[tilespmem:$0x1EC80] =	vst v63  }
0x53: {  	s20 =	rddreg [dreg:$0x19]  }
0x54: {  	[tilespmem:s6], [sflag:$0x5] =	stream.linear.gather [hbm4b:s20+s4], $0x80, $0x38;
	[tilespmem:$0x1EC80] =	vst v63  }
0x55: {  	s23 =	rddreg [dreg:$0x1b]  }
0x56: {  	[tilespmem:s26], [sflag:$0xD] =	stream.linear.gather [hbm4b:s23+s4], $0x80, $0x38;
	[tilespmem:$0x1EC80] =	vst v63  }
0x57: {  	s24 =	rddreg [dreg:$0x1c]  }
0x58: {  	[tilespmem:s13], [sflag:$0x6] =	stream.linear.gather [hbm4b:s24+s4], $0x80, $0x38;
	[tilespmem:$0x1EC80] =	vst v63  }
0x59: {  	s25 =	rddreg [dreg:$0x1d]  }
0x5a: {  	[tilespmem:s15], [sflag:$0xE] =	stream.linear.gather [hbm4b:s25+s4], $0x80, $0x38;
	[tilespmem:$0x1EC80] =	vst v63  }
0x5b: {  	s15 =	simm.s32 $0x0;
	s25 =	simm.s32 $0x200  }
.LBB2_2:
0x5c: {  	p1 =	sne.s32 s25, $0x2E00;
	[tilespmem:s15+$0x1E0F0] =	vst v0  }
0x5d: {  	[tilespmem:s15+$0x1E080] =	vst v0  }
0x5e: {  	[tilespmem:s15+$0x1E090] =	vst v0  }
.Ltmp0:
0x5f: {  	[tilespmem:s15+$0x1E0A0] =	vst v0;
	(pc) =	sbr.rel @p1 .LBB2_2-.Ltmp0, $4  }
0x60: {  	[tilespmem:s15+$0x1E0B0] =	vst v0  }
0x61: {  	[tilespmem:s15+$0x1E0C0] =	vst v0  }
0x62: {  	[tilespmem:s15+$0x1E0D0] =	vst v0  }
0x63: {  	[tilespmem:s15+$0x1E0E0] =	vst v0;
	s15 =	sshra.s32 s25, $0x2;
	s25 =	sadd.s32 $0x200, s25  }
0x64: {  	[tilespmem:s15+$0x1E0F0] =	vst v0  }
0x65: {  	[tilespmem:s15+$0x1E080] =	vst v0  }
0x66: {  	[tilespmem:s15+$0x1E090] =	vst v0  }
0x67: {  	[tilespmem:s15+$0x1E0A0] =	vst v0  }
0x68: {  	[tilespmem:s15+$0x1E0B0] =	vst v0  }
0x69: {  	[tilespmem:s15+$0x1E0C0] =	vst v0  }
0x6a: {  	[tilespmem:s15+$0x1E0D0] =	vst v0  }
0x6b: {  	[tilespmem:s15+$0x1E0E0] =	vst v0;
	s15 =	simm.s32 $0x1E080;
	s9 =	rddreg [dreg:$0x1f]  }
0x6c: {  	[spmem:s22] =	stream.linear.scatter [tilespmem:s15], [sflag:$0x19], $0xC00, $0x38;
	[tilespmem:$0x1EC80] =	vst v63  }
0x6d: {  	s22 =	sld [smem:$0x7E5]  }
0x6e: {  	[spmem:s9] =	stream.linear.scatter [tilespmem:s15], [sflag:$0x19], $0xC00, $0x38;
	[tilespmem:$0x1EC80] =	vst v63  }
0x6f: {  	s23 =	sld [smem:$0x7E6]  }
0x70: {  	[spmem:s22] =	stream.linear.scatter [tilespmem:s15], [sflag:$0x19], $0xC00, $0x38;
	[tilespmem:$0x1EC80] =	vst v63  }
0x71: {  	s24 =	sld [smem:$0x7E7]  }
0x72: {  	[spmem:s23] =	stream.linear.scatter [tilespmem:s15], [sflag:$0x19], $0xC00, $0x38;
	[tilespmem:$0x1EC80] =	vst v63  }
0x73: {  	s25 =	sld [smem:$0x7E8]  }
0x74: {  	[spmem:s24] =	stream.linear.scatter [tilespmem:s15], [sflag:$0x19], $0xC00, $0x38;
	[tilespmem:$0x1EC80] =	vst v63  }
0x75: {  	s0 =	sld [smem:$0x7E9]  }
0x76: {  	[spmem:s25] =	stream.linear.scatter [tilespmem:s15], [sflag:$0x19], $0xC00, $0x38;
	[tilespmem:$0x1EC80] =	vst v63  }
0x77: {  	s6 =	sld [smem:$0x7EA]  }
0x78: {  	[spmem:s0] =	stream.linear.scatter [tilespmem:s15], [sflag:$0x19], $0xC00, $0x38;
	[tilespmem:$0x1EC80] =	vst v63  }
0x79: {  	s13 =	sld [smem:$0x7EB]  }
0x7a: {  	[spmem:s6] =	stream.linear.scatter [tilespmem:s15], [sflag:$0x19], $0xC00, $0x38;
	[tilespmem:$0x1EC80] =	vst v63  }
0x7b: {  	s20 =	sld [smem:$0x7EC]  }
0x7c: {  	[spmem:s13] =	stream.linear.scatter [tilespmem:s15], [sflag:$0x19], $0xC00, $0x38;
	[tilespmem:$0x1EC80] =	vst v63  }
0x7d: {  	s22 =	sld [smem:$0x7ED]  }
0x7e: {  	[spmem:s20] =	stream.linear.scatter [tilespmem:s15], [sflag:$0x19], $0xC00, $0x38;
	[tilespmem:$0x1EC80] =	vst v63  }
0x7f: {  	s23 =	sld [smem:$0x7EE]  }
0x80: {  	[spmem:s22] =	stream.linear.scatter [tilespmem:s15], [sflag:$0x19], $0xC00, $0x38;
	[tilespmem:$0x1EC80] =	vst v63  }
0x81: {  	s24 =	sld [smem:$0x7EF]  }
0x82: {  	[spmem:s23] =	stream.linear.scatter [tilespmem:s15], [sflag:$0x19], $0xC00, $0x38;
	[tilespmem:$0x1EC80] =	vst v63  }
0x83: {  	s25 =	sld [smem:$0x7F0]  }
0x84: {  	[spmem:s24] =	stream.linear.scatter [tilespmem:s15], [sflag:$0x19], $0xC00, $0x38;
	[tilespmem:$0x1EC80] =	vst v63  }
0x85: {  	s0 =	sld [smem:$0x7F1]  }
0x86: {  	[spmem:s25] =	stream.linear.scatter [tilespmem:s15], [sflag:$0x19], $0xC00, $0x38;
	[tilespmem:$0x1EC80] =	vst v63  }
0x87: {  	s6 =	sld [smem:$0x7F2]  }
0x88: {  	[spmem:s0] =	stream.linear.scatter [tilespmem:s15], [sflag:$0x19], $0xC00, $0x38;
	[tilespmem:$0x1EC80] =	vst v63  }
0x89: {  	s13 =	sld [smem:$0x7F3]  }
0x8a: {  	[spmem:s6] =	stream.linear.scatter [tilespmem:s15], [sflag:$0x19], $0xC00, $0x38;
	[tilespmem:$0x1EC80] =	vst v63  }
0x8b: {  	s20 =	sld [smem:$0x7F4]  }
0x8c: {  	[spmem:s13] =	stream.linear.scatter [tilespmem:s15], [sflag:$0x19], $0xC00, $0x38;
	[tilespmem:$0x1EC80] =	vst v63  }
0x8d: {  	s22 =	sld [smem:$0x7F5]  }
0x8e: {  	[spmem:s20] =	stream.linear.scatter [tilespmem:s15], [sflag:$0x19], $0xC00, $0x38;
	[tilespmem:$0x1EC80] =	vst v63  }
0x8f: {  	s23 =	sld [smem:$0x7F6]  }
0x90: {  	[spmem:s22] =	stream.linear.scatter [tilespmem:s15], [sflag:$0x19], $0xC00, $0x38;
	[tilespmem:$0x1EC80] =	vst v63  }
0x91: {  	s24 =	sld [smem:$0x7F7]  }
0x92: {  	[spmem:s23] =	stream.linear.scatter [tilespmem:s15], [sflag:$0x19], $0xC00, $0x38;
	[tilespmem:$0x1EC80] =	vst v63  }
0x93: {  	s25 =	sld [smem:$0x7F8]  }
0x94: {  	[spmem:s24] =	stream.linear.scatter [tilespmem:s15], [sflag:$0x19], $0xC00, $0x38;
	[tilespmem:$0x1EC80] =	vst v63  }
0x95: {  	s0 =	sld [smem:$0x7F9]  }
0x96: {  	[spmem:s25] =	stream.linear.scatter [tilespmem:s15], [sflag:$0x19], $0xC00, $0x38;
	[tilespmem:$0x1EC80] =	vst v63  }
0x97: {  	s6 =	sld [smem:$0x7FA]  }
0x98: {  	[spmem:s0] =	stream.linear.scatter [tilespmem:s15], [sflag:$0x19], $0xC00, $0x38;
	[tilespmem:$0x1EC80] =	vst v63  }
0x99: {  	s13 =	sld [smem:$0x7FB]  }
0x9a: {  	[spmem:s6] =	stream.linear.scatter [tilespmem:s15], [sflag:$0x19], $0xC00, $0x38;
	[tilespmem:$0x1EC80] =	vst v63  }
0x9b: {  	s20 =	sld [smem:$0x7FC]  }
0x9c: {  	[spmem:s13] =	stream.linear.scatter [tilespmem:s15], [sflag:$0x19], $0xC00, $0x38;
	[tilespmem:$0x1EC80] =	vst v63  }
0x9d: {  	_ = 	snop  }
0x9e: {  	[spmem:s20] =	stream.linear.scatter [tilespmem:s15], [sflag:$0x19], $0xC00, $0x38;
	[tilespmem:$0x1EC80] =	vst v63  }
0x9f: {  	s15 =	simm.s32 @!p0 $0x1E080  }
0xa0: {  	[spmem:s30] =	stream.linear.scatter @!p0 [tilespmem:s15], [sflag:$0x1A], $0x800, $0x38;
	[tilespmem:$0x1EC80] =	vst v63  }
0xa1: {  	s15 =	simm.s32 @!p0 $0x1A  }
0xa2: {  	_ =	swait.ge @!p0 [sflag:s15], $0x800  }
0xa3: {  	[sflag:s15] =	ssyncset.done @!p0 $0x0  }
0xa4: {  	s0 =	simm.s32 $0x1;
	[sflag:s15] =	ssyncadd.s32 @!p0 $0xFFFFF800  }
0xa5: {  	_ =	swait.ge [sflag:s0], $0x80  }
0xa6: {  	[sflag:s0] =	ssyncset.done $0x0  }
0xa7: {  	s22 =	simm.s32 $0x9;
	[sflag:s0] =	ssyncadd.s32 $0xFFFFFF80  }
0xa8: {  	_ =	swait.ge [sflag:s22], $0x80  }
0xa9: {  	[sflag:s22] =	ssyncset.done $0x0  }
0xaa: {  	s23 =	simm.s32 $0x2;
	[sflag:s22] =	ssyncadd.s32 $0xFFFFFF80;
	s22 =	simm.s32 $0x14080  }
0xab: {  	[tilespmem:s22], [sflag:$0x11] =	stream.indirect.gather [hbm4b:s3+s19], $0x80, s10, s19, $0xb8;
	[tilespmem:$0x1EC80] =	vst v63  }
0xac: {  	_ =	swait.ge [sflag:s23], $0x80  }
0xad: {  	[sflag:s23] =	ssyncset.done $0x0  }
0xae: {  	s9 =	simm.s32 $0xA;
	[sflag:s23] =	ssyncadd.s32 $0xFFFFFF80  }
0xaf: {  	_ =	swait.ge [sflag:s9], $0x80  }
0xb0: {  	[sflag:s9] =	ssyncset.done $0x0  }
0xb1: {  	s24 =	simm.s32 $0x16880;
	s25 =	simm.s32 $0x19;
	[sflag:s9] =	ssyncadd.s32 $0xFFFFFF80  }
0xb2: {  	[tilespmem:s24], [sflag:$0x12] =	stream.indirect.gather [hbm4b:s3+s19], $0x80, s31, s19, $0xb8;
	[tilespmem:$0x1EC80] =	vst v63  }
0xb3: {  	_ =	swait.ge [sflag:s25], $0xC00  }
0xb4: {  	[sflag:s25] =	ssyncset.done $0x0  }
0xb5: {  	[sflag:s25] =	ssyncadd.s32 $0xFFFFF400  }
0xb6: {  	_ =	swait.ge [sflag:s25], $0xC00  }
0xb7: {  	[sflag:s25] =	ssyncset.done $0x0  }
0xb8: {  	[sflag:s25] =	ssyncadd.s32 $0xFFFFF400  }
0xb9: {  	_ =	swait.ge [sflag:s25], $0xC00  }
0xba: {  	[sflag:s25] =	ssyncset.done $0x0  }
0xbb: {  	[sflag:s25] =	ssyncadd.s32 $0xFFFFF400  }
0xbc: {  	_ =	swait.ge [sflag:s25], $0xC00  }
0xbd: {  	[sflag:s25] =	ssyncset.done $0x0  }
0xbe: {  	[sflag:s25] =	ssyncadd.s32 $0xFFFFF400  }
0xbf: {  	_ =	swait.ge [sflag:s25], $0xC00  }
0xc0: {  	[sflag:s25] =	ssyncset.done $0x0  }
0xc1: {  	[sflag:s25] =	ssyncadd.s32 $0xFFFFF400  }
0xc2: {  	_ =	swait.ge [sflag:s25], $0xC00  }
0xc3: {  	[sflag:s25] =	ssyncset.done $0x0  }
0xc4: {  	[sflag:s25] =	ssyncadd.s32 $0xFFFFF400  }
0xc5: {  	_ =	swait.ge [sflag:s25], $0xC00  }
0xc6: {  	[sflag:s25] =	ssyncset.done $0x0  }
0xc7: {  	[sflag:s25] =	ssyncadd.s32 $0xFFFFF400  }
0xc8: {  	_ =	swait.ge [sflag:s25], $0xC00  }
0xc9: {  	[sflag:s25] =	ssyncset.done $0x0  }
0xca: {  	[sflag:s25] =	ssyncadd.s32 $0xFFFFF400  }
0xcb: {  	_ =	swait.ge [sflag:s25], $0xC00  }
0xcc: {  	[sflag:s25] =	ssyncset.done $0x0  }
0xcd: {  	[sflag:s25] =	ssyncadd.s32 $0xFFFFF400  }
0xce: {  	_ =	swait.ge [sflag:s25], $0xC00  }
0xcf: {  	[sflag:s25] =	ssyncset.done $0x0  }
0xd0: {  	[sflag:s25] =	ssyncadd.s32 $0xFFFFF400  }
0xd1: {  	_ =	swait.ge [sflag:s25], $0xC00  }
0xd2: {  	[sflag:s25] =	ssyncset.done $0x0  }
0xd3: {  	[sflag:s25] =	ssyncadd.s32 $0xFFFFF400  }
0xd4: {  	_ =	swait.ge [sflag:s25], $0xC00  }
0xd5: {  	[sflag:s25] =	ssyncset.done $0x0  }
0xd6: {  	[sflag:s25] =	ssyncadd.s32 $0xFFFFF400  }
0xd7: {  	_ =	swait.ge [sflag:s25], $0xC00  }
0xd8: {  	[sflag:s25] =	ssyncset.done $0x0  }
0xd9: {  	[sflag:s25] =	ssyncadd.s32 $0xFFFFF400  }
0xda: {  	_ =	swait.ge [sflag:s25], $0xC00  }
0xdb: {  	[sflag:s25] =	ssyncset.done $0x0  }
0xdc: {  	[sflag:s25] =	ssyncadd.s32 $0xFFFFF400  }
0xdd: {  	_ =	swait.ge [sflag:s25], $0xC00  }
0xde: {  	[sflag:s25] =	ssyncset.done $0x0  }
0xdf: {  	[sflag:s25] =	ssyncadd.s32 $0xFFFFF400  }
0xe0: {  	_ =	swait.ge [sflag:s25], $0xC00  }
0xe1: {  	[sflag:s25] =	ssyncset.done $0x0  }
0xe2: {  	[sflag:s25] =	ssyncadd.s32 $0xFFFFF400  }
0xe3: {  	_ =	swait.ge [sflag:s25], $0xC00  }
0xe4: {  	[sflag:s25] =	ssyncset.done $0x0  }
0xe5: {  	[sflag:s25] =	ssyncadd.s32 $0xFFFFF400  }
0xe6: {  	_ =	swait.ge [sflag:s25], $0xC00  }
0xe7: {  	[sflag:s25] =	ssyncset.done $0x0  }
0xe8: {  	[sflag:s25] =	ssyncadd.s32 $0xFFFFF400  }
0xe9: {  	_ =	swait.ge [sflag:s25], $0xC00  }
0xea: {  	[sflag:s25] =	ssyncset.done $0x0  }
0xeb: {  	[sflag:s25] =	ssyncadd.s32 $0xFFFFF400  }
0xec: {  	_ =	swait.ge [sflag:s25], $0xC00  }
0xed: {  	[sflag:s25] =	ssyncset.done $0x0  }
0xee: {  	[sflag:s25] =	ssyncadd.s32 $0xFFFFF400  }
0xef: {  	_ =	swait.ge [sflag:s25], $0xC00  }
0xf0: {  	[sflag:s25] =	ssyncset.done $0x0  }
0xf1: {  	[sflag:s25] =	ssyncadd.s32 $0xFFFFF400  }
0xf2: {  	_ =	swait.ge [sflag:s25], $0xC00  }
0xf3: {  	[sflag:s25] =	ssyncset.done $0x0  }
0xf4: {  	[sflag:s25] =	ssyncadd.s32 $0xFFFFF400  }
0xf5: {  	_ =	swait.ge [sflag:s25], $0xC00  }
0xf6: {  	[sflag:s25] =	ssyncset.done $0x0  }
0xf7: {  	[sflag:s25] =	ssyncadd.s32 $0xFFFFF400  }
0xf8: {  	_ =	swait.ge [sflag:s25], $0xC00  }
0xf9: {  	[sflag:s25] =	ssyncset.done $0x0  }
0xfa: {  	[sflag:s25] =	ssyncadd.s32 $0xFFFFF400  }
0xfb: {  	_ =	swait.ge [sflag:s25], $0xC00  }
0xfc: {  	[sflag:s25] =	ssyncset.done $0x0  }
0xfd: {  	[sflag:s25] =	ssyncadd.s32 $0xFFFFF400  }
0xfe: {  	_ =	swait.ge [sflag:s25], $0xC00  }
0xff: {  	[sflag:s25] =	ssyncset.done $0x0  }
0x100: {  	[sflag:s25] =	ssyncadd.s32 $0xFFFFF400  }
0x101: {  	[bflag:$0x0] =	sbarrier.arrive $0xFFFF  }
0x102: {  	p1 =	por $0x1, $0x1;
	_ =	swait.ge [sflag:s21], $0x2800  }
0x103: {  	s15 =	simm.s32 @!p1 $0x300;
	[sflag:s21] =	ssyncset.done $0x0  }
0x104: {  	s15 =	simm.s32 @p1 $0x300;
	s25 =	simm.s32 @!p1 $0x17;
	[sflag:s21] =	ssyncadd.s32 $0xFFFFD800  }
0x105: {  	[spmem:s12] =	stream.indirect.scatter.add.f32 [tilespmem:s22], [sflag:$0x15], $0x80, s16, s19, $0xb8;
	[tilespmem:$0x1EC80] =	vst v63  }
0x106: {  	s15 =	sadd.s32 s17, s15;
	_ =	swait.ge @!p1 [sflag:s25], $0x2800  }
0x107: {  	s15 =	sshrl.u32 s15, $0x3;
	[sflag:s25] =	ssyncset.done @!p1 $0x0  }
0x108: {  	s0 =	simm.s32 $0x13B80;
	s30 =	sadd.s32 s29, s15;
	[sflag:s25] =	ssyncadd.s32 @!p1 $0xFFFFD800  }
0x109: {  	[tilespmem:s0], [sflag:$0x7] =	stream.linear.gather [hbm4b:s30+s4], $0x80, $0x38;
	[tilespmem:$0x1EC80] =	vst v63  }
0x10a: {  	s13 =	simm.s32 $0x13F80;
	s15 =	sadd.s32 s7, s15  }
0x10b: {  	[tilespmem:s13], [sflag:$0xF] =	stream.linear.gather [hbm4b:s15+s4], $0x80, $0x38;
	[tilespmem:$0x1EC80] =	vst v63  }
0x10c: {  	s13 =	simm.s32 $0x3  }
0x10d: {  	_ =	swait.ge [sflag:s13], $0x80  }
0x10e: {  	[sflag:s13] =	ssyncset.done $0x0  }
0x10f: {  	s20 =	simm.s32 $0xB;
	[sflag:s13] =	ssyncadd.s32 $0xFFFFFF80  }
0x110: {  	_ =	swait.ge [sflag:s20], $0x80  }
0x111: {  	[sflag:s20] =	ssyncset.done $0x0  }
0x112: {  	s24 =	smov.u32 s3;
	s13 =	simm.s32 $0x19080;
	[sflag:s20] =	ssyncadd.s32 $0xFFFFFF80  }
0x113: {  	[tilespmem:s13], [sflag:$0x13] =	stream.indirect.gather [hbm4b:s24+s19], $0x80, s1, s19, $0xb8;
	[tilespmem:$0x1EC80] =	vst v63  }
0x114: {  	_ =	swait.ge [sflag:s14], $0x2800  }
0x115: {  	s6 =	simm.s32 $0x16880;
	s15 =	simm.s32 @!p1 $0x380;
	[sflag:s14] =	ssyncset.done $0x0  }
0x116: {  	s25 =	simm.s32 @!p1 $0x18;
	s15 =	simm.s32 @p1 $0x380;
	[sflag:s14] =	ssyncadd.s32 $0xFFFFD800  }
0x117: {  	[spmem:s12] =	stream.indirect.scatter.add.f32 [tilespmem:s6], [sflag:$0x16], $0x80, s18, s19, $0xb8;
	[tilespmem:$0x1EC80] =	vst v63  }
0x118: {  	s15 =	sadd.s32 s17, s15;
	_ =	swait.ge @!p1 [sflag:s25], $0x2800  }
0x119: {  	s15 =	sshrl.u32 s15, $0x3;
	[sflag:s25] =	ssyncset.done @!p1 $0x0  }
0x11a: {  	s23 =	sadd.s32 s29, s15;
	[sflag:s25] =	ssyncadd.s32 @!p1 $0xFFFFD800;
	s25 =	simm.s32 $0x13C00  }
0x11b: {  	[tilespmem:s25], [sflag:$0x8] =	stream.linear.gather [hbm4b:s23+s4], $0x80, $0x38;
	[tilespmem:$0x1EC80] =	vst v63  }
0x11c: {  	s0 =	simm.s32 $0x4;
	s15 =	sadd.s32 s7, s15  }
0x11d: {  	[tilespmem:s5], [sflag:$0x10] =	stream.linear.gather [hbm4b:s15+s4], $0x80, $0x38;
	[tilespmem:$0x1EC80] =	vst v63  }
0x11e: {  	_ =	swait.ge [sflag:s0], $0x80  }
0x11f: {  	[sflag:s0] =	ssyncset.done $0x0  }
0x120: {  	s1 =	simm.s32 $0xC;
	[sflag:s0] =	ssyncadd.s32 $0xFFFFFF80  }
0x121: {  	_ =	swait.ge [sflag:s1], $0x80  }
0x122: {  	[sflag:s1] =	ssyncset.done $0x0  }
0x123: {  	s17 =	simm.s32 $0x13;
	[sflag:s1] =	ssyncadd.s32 $0xFFFFFF80;
	s1 =	simm.s32 $0x1B880  }
0x124: {  	[tilespmem:s1], [sflag:$0x14] =	stream.indirect.gather [hbm4b:s24+s19], $0x80, s28, s19, $0xb8;
	[tilespmem:$0x1EC80] =	vst v63  }
0x125: {  	_ =	swait.ge [sflag:s17], $0x2800  }
0x126: {  	[sflag:s17] =	ssyncset.done $0x0  }
0x127: {  	s20 =	simm.s32 $0x15;
	[sflag:s17] =	ssyncadd.s32 $0xFFFFD800  }
0x128: {  	[spmem:s12] =	stream.indirect.scatter.add.f32 [tilespmem:s13], [sflag:$0x17], $0x80, s2, s19, $0xb8;
	[tilespmem:$0x1EC80] =	vst v63  }
0x129: {  	s2 =	sadd.s32 $0x400, s11;
	_ =	swait.ge [sflag:s20], $0x2800  }
0x12a: {  	s15 =	sshrl.u32 s2, $0x3;
	[sflag:s20] =	ssyncset.done $0x0  }
0x12b: {  	s3 =	sadd.s32 s29, s15;
	[sflag:s20] =	ssyncadd.s32 $0xFFFFD800  }
0x12c: {  	[tilespmem:s10], [sflag:$0x1] =	stream.linear.gather [hbm4b:s3+s4], $0x80, $0x38;
	[tilespmem:$0x1EC80] =	vst v63  }
0x12d: {  	s5 =	simm.s32 $0x5;
	s15 =	sadd.s32 s7, s15  }
0x12e: {  	[tilespmem:s16], [sflag:$0x9] =	stream.linear.gather [hbm4b:s15+s4], $0x80, $0x38;
	[tilespmem:$0x1EC80] =	vst v63  }
0x12f: {  	_ =	swait.ge [sflag:s5], $0x80  }
0x130: {  	[sflag:s5] =	ssyncset.done $0x0  }
0x131: {  	s7 =	simm.s32 $0xD;
	[sflag:s5] =	ssyncadd.s32 $0xFFFFFF80  }
0x132: {  	_ =	swait.ge [sflag:s7], $0x80  }
0x133: {  	[sflag:s7] =	ssyncset.done $0x0  }
0x134: {  	s23 =	simm.s32 $0x13A80;
	s16 =	simm.s32 $0x14;
	[sflag:s7] =	ssyncadd.s32 $0xFFFFFF80  }
0x135: {  	[tilespmem:s22], [sflag:$0x11] =	stream.indirect.gather [hbm4b:s24+s19], $0x80, s23, s19, $0xb8;
	[tilespmem:$0x1EC80] =	vst v63  }
0x136: {  	_ =	swait.ge [sflag:s16], $0x2800  }
0x137: {  	[sflag:s16] =	ssyncset.done $0x0  }
0x138: {  	s5 =	simm.s32 $0x16;
	[sflag:s16] =	ssyncadd.s32 $0xFFFFD800  }
0x139: {  	[spmem:s12] =	stream.indirect.scatter.add.f32 [tilespmem:s1], [sflag:$0x18], $0x80, s8, s19, $0xb8;
	[tilespmem:$0x1EC80] =	vst v63  }
0x13a: {  	_ =	swait.ge [sflag:s5], $0x2800  }
0x13b: {  	s25 =	rddreg [dreg:$0x5];
	[sflag:s5] =	ssyncset.done $0x0  }
0x13c: {  	s29 =	rddreg [dreg:$0x4];
	[sflag:s5] =	ssyncadd.s32 $0xFFFFD800;
	s15 =	sadd.s32 $0x0, s25  }
0x13d: {  	[tilespmem:s31], [sflag:$0x2] =	stream.linear.gather [hbm4b:s15+s4], $0x80, $0x38;
	[tilespmem:$0x1EC80] =	vst v63  }
0x13e: {  	s0 =	simm.s32 $0x6;
	s31 =	sadd.s32 $0x0, s29  }
0x13f: {  	[tilespmem:s18], [sflag:$0xA] =	stream.linear.gather [hbm4b:s31+s4], $0x80, $0x38;
	[tilespmem:$0x1EC80] =	vst v63  }
0x140: {  	_ =	swait.ge [sflag:s0], $0x80  }
0x141: {  	[sflag:s0] =	ssyncset.done $0x0  }
0x142: {  	s7 =	simm.s32 $0xE;
	[sflag:s0] =	ssyncadd.s32 $0xFFFFFF80  }
0x143: {  	_ =	swait.ge [sflag:s7], $0x80  }
0x144: {  	[sflag:s7] =	ssyncset.done $0x0  }
0x145: {  	s16 =	simm.s32 $0x13B00;
	s18 =	simm.s32 $0x16880;
	[sflag:s7] =	ssyncadd.s32 $0xFFFFFF80  }
0x146: {  	[tilespmem:s18], [sflag:$0x12] =	stream.indirect.gather [hbm4b:s24+s19], $0x80, s16, s19, $0xb8;
	[tilespmem:$0x1EC80] =	vst v63  }
0x147: {  	_ =	swait.ge [sflag:s21], $0x2800  }
0x148: {  	[sflag:s21] =	ssyncset.done $0x0  }
0x149: {  	s25 =	simm.s32 $0x17;
	[sflag:s21] =	ssyncadd.s32 $0xFFFFD800  }
0x14a: {  	[spmem:s12] =	stream.indirect.scatter.add.f32 [tilespmem:s22], [sflag:$0x15], $0x80, s26, s19, $0xb8;
	[tilespmem:$0x1EC80] =	vst v63  }
0x14b: {  	_ =	swait.ge [sflag:s25], $0x2800  }
0x14c: {  	s6 =	simm.s32 $0x13980;
	s29 =	rddreg [dreg:$0x7];
	[sflag:s25] =	ssyncset.done $0x0  }
0x14d: {  	s31 =	rddreg [dreg:$0x6];
	[sflag:s25] =	ssyncadd.s32 $0xFFFFD800;
	s15 =	sadd.s32 $0x0, s29  }
0x14e: {  	[tilespmem:s6], [sflag:$0x3] =	stream.linear.gather [hbm4b:s15+s4], $0x80, $0x38;
	[tilespmem:$0x1EC80] =	vst v63  }
0x14f: {  	s3 =	simm.s32 $0x13D80;
	s0 =	sadd.s32 $0x0, s31;
	s6 =	simm.s32 $0x7  }
0x150: {  	[tilespmem:s3], [sflag:$0xB] =	stream.linear.gather [hbm4b:s0+s4], $0x80, $0x38;
	[tilespmem:$0x1EC80] =	vst v63  }
0x151: {  	_ =	swait.ge [sflag:s6], $0x80  }
0x152: {  	[sflag:s6] =	ssyncset.done $0x0  }
0x153: {  	s7 =	simm.s32 $0xF;
	[sflag:s6] =	ssyncadd.s32 $0xFFFFFF80  }
0x154: {  	_ =	swait.ge [sflag:s7], $0x80  }
0x155: {  	[sflag:s7] =	ssyncset.done $0x0  }
0x156: {  	s16 =	simm.s32 $0x13B80;
	[sflag:s7] =	ssyncadd.s32 $0xFFFFFF80  }
0x157: {  	[tilespmem:s13], [sflag:$0x13] =	stream.indirect.gather [hbm4b:s24+s19], $0x80, s16, s19, $0xb8;
	[tilespmem:$0x1EC80] =	vst v63  }
0x158: {  	_ =	swait.ge [sflag:s14], $0x2800  }
0x159: {  	[sflag:s14] =	ssyncset.done $0x0  }
0x15a: {  	s25 =	simm.s32 $0x13F00;
	s29 =	simm.s32 $0x18;
	[sflag:s14] =	ssyncadd.s32 $0xFFFFD800  }
0x15b: {  	[spmem:s12] =	stream.indirect.scatter.add.f32 [tilespmem:s18], [sflag:$0x16], $0x80, s25, s19, $0xb8;
	[tilespmem:$0x1EC80] =	vst v63  }
0x15c: {  	_ =	swait.ge [sflag:s29], $0x2800  }
0x15d: {  	s31 =	rddreg [dreg:$0x9];
	[sflag:s29] =	ssyncset.done $0x0  }
0x15e: {  	s0 =	rddreg [dreg:$0x8];
	[sflag:s29] =	ssyncadd.s32 $0xFFFFD800;
	s15 =	sadd.s32 $0x0, s31  }
0x15f: {  	[tilespmem:s28], [sflag:$0x4] =	stream.linear.gather [hbm4b:s15+s4], $0x80, $0x38;
	[tilespmem:$0x1EC80] =	vst v63  }
0x160: {  	s7 =	sadd.s32 $0x0, s0  }
0x161: {  	[tilespmem:s8], [sflag:$0xC] =	stream.linear.gather [hbm4b:s7+s4], $0x80, $0x38;
	[tilespmem:$0x1EC80] =	vst v63  }
0x162: {  	s8 =	simm.s32 $0x8  }
0x163: {  	_ =	swait.ge [sflag:s8], $0x80  }
0x164: {  	[sflag:s8] =	ssyncset.done $0x0  }
0x165: {  	s15 =	simm.s32 $0x10;
	[sflag:s8] =	ssyncadd.s32 $0xFFFFFF80  }
0x166: {  	_ =	swait.ge [sflag:s15], $0x80  }
0x167: {  	[sflag:s15] =	ssyncset.done $0x0  }
0x168: {  	s30 =	simm.s32 $0x13C00;
	[sflag:s15] =	ssyncadd.s32 $0xFFFFFF80  }
0x169: {  	[tilespmem:s1], [sflag:$0x14] =	stream.indirect.gather [hbm4b:s24+s19], $0x80, s30, s19, $0xb8;
	[tilespmem:$0x1EC80] =	vst v63  }
0x16a: {  	_ =	swait.ge [sflag:s17], $0x2800  }
0x16b: {  	[sflag:s17] =	ssyncset.done $0x0  }
0x16c: {  	s16 =	simm.s32 $0x13F80;
	[sflag:s17] =	ssyncadd.s32 $0xFFFFD800  }
0x16d: {  	[spmem:s12] =	stream.indirect.scatter.add.f32 [tilespmem:s13], [sflag:$0x17], $0x80, s16, s19, $0xb8;
	[tilespmem:$0x1EC80] =	vst v63  }
0x16e: {  	_ =	swait.ge [sflag:s20], $0x2800  }
0x16f: {  	s17 =	rddreg [dreg:$0xb];
	[sflag:s20] =	ssyncset.done $0x0  }
0x170: {  	s18 =	rddreg [dreg:$0xa];
	[sflag:s20] =	ssyncadd.s32 $0xFFFFD800;
	s15 =	sadd.s32 $0x0, s17  }
0x171: {  	[tilespmem:s23], [sflag:$0x5] =	stream.linear.gather [hbm4b:s15+s4], $0x80, $0x38;
	[tilespmem:$0x1EC80] =	vst v63  }
0x172: {  	s28 =	simm.s32 $0x1;
	s25 =	sadd.s32 $0x0, s18  }
0x173: {  	[tilespmem:s26], [sflag:$0xD] =	stream.linear.gather [hbm4b:s25+s4], $0x80, $0x38;
	[tilespmem:$0x1EC80] =	vst v63  }
0x174: {  	_ =	swait.ge [sflag:s28], $0x80  }
0x175: {  	[sflag:s28] =	ssyncset.done $0x0  }
0x176: {  	s29 =	simm.s32 $0x9;
	[sflag:s28] =	ssyncadd.s32 $0xFFFFFF80  }
0x177: {  	_ =	swait.ge [sflag:s29], $0x80  }
0x178: {  	[sflag:s29] =	ssyncset.done $0x0  }
0x179: {  	s26 =	simm.s32 $0x14;
	[sflag:s29] =	ssyncadd.s32 $0xFFFFFF80  }
0x17a: {  	[tilespmem:s22], [sflag:$0x11] =	stream.indirect.gather [hbm4b:s24+s19], $0x80, s10, s19, $0xb8;
	[tilespmem:$0x1EC80] =	vst v63  }
0x17b: {  	_ =	swait.ge [sflag:s26], $0x2800  }
0x17c: {  	[sflag:s26] =	ssyncset.done $0x0  }
0x17d: {  	p1 =	por $0x0, $0x0;
	s30 =	simm.s32 $0x14000;
	[sflag:s26] =	ssyncadd.s32 $0xFFFFD800  }
0x17e: {  	[spmem:s12] =	stream.indirect.scatter.add.f32 [tilespmem:s1], [sflag:$0x18], $0x80, s30, s19, $0xb8;
	[tilespmem:$0x1EC80] =	vst v63  }
0x17f: {  	s0 =	simm.s32 @!p1 $0x0;
	_ =	swait.ge [sflag:s5], $0x2800  }
0x180: {  	s30 =	simm.s32 @!p1 $0x13B00;
	s15 =	rddreg [dreg:$0xd];
	[sflag:s5] =	ssyncset.done $0x0  }
0x181: {  	s25 =	rddreg [dreg:$0xc];
	[sflag:s5] =	ssyncadd.s32 $0xFFFFD800;
	s15 =	sadd.s32 @!p1 $0x0, s15  }
0x182: {  	[tilespmem:s30], [sflag:$0x6] =	stream.linear.gather @!p1 [hbm4b:s15+s0], $0x80, $0x38;
	[tilespmem:$0x1EC80] =	vst v63  }
0x183: {  	s31 =	simm.s32 $0x2;
	s15 =	sadd.s32 @!p1 $0x0, s25;
	s25 =	simm.s32 @!p1 $0x13F00  }
0x184: {  	[tilespmem:s25], [sflag:$0xE] =	stream.linear.gather @!p1 [hbm4b:s15+s0], $0x80, $0x38;
	[tilespmem:$0x1EC80] =	vst v63  }
0x185: {  	_ =	swait.ge [sflag:s31], $0x80  }
0x186: {  	[sflag:s31] =	ssyncset.done $0x0  }
0x187: {  	[sflag:s31] =	ssyncadd.s32 $0xFFFFFF80  }
0x188: {  	s2 =	smov.u32 s12;
	s3 =	smov.u32 s24;
	_ =	swait.ge [sflag:s9], $0x80  }
0x189: {  	s15 =	simm.s32 $0x400;
	s25 =	simm.s32 $0x80;
	[sflag:s9] =	ssyncset.done $0x0  }
.LBB2_4:
0x18a: {  	[sflag:s9] =	ssyncadd.s32 $0xFFFFFF80;
	s6 =	simm.s32 $0x16880;
	s29 =	simm.s32 $0x13900  }
0x18b: {  	[tilespmem:s6], [sflag:$0x12] =	stream.indirect.gather [hbm4b:s3+s19], $0x80, s29, s19, $0xb8;
	[tilespmem:$0x1EC80] =	vst v63  }
0x18c: {  	s30 =	smov.u32 s25;
	_ =	swait.ge [sflag:s21], $0x2800  }
0x18d: {  	s15 =	sadd.s32 $0x400, s15;
	p2 =	seq.s32 s30, $0x0;
	[sflag:s21] =	ssyncset.done $0x0  }
0x18e: {  	s17 =	simm.s32 $0x13C80;
	s10 =	simm.s32 @!p2 $0x17;
	[sflag:s21] =	ssyncadd.s32 $0xFFFFD800  }
0x18f: {  	[spmem:s12] =	stream.indirect.scatter.add.f32 [tilespmem:s22], [sflag:$0x15], $0x80, s17, s19, $0xb8;
	[tilespmem:$0x1EC80] =	vst v63  }
0x190: {  	s31 =	sadd.s32 @!p2 $0xFFFFFF00, s15;
	_ =	swait.ge @!p2 [sflag:s10], $0x2800  }
0x191: {  	s31 =	simm.s32 @p2 $0x300;
	s0 =	rddreg [dreg:$0xe]  }
0x192: {  	s16 =	simm.s32 $0x13B80;
	s31 =	sadd.s32 s0, s31  }
0x193: {  	[sflag:s10] =	ssyncset.done @!p2 $0x0;
	s13 =	rddreg [dreg:$0xf];
	s31 =	sshrl.u32 s31, $0x3  }
0x194: {  	s7 =	rddreg [dreg:$0x10];
	[sflag:s10] =	ssyncadd.s32 @!p2 $0xFFFFD800;
	s1 =	sadd.s32 s13, s31  }
0x195: {  	[tilespmem:s16], [sflag:$0x7] =	stream.linear.gather [hbm4b:s1+s4], $0x80, $0x38;
	[tilespmem:$0x1EC80] =	vst v63  }
0x196: {  	s5 =	simm.s32 $0x3;
	s3 =	simm.s32 $0x13F80;
	s31 =	sadd.s32 s7, s31  }
0x197: {  	[tilespmem:s3], [sflag:$0xF] =	stream.linear.gather [hbm4b:s31+s4], $0x80, $0x38;
	[tilespmem:$0x1EC80] =	vst v63  }
0x198: {  	_ =	swait.ge [sflag:s5], $0x80  }
0x199: {  	[sflag:s5] =	ssyncset.done $0x0  }
0x19a: {  	s8 =	simm.s32 $0xB;
	[sflag:s5] =	ssyncadd.s32 $0xFFFFFF80  }
0x19b: {  	_ =	swait.ge [sflag:s8], $0x80  }
0x19c: {  	[sflag:s8] =	ssyncset.done $0x0  }
0x19d: {  	s20 =	simm.s32 $0x13980;
	s3 =	simm.s32 $0x19080;
	[sflag:s8] =	ssyncadd.s32 $0xFFFFFF80  }
0x19e: {  	[tilespmem:s3], [sflag:$0x13] =	stream.indirect.gather [hbm4b:s24+s19], $0x80, s20, s19, $0xb8;
	[tilespmem:$0x1EC80] =	vst v63  }
0x19f: {  	s9 =	sadd.s32 @!p2 $0xFFFFFF80, s15;
	_ =	swait.ge [sflag:s14], $0x2800  }
0x1a0: {  	s9 =	simm.s32 @p2 $0x380;
	[sflag:s14] =	ssyncset.done $0x0  }
0x1a1: {  	s10 =	simm.s32 @!p2 $0x18;
	s8 =	simm.s32 $0x13D00;
	[sflag:s14] =	ssyncadd.s32 $0xFFFFD800  }
0x1a2: {  	[spmem:s12] =	stream.indirect.scatter.add.f32 [tilespmem:s6], [sflag:$0x16], $0x80, s8, s19, $0xb8;
	[tilespmem:$0x1EC80] =	vst v63  }
0x1a3: {  	s9 =	sadd.s32 s0, s9;
	_ =	swait.ge @!p2 [sflag:s10], $0x2800  }
0x1a4: {  	s9 =	sshrl.u32 s9, $0x3;
	[sflag:s10] =	ssyncset.done @!p2 $0x0  }
0x1a5: {  	s23 =	simm.s32 $0x13C00;
	s12 =	sadd.s32 s13, s9;
	[sflag:s10] =	ssyncadd.s32 @!p2 $0xFFFFD800  }
0x1a6: {  	[tilespmem:s23], [sflag:$0x8] =	stream.linear.gather [hbm4b:s12+s4], $0x80, $0x38;
	[tilespmem:$0x1EC80] =	vst v63  }
0x1a7: {  	s18 =	simm.s32 $0x4;
	s14 =	simm.s32 $0x14000;
	s9 =	sadd.s32 s7, s9  }
0x1a8: {  	[tilespmem:s14], [sflag:$0x10] =	stream.linear.gather [hbm4b:s9+s4], $0x80, $0x38;
	[tilespmem:$0x1EC80] =	vst v63  }
0x1a9: {  	_ =	swait.ge [sflag:s18], $0x80  }
0x1aa: {  	[sflag:s18] =	ssyncset.done $0x0  }
0x1ab: {  	s28 =	simm.s32 $0xC;
	[sflag:s18] =	ssyncadd.s32 $0xFFFFFF80  }
0x1ac: {  	_ =	swait.ge [sflag:s28], $0x80  }
0x1ad: {  	s1 =	simm.s32 $0x1B880;
	[sflag:s28] =	ssyncset.done $0x0  }
0x1ae: {  	s5 =	simm.s32 $0x13;
	s12 =	simm.s32 $0x13A00;
	[sflag:s28] =	ssyncadd.s32 $0xFFFFFF80  }
0x1af: {  	[tilespmem:s1], [sflag:$0x14] =	stream.indirect.gather [hbm4b:s24+s19], $0x80, s12, s19, $0xb8;
	[tilespmem:$0x1EC80] =	vst v63  }
0x1b0: {  	_ =	swait.ge [sflag:s5], $0x2800  }
0x1b1: {  	s31 =	sadd.s32 s15, s11;
	s14 =	simm.s32 $0x13D80;
	[sflag:s5] =	ssyncset.done $0x0  }
0x1b2: {  	s28 =	smov.u32 s11;
	s11 =	simm.s32 $0x15;
	[sflag:s5] =	ssyncadd.s32 $0xFFFFD800  }
0x1b3: {  	[spmem:s2] =	stream.indirect.scatter.add.f32 [tilespmem:s3], [sflag:$0x17], $0x80, s14, s19, $0xb8;
	[tilespmem:$0x1EC80] =	vst v63  }
0x1b4: {  	_ =	swait.ge [sflag:s11], $0x2800  }
0x1b5: {  	s9 =	sshrl.u32 s31, $0x3;
	[sflag:s11] =	ssyncset.done $0x0  }
0x1b6: {  	s0 =	sadd.s32 s13, s9;
	s18 =	simm.s32 $0x13880;
	[sflag:s11] =	ssyncadd.s32 $0xFFFFD800  }
0x1b7: {  	[tilespmem:s18], [sflag:$0x1] =	stream.linear.gather [hbm4b:s0+s4], $0x80, $0x38;
	[tilespmem:$0x1EC80] =	vst v63  }
0x1b8: {  	s9 =	sadd.s32 s7, s9;
	s13 =	simm.s32 $0x5  }
0x1b9: {  	[tilespmem:s17], [sflag:$0x9] =	stream.linear.gather [hbm4b:s9+s4], $0x80, $0x38;
	[tilespmem:$0x1EC80] =	vst v63  }
0x1ba: {  	_ =	swait.ge [sflag:s13], $0x80  }
0x1bb: {  	[sflag:s13] =	ssyncset.done $0x0  }
0x1bc: {  	s17 =	simm.s32 $0xD;
	[sflag:s13] =	ssyncadd.s32 $0xFFFFFF80  }
0x1bd: {  	_ =	swait.ge [sflag:s17], $0x80  }
0x1be: {  	[sflag:s17] =	ssyncset.done $0x0  }
0x1bf: {  	[sflag:s17] =	ssyncadd.s32 $0xFFFFFF80;
	s17 =	simm.s32 $0x13A80  }
0x1c0: {  	[tilespmem:s22], [sflag:$0x11] =	stream.indirect.gather [hbm4b:s24+s19], $0x80, s17, s19, $0xb8;
	[tilespmem:$0x1EC80] =	vst v63  }
0x1c1: {  	_ =	swait.ge [sflag:s26], $0x2800  }
0x1c2: {  	[sflag:s26] =	ssyncset.done $0x0  }
0x1c3: {  	s0 =	simm.s32 $0x16;
	[sflag:s26] =	ssyncadd.s32 $0xFFFFD800;
	s26 =	simm.s32 $0x13E00  }
0x1c4: {  	[spmem:s2] =	stream.indirect.scatter.add.f32 [tilespmem:s1], [sflag:$0x18], $0x80, s26, s19, $0xb8;
	[tilespmem:$0x1EC80] =	vst v63  }
0x1c5: {  	_ =	swait.ge [sflag:s0], $0x2800  }
0x1c6: {  	s31 =	rddreg [dreg:$0x5];
	[sflag:s0] =	ssyncset.done $0x0  }
0x1c7: {  	s7 =	rddreg [dreg:$0x4];
	[sflag:s0] =	ssyncadd.s32 $0xFFFFD800;
	s9 =	sadd.s32 s30, s31  }
0x1c8: {  	[tilespmem:s29], [sflag:$0x2] =	stream.linear.gather [hbm4b:s9+s4], $0x80, $0x38;
	[tilespmem:$0x1EC80] =	vst v63  }
0x1c9: {  	s13 =	sadd.s32 s30, s7;
	s31 =	simm.s32 $0x6  }
0x1ca: {  	[tilespmem:s8], [sflag:$0xA] =	stream.linear.gather [hbm4b:s13+s4], $0x80, $0x38;
	[tilespmem:$0x1EC80] =	vst v63  }
0x1cb: {  	_ =	swait.ge [sflag:s31], $0x80  }
0x1cc: {  	[sflag:s31] =	ssyncset.done $0x0  }
0x1cd: {  	s7 =	simm.s32 $0xE;
	[sflag:s31] =	ssyncadd.s32 $0xFFFFFF80  }
0x1ce: {  	_ =	swait.ge [sflag:s7], $0x80  }
0x1cf: {  	[sflag:s7] =	ssyncset.done $0x0  }
0x1d0: {  	s8 =	simm.s32 $0x13B00;
	[sflag:s7] =	ssyncadd.s32 $0xFFFFFF80  }
0x1d1: {  	[tilespmem:s6], [sflag:$0x12] =	stream.indirect.gather [hbm4b:s24+s19], $0x80, s8, s19, $0xb8;
	[tilespmem:$0x1EC80] =	vst v63  }
0x1d2: {  	_ =	swait.ge [sflag:s21], $0x2800  }
0x1d3: {  	[sflag:s21] =	ssyncset.done $0x0  }
0x1d4: {  	s9 =	simm.s32 $0x17;
	[sflag:s21] =	ssyncadd.s32 $0xFFFFD800;
	s21 =	simm.s32 $0x13E80  }
0x1d5: {  	[spmem:s2] =	stream.indirect.scatter.add.f32 [tilespmem:s22], [sflag:$0x15], $0x80, s21, s19, $0xb8;
	[tilespmem:$0x1EC80] =	vst v63  }
0x1d6: {  	_ =	swait.ge [sflag:s9], $0x2800  }
0x1d7: {  	s10 =	rddreg [dreg:$0x7];
	[sflag:s9] =	ssyncset.done $0x0  }
0x1d8: {  	s13 =	rddreg [dreg:$0x6];
	[sflag:s9] =	ssyncadd.s32 $0xFFFFD800;
	s9 =	sadd.s32 s30, s10  }
0x1d9: {  	[tilespmem:s20], [sflag:$0x3] =	stream.linear.gather [hbm4b:s9+s4], $0x80, $0x38;
	[tilespmem:$0x1EC80] =	vst v63  }
0x1da: {  	s31 =	simm.s32 $0x7;
	s20 =	sadd.s32 s30, s13  }
0x1db: {  	[tilespmem:s14], [sflag:$0xB] =	stream.linear.gather [hbm4b:s20+s4], $0x80, $0x38;
	[tilespmem:$0x1EC80] =	vst v63  }
0x1dc: {  	_ =	swait.ge [sflag:s31], $0x80  }
0x1dd: {  	[sflag:s31] =	ssyncset.done $0x0  }
0x1de: {  	s8 =	simm.s32 $0xF;
	[sflag:s31] =	ssyncadd.s32 $0xFFFFFF80  }
0x1df: {  	_ =	swait.ge [sflag:s8], $0x80  }
0x1e0: {  	[sflag:s8] =	ssyncset.done $0x0  }
0x1e1: {  	s14 =	simm.s32 $0x12;
	[sflag:s8] =	ssyncadd.s32 $0xFFFFFF80  }
0x1e2: {  	[tilespmem:s3], [sflag:$0x13] =	stream.indirect.gather [hbm4b:s24+s19], $0x80, s16, s19, $0xb8;
	[tilespmem:$0x1EC80] =	vst v63  }
0x1e3: {  	_ =	swait.ge [sflag:s14], $0x2800  }
0x1e4: {  	[sflag:s14] =	ssyncset.done $0x0  }
0x1e5: {  	s10 =	simm.s32 $0x13F00;
	s16 =	simm.s32 $0x18;
	[sflag:s14] =	ssyncadd.s32 $0xFFFFD800  }
0x1e6: {  	[spmem:s2] =	stream.indirect.scatter.add.f32 [tilespmem:s6], [sflag:$0x16], $0x80, s10, s19, $0xb8;
	[tilespmem:$0x1EC80] =	vst v63  }
0x1e7: {  	_ =	swait.ge [sflag:s16], $0x2800  }
0x1e8: {  	s20 =	rddreg [dreg:$0x9];
	[sflag:s16] =	ssyncset.done $0x0  }
0x1e9: {  	s31 =	rddreg [dreg:$0x8];
	[sflag:s16] =	ssyncadd.s32 $0xFFFFD800;
	s9 =	sadd.s32 s30, s20  }
0x1ea: {  	[tilespmem:s12], [sflag:$0x4] =	stream.linear.gather [hbm4b:s9+s4], $0x80, $0x38;
	[tilespmem:$0x1EC80] =	vst v63  }
0x1eb: {  	s10 =	sadd.s32 s30, s31;
	s16 =	simm.s32 $0x8  }
0x1ec: {  	[tilespmem:s26], [sflag:$0xC] =	stream.linear.gather [hbm4b:s10+s4], $0x80, $0x38;
	[tilespmem:$0x1EC80] =	vst v63  }
0x1ed: {  	_ =	swait.ge [sflag:s16], $0x80  }
0x1ee: {  	[sflag:s16] =	ssyncset.done $0x0  }
0x1ef: {  	s20 =	simm.s32 $0x10;
	[sflag:s16] =	ssyncadd.s32 $0xFFFFFF80  }
0x1f0: {  	_ =	swait.ge [sflag:s20], $0x80  }
0x1f1: {  	[sflag:s20] =	ssyncset.done $0x0  }
0x1f2: {  	[sflag:s20] =	ssyncadd.s32 $0xFFFFFF80  }
0x1f3: {  	[tilespmem:s1], [sflag:$0x14] =	stream.indirect.gather [hbm4b:s24+s19], $0x80, s23, s19, $0xb8;
	[tilespmem:$0x1EC80] =	vst v63  }
0x1f4: {  	_ =	swait.ge [sflag:s5], $0x2800  }
0x1f5: {  	[sflag:s5] =	ssyncset.done $0x0  }
0x1f6: {  	s23 =	simm.s32 $0x13F80;
	[sflag:s5] =	ssyncadd.s32 $0xFFFFD800  }
0x1f7: {  	[spmem:s2] =	stream.indirect.scatter.add.f32 [tilespmem:s3], [sflag:$0x17], $0x80, s23, s19, $0xb8;
	[tilespmem:$0x1EC80] =	vst v63  }
0x1f8: {  	_ =	swait.ge [sflag:s11], $0x2800  }
0x1f9: {  	s31 =	rddreg [dreg:$0xb];
	[sflag:s11] =	ssyncset.done $0x0  }
0x1fa: {  	s5 =	rddreg [dreg:$0xa];
	[sflag:s11] =	ssyncadd.s32 $0xFFFFD800;
	s9 =	sadd.s32 s30, s31  }
0x1fb: {  	[tilespmem:s17], [sflag:$0x5] =	stream.linear.gather [hbm4b:s9+s4], $0x80, $0x38;
	[tilespmem:$0x1EC80] =	vst v63  }
0x1fc: {  	s11 =	sadd.s32 s30, s5;
	s17 =	simm.s32 $0x1  }
0x1fd: {  	[tilespmem:s21], [sflag:$0xD] =	stream.linear.gather [hbm4b:s11+s4], $0x80, $0x38;
	[tilespmem:$0x1EC80] =	vst v63  }
0x1fe: {  	_ =	swait.ge [sflag:s17], $0x80  }
0x1ff: {  	[sflag:s17] =	ssyncset.done $0x0  }
0x200: {  	s20 =	simm.s32 $0x9;
	[sflag:s17] =	ssyncadd.s32 $0xFFFFFF80  }
0x201: {  	_ =	swait.ge [sflag:s20], $0x80  }
0x202: {  	[sflag:s20] =	ssyncset.done $0x0  }
0x203: {  	s26 =	simm.s32 $0x14;
	[sflag:s20] =	ssyncadd.s32 $0xFFFFFF80  }
0x204: {  	[tilespmem:s22], [sflag:$0x11] =	stream.indirect.gather [hbm4b:s24+s19], $0x80, s18, s19, $0xb8;
	[tilespmem:$0x1EC80] =	vst v63  }
0x205: {  	s25 =	sadd.s32 $0x80, s25;
	_ =	swait.ge [sflag:s26], $0x2800  }
0x206: {  	p1 =	sne.s32 s25, $0x780;
	[sflag:s26] =	ssyncset.done $0x0  }
0x207: {  	p2 =	seq.s32 s30, $0x700;
	s22 =	simm.s32 $0x14000;
	[sflag:s26] =	ssyncadd.s32 $0xFFFFD800  }
0x208: {  	[spmem:s2] =	stream.indirect.scatter.add.f32 [tilespmem:s1], [sflag:$0x18], $0x80, s22, s19, $0xb8;
	[tilespmem:$0x1EC80] =	vst v63  }
0x209: {  	s29 =	simm.s32 $0x13D00;
	s31 =	simm.s32 @!p2 $0x0;
	_ =	swait.ge [sflag:s0], $0x2800  }
0x20a: {  	s22 =	simm.s32 @!p2 $0x13B00;
	s9 =	rddreg [dreg:$0xd];
	[sflag:s0] =	ssyncset.done $0x0  }
0x20b: {  	s10 =	rddreg [dreg:$0xc];
	[sflag:s0] =	ssyncadd.s32 $0xFFFFD800;
	s9 =	sadd.s32 @!p2 s30, s9  }
0x20c: {  	[tilespmem:s22], [sflag:$0x6] =	stream.linear.gather @!p2 [hbm4b:s9+s31], $0x80, $0x38;
	[tilespmem:$0x1EC80] =	vst v63  }
0x20d: {  	s7 =	simm.s32 $0x13980;
	s9 =	sadd.s32 @!p2 s30, s10;
	s10 =	simm.s32 @!p2 $0x13F00  }
0x20e: {  	[tilespmem:s10], [sflag:$0xE] =	stream.linear.gather @!p2 [hbm4b:s9+s31], $0x80, $0x38;
	[tilespmem:$0x1EC80] =	vst v63  }
0x20f: {  	s13 =	simm.s32 $0x13D80;
	s8 =	simm.s32 $0x13A00;
	s31 =	simm.s32 $0x2  }
.Ltmp1:
0x210: {  	s6 =	simm.s32 $0x13E00;
	_ =	swait.ge [sflag:s31], $0x80;
	(pc) =	sbr.rel @p1 .LBB2_4-.Ltmp1, $4  }
0x211: {  	s12 =	smov.u32 s2;
	s16 =	simm.s32 $0x13E80;
	[sflag:s31] =	ssyncset.done $0x0  }
0x212: {  	s3 =	smov.u32 s24;
	s9 =	simm.s32 $0xA;
	[sflag:s31] =	ssyncadd.s32 $0xFFFFFF80  }
0x213: {  	s23 =	simm.s32 $0x13A80;
	s21 =	simm.s32 $0x11;
	_ =	swait.ge [sflag:s9], $0x80  }
0x214: {  	s11 =	smov.u32 s28;
	s22 =	simm.s32 $0x14080;
	[sflag:s9] =	ssyncset.done $0x0  }
0x215: {  	[sflag:s9] =	ssyncadd.s32 $0xFFFFFF80;
	s0 =	simm.s32 $0x16880;
	s1 =	simm.s32 $0x13900  }
0x216: {  	[tilespmem:s0], [sflag:$0x12] =	stream.indirect.gather [hbm4b:s3+s19], $0x80, s1, s19, $0xb8;
	[tilespmem:$0x1EC80] =	vst v63  }
0x217: {  	_ =	swait.ge [sflag:s21], $0x2800  }
0x218: {  	[sflag:s21] =	ssyncset.done $0x0  }
0x219: {  	s18 =	simm.s32 $0x13C80;
	s10 =	simm.s32 $0x17;
	[sflag:s21] =	ssyncadd.s32 $0xFFFFD800  }
0x21a: {  	[spmem:s12] =	stream.indirect.scatter.add.f32 [tilespmem:s22], [sflag:$0x15], $0x80, s18, s19, $0xb8;
	[tilespmem:$0x1EC80] =	vst v63  }
0x21b: {  	_ =	swait.ge [sflag:s10], $0x2800  }
0x21c: {  	[sflag:s10] =	ssyncset.done $0x0  }
0x21d: {  	s20 =	simm.s32 $0x3;
	[sflag:s10] =	ssyncadd.s32 $0xFFFFD800  }
0x21e: {  	_ =	swait.ge [sflag:s20], $0x80  }
0x21f: {  	[sflag:s20] =	ssyncset.done $0x0  }
0x220: {  	s24 =	simm.s32 $0xB;
	[sflag:s20] =	ssyncadd.s32 $0xFFFFFF80  }
0x221: {  	_ =	swait.ge [sflag:s24], $0x80  }
0x222: {  	[sflag:s24] =	ssyncset.done $0x0  }
0x223: {  	s15 =	simm.s32 $0x19080;
	[sflag:s24] =	ssyncadd.s32 $0xFFFFFF80  }
0x224: {  	[tilespmem:s15], [sflag:$0x13] =	stream.indirect.gather [hbm4b:s3+s19], $0x80, s7, s19, $0xb8;
	[tilespmem:$0x1EC80] =	vst v63  }
0x225: {  	_ =	swait.ge [sflag:s14], $0x2800  }
0x226: {  	[sflag:s14] =	ssyncset.done $0x0  }
0x227: {  	s25 =	simm.s32 $0x18;
	[sflag:s14] =	ssyncadd.s32 $0xFFFFD800  }
0x228: {  	[spmem:s12] =	stream.indirect.scatter.add.f32 [tilespmem:s0], [sflag:$0x16], $0x80, s29, s19, $0xb8;
	[tilespmem:$0x1EC80] =	vst v63  }
0x229: {  	_ =	swait.ge [sflag:s25], $0x2800  }
0x22a: {  	[sflag:s25] =	ssyncset.done $0x0  }
0x22b: {  	s2 =	simm.s32 $0x4;
	[sflag:s25] =	ssyncadd.s32 $0xFFFFD800  }
0x22c: {  	_ =	swait.ge [sflag:s2], $0x80  }
0x22d: {  	[sflag:s2] =	ssyncset.done $0x0  }
0x22e: {  	s5 =	simm.s32 $0xC;
	[sflag:s2] =	ssyncadd.s32 $0xFFFFFF80  }
0x22f: {  	_ =	swait.ge [sflag:s5], $0x80  }
0x230: {  	[sflag:s5] =	ssyncset.done $0x0  }
0x231: {  	s7 =	simm.s32 $0x1B880;
	[sflag:s5] =	ssyncadd.s32 $0xFFFFFF80  }
0x232: {  	[tilespmem:s7], [sflag:$0x14] =	stream.indirect.gather [hbm4b:s3+s19], $0x80, s8, s19, $0xb8;
	[tilespmem:$0x1EC80] =	vst v63  }
0x233: {  	s8 =	simm.s32 $0x13  }
0x234: {  	_ =	swait.ge [sflag:s8], $0x2800  }
0x235: {  	[sflag:s8] =	ssyncset.done $0x0  }
0x236: {  	s2 =	simm.s32 $0x15;
	[sflag:s8] =	ssyncadd.s32 $0xFFFFD800  }
0x237: {  	[spmem:s12] =	stream.indirect.scatter.add.f32 [tilespmem:s15], [sflag:$0x17], $0x80, s13, s19, $0xb8;
	[tilespmem:$0x1EC80] =	vst v63  }
0x238: {  	_ =	swait.ge [sflag:s2], $0x2800  }
0x239: {  	[sflag:s2] =	ssyncset.done $0x0  }
0x23a: {  	s13 =	simm.s32 $0x5;
	[sflag:s2] =	ssyncadd.s32 $0xFFFFD800  }
0x23b: {  	_ =	swait.ge [sflag:s13], $0x80  }
0x23c: {  	[sflag:s13] =	ssyncset.done $0x0  }
0x23d: {  	s15 =	simm.s32 $0xD;
	[sflag:s13] =	ssyncadd.s32 $0xFFFFFF80  }
0x23e: {  	_ =	swait.ge [sflag:s15], $0x80  }
0x23f: {  	[sflag:s15] =	ssyncset.done $0x0  }
0x240: {  	[sflag:s15] =	ssyncadd.s32 $0xFFFFFF80  }
0x241: {  	[tilespmem:s22], [sflag:$0x11] =	stream.indirect.gather [hbm4b:s3+s19], $0x80, s23, s19, $0xb8;
	[tilespmem:$0x1EC80] =	vst v63  }
0x242: {  	_ =	swait.ge [sflag:s26], $0x2800  }
0x243: {  	[sflag:s26] =	ssyncset.done $0x0  }
0x244: {  	s17 =	simm.s32 $0x16;
	[sflag:s26] =	ssyncadd.s32 $0xFFFFD800  }
0x245: {  	[spmem:s12] =	stream.indirect.scatter.add.f32 [tilespmem:s7], [sflag:$0x18], $0x80, s6, s19, $0xb8;
	[tilespmem:$0x1EC80] =	vst v63  }
0x246: {  	_ =	swait.ge [sflag:s17], $0x2800  }
0x247: {  	[sflag:s17] =	ssyncset.done $0x0  }
0x248: {  	[sflag:s17] =	ssyncadd.s32 $0xFFFFD800  }
0x249: {  	_ =	swait.ge [sflag:s21], $0x2800  }
0x24a: {  	[sflag:s21] =	ssyncset.done $0x0  }
0x24b: {  	[sflag:s21] =	ssyncadd.s32 $0xFFFFD800  }
0x24c: {  	[spmem:s12] =	stream.indirect.scatter.add.f32 [tilespmem:s22], [sflag:$0x15], $0x80, s16, s19, $0xb8;
	[tilespmem:$0x1EC80] =	vst v63  }
0x24d: {  	_ =	swait.ge [sflag:s10], $0x2800  }
0x24e: {  	[sflag:s10] =	ssyncset.done $0x0  }
0x24f: {  	[sflag:s10] =	ssyncadd.s32 $0xFFFFD800  }
0x250: {  	_ =	swait.ge [sflag:s25], $0x2800  }
0x251: {  	[sflag:s25] =	ssyncset.done $0x0  }
0x252: {  	[sflag:s25] =	ssyncadd.s32 $0xFFFFD800  }
0x253: {  	_ =	swait.ge [sflag:s2], $0x2800  }
0x254: {  	[sflag:s2] =	ssyncset.done $0x0  }
0x255: {  	s18 =	stileid.u32;
	[sflag:s2] =	ssyncadd.s32 $0xFFFFD800  }
0x256: {  	s9 =	sshll.u32 s18, $0x6;
	[bflag:$0x0] =	sbarrier.arrive $0xFFFF  }
0x257: {  	s9 =	sor.u32 $0x1C1A, s9;
	s22 =	rddreg [dreg:$0x1e]  }
0x258: {  	s24 =	simm.s32 $0x1A;
	s23 =	rddreg [dreg:$0x1a];
	s20 =	sshrl.u32 s22, $0x3  }
0x259: {  	[hbm:s23], [sflag:s9] =	dma.local [spmem:s20], $0x2700  }
0x25a: {  	_ =	swait.ge [sflag:s24], $0x2700  }
0x25b: {  	s30 =	sld [smem:$0x7FD]  }
0x25c: {  	s15 =	sld [smem:$0x7E3]  }
0x25d: {  	[sflag:s24] =	ssyncset.done $0x0  }
0x25e: {  	[sflag:s24] =	ssyncadd.s32 $0xFFFFD900;
	s10 =	sshrl.u32 @!p0 s30, $0x3  }
0x25f: {  	[hbm:s15], [sflag:s9] =	dma.local @!p0 [spmem:s10], $0x100  }
0x260: {  	s9 =	simm.s32 @!p0 $0x1A  }
0x261: {  	_ =	swait.ge @!p0 [sflag:s9], $0x100  }
0x262: {  	s25 =	sld [smem:$0x7E2]  }
0x263: {  	s26 =	sld [smem:$0x7E4];
	_ =	sdelay $0x1  }
0x264: {  	s31 =	simm.s32 $0x13900;
	s28 =	simm.s32 $0x13A00;
	s0 =	sadd.s32 $0x1, s25  }
0x265: {  	s1 =	simm.s32 $0x13980;
	s18 =	simm.s32 $0x13D00;
	p1 =	sne.s32 s0, s26  }
.Ltmp2:
0x266: {  	s5 =	simm.s32 $0x14000;
	s8 =	simm.s32 $0x13E00;
	(pc) =	sbr.rel @p1 .LBB2_1-.Ltmp2, $4  }
0x267: {  	s13 =	simm.s32 $0x13B00;
	s6 =	simm.s32 $0x13A80;
	s16 =	simm.s32 $0x13C80  }
0x268: {  	s2 =	simm.s32 $0x13D80;
	s10 =	simm.s32 $0x13880;
	s17 =	rddreg [dreg:$0xe]  }
0x269: {  	s15 =	simm.s32 $0x13F00;
	[sflag:s9] =	ssyncset.done @!p0 $0x0;
	s29 =	rddreg [dreg:$0xf]  }
0x26a: {  	s7 =	rddreg [dreg:$0x10];
	[sflag:s9] =	ssyncadd.s32 @!p0 $0xFFFFFF00;
	s26 =	simm.s32 $0x13E80  }
0x26b: {  	_ =	sfence.sel $0x180000  }
0x26c: {  	[bflag:$0x0] =	sbarrier.arrive $0xFFFF  }
0x26d: {  	_ =	strace $0x9000004A  }
0x26e: {  	s0 =	stileid.u32;
	[bflag:$0x2] =	sbarrier.arrive $0xFFFF  }
0x26f: {  	p0 =	sne.s32 s0, $0x0;
	s0 =	rddreg [dreg:$0x3]  }
0x270: {  	s0 =	sadd.s32 @!p0 $0x100000, s0  }
0x271: {  	[sflag:s0] =	ssyncadd.tile.s32 @!p0 $0x1;
	_ =	shalt  }
.Lfunc_end2:
_tile_overlayer_lowered:
.L_overlay_start_2:
0x272: {  	(tag) =	ssettag $0x2  }
0x273: {  	s0 =	rddreg [dreg:$0x0];
	s2 =	stileid.u32  }
0x274: {  	s1 =	rddreg [dreg:$0x1];
	p0 =	sne.s32 s2, $0x0  }
0x275: {  	s3 =	rddreg [dreg:$0x2];
	[bflag:$0x3] =	sbarrier.arrive $0xFFFF;
	s2 =	simm.s32 @!p0 $0x1C1A  }
0x276: {  	[timem:s3], [sflag:s2] =	dma.local @!p0 [hbm:s0], s1  }
0x277: {  	s0 =	simm.s32 @!p0 $0x1A  }
0x278: {  	_ =	swait.ge @!p0 [sflag:s0], s1  }
0x279: {  	s1 =	ssub.s32 @!p0 $0x0, s1;
	[sflag:s0] =	ssyncset.done @!p0 $0x0  }
0x27a: {  	[sflag:s0] =	ssyncadd.s32 @!p0 s1  }
0x27b: {  	[bflag:$0x3] =	sbarrier.arrive $0xFFFF  }
0x27c: {  	_ =	shalt  }

// kernel: kernel.8.cloned.1.call-start
scs
__scs_entry_jumppad:
0x0: {  	(pc) =	sbr.rel $0x88, $3  }
0x1: {  	(tag) =	ssettag $0x0;
	lr =	simm.s32 $0x1  }
0x2: {  	[smem:$0x3F95] =	sst lr;
	_ =	strace $0xD0000000  }
0x3: {  	_ = 	snop  }
0x4: {  	_ = 	snop  }
0x5: {  	_ = 	snop  }
0x6: {  	_ = 	snop  }
0x7: {  	_ = 	snop  }
__scs_overlays_trampoline_lowered:
0x8: {  	[smem:$0x3FA4] =	sst s0  }
0x9: {  	[smem:$0x3FA5] =	sst s1  }
0xa: {  	[smem:$0x3FA6] =	sst s2  }
0xb: {  	[smem:$0x3FA7] =	sst s3  }
0xc: {  	[smem:$0x3FA8] =	sst s4  }
0xd: {  	[smem:$0x3FA9] =	sst s5  }
0xe: {  	[smem:$0x3FAA] =	sst s6  }
0xf: {  	[smem:$0x3FAB] =	sst s7  }
0x10: {  	[smem:$0x3FAC] =	sst s8  }
0x11: {  	[smem:$0x3FAD] =	sst s9;
	s0 =	simm.s32 @!p0 $0x0  }
0x12: {  	s1 =	sld [smem:$0x3F93];
	s0 =	simm.s32 @p0 $0x1  }
0x13: {  	[smem:$0x3FAE] =	sst s0;
	s0 =	simm.s32 @!p1 $0x0  }
0x14: {  	s2 =	sld [smem:$0x3F92];
	s0 =	simm.s32 @p1 $0x1  }
0x15: {  	[smem:$0x3FAF] =	sst s0;
	s0 =	simm.s32 @!p2 $0x0  }
0x16: {  	s3 =	sld [smem:$0x3FDB];
	s0 =	simm.s32 @p2 $0x1  }
0x17: {  	s4 =	simm.s32 $0x1BF5;
	[smem:$0x3FB1] =	sst s0  }
0x18: {  	s0 =	sld [smem:$0x3F94];
	_ =	swait.ge [sflag:s4], $0x0  }
0x19: {  	s7 =	sld [smem:$0x3F95]  }
0x1a: {  	s8 =	sadd.s32 $0xFFFFE003, lr  }
0x1b: {  	s9 =	sadd.s32 $0xFFFFFEF7, lr;
	s5 =	simm.s32 $0xFFFFFFFF;
	p2 =	slt.u32 s8, $0xFFFFF086  }
0x1c: {  	p1 =	slt.u32 s9, $0xF7A;
	s5 =	simm.s32 @!p2 $0x0  }
0x1d: {  	s5 =	simm.s32 @p1 $0x1;
	p0 =	seq.s32 s7, s2  }
0x1e: {  	s7 =	smul.u32 @!p0 $0xF7A, s2;
	p2 =	seq.s32 @!p0 s5, $0x0  }
0x1f: {  	s9 =	smul.u32 $0xF7A, s1;
	s8 =	simm.s32 @!p0 $0x1BF5;
	p2 =	por !p2, p0  }
0x20: {  	[sflag:s8] =	ssyncset.s32 @!p0 $0xFFFFF086;
	s6 =	sadd.s32 @!p0 s3, s7;
	s7 =	simm.s32 @!p0 $0x108  }
0x21: {  	s3 =	sadd.s32 s3, s9;
	s6 =	sadd.s32 @!p0 $0x88, s6;
	s7 =	simm.s32 @p2 $0x1082  }
0x22: {  	[simem:s7], [sflag:s8] =	dma.local @!p0 [hbm:s6], $0xF7A  }
0x23: {  	s9 =	sor.u32 $0xD0000000, s2;
	s6 =	simm.s32 $0x108;
	_ =	swait.ge @!p0 [sflag:s8], $0x0  }
0x24: {  	s3 =	sadd.s32 $0x88, s3;
	s6 =	simm.s32 @!p1 $0x1082;
	[sflag:s4] =	ssyncset.s32 $0xFFFFF086  }
0x25: {  	[simem:s6], [sflag:s4] =	dma.local [hbm:s3], $0xF7A  }
0x26: {  	[smem:$0x3F95] =	sst s1;
	(tag) =	ssettag s2;
	_ =	strace s9  }
0x27: {  	s1 =	sld [smem:$0x3FA5]  }
0x28: {  	s2 =	sld [smem:$0x3FA6]  }
0x29: {  	s4 =	sld [smem:$0x3FA8]  }
0x2a: {  	p0 =	seq.s32 s5, $0x0;
	s5 =	sld [smem:$0x3FA9]  }
0x2b: {  	s6 =	sld [smem:$0x3FAA]  }
0x2c: {  	s7 =	sld [smem:$0x3FAB]  }
0x2d: {  	s3 =	simm.s32 $0x108;
	s8 =	sld [smem:$0x3FAC]  }
0x2e: {  	s3 =	simm.s32 @!p0 $0x1082;
	s9 =	sld [smem:$0x3FAD]  }
0x2f: {  	lr =	sadd.s32 s0, s3;
	s0 =	sld [smem:$0x3FA4]  }
0x30: {  	s3 =	sld [smem:$0x3FA7]  }
0x31: {  	[smem:$0x3FB0] =	sst s10  }
0x32: {  	s10 =	sld [smem:$0x3FAE];
	_ =	sdelay $0x3  }
0x33: {  	p0 =	seq.s32 s10, $0x1;
	s10 =	sld [smem:$0x3FB0];
	_ =	sdelay $0x3  }
0x34: {  	[smem:$0x3FB0] =	sst s10  }
0x35: {  	s10 =	sld [smem:$0x3FAF];
	_ =	sdelay $0x3  }
0x36: {  	p1 =	seq.s32 s10, $0x1;
	s10 =	sld [smem:$0x3FB0];
	_ =	sdelay $0x3  }
0x37: {  	[smem:$0x3FB0] =	sst s10  }
0x38: {  	s10 =	sld [smem:$0x3FB1]  }
0x39: {  	_ = 	snop;
	(pc) =	sbr.ind lr, $3  }
0x3a: {  	_ = 	snop  }
0x3b: {  	_ = 	snop  }
0x3c: {  	p2 =	seq.s32 s10, $0x1;
	s10 =	sld [smem:$0x3FB0]  }
0x3d: {  	_ =	shalt  }
0x3e: {  	_ =	shalt  }
0x3f: {  	_ =	shalt  }
0x40: {  	_ =	shalt  }
0x41: {  	_ =	shalt  }
0x42: {  	_ =	shalt  }
0x43: {  	_ =	shalt  }
0x44: {  	_ =	shalt  }
0x45: {  	_ =	shalt  }
0x46: {  	_ =	shalt  }
0x47: {  	_ =	shalt  }
0x48: {  	_ =	shalt  }
0x49: {  	_ =	shalt  }
0x4a: {  	_ =	shalt  }
0x4b: {  	_ =	shalt  }
0x4c: {  	_ =	shalt  }
0x4d: {  	_ =	shalt  }
0x4e: {  	_ =	shalt  }
0x4f: {  	_ =	shalt  }
0x50: {  	_ =	shalt  }
0x51: {  	_ =	shalt  }
0x52: {  	_ =	shalt  }
0x53: {  	_ =	shalt  }
0x54: {  	_ =	shalt  }
0x55: {  	_ =	shalt  }
0x56: {  	_ =	shalt  }
0x57: {  	_ =	shalt  }
0x58: {  	_ =	shalt  }
0x59: {  	_ =	shalt  }
0x5a: {  	_ =	shalt  }
0x5b: {  	_ =	shalt  }
0x5c: {  	_ =	shalt  }
0x5d: {  	_ =	shalt  }
0x5e: {  	_ =	shalt  }
0x5f: {  	_ =	shalt  }
0x60: {  	_ =	shalt  }
0x61: {  	_ =	shalt  }
0x62: {  	_ =	shalt  }
0x63: {  	_ =	shalt  }
0x64: {  	_ =	shalt  }
0x65: {  	_ =	shalt  }
0x66: {  	_ =	shalt  }
0x67: {  	_ =	shalt  }
0x68: {  	_ =	shalt  }
0x69: {  	_ =	shalt  }
0x6a: {  	_ =	shalt  }
0x6b: {  	_ =	shalt  }
0x6c: {  	_ =	shalt  }
0x6d: {  	_ =	shalt  }
0x6e: {  	_ =	shalt  }
0x6f: {  	_ =	shalt  }
0x70: {  	_ =	shalt  }
0x71: {  	_ =	shalt  }
0x72: {  	_ =	shalt  }
0x73: {  	_ =	shalt  }
0x74: {  	_ =	shalt  }
0x75: {  	_ =	shalt  }
0x76: {  	_ =	shalt  }
0x77: {  	_ =	shalt  }
0x78: {  	_ =	shalt  }
0x79: {  	_ =	shalt  }
0x7a: {  	_ =	shalt  }
0x7b: {  	_ =	shalt  }
0x7c: {  	_ =	shalt  }
0x7d: {  	_ =	shalt  }
0x7e: {  	_ =	shalt  }
0x7f: {  	_ =	shalt  }
0x80: {  	_ =	shalt  }
0x81: {  	_ =	shalt  }
0x82: {  	_ =	shalt  }
0x83: {  	_ =	shalt  }
0x84: {  	_ =	shalt  }
0x85: {  	_ =	shalt  }
0x86: {  	_ =	shalt  }
0x87: {  	_ =	shalt  }
.Lfunc_end0:
.L_simem_size_0:
called_computation_lowered:
.L_overlay_start_0:
0x88: {  	s2 =	sld [smem:$0x3FD9]  }
0x89: {  	s3 =	sld [smem:$0x3FFE];
	_ =	sdelay $0x1  }
0x8a: {  	s1 =	srdreg.scid  }
0x8b: {  	s0 =	sand.u32 $0x1, s1  }
0x8c: {  	s17 =	sshll.u32 s0, $0xA;
	s2 =	sadd.s32 s3, s2  }
0x8d: {  	s2 =	sadd.s32 s2, s17  }
0x8e: {  	[smem:$0x3FBC] =	sst s2  }
0x8f: {  	_ = 	snop  }
0x90: {  	s2 =	sld [smem:$0x3FC9]  }
0x91: {  	s18 =	sld [smem:$0x3FD0];
	(tm) =	ssettm $0x1  }
0x92: {  	s4 =	sld [smem:$0x3FFB];
	_ =	sdelay $0x3  }
0x93: {  	_ =	strace s4  }
0x94: {  	s4 =	sld [smem:$0x3FFC];
	_ =	sdelay $0x3  }
0x95: {  	_ =	strace s4  }
0x96: {  	s4 =	sld [smem:$0x3FFD];
	_ =	sdelay $0x3  }
0x97: {  	_ =	strace s4  }
0x98: {  	_ =	strace $0x8FFFFFFF  }
0x99: {  	s19 =	sld [smem:$0x3FDB];
	_ =	sdelay $0x1  }
0x9a: {  	s5 =	simm.s32 $_scs_section_size  }
0x9b: {  	s6 =	simm.s32 $_size__tile_overlayer_lowered;
	s7 =	simm.s32 $_tile_overlayer_lowered  }
0x9c: {  	s22 =	simm.s32 $0x1BFF;
	s21 =	sshll.u32 s7, $0x1;
	s4 =	sadd.s32 s5, s19  }
0x9d: {  	s8 =	simm.s32 $0x0;
	s20 =	sshll.u32 s6, $0x1;
	s6 =	sadd.s32 s21, s4  }
0x9e: {  	[timem:s8], [sflag:s22] =	dma.local [hbm:s6], s20  }
0x9f: {  	_ =	swait.ge [sflag:s22], s20  }
0xa0: {  	s5 =	ssub.s32 $0x0, s20;
	[sflag:s22] =	ssyncset.done $0x0  }
0xa1: {  	[sflag:s22] =	ssyncadd.s32 s5;
	_ =	sdelay $0x1  }
0xa2: {  	s23 =	simm.s32 $0x1B8B  }
0xa3: {  	_ =	swait.ge [sflag:s23], $0x1  }
0xa4: {  	[sflag:s23] =	ssyncset.done $0x0  }
0xa5: {  	s25 =	simm.s32 $0x1B8E;
	s24 =	sld [smem:$0x3FFE];
	[sflag:s23] =	ssyncadd.s32 $0xFFFFFFFF  }
0xa6: {  	s26 =	simm.s32 $execute0_lowered;
	[smem:$0x3FD2] =	sst s25  }
0xa7: {  	s6 =	sshll.u32 s26, $0x1;
	_ =	strace $0x80000046;
	[dreg:$0x1] =	wrdreg $0xFFFFFFFF  }
0xa8: {  	s28 =	simm.s32 $_size_execute0_lowered;
	s4 =	sadd.s32 s4, s6;
	[dreg:$0x0] =	wrdreg $0x0  }
0xa9: {  	s6 =	sshll.u32 s28, $0x1;
	[dreg:$0x2] =	wrdreg s4  }
0xaa: {  	[dreg:$0x3] =	wrdreg s6  }
0xab: {  	[dreg:$0x4] =	wrdreg $0xC0  }
0xac: {  	_ =	task [dreg:s8], $0x5FFFF  }
0xad: {  	[dreg:$0x1] =	wrdreg $0xFFFFFFFF  }
0xae: {  	[dreg:$0x0] =	wrdreg $0x60  }
0xaf: {  	[dreg:$0x2] =	wrdreg s2  }
0xb0: {  	[dreg:$0x3] =	wrdreg s24  }
0xb1: {  	[dreg:$0x4] =	wrdreg s18  }
0xb2: {  	[dreg:$0x5] =	wrdreg $0x0  }
0xb3: {  	[dreg:$0x6] =	wrdreg $0x1EC800  }
0xb4: {  	[dreg:$0x7] =	wrdreg $0x9  }
0xb5: {  	_ =	task.clear_ibuf [dreg:s8], $0x8FFFF;
	_ =	strace $0x90000046  }
0xb6: {  	s29 =	simm.s32 $0x9;
	_ =	strace $0x80000048  }
0xb7: {  	_ =	swait.ge [sflag:s29], $0x1  }
0xb8: {  	[sflag:s29] =	ssyncadd.s32 $0xFFFFFFFF  }
0xb9: {  	_ =	strace $0x90000048  }
0xba: {  	_ =	sfence  }
0xbb: {  	s30 =	sld [smem:$0x0];
	_ =	sdelay $0x2  }
0xbc: {  	s31 =	sshll.u32 s1, $0xD;
	s1 =	sshrl.u32 s1, $0x2  }
0xbd: {  	s3 =	sand.u32 $0x4000, s31;
	s1 =	sadd.s32 s1, s30  }
0xbe: {  	s0 =	sor.u32 s3, s0;
	s1 =	sshll.u32 s1, $0x11  }
0xbf: {  	s0 =	sor.u32 s1, s0  }
0xc0: {  	s0 =	sadd.s32 $0x8F2B, s0  }
0xc1: {  	[sflag:s0] =	ssyncadd.remote.s32 $0x1  }
0xc2: {  	_ =	sfence.sel $0xFFFF  }
0xc3: {  	[dreg:$0x0] =	wrdreg $0xFFFFFFFF;
	(pc) =	sbr.abs _section_cstart, $3  }
0xc4: {  	[dreg:$0x1] =	wrdreg $0xFFFFFFFF  }
0xc5: {  	_ =	task.clear_ibuf [dreg:s8], $0x2FFFF;
	_ =	strace $0x9FFFFFFF  }
0xc6: {  	(tm) =	ssettm $0x7FFFFFFF  }
0xc7: {  	_ =	shalt  }
tec
execute0_lowered:
.L_overlay_start_1:
0x0: {  	(tag) =	ssettag $0x1  }
0x1: {  	s2 =	rddreg [dreg:$0x1]  }
0x2: {  	s1 =	rddreg [dreg:$0x2]  }
0x3: {  	s3 =	rddreg [dreg:$0x3];
	s5 =	srdreg.scid  }
0x4: {  	s18 =	stileid.u32;
	s4 =	rddreg [dreg:$0x4]  }
0x5: {  	s10 =	sand.u32 $0x1, s5;
	s6 =	sshll.u32 s18, $0x1;
	s5 =	simm.s32 $0x0  }
0x6: {  	s25 =	sadd.s32 $0x2800, s2;
	s17 =	sadd.s32 $0x12200, s2;
	s26 =	smul.u32 $0x13800, s18  }
0x7: {  	s11 =	sadd.s32 $0x21C00, s2;
	s15 =	smul.u32 $0x7D00, s18;
	s6 =	sor.u32 s10, s6  }
0x8: {  	[smem:$0x7FF] =	sst s5;
	s23 =	ssub.s32 $0x2, s10;
	s14 =	smul.u32 $0x138800, s10  }
0x9: {  	s0 =	smul.u32 $0x3E80, s10;
	_ =	strace $0x80000047;
	[dreg:$0x11] =	wrdreg s25  }
0xa: {  	s6 =	smul.u32 $0x3E80, s6;
	s12 =	sshrl.u32 s23, $0x1;
	[dreg:$0x13] =	wrdreg s17  }
0xb: {  	s2 =	ssub.s32 s23, s12;
	s12 =	sadd.s32 s26, s14;
	s0 =	sadd.s32 s0, s15  }
0xc: {  	[dreg:$0x10] =	wrdreg s6;
	s9 =	sshrl.u32 s6, $0x3;
	s12 =	sshrl.u32 s12, $0x3  }
0xd: {  	[dreg:$0x12] =	wrdreg s0;
	s13 =	sadd.s32 $0x10, s9;
	s12 =	sadd.s32 s11, s12  }
0xe: {  	s24 =	sadd.s32 s25, s13;
	[dreg:$0x1a] =	wrdreg s12  }
0xf: {  	s6 =	sadd.s32 $0x20, s9;
	s13 =	sadd.s32 s17, s13;
	[dreg:$0x14] =	wrdreg s24  }
0x10: {  	s7 =	sadd.s32 $0x30, s9;
	s16 =	sadd.s32 s25, s6;
	[dreg:$0x15] =	wrdreg s13  }
0x11: {  	s15 =	sadd.s32 $0x500, s0;
	s8 =	sadd.s32 s25, s7;
	[dreg:$0x16] =	wrdreg s16  }
0x12: {  	s22 =	sshrl.u32 s15, $0x3;
	s19 =	sadd.s32 s17, s7;
	[dreg:$0x18] =	wrdreg s8  }
0x13: {  	s23 =	sadd.s32 s22, s17;
	[dreg:$0x19] =	wrdreg s19  }
0x14: {  	s20 =	sadd.s32 $0x480, s0;
	s26 =	sadd.s32 s22, s25;
	[dreg:$0x8] =	wrdreg s23  }
0x15: {  	s12 =	sshrl.u32 s20, $0x3;
	s13 =	sadd.s32 s17, s6;
	[dreg:$0x9] =	wrdreg s26  }
0x16: {  	s21 =	sadd.s32 s12, s17;
	[dreg:$0x17] =	wrdreg s13  }
0x17: {  	s12 =	sadd.s32 s12, s25;
	[dreg:$0x6] =	wrdreg s21  }
0x18: {  	s24 =	sadd.s32 $0x580, s0;
	s8 =	sadd.s32 $0x600, s0;
	[dreg:$0x7] =	wrdreg s12  }
0x19: {  	s6 =	sshrl.u32 s24, $0x3;
	s19 =	sshrl.u32 s8, $0x3;
	s8 =	sadd.s32 s25, s9  }
0x1a: {  	s7 =	sadd.s32 s6, s17;
	[dreg:$0x1e] =	wrdreg s8  }
0x1b: {  	s16 =	sadd.s32 s6, s25;
	[dreg:$0xa] =	wrdreg s7  }
0x1c: {  	s21 =	sadd.s32 $0x680, s0;
	s20 =	sadd.s32 s19, s17;
	[dreg:$0xb] =	wrdreg s16  }
0x1d: {  	s0 =	sadd.s32 $0x40, s9;
	s22 =	sadd.s32 s19, s25;
	[dreg:$0xc] =	wrdreg s20  }
0x1e: {  	s10 =	smul.u32 $0x2710, s10;
	s12 =	sadd.s32 s17, s0;
	[dreg:$0xd] =	wrdreg s22  }
0x1f: {  	s23 =	sshrl.u32 s21, $0x3;
	s19 =	smax.u32 s2, $0x1;
	[dreg:$0x1d] =	wrdreg s12  }
0x20: {  	s14 =	sshrl.u32 s14, $0x3;
	s26 =	sadd.s32 s23, s17;
	[smem:$0x7E0] =	sst s19  }
0x21: {  	s11 =	sadd.s32 s11, s14;
	s14 =	sadd.s32 s23, s25;
	[dreg:$0xe] =	wrdreg s26  }
0x22: {  	s13 =	smul.u32 $0x270, s18;
	s7 =	sadd.s32 s25, s0;
	[dreg:$0xf] =	wrdreg s14  }
0x23: {  	s6 =	smul.u32 $0x4E000, s18;
	s16 =	sadd.s32 $0x27000, s11;
	[dreg:$0x1c] =	wrdreg s7  }
0x24: {  	s24 =	sadd.s32 s13, s10;
	s13 =	sadd.s32 s13, s4;
	[smem:$0x7DE] =	sst s16  }
0x25: {  	s15 =	sshrl.u32 s24, $0x3;
	s14 =	sadd.s32 s17, s9;
	[smem:$0x7FB] =	sst s13  }
0x26: {  	s9 =	sadd.s32 $0x50, s9;
	s15 =	sadd.s32 s1, s15;
	[dreg:$0x1f] =	wrdreg s14  }
0x27: {  	s10 =	sshrl.u32 s10, $0x3;
	[dreg:$0x1b] =	wrdreg s15;
	s15 =	sadd.s32 s25, s9  }
0x28: {  	s1 =	sadd.s32 s1, s10;
	s9 =	sadd.s32 s17, s9;
	[smem:$0x7DC] =	sst s15  }
0x29: {  	s10 =	sshrl.u32 s6, $0x2;
	s1 =	sadd.s32 $0x4E0, s1;
	[smem:$0x7DD] =	sst s9  }
0x2a: {  	s14 =	sadd.s32 s10, s3;
	[smem:$0x7DF] =	sst s1  }
0x2b: {  	s20 =	sadd.s32 $0xC00, s14;
	[smem:$0x7FA] =	sst s14  }
0x2c: {  	s21 =	sadd.s32 $0x1800, s14;
	[smem:$0x7E1] =	sst s20  }
0x2d: {  	s22 =	sadd.s32 $0x2400, s14;
	[smem:$0x7E2] =	sst s21  }
0x2e: {  	s23 =	sadd.s32 $0x3000, s14;
	[smem:$0x7E3] =	sst s22  }
0x2f: {  	s24 =	sadd.s32 $0x3C00, s14;
	[smem:$0x7E4] =	sst s23  }
0x30: {  	s26 =	sadd.s32 $0x4800, s14;
	[smem:$0x7E5] =	sst s24  }
0x31: {  	s0 =	sadd.s32 $0x5400, s14;
	[smem:$0x7E6] =	sst s26  }
0x32: {  	s2 =	sadd.s32 $0x6000, s14;
	[smem:$0x7E7] =	sst s0  }
0x33: {  	s6 =	sadd.s32 $0x6C00, s14;
	[smem:$0x7E8] =	sst s2  }
0x34: {  	s7 =	sadd.s32 $0x7800, s14;
	[smem:$0x7E9] =	sst s6  }
0x35: {  	s8 =	sadd.s32 $0x8400, s14;
	[smem:$0x7EA] =	sst s7  }
0x36: {  	s9 =	sadd.s32 $0x9000, s14;
	[smem:$0x7EB] =	sst s8  }
0x37: {  	s10 =	sadd.s32 $0x9C00, s14;
	[smem:$0x7EC] =	sst s9  }
0x38: {  	s11 =	sadd.s32 $0xA800, s14;
	[smem:$0x7ED] =	sst s10  }
0x39: {  	s28 =	simm.s32 $0x13A80;
	s12 =	sadd.s32 $0xB400, s14;
	[smem:$0x7EE] =	sst s11  }
0x3a: {  	s29 =	simm.s32 $0x13F00;
	s15 =	sadd.s32 $0xC000, s14;
	[smem:$0x7EF] =	sst s12  }
0x3b: {  	s30 =	simm.s32 $0x1EF78;
	s16 =	sadd.s32 $0xCC00, s14;
	[smem:$0x7F0] =	sst s15  }
0x3c: {  	p0 =	sne.s32 s18, $0xF;
	s18 =	sadd.s32 $0xD800, s14;
	[smem:$0x7F1] =	sst s16  }
0x3d: {  	s31 =	simm.s32 $0x50;
	s19 =	sadd.s32 $0xE400, s14;
	[smem:$0x7F2] =	sst s18  }
0x3e: {  	[smem:$0x7F3] =	sst s19;
	s20 =	sadd.s32 $0xF000, s14;
	s21 =	sadd.s32 $0xFC00, s14  }
0x3f: {  	s22 =	sadd.s32 $0x10800, s14;
	s23 =	sadd.s32 $0x11400, s14;
	s24 =	sadd.s32 $0x12000, s14  }
0x40: {  	s26 =	sadd.s32 $0x12C00, s14;
	s6 =	simm.s32 $0x13880;
	s2 =	simm.s32 $0x13C80  }
0x41: {  	s8 =	simm.s32 $0x13900;
	s0 =	simm.s32 $0x13D00;
	[smem:$0x7F4] =	sst s20  }
0x42: {  	s16 =	simm.s32 $0x13980;
	s12 =	simm.s32 $0x13D80;
	[smem:$0x7F5] =	sst s21  }
0x43: {  	s9 =	simm.s32 $0x13A00;
	s18 =	simm.s32 $0x13E00;
	[smem:$0x7F6] =	sst s22  }
0x44: {  	s7 =	simm.s32 $0x13E80;
	s10 =	simm.s32 $0x11;
	[smem:$0x7F7] =	sst s23  }
0x45: {  	s11 =	simm.s32 $0x13;
	s19 =	simm.s32 $0x14;
	[smem:$0x7F8] =	sst s24  }
0x46: {  	[smem:$0x7F9] =	sst s26;
	s22 =	sadd.s32 $0x138000, s3;
	s26 =	sadd.s32 $0x2700, s4  }
0x47: {  	s20 =	simm.s32 $0x1EEF8;
	s23 =	simm.s32 $0x15;
	[smem:$0x7FC] =	sst s22  }
0x48: {  	v0 =	vimm.f32 $0.0e+00;
	v1 =	vimm.f32 $1.000000000e+00;
	s21 =	simm.s32 $0x16;
	s24 =	simm.s32 $0x0;
	[smem:$0x7FD] =	sst s26  }
.LBB2_1:
0x49: {  	[smem:$0x7DB] =	sst s24  }
0x4a: {  	s1 =	rddreg [dreg:$0x1e]  }
0x4b: {  	s24 =	rddreg [dreg:$0x1f]  }
0x4c: {  	[tilespmem:s6], [sflag:$0x1] =	stream.linear.gather [hbm4b:s1+s5], $0x80, $0x38;
	[tilespmem:$0x1F1F8] =	vst v63  }
0x4d: {  	s15 =	rddreg [dreg:$0x14]  }
0x4e: {  	[tilespmem:s2], [sflag:$0x9] =	stream.linear.gather [hbm4b:s24+s5], $0x80, $0x38;
	[tilespmem:$0x1F1F8] =	vst v63  }
0x4f: {  	s24 =	rddreg [dreg:$0x15]  }
0x50: {  	[tilespmem:s8], [sflag:$0x2] =	stream.linear.gather [hbm4b:s15+s5], $0x80, $0x38;
	[tilespmem:$0x1F1F8] =	vst v63  }
0x51: {  	s8 =	rddreg [dreg:$0x16]  }
0x52: {  	[tilespmem:s0], [sflag:$0xA] =	stream.linear.gather [hbm4b:s24+s5], $0x80, $0x38;
	[tilespmem:$0x1F1F8] =	vst v63  }
0x53: {  	s15 =	rddreg [dreg:$0x17]  }
0x54: {  	[tilespmem:s16], [sflag:$0x3] =	stream.linear.gather [hbm4b:s8+s5], $0x80, $0x38;
	[tilespmem:$0x1F1F8] =	vst v63  }
0x55: {  	s24 =	rddreg [dreg:$0x18]  }
0x56: {  	[tilespmem:s12], [sflag:$0xB] =	stream.linear.gather [hbm4b:s15+s5], $0x80, $0x38;
	[tilespmem:$0x1F1F8] =	vst v63  }
0x57: {  	s8 =	rddreg [dreg:$0x19]  }
0x58: {  	[tilespmem:s9], [sflag:$0x4] =	stream.linear.gather [hbm4b:s24+s5], $0x80, $0x38;
	[tilespmem:$0x1F1F8] =	vst v63  }
0x59: {  	s15 =	rddreg [dreg:$0x1d]  }
0x5a: {  	[tilespmem:s18], [sflag:$0xC] =	stream.linear.gather [hbm4b:s8+s5], $0x80, $0x38;
	[tilespmem:$0x1F1F8] =	vst v63  }
0x5b: {  	s9 =	rddreg [dreg:$0x1c]  }
0x5c: {  	[tilespmem:s28], [sflag:$0x5] =	stream.linear.gather [hbm4b:s9+s5], $0x80, $0x38;
	[tilespmem:$0x1F1F8] =	vst v63  }
0x5d: {  	s18 =	sld [smem:$0x7DC]  }
0x5e: {  	[tilespmem:s7], [sflag:$0xD] =	stream.linear.gather [hbm4b:s15+s5], $0x80, $0x38;
	[tilespmem:$0x1F1F8] =	vst v63  }
0x5f: {  	s24 =	simm.s32 $0x13B00;
	s28 =	sld [smem:$0x7DD]  }
0x60: {  	[tilespmem:s24], [sflag:$0x6] =	stream.linear.gather [hbm4b:s18+s5], $0x80, $0x38;
	[tilespmem:$0x1F1F8] =	vst v63  }
0x61: {  	s1 =	simm.s32 $0x0;
	s9 =	simm.s32 $0x200  }
0x62: {  	[tilespmem:s29], [sflag:$0xE] =	stream.linear.gather [hbm4b:s28+s5], $0x80, $0x38;
	[tilespmem:$0x1F1F8] =	vst v63  }
.LBB2_2:
0x63: {  	p1 =	sne.s32 s9, $0x2E00;
	[tilespmem:s1+$0x1E0F0] =	vst v0  }
0x64: {  	[tilespmem:s1+$0x1E080] =	vst v0  }
0x65: {  	[tilespmem:s1+$0x1E090] =	vst v0  }
.Ltmp0:
0x66: {  	[tilespmem:s1+$0x1E0A0] =	vst v0;
	(pc) =	sbr.rel @p1 .LBB2_2-.Ltmp0, $4  }
0x67: {  	[tilespmem:s1+$0x1E0B0] =	vst v0  }
0x68: {  	[tilespmem:s1+$0x1E0C0] =	vst v0  }
0x69: {  	[tilespmem:s1+$0x1E0D0] =	vst v0  }
0x6a: {  	[tilespmem:s1+$0x1E0E0] =	vst v0;
	s1 =	sshra.s32 s9, $0x2;
	s9 =	sadd.s32 $0x200, s9  }
0x6b: {  	[tilespmem:s1+$0x1E0F0] =	vst v0  }
0x6c: {  	[tilespmem:s1+$0x1E080] =	vst v0  }
0x6d: {  	[tilespmem:s1+$0x1E090] =	vst v0  }
0x6e: {  	[tilespmem:s1+$0x1E0A0] =	vst v0  }
0x6f: {  	[tilespmem:s1+$0x1E0B0] =	vst v0  }
0x70: {  	[tilespmem:s1+$0x1E0C0] =	vst v0  }
0x71: {  	[tilespmem:s1+$0x1E0D0] =	vst v0  }
0x72: {  	[tilespmem:s1+$0x1E0E0] =	vst v0  }
0x73: {  	[tilespmem:$0x1EEF8] =	vst v1  }
0x74: {  	[tilespmem:$0x1EF08] =	vst v1  }
0x75: {  	[tilespmem:$0x1EF18] =	vst v1  }
0x76: {  	[tilespmem:$0x1EF28] =	vst v1  }
0x77: {  	[tilespmem:$0x1EF38] =	vst v1  }
0x78: {  	[tilespmem:$0x1EF78] =	vst v0  }
0x79: {  	[tilespmem:$0x1EF88] =	vst v0  }
0x7a: {  	[tilespmem:$0x1EF98] =	vst v0  }
0x7b: {  	[tilespmem:$0x1EFA8] =	vst v0  }
0x7c: {  	[tilespmem:$0x1EFB8] =	vst v0  }
0x7d: {  	[tilespmem:$0x1EFC8] =	vst v0  }
0x7e: {  	[tilespmem:$0x1EFD8] =	vst v0  }
0x7f: {  	[tilespmem:$0x1EFE8] =	vst v0  }
0x80: {  	[tilespmem:$0x1EFF8] =	vst v0  }
0x81: {  	[tilespmem:$0x1F008] =	vst v0  }
0x82: {  	[tilespmem:$0x1F018] =	vst v0  }
0x83: {  	[tilespmem:$0x1F028] =	vst v0  }
0x84: {  	[tilespmem:$0x1F038] =	vst v0  }
0x85: {  	[tilespmem:$0x1F048] =	vst v0  }
0x86: {  	[tilespmem:$0x1F058] =	vst v0  }
0x87: {  	[tilespmem:$0x1F068] =	vst v0  }
0x88: {  	[tilespmem:$0x1F078] =	vst v0  }
0x89: {  	[tilespmem:$0x1F088] =	vst v0  }
0x8a: {  	[tilespmem:$0x1F098] =	vst v0  }
0x8b: {  	[tilespmem:$0x1F0A8] =	vst v0  }
0x8c: {  	[tilespmem:$0x1F0B8] =	vst v0  }
0x8d: {  	[tilespmem:$0x1F0C8] =	vst v0  }
0x8e: {  	[tilespmem:$0x1F0D8] =	vst v0  }
0x8f: {  	[tilespmem:$0x1F0E8] =	vst v0  }
0x90: {  	[tilespmem:$0x1F0F8] =	vst v0  }
0x91: {  	[tilespmem:$0x1F108] =	vst v0  }
0x92: {  	[tilespmem:$0x1F118] =	vst v0  }
0x93: {  	[tilespmem:$0x1F128] =	vst v0  }
0x94: {  	[tilespmem:$0x1F138] =	vst v0  }
0x95: {  	[tilespmem:$0x1F148] =	vst v0  }
0x96: {  	[tilespmem:$0x1F158] =	vst v0  }
0x97: {  	[tilespmem:$0x1F168] =	vst v0  }
0x98: {  	[tilespmem:$0x1F178] =	vst v0  }
0x99: {  	[tilespmem:$0x1F188] =	vst v0  }
0x9a: {  	[tilespmem:$0x1F198] =	vst v0  }
0x9b: {  	[tilespmem:$0x1F1A8] =	vst v0  }
0x9c: {  	[tilespmem:$0x1F1B8] =	vst v0  }
0x9d: {  	[tilespmem:$0x1F1C8] =	vst v0  }
0x9e: {  	s9 =	simm.s32 $0x1E080;
	s8 =	sld [smem:$0x7E1];
	[tilespmem:$0x1F1D8] =	vst v0  }
0x9f: {  	[spmem:s14] =	stream.linear.scatter [tilespmem:s9], [sflag:$0x19], $0xC00, $0x38;
	[tilespmem:$0x1F1F8] =	vst v63  }
0xa0: {  	s14 =	sld [smem:$0x7E2]  }
0xa1: {  	[spmem:s8] =	stream.linear.scatter [tilespmem:s9], [sflag:$0x19], $0xC00, $0x38;
	[tilespmem:$0x1F1F8] =	vst v63  }
0xa2: {  	s15 =	sld [smem:$0x7E3]  }
0xa3: {  	[spmem:s14] =	stream.linear.scatter [tilespmem:s9], [sflag:$0x19], $0xC00, $0x38;
	[tilespmem:$0x1F1F8] =	vst v63  }
0xa4: {  	s18 =	sld [smem:$0x7E4]  }
0xa5: {  	[spmem:s15] =	stream.linear.scatter [tilespmem:s9], [sflag:$0x19], $0xC00, $0x38;
	[tilespmem:$0x1F1F8] =	vst v63  }
0xa6: {  	s24 =	sld [smem:$0x7E5]  }
0xa7: {  	[spmem:s18] =	stream.linear.scatter [tilespmem:s9], [sflag:$0x19], $0xC00, $0x38;
	[tilespmem:$0x1F1F8] =	vst v63  }
0xa8: {  	s28 =	sld [smem:$0x7E6]  }
0xa9: {  	[spmem:s24] =	stream.linear.scatter [tilespmem:s9], [sflag:$0x19], $0xC00, $0x38;
	[tilespmem:$0x1F1F8] =	vst v63  }
0xaa: {  	s7 =	sld [smem:$0x7E7]  }
0xab: {  	[spmem:s28] =	stream.linear.scatter [tilespmem:s9], [sflag:$0x19], $0xC00, $0x38;
	[tilespmem:$0x1F1F8] =	vst v63  }
0xac: {  	s8 =	sld [smem:$0x7E8]  }
0xad: {  	[spmem:s7] =	stream.linear.scatter [tilespmem:s9], [sflag:$0x19], $0xC00, $0x38;
	[tilespmem:$0x1F1F8] =	vst v63  }
0xae: {  	s14 =	sld [smem:$0x7E9]  }
0xaf: {  	[spmem:s8] =	stream.linear.scatter [tilespmem:s9], [sflag:$0x19], $0xC00, $0x38;
	[tilespmem:$0x1F1F8] =	vst v63  }
0xb0: {  	s15 =	sld [smem:$0x7EA]  }
0xb1: {  	[spmem:s14] =	stream.linear.scatter [tilespmem:s9], [sflag:$0x19], $0xC00, $0x38;
	[tilespmem:$0x1F1F8] =	vst v63  }
0xb2: {  	s18 =	sld [smem:$0x7EB]  }
0xb3: {  	[spmem:s15] =	stream.linear.scatter [tilespmem:s9], [sflag:$0x19], $0xC00, $0x38;
	[tilespmem:$0x1F1F8] =	vst v63  }
0xb4: {  	s24 =	sld [smem:$0x7EC]  }
0xb5: {  	[spmem:s18] =	stream.linear.scatter [tilespmem:s9], [sflag:$0x19], $0xC00, $0x38;
	[tilespmem:$0x1F1F8] =	vst v63  }
0xb6: {  	s28 =	sld [smem:$0x7ED]  }
0xb7: {  	[spmem:s24] =	stream.linear.scatter [tilespmem:s9], [sflag:$0x19], $0xC00, $0x38;
	[tilespmem:$0x1F1F8] =	vst v63  }
0xb8: {  	s7 =	sld [smem:$0x7EE]  }
0xb9: {  	[spmem:s28] =	stream.linear.scatter [tilespmem:s9], [sflag:$0x19], $0xC00, $0x38;
	[tilespmem:$0x1F1F8] =	vst v63  }
0xba: {  	s8 =	sld [smem:$0x7EF]  }
0xbb: {  	[spmem:s7] =	stream.linear.scatter [tilespmem:s9], [sflag:$0x19], $0xC00, $0x38;
	[tilespmem:$0x1F1F8] =	vst v63  }
0xbc: {  	s14 =	sld [smem:$0x7F0]  }
0xbd: {  	[spmem:s8] =	stream.linear.scatter [tilespmem:s9], [sflag:$0x19], $0xC00, $0x38;
	[tilespmem:$0x1F1F8] =	vst v63  }
0xbe: {  	s15 =	sld [smem:$0x7F1]  }
0xbf: {  	[spmem:s14] =	stream.linear.scatter [tilespmem:s9], [sflag:$0x19], $0xC00, $0x38;
	[tilespmem:$0x1F1F8] =	vst v63  }
0xc0: {  	s18 =	sld [smem:$0x7F2]  }
0xc1: {  	[spmem:s15] =	stream.linear.scatter [tilespmem:s9], [sflag:$0x19], $0xC00, $0x38;
	[tilespmem:$0x1F1F8] =	vst v63  }
0xc2: {  	s24 =	sld [smem:$0x7F3]  }
0xc3: {  	[spmem:s18] =	stream.linear.scatter [tilespmem:s9], [sflag:$0x19], $0xC00, $0x38;
	[tilespmem:$0x1F1F8] =	vst v63  }
0xc4: {  	s28 =	sld [smem:$0x7F4]  }
0xc5: {  	[spmem:s24] =	stream.linear.scatter [tilespmem:s9], [sflag:$0x19], $0xC00, $0x38;
	[tilespmem:$0x1F1F8] =	vst v63  }
0xc6: {  	s7 =	sld [smem:$0x7F5]  }
0xc7: {  	[spmem:s28] =	stream.linear.scatter [tilespmem:s9], [sflag:$0x19], $0xC00, $0x38;
	[tilespmem:$0x1F1F8] =	vst v63  }
0xc8: {  	s8 =	sld [smem:$0x7F6]  }
0xc9: {  	[spmem:s7] =	stream.linear.scatter [tilespmem:s9], [sflag:$0x19], $0xC00, $0x38;
	[tilespmem:$0x1F1F8] =	vst v63  }
0xca: {  	s14 =	sld [smem:$0x7F7]  }
0xcb: {  	[spmem:s8] =	stream.linear.scatter [tilespmem:s9], [sflag:$0x19], $0xC00, $0x38;
	[tilespmem:$0x1F1F8] =	vst v63  }
0xcc: {  	s15 =	sld [smem:$0x7F8]  }
0xcd: {  	[spmem:s14] =	stream.linear.scatter [tilespmem:s9], [sflag:$0x19], $0xC00, $0x38;
	[tilespmem:$0x1F1F8] =	vst v63  }
0xce: {  	s18 =	sld [smem:$0x7F9]  }
0xcf: {  	[spmem:s15] =	stream.linear.scatter [tilespmem:s9], [sflag:$0x19], $0xC00, $0x38;
	[tilespmem:$0x1F1F8] =	vst v63  }
0xd0: {  	_ = 	snop  }
0xd1: {  	[spmem:s18] =	stream.linear.scatter [tilespmem:s9], [sflag:$0x19], $0xC00, $0x38;
	[tilespmem:$0x1F1F8] =	vst v63  }
0xd2: {  	_ = 	snop  }
0xd3: {  	[spmem:s13] =	stream.linear.scatter [tilespmem:s30], [sflag:$0x19], $0x270, $0x38;
	[tilespmem:$0x1F1F8] =	vst v63  }
0xd4: {  	s1 =	simm.s32 @!p0 $0x1E080  }
0xd5: {  	[spmem:s22] =	stream.linear.scatter @!p0 [tilespmem:s1], [sflag:$0x1E], $0x800, $0x38;
	[tilespmem:$0x1F1F8] =	vst v63  }
0xd6: {  	s1 =	simm.s32 @!p0 $0x1E  }
0xd7: {  	_ =	swait.ge @!p0 [sflag:s1], $0x800  }
0xd8: {  	[sflag:s1] =	ssyncset.done @!p0 $0x0  }
0xd9: {  	s9 =	simm.s32 @!p0 $0x1EF78;
	[sflag:s1] =	ssyncadd.s32 @!p0 $0xFFFFF800  }
0xda: {  	[spmem:s26] =	stream.linear.scatter @!p0 [tilespmem:s9], [sflag:$0x1E], $0x10, $0x38;
	[tilespmem:$0x1F1F8] =	vst v63  }
0xdb: {  	_ =	swait.ge @!p0 [sflag:s1], $0x10  }
0xdc: {  	[sflag:s1] =	ssyncset.done @!p0 $0x0  }
0xdd: {  	s22 =	simm.s32 $0x1;
	[sflag:s1] =	ssyncadd.s32 @!p0 $0xFFFFFFF0  }
0xde: {  	_ =	swait.ge [sflag:s22], $0x80  }
0xdf: {  	[sflag:s22] =	ssyncset.done $0x0  }
0xe0: {  	s24 =	simm.s32 $0x9;
	[sflag:s22] =	ssyncadd.s32 $0xFFFFFF80  }
0xe1: {  	_ =	swait.ge [sflag:s24], $0x80  }
0xe2: {  	[sflag:s24] =	ssyncset.done $0x0  }
0xe3: {  	[sflag:s24] =	ssyncadd.s32 $0xFFFFFF80  }
0xe4: {  	s26 =	simm.s32 $0x2;
	s22 =	simm.s32 $0x14080;
	s15 =	rddreg [dreg:$0x0]  }
0xe5: {  	[tilespmem:s22], [sflag:$0x11] =	stream.indirect.gather [hbm4b:s15+s31], $0x80, s6, s31, $0xb8;
	[tilespmem:$0x1F1F8] =	vst v63  }
0xe6: {  	_ =	swait.ge [sflag:s26], $0x80  }
0xe7: {  	[sflag:s26] =	ssyncset.done $0x0  }
0xe8: {  	s13 =	simm.s32 $0xA;
	[sflag:s26] =	ssyncadd.s32 $0xFFFFFF80  }
0xe9: {  	_ =	swait.ge [sflag:s13], $0x80  }
0xea: {  	s28 =	simm.s32 $0x13900;
	[sflag:s13] =	ssyncset.done $0x0  }
0xeb: {  	s14 =	simm.s32 $0x16880;
	s6 =	simm.s32 $0x19;
	[sflag:s13] =	ssyncadd.s32 $0xFFFFFF80  }
0xec: {  	[tilespmem:s14], [sflag:$0x12] =	stream.indirect.gather [hbm4b:s15+s31], $0x80, s28, s31, $0xb8;
	[tilespmem:$0x1F1F8] =	vst v63  }
0xed: {  	_ =	swait.ge [sflag:s6], $0xC00  }
0xee: {  	[sflag:s6] =	ssyncset.done $0x0  }
0xef: {  	[sflag:s6] =	ssyncadd.s32 $0xFFFFF400  }
0xf0: {  	_ =	swait.ge [sflag:s6], $0xC00  }
0xf1: {  	[sflag:s6] =	ssyncset.done $0x0  }
0xf2: {  	[sflag:s6] =	ssyncadd.s32 $0xFFFFF400  }
0xf3: {  	_ =	swait.ge [sflag:s6], $0xC00  }
0xf4: {  	[sflag:s6] =	ssyncset.done $0x0  }
0xf5: {  	[sflag:s6] =	ssyncadd.s32 $0xFFFFF400  }
0xf6: {  	_ =	swait.ge [sflag:s6], $0xC00  }
0xf7: {  	[sflag:s6] =	ssyncset.done $0x0  }
0xf8: {  	[sflag:s6] =	ssyncadd.s32 $0xFFFFF400  }
0xf9: {  	_ =	swait.ge [sflag:s6], $0xC00  }
0xfa: {  	[sflag:s6] =	ssyncset.done $0x0  }
0xfb: {  	[sflag:s6] =	ssyncadd.s32 $0xFFFFF400  }
0xfc: {  	_ =	swait.ge [sflag:s6], $0xC00  }
0xfd: {  	[sflag:s6] =	ssyncset.done $0x0  }
0xfe: {  	[sflag:s6] =	ssyncadd.s32 $0xFFFFF400  }
0xff: {  	_ =	swait.ge [sflag:s6], $0xC00  }
0x100: {  	[sflag:s6] =	ssyncset.done $0x0  }
0x101: {  	[sflag:s6] =	ssyncadd.s32 $0xFFFFF400  }
0x102: {  	_ =	swait.ge [sflag:s6], $0xC00  }
0x103: {  	[sflag:s6] =	ssyncset.done $0x0  }
0x104: {  	[sflag:s6] =	ssyncadd.s32 $0xFFFFF400  }
0x105: {  	_ =	swait.ge [sflag:s6], $0xC00  }
0x106: {  	[sflag:s6] =	ssyncset.done $0x0  }
0x107: {  	[sflag:s6] =	ssyncadd.s32 $0xFFFFF400  }
0x108: {  	_ =	swait.ge [sflag:s6], $0xC00  }
0x109: {  	[sflag:s6] =	ssyncset.done $0x0  }
0x10a: {  	[sflag:s6] =	ssyncadd.s32 $0xFFFFF400  }
0x10b: {  	_ =	swait.ge [sflag:s6], $0xC00  }
0x10c: {  	[sflag:s6] =	ssyncset.done $0x0  }
0x10d: {  	[sflag:s6] =	ssyncadd.s32 $0xFFFFF400  }
0x10e: {  	_ =	swait.ge [sflag:s6], $0xC00  }
0x10f: {  	[sflag:s6] =	ssyncset.done $0x0  }
0x110: {  	[sflag:s6] =	ssyncadd.s32 $0xFFFFF400  }
0x111: {  	_ =	swait.ge [sflag:s6], $0xC00  }
0x112: {  	[sflag:s6] =	ssyncset.done $0x0  }
0x113: {  	[sflag:s6] =	ssyncadd.s32 $0xFFFFF400  }
0x114: {  	_ =	swait.ge [sflag:s6], $0xC00  }
0x115: {  	[sflag:s6] =	ssyncset.done $0x0  }
0x116: {  	[sflag:s6] =	ssyncadd.s32 $0xFFFFF400  }
0x117: {  	_ =	swait.ge [sflag:s6], $0xC00  }
0x118: {  	[sflag:s6] =	ssyncset.done $0x0  }
0x119: {  	[sflag:s6] =	ssyncadd.s32 $0xFFFFF400  }
0x11a: {  	_ =	swait.ge [sflag:s6], $0xC00  }
0x11b: {  	[sflag:s6] =	ssyncset.done $0x0  }
0x11c: {  	[sflag:s6] =	ssyncadd.s32 $0xFFFFF400  }
0x11d: {  	_ =	swait.ge [sflag:s6], $0xC00  }
0x11e: {  	[sflag:s6] =	ssyncset.done $0x0  }
0x11f: {  	[sflag:s6] =	ssyncadd.s32 $0xFFFFF400  }
0x120: {  	_ =	swait.ge [sflag:s6], $0xC00  }
0x121: {  	[sflag:s6] =	ssyncset.done $0x0  }
0x122: {  	[sflag:s6] =	ssyncadd.s32 $0xFFFFF400  }
0x123: {  	_ =	swait.ge [sflag:s6], $0xC00  }
0x124: {  	[sflag:s6] =	ssyncset.done $0x0  }
0x125: {  	[sflag:s6] =	ssyncadd.s32 $0xFFFFF400  }
0x126: {  	_ =	swait.ge [sflag:s6], $0xC00  }
0x127: {  	[sflag:s6] =	ssyncset.done $0x0  }
0x128: {  	[sflag:s6] =	ssyncadd.s32 $0xFFFFF400  }
0x129: {  	_ =	swait.ge [sflag:s6], $0xC00  }
0x12a: {  	[sflag:s6] =	ssyncset.done $0x0  }
0x12b: {  	[sflag:s6] =	ssyncadd.s32 $0xFFFFF400  }
0x12c: {  	_ =	swait.ge [sflag:s6], $0xC00  }
0x12d: {  	[sflag:s6] =	ssyncset.done $0x0  }
0x12e: {  	[sflag:s6] =	ssyncadd.s32 $0xFFFFF400  }
0x12f: {  	_ =	swait.ge [sflag:s6], $0xC00  }
0x130: {  	[sflag:s6] =	ssyncset.done $0x0  }
0x131: {  	[sflag:s6] =	ssyncadd.s32 $0xFFFFF400  }
0x132: {  	_ =	swait.ge [sflag:s6], $0xC00  }
0x133: {  	[sflag:s6] =	ssyncset.done $0x0  }
0x134: {  	[sflag:s6] =	ssyncadd.s32 $0xFFFFF400  }
0x135: {  	_ =	swait.ge [sflag:s6], $0xC00  }
0x136: {  	[sflag:s6] =	ssyncset.done $0x0  }
0x137: {  	[sflag:s6] =	ssyncadd.s32 $0xFFFFF400  }
0x138: {  	_ =	swait.ge [sflag:s6], $0xC00  }
0x139: {  	[sflag:s6] =	ssyncset.done $0x0  }
0x13a: {  	[sflag:s6] =	ssyncadd.s32 $0xFFFFF400  }
0x13b: {  	_ =	swait.ge [sflag:s6], $0x270  }
0x13c: {  	[sflag:s6] =	ssyncset.done $0x0  }
0x13d: {  	[sflag:s6] =	ssyncadd.s32 $0xFFFFFD90  }
0x13e: {  	[bflag:$0x0] =	sbarrier.arrive $0xFFFF  }
0x13f: {  	_ =	swait.ge [sflag:s10], $0x2800  }
0x140: {  	p1 =	por $0x0, $0x0;
	[sflag:s10] =	ssyncset.done $0x0  }
0x141: {  	s1 =	simm.s32 @p1 $0x1A;
	[sflag:s10] =	ssyncadd.s32 $0xFFFFD800  }
0x142: {  	[spmem:s3] =	stream.indirect.scatter.add.f32 [tilespmem:s22], [sflag:$0x15], $0x80, s2, s31, $0xb8;
	[tilespmem:$0x1F1F8] =	vst v63  }
0x143: {  	s29 =	simm.s32 @p1 $0x13C80;
	s30 =	simm.s32 @!p1 $0x50;
	_ =	swait.ge @p1 [sflag:s1], $0x50  }
0x144: {  	s9 =	simm.s32 @p1 $0x300;
	s26 =	simm.s32 @p1 $0x1EEF8;
	[sflag:s1] =	ssyncset.done @p1 $0x0  }
0x145: {  	s28 =	simm.s32 @p1 $0x50;
	[sflag:s1] =	ssyncadd.s32 @p1 $0xFFFFFFB0;
	s1 =	simm.s32 @p1 $0x17  }
0x146: {  	[spmem:s4] =	stream.indirect.scatter.add.f32 @p1 [tilespmem:s26], [sflag:$0x1A], $0x1, s29, s28, $0xb8;
	[tilespmem:$0x1F1F8] =	vst v63  }
0x147: {  	s9 =	simm.s32 @!p1 $0x300;
	s6 =	rddreg [dreg:$0x10];
	_ =	swait.ge @p1 [sflag:s1], $0x2800  }
0x148: {  	s9 =	sadd.s32 s6, s9;
	s29 =	simm.s32 @!p1 $0x1EEF8;
	[sflag:s1] =	ssyncset.done @p1 $0x0  }
0x149: {  	s9 =	sshrl.u32 s9, $0x3;
	[sflag:s1] =	ssyncadd.s32 @p1 $0xFFFFD800;
	s1 =	simm.s32 @!p1 $0x13C80  }
0x14a: {  	[spmem:s4] =	stream.indirect.scatter.add.f32 @!p1 [tilespmem:s29], [sflag:$0x1A], $0x1, s1, s30, $0xb8;
	[tilespmem:$0x1F1F8] =	vst v63  }
0x14b: {  	s24 =	simm.s32 $0x13B80;
	s7 =	sadd.s32 s25, s9  }
0x14c: {  	[tilespmem:s24], [sflag:$0x7] =	stream.linear.gather [hbm4b:s7+s5], $0x80, $0x38;
	[tilespmem:$0x1F1F8] =	vst v63  }
0x14d: {  	s18 =	sadd.s32 s17, s9;
	s9 =	simm.s32 $0x3;
	s7 =	simm.s32 $0x13F80  }
0x14e: {  	[tilespmem:s7], [sflag:$0xF] =	stream.linear.gather [hbm4b:s18+s5], $0x80, $0x38;
	[tilespmem:$0x1F1F8] =	vst v63  }
0x14f: {  	_ =	swait.ge [sflag:s9], $0x80  }
0x150: {  	[sflag:s9] =	ssyncset.done $0x0  }
0x151: {  	s18 =	simm.s32 $0xB;
	[sflag:s9] =	ssyncadd.s32 $0xFFFFFF80  }
0x152: {  	_ =	swait.ge [sflag:s18], $0x80  }
0x153: {  	[sflag:s18] =	ssyncset.done $0x0  }
0x154: {  	[sflag:s18] =	ssyncadd.s32 $0xFFFFFF80;
	s18 =	simm.s32 $0x19080  }
0x155: {  	[tilespmem:s18], [sflag:$0x13] =	stream.indirect.gather [hbm4b:s15+s31], $0x80, s16, s31, $0xb8;
	[tilespmem:$0x1F1F8] =	vst v63  }
0x156: {  	s16 =	simm.s32 $0x12  }
0x157: {  	_ =	swait.ge [sflag:s16], $0x2800  }
0x158: {  	[sflag:s16] =	ssyncset.done $0x0  }
0x159: {  	s1 =	simm.s32 @p1 $0x1B;
	[sflag:s16] =	ssyncadd.s32 $0xFFFFD800  }
0x15a: {  	[spmem:s3] =	stream.indirect.scatter.add.f32 [tilespmem:s14], [sflag:$0x16], $0x80, s0, s31, $0xb8;
	[tilespmem:$0x1F1F8] =	vst v63  }
0x15b: {  	_ =	swait.ge @p1 [sflag:s1], $0x50  }
0x15c: {  	[sflag:s1] =	ssyncset.done @p1 $0x0  }
0x15d: {  	[sflag:s1] =	ssyncadd.s32 @p1 $0xFFFFFFB0;
	s1 =	simm.s32 @p1 $0x13D00  }
0x15e: {  	[spmem:s4] =	stream.indirect.scatter.add.f32 @p1 [tilespmem:s26], [sflag:$0x1B], $0x1, s1, s28, $0xb8;
	[tilespmem:$0x1F1F8] =	vst v63  }
0x15f: {  	s9 =	simm.s32 @p1 $0x18;
	s1 =	simm.s32 @p1 $0x380  }
0x160: {  	s1 =	simm.s32 @!p1 $0x380;
	_ =	swait.ge @p1 [sflag:s9], $0x2800  }
0x161: {  	s1 =	sadd.s32 s6, s1;
	[sflag:s9] =	ssyncset.done @p1 $0x0  }
0x162: {  	s1 =	sshrl.u32 s1, $0x3;
	[sflag:s9] =	ssyncadd.s32 @p1 $0xFFFFD800;
	s9 =	simm.s32 @!p1 $0x13D00  }
0x163: {  	[spmem:s4] =	stream.indirect.scatter.add.f32 @!p1 [tilespmem:s29], [sflag:$0x1B], $0x1, s9, s30, $0xb8;
	[tilespmem:$0x1F1F8] =	vst v63  }
0x164: {  	s7 =	smov.u32 s4;
	s6 =	sadd.s32 s25, s1;
	s4 =	simm.s32 $0x13C00  }
0x165: {  	[tilespmem:s4], [sflag:$0x8] =	stream.linear.gather [hbm4b:s6+s5], $0x80, $0x38;
	[tilespmem:$0x1F1F8] =	vst v63  }
0x166: {  	s26 =	simm.s32 $0x4;
	s1 =	sadd.s32 s17, s1;
	s6 =	simm.s32 $0x14000  }
0x167: {  	[tilespmem:s6], [sflag:$0x10] =	stream.linear.gather [hbm4b:s1+s5], $0x80, $0x38;
	[tilespmem:$0x1F1F8] =	vst v63  }
0x168: {  	_ =	swait.ge [sflag:s26], $0x80  }
0x169: {  	[sflag:s26] =	ssyncset.done $0x0  }
0x16a: {  	s28 =	simm.s32 $0xC;
	[sflag:s26] =	ssyncadd.s32 $0xFFFFFF80  }
0x16b: {  	_ =	swait.ge [sflag:s28], $0x80  }
0x16c: {  	[sflag:s28] =	ssyncset.done $0x0  }
0x16d: {  	s9 =	simm.s32 $0x1B880;
	s26 =	simm.s32 $0x13A00;
	[sflag:s28] =	ssyncadd.s32 $0xFFFFFF80  }
0x16e: {  	[tilespmem:s9], [sflag:$0x14] =	stream.indirect.gather [hbm4b:s15+s31], $0x80, s26, s31, $0xb8;
	[tilespmem:$0x1F1F8] =	vst v63  }
0x16f: {  	_ =	swait.ge [sflag:s11], $0x2800  }
0x170: {  	p1 =	por $0x1, $0x1;
	[sflag:s11] =	ssyncset.done $0x0  }
0x171: {  	s1 =	simm.s32 @!p1 $0x1C;
	[sflag:s11] =	ssyncadd.s32 $0xFFFFD800  }
0x172: {  	[spmem:s3] =	stream.indirect.scatter.add.f32 [tilespmem:s18], [sflag:$0x17], $0x80, s12, s31, $0xb8;
	[tilespmem:$0x1F1F8] =	vst v63  }
0x173: {  	_ =	swait.ge @!p1 [sflag:s1], $0x50  }
0x174: {  	[sflag:s1] =	ssyncset.done @!p1 $0x0  }
0x175: {  	s11 =	rddreg [dreg:$0x12];
	[sflag:s1] =	ssyncadd.s32 @!p1 $0xFFFFFFB0  }
0x176: {  	[spmem:s7] =	stream.indirect.scatter.add.f32 [tilespmem:s20], [sflag:$0x1C], $0x1, s12, s31, $0xb8;
	[tilespmem:$0x1F1F8] =	vst v63  }
0x177: {  	s1 =	sadd.s32 $0x400, s11;
	_ =	swait.ge [sflag:s23], $0x2800  }
0x178: {  	s1 =	sshrl.u32 s1, $0x3;
	[sflag:s23] =	ssyncset.done $0x0  }
0x179: {  	s8 =	simm.s32 $0x13880;
	s28 =	sadd.s32 s25, s1;
	[sflag:s23] =	ssyncadd.s32 $0xFFFFD800  }
0x17a: {  	[tilespmem:s8], [sflag:$0x1] =	stream.linear.gather [hbm4b:s28+s5], $0x80, $0x38;
	[tilespmem:$0x1F1F8] =	vst v63  }
0x17b: {  	s11 =	simm.s32 $0x5;
	s1 =	sadd.s32 s17, s1  }
0x17c: {  	[tilespmem:s2], [sflag:$0x9] =	stream.linear.gather [hbm4b:s1+s5], $0x80, $0x38;
	[tilespmem:$0x1F1F8] =	vst v63  }
0x17d: {  	_ =	swait.ge [sflag:s11], $0x80  }
0x17e: {  	[sflag:s11] =	ssyncset.done $0x0  }
0x17f: {  	s17 =	simm.s32 $0xD;
	[sflag:s11] =	ssyncadd.s32 $0xFFFFFF80  }
0x180: {  	_ =	swait.ge [sflag:s17], $0x80  }
0x181: {  	[sflag:s17] =	ssyncset.done $0x0  }
0x182: {  	s28 =	simm.s32 $0x13A80;
	[sflag:s17] =	ssyncadd.s32 $0xFFFFFF80  }
0x183: {  	[tilespmem:s22], [sflag:$0x11] =	stream.indirect.gather [hbm4b:s15+s31], $0x80, s28, s31, $0xb8;
	[tilespmem:$0x1F1F8] =	vst v63  }
0x184: {  	_ =	swait.ge [sflag:s19], $0x2800  }
0x185: {  	s18 =	simm.s32 $0x1B880;
	[sflag:s19] =	ssyncset.done $0x0  }
0x186: {  	s1 =	simm.s32 @!p1 $0x1D;
	[sflag:s19] =	ssyncadd.s32 $0xFFFFD800;
	s19 =	simm.s32 $0x13E00  }
0x187: {  	[spmem:s3] =	stream.indirect.scatter.add.f32 [tilespmem:s18], [sflag:$0x18], $0x80, s19, s31, $0xb8;
	[tilespmem:$0x1F1F8] =	vst v63  }
0x188: {  	_ =	swait.ge @!p1 [sflag:s1], $0x50  }
0x189: {  	[sflag:s1] =	ssyncset.done @!p1 $0x0  }
0x18a: {  	[sflag:s1] =	ssyncadd.s32 @!p1 $0xFFFFFFB0  }
0x18b: {  	[spmem:s7] =	stream.indirect.scatter.add.f32 [tilespmem:s20], [sflag:$0x1D], $0x1, s19, s31, $0xb8;
	[tilespmem:$0x1F1F8] =	vst v63  }
0x18c: {  	_ =	swait.ge [sflag:s21], $0x2800  }
0x18d: {  	s8 =	simm.s32 $0x13900;
	s23 =	rddreg [dreg:$0x7];
	[sflag:s21] =	ssyncset.done $0x0  }
0x18e: {  	s25 =	rddreg [dreg:$0x6];
	[sflag:s21] =	ssyncadd.s32 $0xFFFFD800;
	s1 =	sadd.s32 $0x0, s23  }
0x18f: {  	[tilespmem:s8], [sflag:$0x2] =	stream.linear.gather [hbm4b:s1+s5], $0x80, $0x38;
	[tilespmem:$0x1F1F8] =	vst v63  }
0x190: {  	s17 =	sadd.s32 $0x0, s25;
	s21 =	simm.s32 $0x6  }
0x191: {  	[tilespmem:s0], [sflag:$0xA] =	stream.linear.gather [hbm4b:s17+s5], $0x80, $0x38;
	[tilespmem:$0x1F1F8] =	vst v63  }
0x192: {  	_ =	swait.ge [sflag:s21], $0x80  }
0x193: {  	[sflag:s21] =	ssyncset.done $0x0  }
0x194: {  	s25 =	simm.s32 $0xE;
	[sflag:s21] =	ssyncadd.s32 $0xFFFFFF80  }
0x195: {  	_ =	swait.ge [sflag:s25], $0x80  }
0x196: {  	[sflag:s25] =	ssyncset.done $0x0  }
0x197: {  	s1 =	simm.s32 $0x13B00;
	[sflag:s25] =	ssyncadd.s32 $0xFFFFFF80  }
0x198: {  	[tilespmem:s14], [sflag:$0x12] =	stream.indirect.gather [hbm4b:s15+s31], $0x80, s1, s31, $0xb8;
	[tilespmem:$0x1F1F8] =	vst v63  }
0x199: {  	_ =	swait.ge [sflag:s10], $0x2800  }
0x19a: {  	[sflag:s10] =	ssyncset.done $0x0  }
0x19b: {  	s8 =	simm.s32 $0x1A;
	s0 =	simm.s32 $0x13E80;
	[sflag:s10] =	ssyncadd.s32 $0xFFFFD800  }
0x19c: {  	[spmem:s3] =	stream.indirect.scatter.add.f32 [tilespmem:s22], [sflag:$0x15], $0x80, s0, s31, $0xb8;
	[tilespmem:$0x1F1F8] =	vst v63  }
0x19d: {  	_ =	swait.ge [sflag:s8], $0x50  }
0x19e: {  	[sflag:s8] =	ssyncset.done $0x0  }
0x19f: {  	s9 =	simm.s32 $0x17;
	[sflag:s8] =	ssyncadd.s32 $0xFFFFFFB0  }
0x1a0: {  	[spmem:s7] =	stream.indirect.scatter.add.f32 [tilespmem:s20], [sflag:$0x1A], $0x1, s0, s31, $0xb8;
	[tilespmem:$0x1F1F8] =	vst v63  }
0x1a1: {  	_ =	swait.ge [sflag:s9], $0x2800  }
0x1a2: {  	s21 =	simm.s32 $0x13980;
	s11 =	rddreg [dreg:$0x9];
	[sflag:s9] =	ssyncset.done $0x0  }
0x1a3: {  	s17 =	rddreg [dreg:$0x8];
	[sflag:s9] =	ssyncadd.s32 $0xFFFFD800;
	s1 =	sadd.s32 $0x0, s11  }
0x1a4: {  	[tilespmem:s21], [sflag:$0x3] =	stream.linear.gather [hbm4b:s1+s5], $0x80, $0x38;
	[tilespmem:$0x1F1F8] =	vst v63  }
0x1a5: {  	s8 =	simm.s32 $0x7;
	s25 =	sadd.s32 $0x0, s17  }
0x1a6: {  	[tilespmem:s12], [sflag:$0xB] =	stream.linear.gather [hbm4b:s25+s5], $0x80, $0x38;
	[tilespmem:$0x1F1F8] =	vst v63  }
0x1a7: {  	_ =	swait.ge [sflag:s8], $0x80  }
0x1a8: {  	[sflag:s8] =	ssyncset.done $0x0  }
0x1a9: {  	s9 =	simm.s32 $0xF;
	[sflag:s8] =	ssyncadd.s32 $0xFFFFFF80  }
0x1aa: {  	_ =	swait.ge [sflag:s9], $0x80  }
0x1ab: {  	[sflag:s9] =	ssyncset.done $0x0  }
0x1ac: {  	s2 =	simm.s32 $0x19080;
	[sflag:s9] =	ssyncadd.s32 $0xFFFFFF80  }
0x1ad: {  	[tilespmem:s2], [sflag:$0x13] =	stream.indirect.gather [hbm4b:s15+s31], $0x80, s24, s31, $0xb8;
	[tilespmem:$0x1F1F8] =	vst v63  }
0x1ae: {  	_ =	swait.ge [sflag:s16], $0x2800  }
0x1af: {  	[sflag:s16] =	ssyncset.done $0x0  }
0x1b0: {  	s10 =	simm.s32 $0x13F00;
	s11 =	simm.s32 $0x1B;
	[sflag:s16] =	ssyncadd.s32 $0xFFFFD800  }
0x1b1: {  	[spmem:s3] =	stream.indirect.scatter.add.f32 [tilespmem:s14], [sflag:$0x16], $0x80, s10, s31, $0xb8;
	[tilespmem:$0x1F1F8] =	vst v63  }
0x1b2: {  	_ =	swait.ge [sflag:s11], $0x50  }
0x1b3: {  	[sflag:s11] =	ssyncset.done $0x0  }
0x1b4: {  	s12 =	simm.s32 $0x18;
	[sflag:s11] =	ssyncadd.s32 $0xFFFFFFB0  }
0x1b5: {  	[spmem:s7] =	stream.indirect.scatter.add.f32 [tilespmem:s20], [sflag:$0x1B], $0x1, s10, s31, $0xb8;
	[tilespmem:$0x1F1F8] =	vst v63  }
0x1b6: {  	_ =	swait.ge [sflag:s12], $0x2800  }
0x1b7: {  	s16 =	rddreg [dreg:$0xb];
	[sflag:s12] =	ssyncset.done $0x0  }
0x1b8: {  	s17 =	rddreg [dreg:$0xa];
	[sflag:s12] =	ssyncadd.s32 $0xFFFFD800;
	s1 =	sadd.s32 $0x0, s16  }
0x1b9: {  	[tilespmem:s26], [sflag:$0x4] =	stream.linear.gather [hbm4b:s1+s5], $0x80, $0x38;
	[tilespmem:$0x1F1F8] =	vst v63  }
0x1ba: {  	s25 =	simm.s32 $0x8;
	s20 =	sadd.s32 $0x0, s17  }
0x1bb: {  	[tilespmem:s19], [sflag:$0xC] =	stream.linear.gather [hbm4b:s20+s5], $0x80, $0x38;
	[tilespmem:$0x1F1F8] =	vst v63  }
0x1bc: {  	_ =	swait.ge [sflag:s25], $0x80  }
0x1bd: {  	[sflag:s25] =	ssyncset.done $0x0  }
0x1be: {  	s9 =	simm.s32 $0x10;
	[sflag:s25] =	ssyncadd.s32 $0xFFFFFF80  }
0x1bf: {  	_ =	swait.ge [sflag:s9], $0x80  }
0x1c0: {  	[sflag:s9] =	ssyncset.done $0x0  }
0x1c1: {  	s24 =	simm.s32 $0x13;
	[sflag:s9] =	ssyncadd.s32 $0xFFFFFF80  }
0x1c2: {  	[tilespmem:s18], [sflag:$0x14] =	stream.indirect.gather [hbm4b:s15+s31], $0x80, s4, s31, $0xb8;
	[tilespmem:$0x1F1F8] =	vst v63  }
0x1c3: {  	_ =	swait.ge [sflag:s24], $0x2800  }
0x1c4: {  	[sflag:s24] =	ssyncset.done $0x0  }
0x1c5: {  	s16 =	simm.s32 $0x13F80;
	s17 =	simm.s32 $0x1C;
	[sflag:s24] =	ssyncadd.s32 $0xFFFFD800  }
0x1c6: {  	[spmem:s3] =	stream.indirect.scatter.add.f32 [tilespmem:s2], [sflag:$0x17], $0x80, s16, s31, $0xb8;
	[tilespmem:$0x1F1F8] =	vst v63  }
0x1c7: {  	_ =	swait.ge [sflag:s17], $0x50  }
0x1c8: {  	[sflag:s17] =	ssyncset.done $0x0  }
0x1c9: {  	s21 =	simm.s32 $0x15;
	s11 =	simm.s32 $0x1EEF8;
	[sflag:s17] =	ssyncadd.s32 $0xFFFFFFB0  }
0x1ca: {  	[spmem:s7] =	stream.indirect.scatter.add.f32 [tilespmem:s11], [sflag:$0x1C], $0x1, s16, s31, $0xb8;
	[tilespmem:$0x1F1F8] =	vst v63  }
0x1cb: {  	_ =	swait.ge [sflag:s21], $0x2800  }
0x1cc: {  	s5 =	simm.s32 $0x0;
	s19 =	rddreg [dreg:$0xd];
	[sflag:s21] =	ssyncset.done $0x0  }
0x1cd: {  	s20 =	rddreg [dreg:$0xc];
	[sflag:s21] =	ssyncadd.s32 $0xFFFFD800;
	s1 =	sadd.s32 $0x0, s19  }
0x1ce: {  	[tilespmem:s28], [sflag:$0x5] =	stream.linear.gather [hbm4b:s1+s5], $0x80, $0x38;
	[tilespmem:$0x1F1F8] =	vst v63  }
0x1cf: {  	s24 =	simm.s32 $0x1;
	s21 =	sadd.s32 $0x0, s20  }
0x1d0: {  	[tilespmem:s0], [sflag:$0xD] =	stream.linear.gather [hbm4b:s21+s5], $0x80, $0x38;
	[tilespmem:$0x1F1F8] =	vst v63  }
0x1d1: {  	_ =	swait.ge [sflag:s24], $0x80  }
0x1d2: {  	[sflag:s24] =	ssyncset.done $0x0  }
0x1d3: {  	s25 =	simm.s32 $0x9;
	[sflag:s24] =	ssyncadd.s32 $0xFFFFFF80  }
0x1d4: {  	_ =	swait.ge [sflag:s25], $0x80  }
0x1d5: {  	[sflag:s25] =	ssyncset.done $0x0  }
0x1d6: {  	s29 =	simm.s32 $0x13880;
	s26 =	simm.s32 $0x14;
	[sflag:s25] =	ssyncadd.s32 $0xFFFFFF80  }
0x1d7: {  	[tilespmem:s22], [sflag:$0x11] =	stream.indirect.gather [hbm4b:s15+s31], $0x80, s29, s31, $0xb8;
	[tilespmem:$0x1F1F8] =	vst v63  }
0x1d8: {  	_ =	swait.ge [sflag:s26], $0x2800  }
0x1d9: {  	[sflag:s26] =	ssyncset.done $0x0  }
0x1da: {  	[sflag:s26] =	ssyncadd.s32 $0xFFFFD800;
	s26 =	simm.s32 $0x1D  }
0x1db: {  	[spmem:s3] =	stream.indirect.scatter.add.f32 [tilespmem:s18], [sflag:$0x18], $0x80, s6, s31, $0xb8;
	[tilespmem:$0x1F1F8] =	vst v63  }
0x1dc: {  	_ =	swait.ge [sflag:s26], $0x50  }
0x1dd: {  	[sflag:s26] =	ssyncset.done $0x0  }
0x1de: {  	p1 =	por $0x0, $0x0;
	s12 =	simm.s32 $0x16;
	[sflag:s26] =	ssyncadd.s32 $0xFFFFFFB0  }
0x1df: {  	[spmem:s7] =	stream.indirect.scatter.add.f32 [tilespmem:s11], [sflag:$0x1D], $0x1, s6, s31, $0xb8;
	[tilespmem:$0x1F1F8] =	vst v63  }
0x1e0: {  	s28 =	simm.s32 @!p1 $0x13B00;
	_ =	swait.ge [sflag:s12], $0x2800  }
0x1e1: {  	s26 =	simm.s32 @!p1 $0x0;
	s1 =	rddreg [dreg:$0xf];
	[sflag:s12] =	ssyncset.done $0x0  }
0x1e2: {  	s9 =	rddreg [dreg:$0xe];
	[sflag:s12] =	ssyncadd.s32 $0xFFFFD800;
	s1 =	sadd.s32 @!p1 $0x0, s1  }
0x1e3: {  	[tilespmem:s28], [sflag:$0x6] =	stream.linear.gather @!p1 [hbm4b:s1+s26], $0x80, $0x38;
	[tilespmem:$0x1F1F8] =	vst v63  }
0x1e4: {  	s1 =	sadd.s32 @!p1 $0x0, s9;
	s9 =	simm.s32 @!p1 $0x13F00;
	s28 =	simm.s32 $0x2  }
0x1e5: {  	[tilespmem:s9], [sflag:$0xE] =	stream.linear.gather @!p1 [hbm4b:s1+s26], $0x80, $0x38;
	[tilespmem:$0x1F1F8] =	vst v63  }
0x1e6: {  	_ =	swait.ge [sflag:s28], $0x80  }
0x1e7: {  	[sflag:s28] =	ssyncset.done $0x0  }
0x1e8: {  	s30 =	simm.s32 $0x80;
	[sflag:s28] =	ssyncadd.s32 $0xFFFFFF80  }
0x1e9: {  	s23 =	simm.s32 $0x13900;
	s4 =	smov.u32 s7;
	_ =	swait.ge [sflag:s13], $0x80  }
0x1ea: {  	s0 =	smov.u32 s15;
	s29 =	simm.s32 $0x400;
	[sflag:s13] =	ssyncset.done $0x0  }
.LBB2_4:
0x1eb: {  	[sflag:s13] =	ssyncadd.s32 $0xFFFFFF80;
	s10 =	simm.s32 $0x11  }
0x1ec: {  	[tilespmem:s14], [sflag:$0x12] =	stream.indirect.gather [hbm4b:s0+s31], $0x80, s23, s31, $0xb8;
	[tilespmem:$0x1F1F8] =	vst v63  }
0x1ed: {  	s29 =	sadd.s32 $0x400, s29;
	s26 =	smov.u32 s30;
	_ =	swait.ge [sflag:s10], $0x2800  }
0x1ee: {  	s8 =	simm.s32 $0x13C80;
	p2 =	sne.s32 s26, $0x0;
	[sflag:s10] =	ssyncset.done $0x0  }
0x1ef: {  	s1 =	simm.s32 @p2 $0x1A;
	s14 =	sadd.s32 @p2 $0xFFFFFF00, s29;
	[sflag:s10] =	ssyncadd.s32 $0xFFFFD800  }
0x1f0: {  	[spmem:s3] =	stream.indirect.scatter.add.f32 [tilespmem:s22], [sflag:$0x15], $0x80, s8, s31, $0xb8;
	[tilespmem:$0x1F1F8] =	vst v63  }
0x1f1: {  	s9 =	simm.s32 @p2 $0x1EEF8;
	s28 =	simm.s32 @p2 $0x50;
	_ =	swait.ge @p2 [sflag:s1], $0x50  }
0x1f2: {  	s16 =	simm.s32 @p2 $0x17;
	s14 =	simm.s32 @!p2 $0x300;
	[sflag:s1] =	ssyncset.done @p2 $0x0  }
0x1f3: {  	s22 =	simm.s32 @p2 $0x13C80;
	s11 =	rddreg [dreg:$0x10];
	[sflag:s1] =	ssyncadd.s32 @p2 $0xFFFFFFB0  }
0x1f4: {  	[spmem:s4] =	stream.indirect.scatter.add.f32 @p2 [tilespmem:s9], [sflag:$0x1A], $0x1, s22, s28, $0xb8;
	[tilespmem:$0x1F1F8] =	vst v63  }
0x1f5: {  	s13 =	simm.s32 @!p2 $0x13C80;
	s14 =	sadd.s32 s11, s14;
	_ =	swait.ge @p2 [sflag:s16], $0x2800  }
0x1f6: {  	s1 =	simm.s32 @!p2 $0x1EEF8;
	s14 =	sshrl.u32 s14, $0x3;
	[sflag:s16] =	ssyncset.done @p2 $0x0  }
0x1f7: {  	s22 =	simm.s32 @!p2 $0x50;
	s6 =	rddreg [dreg:$0x11];
	[sflag:s16] =	ssyncadd.s32 @p2 $0xFFFFD800  }
0x1f8: {  	[spmem:s4] =	stream.indirect.scatter.add.f32 @!p2 [tilespmem:s1], [sflag:$0x1A], $0x1, s13, s22, $0xb8;
	[tilespmem:$0x1F1F8] =	vst v63  }
0x1f9: {  	s19 =	simm.s32 $0x13B80;
	s25 =	rddreg [dreg:$0x13];
	s24 =	sadd.s32 s6, s14  }
0x1fa: {  	[tilespmem:s19], [sflag:$0x7] =	stream.linear.gather [hbm4b:s24+s5], $0x80, $0x38;
	[tilespmem:$0x1F1F8] =	vst v63  }
0x1fb: {  	s20 =	simm.s32 $0x3;
	s15 =	sadd.s32 s25, s14;
	s16 =	simm.s32 $0x13F80  }
0x1fc: {  	[tilespmem:s16], [sflag:$0xF] =	stream.linear.gather [hbm4b:s15+s5], $0x80, $0x38;
	[tilespmem:$0x1F1F8] =	vst v63  }
0x1fd: {  	s17 =	rddreg [dreg:$0x12];
	_ =	swait.ge [sflag:s20], $0x80  }
0x1fe: {  	[sflag:s20] =	ssyncset.done $0x0  }
0x1ff: {  	s21 =	simm.s32 $0xB;
	s12 =	sadd.s32 @p2 $0xFFFFFF80, s29;
	[sflag:s20] =	ssyncadd.s32 $0xFFFFFF80  }
0x200: {  	s12 =	simm.s32 @!p2 $0x380;
	_ =	swait.ge [sflag:s21], $0x80  }
0x201: {  	s18 =	simm.s32 $0x19080;
	s12 =	sadd.s32 s11, s12;
	[sflag:s21] =	ssyncset.done $0x0  }
0x202: {  	s11 =	simm.s32 $0x12;
	s15 =	simm.s32 $0x13980;
	[sflag:s21] =	ssyncadd.s32 $0xFFFFFF80  }
0x203: {  	[tilespmem:s18], [sflag:$0x13] =	stream.indirect.gather [hbm4b:s0+s31], $0x80, s15, s31, $0xb8;
	[tilespmem:$0x1F1F8] =	vst v63  }
0x204: {  	_ =	swait.ge [sflag:s11], $0x2800  }
0x205: {  	s2 =	simm.s32 $0x16880;
	[sflag:s11] =	ssyncset.done $0x0  }
0x206: {  	s13 =	simm.s32 @p2 $0x1B;
	s21 =	simm.s32 $0x13D00;
	[sflag:s11] =	ssyncadd.s32 $0xFFFFD800  }
0x207: {  	[spmem:s3] =	stream.indirect.scatter.add.f32 [tilespmem:s2], [sflag:$0x16], $0x80, s21, s31, $0xb8;
	[tilespmem:$0x1F1F8] =	vst v63  }
0x208: {  	_ =	swait.ge @p2 [sflag:s13], $0x50  }
0x209: {  	[sflag:s13] =	ssyncset.done @p2 $0x0  }
0x20a: {  	s14 =	simm.s32 @p2 $0x13D00;
	[sflag:s13] =	ssyncadd.s32 @p2 $0xFFFFFFB0;
	s13 =	simm.s32 @p2 $0x18  }
0x20b: {  	[spmem:s4] =	stream.indirect.scatter.add.f32 @p2 [tilespmem:s9], [sflag:$0x1B], $0x1, s14, s28, $0xb8;
	[tilespmem:$0x1F1F8] =	vst v63  }
0x20c: {  	_ =	swait.ge @p2 [sflag:s13], $0x2800  }
0x20d: {  	[sflag:s13] =	ssyncset.done @p2 $0x0  }
0x20e: {  	s12 =	sshrl.u32 s12, $0x3;
	s9 =	simm.s32 @!p2 $0x13D00;
	[sflag:s13] =	ssyncadd.s32 @p2 $0xFFFFD800  }
0x20f: {  	[spmem:s4] =	stream.indirect.scatter.add.f32 @!p2 [tilespmem:s1], [sflag:$0x1B], $0x1, s9, s22, $0xb8;
	[tilespmem:$0x1F1F8] =	vst v63  }
0x210: {  	s23 =	sadd.s32 s6, s12;
	s4 =	simm.s32 $0x13C00  }
0x211: {  	[tilespmem:s4], [sflag:$0x8] =	stream.linear.gather [hbm4b:s23+s5], $0x80, $0x38;
	[tilespmem:$0x1F1F8] =	vst v63  }
0x212: {  	s24 =	sadd.s32 s25, s12;
	s2 =	simm.s32 $0x4;
	s28 =	simm.s32 $0x14000  }
0x213: {  	[tilespmem:s28], [sflag:$0x10] =	stream.linear.gather [hbm4b:s24+s5], $0x80, $0x38;
	[tilespmem:$0x1F1F8] =	vst v63  }
0x214: {  	_ =	swait.ge [sflag:s2], $0x80  }
0x215: {  	[sflag:s2] =	ssyncset.done $0x0  }
0x216: {  	s5 =	simm.s32 $0xC;
	[sflag:s2] =	ssyncadd.s32 $0xFFFFFF80  }
0x217: {  	_ =	swait.ge [sflag:s5], $0x80  }
0x218: {  	s12 =	simm.s32 $0x13A00;
	[sflag:s5] =	ssyncset.done $0x0  }
0x219: {  	s18 =	simm.s32 $0x1B880;
	[sflag:s5] =	ssyncadd.s32 $0xFFFFFF80;
	s5 =	simm.s32 $0x13  }
0x21a: {  	[tilespmem:s18], [sflag:$0x14] =	stream.indirect.gather [hbm4b:s0+s31], $0x80, s12, s31, $0xb8;
	[tilespmem:$0x1F1F8] =	vst v63  }
0x21b: {  	_ =	swait.ge [sflag:s5], $0x2800  }
0x21c: {  	s16 =	simm.s32 $0x19080;
	p2 =	seq.s32 s26, $0x0;
	[sflag:s5] =	ssyncset.done $0x0  }
0x21d: {  	s1 =	simm.s32 @!p2 $0x1C;
	s24 =	simm.s32 $0x13D80;
	[sflag:s5] =	ssyncadd.s32 $0xFFFFD800  }
0x21e: {  	[spmem:s3] =	stream.indirect.scatter.add.f32 [tilespmem:s16], [sflag:$0x17], $0x80, s24, s31, $0xb8;
	[tilespmem:$0x1F1F8] =	vst v63  }
0x21f: {  	_ =	swait.ge @!p2 [sflag:s1], $0x50  }
0x220: {  	s20 =	simm.s32 $0x1EEF8;
	[sflag:s1] =	ssyncset.done @!p2 $0x0  }
0x221: {  	s9 =	sadd.s32 s29, s17;
	s17 =	simm.s32 $0x15;
	[sflag:s1] =	ssyncadd.s32 @!p2 $0xFFFFFFB0  }
0x222: {  	[spmem:s7] =	stream.indirect.scatter.add.f32 [tilespmem:s20], [sflag:$0x1C], $0x1, s24, s31, $0xb8;
	[tilespmem:$0x1F1F8] =	vst v63  }
0x223: {  	_ =	swait.ge [sflag:s17], $0x2800  }
0x224: {  	s23 =	simm.s32 $0x13880;
	s1 =	sshrl.u32 s9, $0x3;
	[sflag:s17] =	ssyncset.done $0x0  }
0x225: {  	s2 =	simm.s32 $0x0;
	s13 =	sadd.s32 s6, s1;
	[sflag:s17] =	ssyncadd.s32 $0xFFFFD800  }
0x226: {  	[tilespmem:s23], [sflag:$0x1] =	stream.linear.gather [hbm4b:s13+s2], $0x80, $0x38;
	[tilespmem:$0x1F1F8] =	vst v63  }
0x227: {  	s1 =	sadd.s32 s25, s1;
	s25 =	simm.s32 $0x5  }
0x228: {  	[tilespmem:s8], [sflag:$0x9] =	stream.linear.gather [hbm4b:s1+s2], $0x80, $0x38;
	[tilespmem:$0x1F1F8] =	vst v63  }
0x229: {  	_ =	swait.ge [sflag:s25], $0x80  }
0x22a: {  	[sflag:s25] =	ssyncset.done $0x0  }
0x22b: {  	s28 =	simm.s32 $0xD;
	[sflag:s25] =	ssyncadd.s32 $0xFFFFFF80  }
0x22c: {  	_ =	swait.ge [sflag:s28], $0x80  }
0x22d: {  	s22 =	simm.s32 $0x14080;
	[sflag:s28] =	ssyncset.done $0x0  }
0x22e: {  	s8 =	simm.s32 $0x14;
	[sflag:s28] =	ssyncadd.s32 $0xFFFFFF80;
	s28 =	simm.s32 $0x13A80  }
0x22f: {  	[tilespmem:s22], [sflag:$0x11] =	stream.indirect.gather [hbm4b:s0+s31], $0x80, s28, s31, $0xb8;
	[tilespmem:$0x1F1F8] =	vst v63  }
0x230: {  	_ =	swait.ge [sflag:s8], $0x2800  }
0x231: {  	[sflag:s8] =	ssyncset.done $0x0  }
0x232: {  	s13 =	simm.s32 $0x13E00;
	s1 =	simm.s32 @!p2 $0x1D;
	[sflag:s8] =	ssyncadd.s32 $0xFFFFD800  }
0x233: {  	[spmem:s3] =	stream.indirect.scatter.add.f32 [tilespmem:s18], [sflag:$0x18], $0x80, s13, s31, $0xb8;
	[tilespmem:$0x1F1F8] =	vst v63  }
0x234: {  	_ =	swait.ge @!p2 [sflag:s1], $0x50  }
0x235: {  	[sflag:s1] =	ssyncset.done @!p2 $0x0  }
0x236: {  	s25 =	simm.s32 $0x16;
	[sflag:s1] =	ssyncadd.s32 @!p2 $0xFFFFFFB0  }
0x237: {  	[spmem:s7] =	stream.indirect.scatter.add.f32 [tilespmem:s20], [sflag:$0x1D], $0x1, s13, s31, $0xb8;
	[tilespmem:$0x1F1F8] =	vst v63  }
0x238: {  	_ =	swait.ge [sflag:s25], $0x2800  }
0x239: {  	s6 =	rddreg [dreg:$0x7]  }
0x23a: {  	[sflag:s25] =	ssyncset.done $0x0;
	s9 =	rddreg [dreg:$0x6]  }
0x23b: {  	[sflag:s25] =	ssyncadd.s32 $0xFFFFD800;
	s1 =	sadd.s32 s26, s6;
	s6 =	simm.s32 $0x13900  }
0x23c: {  	[tilespmem:s6], [sflag:$0x2] =	stream.linear.gather [hbm4b:s1+s2], $0x80, $0x38;
	[tilespmem:$0x1F1F8] =	vst v63  }
0x23d: {  	s9 =	sadd.s32 s26, s9  }
0x23e: {  	[tilespmem:s21], [sflag:$0xA] =	stream.linear.gather [hbm4b:s9+s2], $0x80, $0x38;
	[tilespmem:$0x1F1F8] =	vst v63  }
0x23f: {  	s21 =	simm.s32 $0x6  }
0x240: {  	_ =	swait.ge [sflag:s21], $0x80  }
0x241: {  	[sflag:s21] =	ssyncset.done $0x0  }
0x242: {  	s6 =	simm.s32 $0xE;
	[sflag:s21] =	ssyncadd.s32 $0xFFFFFF80  }
0x243: {  	_ =	swait.ge [sflag:s6], $0x80  }
0x244: {  	[sflag:s6] =	ssyncset.done $0x0  }
0x245: {  	s14 =	simm.s32 $0x16880;
	s9 =	simm.s32 $0x13B00;
	[sflag:s6] =	ssyncadd.s32 $0xFFFFFF80  }
0x246: {  	[tilespmem:s14], [sflag:$0x12] =	stream.indirect.gather [hbm4b:s0+s31], $0x80, s9, s31, $0xb8;
	[tilespmem:$0x1F1F8] =	vst v63  }
0x247: {  	_ =	swait.ge [sflag:s10], $0x2800  }
0x248: {  	[sflag:s10] =	ssyncset.done $0x0  }
0x249: {  	s21 =	simm.s32 $0x1A;
	s0 =	simm.s32 $0x13E80;
	[sflag:s10] =	ssyncadd.s32 $0xFFFFD800  }
0x24a: {  	[spmem:s3] =	stream.indirect.scatter.add.f32 [tilespmem:s22], [sflag:$0x15], $0x80, s0, s31, $0xb8;
	[tilespmem:$0x1F1F8] =	vst v63  }
0x24b: {  	_ =	swait.ge [sflag:s21], $0x50  }
0x24c: {  	[sflag:s21] =	ssyncset.done $0x0  }
0x24d: {  	s9 =	simm.s32 $0x17;
	[sflag:s21] =	ssyncadd.s32 $0xFFFFFFB0  }
0x24e: {  	[spmem:s7] =	stream.indirect.scatter.add.f32 [tilespmem:s20], [sflag:$0x1A], $0x1, s0, s31, $0xb8;
	[tilespmem:$0x1F1F8] =	vst v63  }
0x24f: {  	s1 =	smov.u32 s3;
	_ =	swait.ge [sflag:s9], $0x2800  }
0x250: {  	s3 =	smov.u32 s1;
	s10 =	rddreg [dreg:$0x9];
	[sflag:s9] =	ssyncset.done $0x0  }
0x251: {  	s21 =	rddreg [dreg:$0x8];
	[sflag:s9] =	ssyncadd.s32 $0xFFFFD800;
	s1 =	sadd.s32 s26, s10  }
0x252: {  	[tilespmem:s15], [sflag:$0x3] =	stream.linear.gather [hbm4b:s1+s2], $0x80, $0x38;
	[tilespmem:$0x1F1F8] =	vst v63  }
0x253: {  	s6 =	sadd.s32 s26, s21;
	s9 =	simm.s32 $0x7  }
0x254: {  	[tilespmem:s24], [sflag:$0xB] =	stream.linear.gather [hbm4b:s6+s2], $0x80, $0x38;
	[tilespmem:$0x1F1F8] =	vst v63  }
0x255: {  	_ =	swait.ge [sflag:s9], $0x80  }
0x256: {  	[sflag:s9] =	ssyncset.done $0x0  }
0x257: {  	s15 =	simm.s32 $0xF;
	[sflag:s9] =	ssyncadd.s32 $0xFFFFFF80  }
0x258: {  	_ =	swait.ge [sflag:s15], $0x80  }
0x259: {  	[sflag:s15] =	ssyncset.done $0x0  }
0x25a: {  	[sflag:s15] =	ssyncadd.s32 $0xFFFFFF80  }
0x25b: {  	s1 =	rddreg [dreg:$0x0]  }
0x25c: {  	[tilespmem:s16], [sflag:$0x13] =	stream.indirect.gather [hbm4b:s1+s31], $0x80, s19, s31, $0xb8;
	[tilespmem:$0x1F1F8] =	vst v63  }
0x25d: {  	_ =	swait.ge [sflag:s11], $0x2800  }
0x25e: {  	[sflag:s11] =	ssyncset.done $0x0  }
0x25f: {  	s21 =	simm.s32 $0x13F00;
	s24 =	simm.s32 $0x1B;
	[sflag:s11] =	ssyncadd.s32 $0xFFFFD800  }
0x260: {  	[spmem:s3] =	stream.indirect.scatter.add.f32 [tilespmem:s14], [sflag:$0x16], $0x80, s21, s31, $0xb8;
	[tilespmem:$0x1F1F8] =	vst v63  }
0x261: {  	_ =	swait.ge [sflag:s24], $0x50  }
0x262: {  	[sflag:s24] =	ssyncset.done $0x0  }
0x263: {  	s1 =	simm.s32 $0x18;
	[sflag:s24] =	ssyncadd.s32 $0xFFFFFFB0  }
0x264: {  	[spmem:s7] =	stream.indirect.scatter.add.f32 [tilespmem:s20], [sflag:$0x1B], $0x1, s21, s31, $0xb8;
	[tilespmem:$0x1F1F8] =	vst v63  }
0x265: {  	_ =	swait.ge [sflag:s1], $0x2800  }
0x266: {  	s9 =	rddreg [dreg:$0xb];
	[sflag:s1] =	ssyncset.done $0x0  }
0x267: {  	s11 =	rddreg [dreg:$0xa];
	[sflag:s1] =	ssyncadd.s32 $0xFFFFD800;
	s1 =	sadd.s32 s26, s9  }
0x268: {  	[tilespmem:s12], [sflag:$0x4] =	stream.linear.gather [hbm4b:s1+s2], $0x80, $0x38;
	[tilespmem:$0x1F1F8] =	vst v63  }
0x269: {  	s12 =	sadd.s32 s26, s11  }
0x26a: {  	[tilespmem:s13], [sflag:$0xC] =	stream.linear.gather [hbm4b:s12+s2], $0x80, $0x38;
	[tilespmem:$0x1F1F8] =	vst v63  }
0x26b: {  	s13 =	simm.s32 $0x8  }
0x26c: {  	_ =	swait.ge [sflag:s13], $0x80  }
0x26d: {  	[sflag:s13] =	ssyncset.done $0x0  }
0x26e: {  	s15 =	simm.s32 $0x10;
	[sflag:s13] =	ssyncadd.s32 $0xFFFFFF80  }
0x26f: {  	_ =	swait.ge [sflag:s15], $0x80  }
0x270: {  	[sflag:s15] =	ssyncset.done $0x0  }
0x271: {  	[sflag:s15] =	ssyncadd.s32 $0xFFFFFF80  }
0x272: {  	s1 =	rddreg [dreg:$0x0]  }
0x273: {  	[tilespmem:s18], [sflag:$0x14] =	stream.indirect.gather [hbm4b:s1+s31], $0x80, s4, s31, $0xb8;
	[tilespmem:$0x1F1F8] =	vst v63  }
0x274: {  	_ =	swait.ge [sflag:s5], $0x2800  }
0x275: {  	[sflag:s5] =	ssyncset.done $0x0  }
0x276: {  	s24 =	simm.s32 $0x1C;
	s21 =	simm.s32 $0x13F80;
	[sflag:s5] =	ssyncadd.s32 $0xFFFFD800  }
0x277: {  	[spmem:s3] =	stream.indirect.scatter.add.f32 [tilespmem:s16], [sflag:$0x17], $0x80, s21, s31, $0xb8;
	[tilespmem:$0x1F1F8] =	vst v63  }
0x278: {  	_ =	swait.ge [sflag:s24], $0x50  }
0x279: {  	[sflag:s24] =	ssyncset.done $0x0  }
0x27a: {  	[sflag:s24] =	ssyncadd.s32 $0xFFFFFFB0  }
0x27b: {  	[spmem:s7] =	stream.indirect.scatter.add.f32 [tilespmem:s20], [sflag:$0x1C], $0x1, s21, s31, $0xb8;
	[tilespmem:$0x1F1F8] =	vst v63  }
0x27c: {  	_ =	swait.ge [sflag:s17], $0x2800  }
0x27d: {  	s5 =	simm.s32 $0x0;
	s2 =	rddreg [dreg:$0xd];
	[sflag:s17] =	ssyncset.done $0x0  }
0x27e: {  	s6 =	rddreg [dreg:$0xc];
	[sflag:s17] =	ssyncadd.s32 $0xFFFFD800;
	s1 =	sadd.s32 s26, s2  }
0x27f: {  	[tilespmem:s28], [sflag:$0x5] =	stream.linear.gather [hbm4b:s1+s5], $0x80, $0x38;
	[tilespmem:$0x1F1F8] =	vst v63  }
0x280: {  	s12 =	simm.s32 $0x1;
	s11 =	sadd.s32 s26, s6  }
0x281: {  	[tilespmem:s0], [sflag:$0xD] =	stream.linear.gather [hbm4b:s11+s5], $0x80, $0x38;
	[tilespmem:$0x1F1F8] =	vst v63  }
0x282: {  	s0 =	rddreg [dreg:$0x0];
	_ =	swait.ge [sflag:s12], $0x80  }
0x283: {  	[sflag:s12] =	ssyncset.done $0x0  }
0x284: {  	s13 =	simm.s32 $0x9;
	[sflag:s12] =	ssyncadd.s32 $0xFFFFFF80  }
0x285: {  	_ =	swait.ge [sflag:s13], $0x80  }
0x286: {  	[sflag:s13] =	ssyncset.done $0x0  }
0x287: {  	s17 =	simm.s32 $0x13880;
	[sflag:s13] =	ssyncadd.s32 $0xFFFFFF80  }
0x288: {  	[tilespmem:s22], [sflag:$0x11] =	stream.indirect.gather [hbm4b:s0+s31], $0x80, s17, s31, $0xb8;
	[tilespmem:$0x1F1F8] =	vst v63  }
0x289: {  	_ =	swait.ge [sflag:s8], $0x2800  }
0x28a: {  	[sflag:s8] =	ssyncset.done $0x0  }
0x28b: {  	s24 =	simm.s32 $0x1D;
	s21 =	simm.s32 $0x14000;
	[sflag:s8] =	ssyncadd.s32 $0xFFFFD800  }
0x28c: {  	[spmem:s3] =	stream.indirect.scatter.add.f32 [tilespmem:s18], [sflag:$0x18], $0x80, s21, s31, $0xb8;
	[tilespmem:$0x1F1F8] =	vst v63  }
0x28d: {  	_ =	swait.ge [sflag:s24], $0x50  }
0x28e: {  	[sflag:s24] =	ssyncset.done $0x0  }
0x28f: {  	s30 =	sadd.s32 $0x80, s30;
	p2 =	seq.s32 s26, $0x700;
	[sflag:s24] =	ssyncadd.s32 $0xFFFFFFB0  }
0x290: {  	[spmem:s7] =	stream.indirect.scatter.add.f32 [tilespmem:s20], [sflag:$0x1D], $0x1, s21, s31, $0xb8;
	[tilespmem:$0x1F1F8] =	vst v63  }
0x291: {  	p1 =	sne.s32 s30, $0x780;
	s12 =	simm.s32 @!p2 $0x0;
	_ =	swait.ge [sflag:s25], $0x2800  }
0x292: {  	s13 =	simm.s32 @!p2 $0x13B00;
	s1 =	rddreg [dreg:$0xf];
	[sflag:s25] =	ssyncset.done $0x0  }
0x293: {  	s9 =	rddreg [dreg:$0xe];
	[sflag:s25] =	ssyncadd.s32 $0xFFFFD800;
	s1 =	sadd.s32 @!p2 s26, s1  }
0x294: {  	[tilespmem:s13], [sflag:$0x6] =	stream.linear.gather @!p2 [hbm4b:s1+s12], $0x80, $0x38;
	[tilespmem:$0x1F1F8] =	vst v63  }
0x295: {  	s28 =	simm.s32 $0x2;
	s1 =	sadd.s32 @!p2 s26, s9;
	s9 =	simm.s32 @!p2 $0x13F00  }
0x296: {  	[tilespmem:s9], [sflag:$0xE] =	stream.linear.gather @!p2 [hbm4b:s1+s12], $0x80, $0x38;
	[tilespmem:$0x1F1F8] =	vst v63  }
.Ltmp1:
0x297: {  	_ =	swait.ge [sflag:s28], $0x80;
	(pc) =	sbr.rel @p1 .LBB2_4-.Ltmp1, $4  }
0x298: {  	[sflag:s28] =	ssyncset.done $0x0  }
0x299: {  	s23 =	simm.s32 $0x13900;
	s13 =	simm.s32 $0xA;
	[sflag:s28] =	ssyncadd.s32 $0xFFFFFF80  }
0x29a: {  	s10 =	simm.s32 $0x13980;
	s19 =	simm.s32 $0x13A00;
	_ =	swait.ge [sflag:s13], $0x80  }
0x29b: {  	s15 =	simm.s32 $0x13A80;
	s4 =	smov.u32 s7;
	[sflag:s13] =	ssyncset.done $0x0  }
0x29c: {  	[sflag:s13] =	ssyncadd.s32 $0xFFFFFF80;
	s7 =	simm.s32 $0x11  }
0x29d: {  	[tilespmem:s14], [sflag:$0x12] =	stream.indirect.gather [hbm4b:s0+s31], $0x80, s23, s31, $0xb8;
	[tilespmem:$0x1F1F8] =	vst v63  }
0x29e: {  	_ =	swait.ge [sflag:s7], $0x2800  }
0x29f: {  	[sflag:s7] =	ssyncset.done $0x0  }
0x2a0: {  	s1 =	simm.s32 $0x13C80;
	s9 =	simm.s32 $0x1A;
	[sflag:s7] =	ssyncadd.s32 $0xFFFFD800  }
0x2a1: {  	[spmem:s3] =	stream.indirect.scatter.add.f32 [tilespmem:s22], [sflag:$0x15], $0x80, s1, s31, $0xb8;
	[tilespmem:$0x1F1F8] =	vst v63  }
0x2a2: {  	_ =	swait.ge [sflag:s9], $0x50  }
0x2a3: {  	[sflag:s9] =	ssyncset.done $0x0  }
0x2a4: {  	s13 =	simm.s32 $0x1EEF8;
	s12 =	simm.s32 $0x17;
	[sflag:s9] =	ssyncadd.s32 $0xFFFFFFB0  }
0x2a5: {  	[spmem:s4] =	stream.indirect.scatter.add.f32 [tilespmem:s13], [sflag:$0x1A], $0x1, s1, s31, $0xb8;
	[tilespmem:$0x1F1F8] =	vst v63  }
0x2a6: {  	_ =	swait.ge [sflag:s12], $0x2800  }
0x2a7: {  	[sflag:s12] =	ssyncset.done $0x0  }
0x2a8: {  	s8 =	simm.s32 $0x3;
	[sflag:s12] =	ssyncadd.s32 $0xFFFFD800  }
0x2a9: {  	_ =	swait.ge [sflag:s8], $0x80  }
0x2aa: {  	[sflag:s8] =	ssyncset.done $0x0  }
0x2ab: {  	s11 =	simm.s32 $0xB;
	[sflag:s8] =	ssyncadd.s32 $0xFFFFFF80  }
0x2ac: {  	_ =	swait.ge [sflag:s11], $0x80  }
0x2ad: {  	[sflag:s11] =	ssyncset.done $0x0  }
0x2ae: {  	s17 =	simm.s32 $0x12;
	[sflag:s11] =	ssyncadd.s32 $0xFFFFFF80  }
0x2af: {  	[tilespmem:s16], [sflag:$0x13] =	stream.indirect.gather [hbm4b:s0+s31], $0x80, s10, s31, $0xb8;
	[tilespmem:$0x1F1F8] =	vst v63  }
0x2b0: {  	_ =	swait.ge [sflag:s17], $0x2800  }
0x2b1: {  	[sflag:s17] =	ssyncset.done $0x0  }
0x2b2: {  	s20 =	simm.s32 $0x13D00;
	s6 =	simm.s32 $0x1B;
	[sflag:s17] =	ssyncadd.s32 $0xFFFFD800  }
0x2b3: {  	[spmem:s3] =	stream.indirect.scatter.add.f32 [tilespmem:s14], [sflag:$0x16], $0x80, s20, s31, $0xb8;
	[tilespmem:$0x1F1F8] =	vst v63  }
0x2b4: {  	_ =	swait.ge [sflag:s6], $0x50  }
0x2b5: {  	[sflag:s6] =	ssyncset.done $0x0  }
0x2b6: {  	s8 =	simm.s32 $0x18;
	[sflag:s6] =	ssyncadd.s32 $0xFFFFFFB0  }
0x2b7: {  	[spmem:s4] =	stream.indirect.scatter.add.f32 [tilespmem:s13], [sflag:$0x1B], $0x1, s20, s31, $0xb8;
	[tilespmem:$0x1F1F8] =	vst v63  }
0x2b8: {  	_ =	swait.ge [sflag:s8], $0x2800  }
0x2b9: {  	[sflag:s8] =	ssyncset.done $0x0  }
0x2ba: {  	s21 =	simm.s32 $0x4;
	[sflag:s8] =	ssyncadd.s32 $0xFFFFD800  }
0x2bb: {  	_ =	swait.ge [sflag:s21], $0x80  }
0x2bc: {  	[sflag:s21] =	ssyncset.done $0x0  }
0x2bd: {  	s23 =	simm.s32 $0xC;
	[sflag:s21] =	ssyncadd.s32 $0xFFFFFF80  }
0x2be: {  	_ =	swait.ge [sflag:s23], $0x80  }
0x2bf: {  	[sflag:s23] =	ssyncset.done $0x0  }
0x2c0: {  	s24 =	simm.s32 $0x13;
	[sflag:s23] =	ssyncadd.s32 $0xFFFFFF80  }
0x2c1: {  	[tilespmem:s18], [sflag:$0x14] =	stream.indirect.gather [hbm4b:s0+s31], $0x80, s19, s31, $0xb8;
	[tilespmem:$0x1F1F8] =	vst v63  }
0x2c2: {  	_ =	swait.ge [sflag:s24], $0x2800  }
0x2c3: {  	[sflag:s24] =	ssyncset.done $0x0  }
0x2c4: {  	s25 =	simm.s32 $0x13D80;
	s26 =	simm.s32 $0x1C;
	[sflag:s24] =	ssyncadd.s32 $0xFFFFD800  }
0x2c5: {  	[spmem:s3] =	stream.indirect.scatter.add.f32 [tilespmem:s16], [sflag:$0x17], $0x80, s25, s31, $0xb8;
	[tilespmem:$0x1F1F8] =	vst v63  }
0x2c6: {  	_ =	swait.ge [sflag:s26], $0x50  }
0x2c7: {  	[sflag:s26] =	ssyncset.done $0x0  }
0x2c8: {  	s2 =	simm.s32 $0x15;
	[sflag:s26] =	ssyncadd.s32 $0xFFFFFFB0  }
0x2c9: {  	[spmem:s4] =	stream.indirect.scatter.add.f32 [tilespmem:s13], [sflag:$0x1C], $0x1, s25, s31, $0xb8;
	[tilespmem:$0x1F1F8] =	vst v63  }
0x2ca: {  	_ =	swait.ge [sflag:s2], $0x2800  }
0x2cb: {  	[sflag:s2] =	ssyncset.done $0x0  }
0x2cc: {  	s11 =	simm.s32 $0x5;
	[sflag:s2] =	ssyncadd.s32 $0xFFFFD800  }
0x2cd: {  	_ =	swait.ge [sflag:s11], $0x80  }
0x2ce: {  	[sflag:s11] =	ssyncset.done $0x0  }
0x2cf: {  	s14 =	simm.s32 $0xD;
	[sflag:s11] =	ssyncadd.s32 $0xFFFFFF80  }
0x2d0: {  	_ =	swait.ge [sflag:s14], $0x80  }
0x2d1: {  	[sflag:s14] =	ssyncset.done $0x0  }
0x2d2: {  	s16 =	simm.s32 $0x14;
	[sflag:s14] =	ssyncadd.s32 $0xFFFFFF80  }
0x2d3: {  	[tilespmem:s22], [sflag:$0x11] =	stream.indirect.gather [hbm4b:s0+s31], $0x80, s15, s31, $0xb8;
	[tilespmem:$0x1F1F8] =	vst v63  }
0x2d4: {  	_ =	swait.ge [sflag:s16], $0x2800  }
0x2d5: {  	[sflag:s16] =	ssyncset.done $0x0  }
0x2d6: {  	s17 =	simm.s32 $0x13E00;
	s11 =	simm.s32 $0x1D;
	[sflag:s16] =	ssyncadd.s32 $0xFFFFD800  }
0x2d7: {  	[spmem:s3] =	stream.indirect.scatter.add.f32 [tilespmem:s18], [sflag:$0x18], $0x80, s17, s31, $0xb8;
	[tilespmem:$0x1F1F8] =	vst v63  }
0x2d8: {  	_ =	swait.ge [sflag:s11], $0x50  }
0x2d9: {  	[sflag:s11] =	ssyncset.done $0x0  }
0x2da: {  	s18 =	simm.s32 $0x16;
	[sflag:s11] =	ssyncadd.s32 $0xFFFFFFB0  }
0x2db: {  	[spmem:s4] =	stream.indirect.scatter.add.f32 [tilespmem:s13], [sflag:$0x1D], $0x1, s17, s31, $0xb8;
	[tilespmem:$0x1F1F8] =	vst v63  }
0x2dc: {  	_ =	swait.ge [sflag:s18], $0x2800  }
0x2dd: {  	[sflag:s18] =	ssyncset.done $0x0  }
0x2de: {  	[sflag:s18] =	ssyncadd.s32 $0xFFFFD800  }
0x2df: {  	_ =	swait.ge [sflag:s7], $0x2800  }
0x2e0: {  	[sflag:s7] =	ssyncset.done $0x0  }
0x2e1: {  	s19 =	simm.s32 $0x13E80;
	[sflag:s7] =	ssyncadd.s32 $0xFFFFD800  }
0x2e2: {  	[spmem:s3] =	stream.indirect.scatter.add.f32 [tilespmem:s22], [sflag:$0x15], $0x80, s19, s31, $0xb8;
	[tilespmem:$0x1F1F8] =	vst v63  }
0x2e3: {  	_ =	swait.ge [sflag:s9], $0x50  }
0x2e4: {  	[sflag:s9] =	ssyncset.done $0x0  }
0x2e5: {  	[sflag:s9] =	ssyncadd.s32 $0xFFFFFFB0  }
0x2e6: {  	[spmem:s4] =	stream.indirect.scatter.add.f32 [tilespmem:s13], [sflag:$0x1A], $0x1, s19, s31, $0xb8;
	[tilespmem:$0x1F1F8] =	vst v63  }
0x2e7: {  	_ =	swait.ge [sflag:s12], $0x2800  }
0x2e8: {  	[sflag:s12] =	ssyncset.done $0x0  }
0x2e9: {  	[sflag:s12] =	ssyncadd.s32 $0xFFFFD800  }
0x2ea: {  	_ =	swait.ge [sflag:s8], $0x2800  }
0x2eb: {  	[sflag:s8] =	ssyncset.done $0x0  }
0x2ec: {  	[sflag:s8] =	ssyncadd.s32 $0xFFFFD800  }
0x2ed: {  	_ =	swait.ge [sflag:s2], $0x2800  }
0x2ee: {  	[sflag:s2] =	ssyncset.done $0x0  }
0x2ef: {  	[sflag:s2] =	ssyncadd.s32 $0xFFFFD800  }
0x2f0: {  	_ =	swait.ge [sflag:s6], $0x50  }
0x2f1: {  	[sflag:s6] =	ssyncset.done $0x0  }
0x2f2: {  	[sflag:s6] =	ssyncadd.s32 $0xFFFFFFB0  }
0x2f3: {  	_ =	swait.ge [sflag:s26], $0x50  }
0x2f4: {  	[sflag:s26] =	ssyncset.done $0x0  }
0x2f5: {  	[sflag:s26] =	ssyncadd.s32 $0xFFFFFFB0  }
0x2f6: {  	_ =	swait.ge [sflag:s11], $0x50  }
0x2f7: {  	[sflag:s11] =	ssyncset.done $0x0  }
0x2f8: {  	[sflag:s11] =	ssyncadd.s32 $0xFFFFFFB0  }
0x2f9: {  	_ =	swait.ge [sflag:s9], $0x50  }
0x2fa: {  	[sflag:s9] =	ssyncset.done $0x0  }
0x2fb: {  	[sflag:s9] =	ssyncadd.s32 $0xFFFFFFB0  }
0x2fc: {  	[bflag:$0x0] =	sbarrier.arrive $0xFFFF  }
0x2fd: {  	s20 =	stileid.u32;
	s14 =	sld [smem:$0x7FA]  }
0x2fe: {  	s1 =	sshll.u32 s20, $0x6  }
0x2ff: {  	s1 =	sor.u32 $0x1C1E, s1  }
0x300: {  	s23 =	simm.s32 $0x1E;
	s22 =	rddreg [dreg:$0x1a];
	s21 =	sshrl.u32 s14, $0x3  }
0x301: {  	[hbm:s22], [sflag:s1] =	dma.local [spmem:s21], $0x2700  }
0x302: {  	_ =	swait.ge [sflag:s23], $0x2700  }
0x303: {  	s13 =	sld [smem:$0x7FB]  }
0x304: {  	[sflag:s23] =	ssyncset.done $0x0  }
0x305: {  	s30 =	simm.s32 $0x1EF78;
	[sflag:s23] =	ssyncadd.s32 $0xFFFFD900  }
0x306: {  	[tilespmem:s30], [sflag:$0x1E] =	stream.linear.gather [spmem:s13], $0x270, $0x38;
	[tilespmem:$0x1F1F8] =	vst v63  }
0x307: {  	_ =	swait.ge [sflag:s23], $0x270  }
0x308: {  	[sflag:s23] =	ssyncset.done $0x0  }
0x309: {  	s24 =	rddreg [dreg:$0x1b];
	[sflag:s23] =	ssyncadd.s32 $0xFFFFFD90  }
0x30a: {  	[hbm4b:s24+s5] =	stream.linear.scatter [tilespmem:s30], [sflag:$0x1E], $0x270, $0x38;
	[tilespmem:$0x1F1F8] =	vst v63  }
0x30b: {  	_ =	swait.ge [sflag:s23], $0x270  }
0x30c: {  	s22 =	sld [smem:$0x7FC]  }
0x30d: {  	s12 =	sld [smem:$0x7DE]  }
0x30e: {  	[sflag:s23] =	ssyncset.done $0x0  }
0x30f: {  	[sflag:s23] =	ssyncadd.s32 $0xFFFFFD90;
	s9 =	sshrl.u32 @!p0 s22, $0x3  }
0x310: {  	[hbm:s12], [sflag:s1] =	dma.local @!p0 [spmem:s9], $0x100  }
0x311: {  	s1 =	simm.s32 @!p0 $0x1E  }
0x312: {  	_ =	swait.ge @!p0 [sflag:s1], $0x100  }
0x313: {  	s26 =	sld [smem:$0x7FD]  }
0x314: {  	[sflag:s1] =	ssyncset.done @!p0 $0x0  }
0x315: {  	s9 =	simm.s32 @!p0 $0x1EF78;
	[sflag:s1] =	ssyncadd.s32 @!p0 $0xFFFFFF00  }
0x316: {  	[tilespmem:s9], [sflag:$0x1E] =	stream.linear.gather @!p0 [spmem:s26], $0x10, $0x38;
	[tilespmem:$0x1F1F8] =	vst v63  }
0x317: {  	_ =	swait.ge @!p0 [sflag:s1], $0x10  }
0x318: {  	s17 =	sld [smem:$0x7DF]  }
0x319: {  	[sflag:s1] =	ssyncset.done @!p0 $0x0  }
0x31a: {  	s12 =	simm.s32 @!p0 $0x0;
	[sflag:s1] =	ssyncadd.s32 @!p0 $0xFFFFFFF0  }
0x31b: {  	[hbm4b:s17+s12] =	stream.linear.scatter @!p0 [tilespmem:s9], [sflag:$0x1E], $0x10, $0x38;
	[tilespmem:$0x1F1F8] =	vst v63  }
0x31c: {  	_ =	swait.ge @!p0 [sflag:s1], $0x10  }
0x31d: {  	s24 =	sld [smem:$0x7DB]  }
0x31e: {  	s25 =	sld [smem:$0x7E0]  }
0x31f: {  	s28 =	simm.s32 $0x13A80;
	s29 =	simm.s32 $0x13F00;
	s10 =	simm.s32 $0x11  }
0x320: {  	s20 =	simm.s32 $0x1EEF8;
	s0 =	simm.s32 $0x13D00;
	s24 =	sadd.s32 $0x1, s24  }
0x321: {  	s16 =	simm.s32 $0x13980;
	s18 =	simm.s32 $0x13E00;
	p1 =	sne.s32 s24, s25  }
.Ltmp2:
0x322: {  	s7 =	simm.s32 $0x13E80;
	s19 =	simm.s32 $0x14;
	(pc) =	sbr.rel @p1 .LBB2_1-.Ltmp2, $4  }
0x323: {  	s8 =	simm.s32 $0x13900;
	s2 =	simm.s32 $0x13C80;
	s6 =	simm.s32 $0x13880  }
0x324: {  	s11 =	simm.s32 $0x13;
	s21 =	simm.s32 $0x16;
	s23 =	simm.s32 $0x15  }
0x325: {  	s12 =	simm.s32 $0x13D80;
	[sflag:s1] =	ssyncset.done @!p0 $0x0;
	s17 =	rddreg [dreg:$0x13]  }
0x326: {  	s9 =	simm.s32 $0x13A00;
	[sflag:s1] =	ssyncadd.s32 @!p0 $0xFFFFFFF0;
	s25 =	rddreg [dreg:$0x11]  }
0x327: {  	_ =	sfence.sel $0x180000  }
0x328: {  	[bflag:$0x0] =	sbarrier.arrive $0xFFFF  }
0x329: {  	_ =	strace $0x90000047  }
0x32a: {  	s0 =	stileid.u32;
	[bflag:$0x2] =	sbarrier.arrive $0xFFFF  }
0x32b: {  	p0 =	sne.s32 s0, $0x0;
	s0 =	rddreg [dreg:$0x5]  }
0x32c: {  	s0 =	sadd.s32 @!p0 $0x100000, s0  }
0x32d: {  	[sflag:s0] =	ssyncadd.tile.s32 @!p0 $0x1;
	_ =	shalt  }
.Lfunc_end2:
_tile_overlayer_lowered:
.L_overlay_start_2:
0x32e: {  	(tag) =	ssettag $0x2  }
0x32f: {  	s0 =	rddreg [dreg:$0x0];
	s2 =	stileid.u32  }
0x330: {  	s1 =	rddreg [dreg:$0x1];
	p0 =	sne.s32 s2, $0x0  }
0x331: {  	s3 =	rddreg [dreg:$0x2];
	[bflag:$0x3] =	sbarrier.arrive $0xFFFF;
	s2 =	simm.s32 @!p0 $0x1C1E  }
0x332: {  	[timem:s3], [sflag:s2] =	dma.local @!p0 [hbm:s0], s1  }
0x333: {  	s0 =	simm.s32 @!p0 $0x1E  }
0x334: {  	_ =	swait.ge @!p0 [sflag:s0], s1  }
0x335: {  	s1 =	ssub.s32 @!p0 $0x0, s1;
	[sflag:s0] =	ssyncset.done @!p0 $0x0  }
0x336: {  	[sflag:s0] =	ssyncadd.s32 @!p0 s1  }
0x337: {  	[bflag:$0x3] =	sbarrier.arrive $0xFFFF  }
0x338: {  	_ =	shalt  }

</sc_bundles>
